<compile_context>
chip_gen: v7x
topology: tpu7x:2x2x1
jax: 0.10.2.dev20260603
libtpu: 0.0.44.dev20260713+nightly
codegen_flags: <defaults>
</compile_context>

<pallas_src>
import functools

import jax
import jax.numpy as jnp
from jax import lax
from jax.experimental import pallas as pl
from jax.experimental.pallas import tpu as pltpu
from jax.experimental.pallas import tpu_sc as plsc

UNUM = 6000
INUM = 4000
D = 128
L = 16
NC = 2
NS = 16
NW = NC * NS
CH = 128

NB_GCN = UNUM + INUM
OFF_DU0 = 10000
OFF_DN0 = 16000
OFF_DU1 = 22000
OFF_DN1 = 28000
OFF_DI0 = 34000
OFF_DNI0 = 38000
OFF_DI1 = 42000
OFF_DNI1 = 46000
SAC_BIN = 50000
NBINS = 50048

NPAD_G = 10112
NPAD_U = 12032
NPAD_I = 8064
EPAD_G = 323584
EPAD_U = 385024
EPAD_I = 258048
EPAD_D = 1605632

_MESH = plsc.VectorSubcoreMesh(core_axis_name="c", subcore_axis_name="s",
                               num_cores=NC, num_subcores=NS)


def _zero_shared(zin, acc, sid, rps, zrows):
    start = sid * rps
    k = 0
    off = 0
    while off < rps:
        sz = min(zrows, rps - off)
        pltpu.sync_copy(zin.at[pl.ds(0, sz)], acc.at[pl.ds(start + off, sz)])
        off += sz
        k += 1


def _make_spmm(npad, e_pad):
    npw = e_pad // (NW * CH)
    rps = npad // NS

    @functools.partial(
        pl.kernel,
        out_type=jax.ShapeDtypeStruct((NC * npad, D), jnp.float32),
        mesh=_MESH,
        scratch_types=[
            pltpu.VMEM((CH,), jnp.int32),
            pltpu.VMEM((CH,), jnp.int32),
            pltpu.VMEM((CH, D), jnp.float32),
            pltpu.VMEM_SHARED((npad, D), jnp.float32),
            pltpu.SemaphoreType.DMA,
        ],
    )
    def spmm(h_hbm, src_hbm, dst_hbm, zin_hbm, out_hbm, sidx, didx, rows, acc,
             sem):
        cid = lax.axis_index("c")
        sid = lax.axis_index("s")
        wid = sid * NC + cid
        _zero_shared(zin_hbm, acc, sid, rps, 512)
        plsc.subcore_barrier()

        base_chunk = wid * npw

        def body(k, _):
            e0 = (base_chunk + k) * CH
            pltpu.sync_copy(src_hbm.at[pl.ds(e0, CH)], sidx)
            pltpu.sync_copy(dst_hbm.at[pl.ds(e0, CH)], didx)
            pltpu.async_copy(h_hbm.at[sidx], rows, sem).wait()
            pltpu.sync_copy(rows, acc.at[didx], add=True)
            return 0

        lax.fori_loop(0, npw, body, 0)
        plsc.subcore_barrier()
        start = sid * rps
        off = 0
        while off < rps:
            sz = min(512, rps - off)
            pltpu.sync_copy(acc.at[pl.ds(start + off, sz)],
                            out_hbm.at[pl.ds(cid * npad + start + off, sz)])
            off += sz

    return spmm


_spmm_g = _make_spmm(NPAD_G, EPAD_G)
_spmm_u = _make_spmm(NPAD_U, EPAD_U)
_spmm_i = _make_spmm(NPAD_I, EPAD_I)

_DEG_NPW = EPAD_D // (NW * CH)
_DEG_RPS = NBINS // NS


@functools.partial(
    pl.kernel,
    out_type=jax.ShapeDtypeStruct((NW, NBINS), jnp.float32),
    mesh=_MESH,
    compiler_params=pltpu.CompilerParams(needs_layout_passes=False),
    scratch_types=[
        pltpu.VMEM((1024,), jnp.int32),
        pltpu.VMEM((NBINS,), jnp.float32),
    ],
)
def _deg_kernel(idx_hbm, zin_hbm, out_hbm, didx, hist):
    cid = lax.axis_index("c")
    sid = lax.axis_index("s")
    wid = sid * NC + cid
    pltpu.sync_copy(zin_hbm, hist)
    epw = EPAD_D // NW
    base = wid * epw
    ones16 = jnp.ones((L,), jnp.float32)

    def body(k, _):
        pltpu.sync_copy(idx_hbm.at[pl.ds(base + k * 1024, 1024)], didx)

        def inner(j, _):
            iv = didx[pl.ds(j * L, L)]
            plsc.addupdate_scatter(hist, [iv], ones16)
            return 0

        lax.fori_loop(0, 64, inner, 0)
        return 0

    lax.fori_loop(0, epw // 1024, body, 0)
    pltpu.sync_copy(hist, out_hbm.at[wid])


@functools.partial(
    pl.kernel,
    out_type=(jax.ShapeDtypeStruct((4096, D), jnp.float32),
              jax.ShapeDtypeStruct((4096, D), jnp.float32),
              jax.ShapeDtypeStruct((4096, D), jnp.float32)),
    mesh=_MESH,
    scratch_types=[
        pltpu.VMEM((CH,), jnp.int32),
        pltpu.VMEM((CH, D), jnp.float32),
        pltpu.SemaphoreType.DMA,
    ],
)
def _gather_kernel(uemb_hbm, iemb_hbm, uidx_hbm, iidx_hbm, cidx_hbm,
                   ue_hbm, ie_hbm, ne_hbm, idx_v, rows, sem):
    cid = lax.axis_index("c")
    sid = lax.axis_index("s")
    wid = sid * NC + cid
    base = wid * CH
    pltpu.sync_copy(uidx_hbm.at[pl.ds(base, CH)], idx_v)
    pltpu.async_copy(uemb_hbm.at[idx_v], rows, sem).wait()
    pltpu.sync_copy(rows, ue_hbm.at[pl.ds(base, CH)])
    pltpu.sync_copy(iidx_hbm.at[pl.ds(base, CH)], idx_v)
    pltpu.async_copy(iemb_hbm.at[idx_v], rows, sem).wait()
    pltpu.sync_copy(rows, ie_hbm.at[pl.ds(base, CH)])
    pltpu.sync_copy(cidx_hbm.at[pl.ds(base, CH)], idx_v)
    pltpu.async_copy(iemb_hbm.at[idx_v], rows, sem).wait()
    pltpu.sync_copy(rows, ne_hbm.at[pl.ds(base, CH)])



def _dinv_body(degp_ref, dinvg_ref, svg2_ref, dnu_ref, dni_ref, duu_ref,
               dui_ref):
    deg = jnp.sum(degp_ref[...], axis=0)
    dg = deg[0:NB_GCN]
    dinv_g = jnp.where(dg > 0, lax.rsqrt(dg), 0.0)

    def cl(o, n):
        return lax.rsqrt(jnp.maximum(deg[o:o + n], 1.0))

    dinvg_ref[...] = dinv_g
    svg2_ref[...] = dinv_g * dinv_g
    dnu_ref[...] = jnp.stack([cl(OFF_DN0, UNUM), cl(OFF_DN1, UNUM)], axis=0)
    dni_ref[...] = jnp.stack([cl(OFF_DNI0, INUM), cl(OFF_DNI1, INUM)], axis=0)
    duu_ref[...] = jnp.stack([cl(OFF_DU0, UNUM), cl(OFF_DU1, UNUM)], axis=0)
    dui_ref[...] = jnp.stack([cl(OFF_DI0, INUM), cl(OFF_DI1, INUM)], axis=0)


def _hg0_body(fu_ref, fi_ref, dinvg_ref, hg0_ref):
    dinv_g = dinvg_ref[...]
    hg0_ref[0:UNUM, :] = fu_ref[...] * dinv_g[0:UNUM, None]
    hg0_ref[UNUM:NB_GCN, :] = fi_ref[...] * dinv_g[UNUM:NB_GCN, None]


def _make_prescale_body(n):
    def body(f_ref, du_ref, h0_ref):
        du = du_ref[...]
        f = f_ref[...]
        h0_ref[0:n, :] = f * du[0][:, None]
        h0_ref[n:2 * n, :] = f * du[1][:, None]
    return body


def _gcn_scale_body(pg_ref, svg2_ref, hg1_ref):
    agg = pg_ref[0:NB_GCN, :] + pg_ref[NPAD_G:NPAD_G + NB_GCN, :]
    hg1_ref[...] = agg * svg2_ref[...][:, None]


def _attn(e0, e1, W1, b1, W2):
    s0 = jnp.mean(jnp.dot(jnp.tanh(jnp.dot(e0, W1) + b1[None, :]), W2,
                          preferred_element_type=jnp.float32))
    s1 = jnp.mean(jnp.dot(jnp.tanh(jnp.dot(e1, W1) + b1[None, :]), W2,
                          preferred_element_type=jnp.float32))
    m = jnp.maximum(s0, s1)
    a0 = jnp.exp(s0 - m)
    a1 = jnp.exp(s1 - m)
    return (a0 * e0 + a1 * e1) / (a0 + a1)


def _make_han_body(n, npad, prescale):
    def body(*refs):
        if prescale:
            (p_ref, dn_ref, du_ref, w1_ref, b1_ref, w2_ref, out_ref) = refs
        else:
            (p_ref, dn_ref, w1_ref, b1_ref, w2_ref, out_ref) = refs
        dn = dn_ref[...]
        e0 = (p_ref[0:n, :] + p_ref[npad:npad + n, :]) * dn[0][:, None]
        e1 = (p_ref[n:2 * n, :] + p_ref[npad + n:npad + 2 * n, :]) * dn[1][:, None]
        h = _attn(e0, e1, w1_ref[...], b1_ref[...], w2_ref[...])
        if prescale:
            du = du_ref[...]
            out_ref[...] = jnp.concatenate(
                [h * du[0][:, None], h * du[1][:, None]], axis=0)
        else:
            out_ref[...] = h
    return body


def _final_mix_body(pg_ref, dinvg_ref, hu_ref, hi_ref, ue_ref, ie_ref):
    ui2 = (pg_ref[0:NB_GCN, :] + pg_ref[NPAD_G:NPAD_G + NB_GCN, :]) \
        * dinvg_ref[...][:, None]
    ue_ref[...] = 0.5 * hu_ref[...] + 0.5 * ui2[0:UNUM, :]
    ie_ref[...] = 0.5 * hi_ref[...] + 0.5 * ui2[UNUM:NB_GCN, :]


def _f32(shape):
    return jax.ShapeDtypeStruct(shape, jnp.float32)


def _pad_i32(x, n, fill):
    return jnp.concatenate(
        [x.astype(jnp.int32),
         jnp.full((n - x.shape[0],), fill, dtype=jnp.int32)])


def kernel(feat_user, feat_item, ui_src, ui_dst, mp_user_src, mp_user_dst,
           mp_item_src, mp_item_dst, W1_u, b1_u, W2_u, W1_i, b1_i, W2_i,
           user_idx, item_idx, neg_item_idx):
    ui_src = ui_src.astype(jnp.int32)
    ui_dst = ui_dst.astype(jnp.int32)
    mp_user_src = mp_user_src.astype(jnp.int32)
    mp_user_dst = mp_user_dst.astype(jnp.int32)
    mp_item_src = mp_item_src.astype(jnp.int32)
    mp_item_dst = mp_item_dst.astype(jnp.int32)

    g_src = _pad_i32(jnp.concatenate([ui_dst + UNUM, ui_src]), EPAD_G, 0)
    g_dst = _pad_i32(jnp.concatenate([ui_src, ui_dst + UNUM]), EPAD_G, NB_GCN)
    u_src = _pad_i32(jnp.concatenate([mp_user_src[0], mp_user_src[1] + UNUM]),
                     EPAD_U, 0)
    u_dst = _pad_i32(jnp.concatenate([mp_user_dst[0], mp_user_dst[1] + UNUM]),
                     EPAD_U, 2 * UNUM)
    i_src = _pad_i32(jnp.concatenate([mp_item_src[0], mp_item_src[1] + INUM]),
                     EPAD_I, 0)
    i_dst = _pad_i32(jnp.concatenate([mp_item_dst[0], mp_item_dst[1] + INUM]),
                     EPAD_I, 2 * INUM)
    d_idx = _pad_i32(jnp.concatenate([
        ui_src, ui_dst + UNUM,
        mp_user_src[0] + OFF_DU0, mp_user_dst[0] + OFF_DN0,
        mp_user_src[1] + OFF_DU1, mp_user_dst[1] + OFF_DN1,
        mp_item_src[0] + OFF_DI0, mp_item_dst[0] + OFF_DNI0,
        mp_item_src[1] + OFF_DI1, mp_item_dst[1] + OFF_DNI1,
    ]), EPAD_D, SAC_BIN)

    zin = jnp.zeros((512, D), jnp.float32)
    zin16 = jnp.zeros((2048, L), jnp.float32)
    e1row = jnp.zeros((CH, L), jnp.float32).at[:, 0].set(1.0)

    degp = _deg_kernel(d_idx, jnp.zeros((NBINS,), jnp.float32))

    dinvg, svg2, dnu, dni, duu, dui = pl.pallas_call(
        _dinv_body,
        out_shape=(_f32((NB_GCN,)), _f32((NB_GCN,)), _f32((2, UNUM)),
                   _f32((2, INUM)), _f32((2, UNUM)), _f32((2, INUM))),
    )(degp)
    hg = pl.pallas_call(_hg0_body, out_shape=_f32((NB_GCN, D)))(
        feat_user, feat_item, dinvg)
    hu = pl.pallas_call(_make_prescale_body(UNUM),
                        out_shape=_f32((2 * UNUM, D)))(feat_user, duu)
    hi = pl.pallas_call(_make_prescale_body(INUM),
                        out_shape=_f32((2 * INUM, D)))(feat_item, dui)

    han_u_pre = _make_han_body(UNUM, NPAD_U, True)
    han_i_pre = _make_han_body(INUM, NPAD_I, True)
    han_u_fin = _make_han_body(UNUM, NPAD_U, False)
    han_i_fin = _make_han_body(INUM, NPAD_I, False)

    pg = _spmm_g(hg, g_src, g_dst, zin)
    pu = _spmm_u(hu, u_src, u_dst, zin)
    pi = _spmm_i(hi, i_src, i_dst, zin)
    hg = pl.pallas_call(_gcn_scale_body, out_shape=_f32((NB_GCN, D)))(pg, svg2)
    hu = pl.pallas_call(han_u_pre, out_shape=_f32((2 * UNUM, D)))(
        pu, dnu, duu, W1_u, b1_u, W2_u)
    hi = pl.pallas_call(han_i_pre, out_shape=_f32((2 * INUM, D)))(
        pi, dni, dui, W1_i, b1_i, W2_i)

    pg = _spmm_g(hg, g_src, g_dst, zin)
    pu = _spmm_u(hu, u_src, u_dst, zin)
    pi = _spmm_i(hi, i_src, i_dst, zin)
    hu2 = pl.pallas_call(han_u_fin, out_shape=_f32((UNUM, D)))(
        pu, dnu, W1_u, b1_u, W2_u)
    hi2 = pl.pallas_call(han_i_fin, out_shape=_f32((INUM, D)))(
        pi, dni, W1_i, b1_i, W2_i)
    user_emb, item_emb = pl.pallas_call(
        _final_mix_body,
        out_shape=(_f32((UNUM, D)), _f32((INUM, D))),
    )(pg, dinvg, hu2, hi2)

    item_idx = item_idx.astype(jnp.int32)
    cidx = item_idx[neg_item_idx.astype(jnp.int32)]
    ue, ie, ne = _gather_kernel(user_emb, item_emb,
                                user_idx.astype(jnp.int32), item_idx, cidx)
    return (ue, ie, ne)

# --- scband reference (transcript-rebuilt; emitter-appended) ---
"""Pipeline reference for scband-new-sim-hgcl-52458730553657 (READ-ONLY COPY).

The authoritative reference and input builder live on the scoring server;
editing this copy changes nothing except your own understanding.
"""

import jax, jax.numpy as jnp
import numpy as np

UNUM = 6000
INUM = 4000
D = 128
HID = 128

def setup_inputs(seed: int = 0) -> dict:
    key = jax.random.key(seed)
    ks = [jax.random.fold_in(key, i) for i in range(20)]
    inp = {}
    inp['feat_user'] = jax.random.normal(ks[0], (UNUM, D), dtype=jnp.float32)
    inp['feat_item'] = jax.random.normal(ks[1], (INUM, D), dtype=jnp.float32)
    inp['ui_src'] = jax.random.randint(ks[2], (160000,), 0, UNUM)
    inp['ui_dst'] = jax.random.randint(ks[3], (160000,), 0, INUM)
    inp['mp_user_src'] = jax.random.randint(ks[4], (2, 192000), 0, UNUM)
    inp['mp_user_dst'] = jax.random.randint(ks[5], (2, 192000), 0, UNUM)
    inp['mp_item_src'] = jax.random.randint(ks[6], (2, 128000), 0, INUM)
    inp['mp_item_dst'] = jax.random.randint(ks[7], (2, 128000), 0, INUM)
    # semantic attention params (per node-type HAN layer)
    s = (2.0 / (D + HID)) ** 0.5
    inp['W1_u'] = jax.random.normal(ks[8], (D, HID), dtype=jnp.float32) * s
    inp['b1_u'] = jnp.zeros((HID,), dtype=jnp.float32)
    inp['W2_u'] = jax.random.normal(ks[9], (HID, 1), dtype=jnp.float32) * s
    inp['W1_i'] = jax.random.normal(ks[10], (D, HID), dtype=jnp.float32) * s
    inp['b1_i'] = jnp.zeros((HID,), dtype=jnp.float32)
    inp['W2_i'] = jax.random.normal(ks[11], (HID, 1), dtype=jnp.float32) * s
    inp['user_idx'] = jax.random.randint(ks[12], (4096,), 0, UNUM)
    inp['item_idx'] = jax.random.randint(ks[13], (4096,), 0, INUM)
    inp['neg_item_idx'] = jax.random.randint(ks[14], (4096,), 0, 4096)
    return inp


def _gcn_sym(h, rows, cols, n):
    # symmetric D^{-1/2} A D^{-1/2} spmm (GCN_layer.normalize_adj + spmm)
    deg = jnp.zeros((n,), dtype=jnp.float32).at[rows].add(1.0)
    dinv = jnp.where(deg > 0, deg ** -0.5, 0.0)
    vals = dinv[rows] * dinv[cols]
    return jnp.zeros_like(h).at[rows].add(vals[:, None] * h[cols])


def _graphconv(h, src, dst, n):
    # dgl GraphConv norm='both', weight=None, bias=None
    deg_out = jnp.clip(jnp.zeros((n,), dtype=jnp.float32).at[src].add(1.0), 1.0)
    deg_in = jnp.clip(jnp.zeros((n,), dtype=jnp.float32).at[dst].add(1.0), 1.0)
    hs = h * (deg_out[:, None] ** -0.5)
    agg = jnp.zeros_like(h).at[dst].add(hs[src])
    return agg * (deg_in[:, None] ** -0.5)


def _semantic_attention(z, W1, b1, W2):
    # z: (N, M, D)
    w = jnp.mean(jnp.tanh(z @ W1 + b1) @ W2, axis=0)  # (M, 1)
    beta = jax.nn.softmax(w, axis=0)                   # (M, 1)
    return jnp.sum(beta[None, :, :] * z, axis=1)


def _han(h, srcs, dsts, W1, b1, W2, n):
    embs = [_graphconv(h, srcs[i], dsts[i], n) for i in range(srcs.shape[0])]
    z = jnp.stack(embs, axis=1)
    return _semantic_attention(z, W1, b1, W2)


def reference(feat_user, feat_item, ui_src, ui_dst, mp_user_src, mp_user_dst,
              mp_item_src, mp_item_dst, W1_u, b1_u, W2_u, W1_i, b1_i, W2_i,
              user_idx, item_idx, neg_item_idx):
    n = UNUM + INUM
    rows = jnp.concatenate([ui_src, ui_dst + UNUM])
    cols = jnp.concatenate([ui_dst + UNUM, ui_src])
    ui = jnp.concatenate([feat_user, feat_item], axis=0)
    hu = feat_user
    hi = feat_item
    for l in range(2):
        ui = _gcn_sym(ui, rows, cols, n)
        hu = _han(hu, mp_user_src, mp_user_dst, W1_u, b1_u, W2_u, UNUM)
        hi = _han(hi, mp_item_src, mp_item_dst, W1_i, b1_i, W2_i, INUM)
    u0 = ui[:UNUM]
    i0 = ui[UNUM:]
    user_emb = 0.5 * hu + 0.5 * u0
    item_emb = 0.5 * hi + 0.5 * i0
    ue = user_emb[user_idx]
    ie = item_emb[item_idx]
    ne = ie[neg_item_idx]
    return (ue, ie, ne)

if __name__ == "__main__":
    import jax
    _d = setup_inputs()
    print(jax.jit(kernel)(*tuple(_d.values())))

</pallas_src>

<mosaic_0001>
#map = affine_map<(d0, d1) -> (0, 0)>
#map1 = affine_map<(d0, d1) -> (0)>
module attributes {stable_mosaic.version = 14 : i64} {
  func.func @spmm(%arg0: i32, %arg1: i32, %arg2: memref<10000x128xf32, #tpu.memory_space<hbm>>, %arg3: memref<323584xi32, #tpu.memory_space<hbm>>, %arg4: memref<323584xi32, #tpu.memory_space<hbm>>, %arg5: memref<512x128xf32, #tpu.memory_space<hbm>>, %arg6: memref<20224x128xf32, #tpu.memory_space<hbm>>, %arg7: memref<128xi32, #tpu.memory_space<vmem>>, %arg8: memref<128xi32, #tpu.memory_space<vmem>>, %arg9: memref<128x128xf32, #tpu.memory_space<vmem>>, %arg10: memref<10112x128xf32, #tpu.memory_space<vmem_shared>>, %arg11: memref<!tpu.dma_semaphore, #tpu.memory_space<semaphore_mem>>) attributes {dimension_semantics = [#tpu.dimension_semantics<core_parallel>, #tpu.dimension_semantics<subcore_parallel>], iteration_bounds = array<i64: 2, 16>, scalar_prefetch = 0 : i64, scratch_operands = 5 : i64, tpu.core_type = #tpu.core_type<sc_vector_subcore>, window_params = [{transform_indices = #map}, {transform_indices = #map1}, {transform_indices = #map1}, {transform_indices = #map}, {transform_indices = #map}]} {
    %mul3A = arith.constant 2 : i32
    %mul3A_0 = arith.muli %arg1, %mul3A : i32
    %add3A = arith.addi %mul3A_0, %arg0 : i32
    %mul3A_1 = arith.constant 632 : i32
    %mul3A_2 = arith.muli %arg1, %mul3A_1 : i32
    %add3A_3 = arith.constant 0 : i32
    %add3A_4 = arith.addi %mul3A_2, %add3A_3 : i32
    "tpu.region"() ({
      %run_scoped3A = tpu.sem_alloc : memref<!tpu.dma_semaphore, #tpu.memory_space<semaphore_mem>>
      %dma_start3A = arith.constant 0 : i32
      %dma_start3A_32 = tpu.memref_slice %arg10[%add3A_4, %dma_start3A] : memref<10112x128xf32, #tpu.memory_space<vmem_shared>> -> memref<512x128xf32, #tpu.memory_space<vmem_shared>>
      %dma_start3A_33 = arith.constant 0 : i32
      %dma_start3A_34 = arith.constant 0 : i32
      %dma_start3A_35 = tpu.memref_slice %arg5[%dma_start3A_33, %dma_start3A_34] : memref<512x128xf32, #tpu.memory_space<hbm>> -> memref<512x128xf32, #tpu.memory_space<hbm>>
      tpu.enqueue_dma source(%dma_start3A_35 : memref<512x128xf32, #tpu.memory_space<hbm>>) target(%dma_start3A_32 : memref<512x128xf32, #tpu.memory_space<vmem_shared>>) target_semaphore(%run_scoped3A : memref<!tpu.dma_semaphore, #tpu.memory_space<semaphore_mem>>)
      %dma_wait3A = arith.constant 0 : i32
      %dma_wait3A_36 = tpu.memref_slice %arg10[%add3A_4, %dma_wait3A] : memref<10112x128xf32, #tpu.memory_space<vmem_shared>> -> memref<512x128xf32, #tpu.memory_space<vmem_shared>>
      %dma_wait3A_37 = arith.constant 0 : i32
      %dma_wait3A_38 = arith.constant 0 : i32
      %dma_wait3A_39 = tpu.memref_slice %arg5[%dma_wait3A_37, %dma_wait3A_38] : memref<512x128xf32, #tpu.memory_space<hbm>> -> memref<512x128xf32, #tpu.memory_space<hbm>>
      tpu.wait_dma2 semaphore(%run_scoped3A : memref<!tpu.dma_semaphore, #tpu.memory_space<semaphore_mem>>) src(%dma_wait3A_39 : memref<512x128xf32, #tpu.memory_space<hbm>>) dst(%dma_wait3A_36 : memref<512x128xf32, #tpu.memory_space<vmem_shared>>)
      tpu.yield
    }) : () -> ()
    %add3A_5 = arith.constant 512 : i32
    %add3A_6 = arith.addi %mul3A_2, %add3A_5 : i32
    "tpu.region"() ({
      %run_scoped3A = tpu.sem_alloc : memref<!tpu.dma_semaphore, #tpu.memory_space<semaphore_mem>>
      %dma_start3A = arith.constant 0 : i32
      %dma_start3A_32 = tpu.memref_slice %arg10[%add3A_6, %dma_start3A] : memref<10112x128xf32, #tpu.memory_space<vmem_shared>> -> memref<120x128xf32, #tpu.memory_space<vmem_shared>>
      %dma_start3A_33 = arith.constant 0 : i32
      %dma_start3A_34 = arith.constant 0 : i32
      %dma_start3A_35 = tpu.memref_slice %arg5[%dma_start3A_33, %dma_start3A_34] : memref<512x128xf32, #tpu.memory_space<hbm>> -> memref<120x128xf32, #tpu.memory_space<hbm>>
      tpu.enqueue_dma source(%dma_start3A_35 : memref<120x128xf32, #tpu.memory_space<hbm>>) target(%dma_start3A_32 : memref<120x128xf32, #tpu.memory_space<vmem_shared>>) target_semaphore(%run_scoped3A : memref<!tpu.dma_semaphore, #tpu.memory_space<semaphore_mem>>)
      %dma_wait3A = arith.constant 0 : i32
      %dma_wait3A_36 = tpu.memref_slice %arg10[%add3A_6, %dma_wait3A] : memref<10112x128xf32, #tpu.memory_space<vmem_shared>> -> memref<120x128xf32, #tpu.memory_space<vmem_shared>>
      %dma_wait3A_37 = arith.constant 0 : i32
      %dma_wait3A_38 = arith.constant 0 : i32
      %dma_wait3A_39 = tpu.memref_slice %arg5[%dma_wait3A_37, %dma_wait3A_38] : memref<512x128xf32, #tpu.memory_space<hbm>> -> memref<120x128xf32, #tpu.memory_space<hbm>>
      tpu.wait_dma2 semaphore(%run_scoped3A : memref<!tpu.dma_semaphore, #tpu.memory_space<semaphore_mem>>) src(%dma_wait3A_39 : memref<120x128xf32, #tpu.memory_space<hbm>>) dst(%dma_wait3A_36 : memref<120x128xf32, #tpu.memory_space<vmem_shared>>)
      tpu.yield
    }) : () -> ()
    %barrier3A = arith.constant 0 : index
    tpu.barrier barrier_id(%barrier3A)
    %mul3A_7 = arith.constant 79 : i32
    %mul3A_8 = arith.muli %add3A, %mul3A_7 : i32
    %scan3A = arith.constant 0 : i32
    %scan3A_9 = arith.constant 0 : i32
    %scan3A_10 = arith.constant 79 : i32
    %scan3A_11 = arith.addi %scan3A_9, %scan3A_10 : i32
    %scan3A_12 = arith.constant 1 : i32
    %scan3A_13 = scf.for %scan3A_32 = %scan3A_9 to %scan3A_11 step %scan3A_12 iter_args(%scan3A_33 = %scan3A) -> (i32)  : i32 {
      %add3A_34 = arith.addi %mul3A_8, %scan3A_32 : i32
      %mul3A_35 = arith.constant 128 : i32
      %mul3A_36 = arith.muli %add3A_34, %mul3A_35 : i32
      "tpu.region"() ({
        %run_scoped3A = tpu.sem_alloc : memref<!tpu.dma_semaphore, #tpu.memory_space<semaphore_mem>>
        %dma_start3A_42 = tpu.memref_slice %arg3[%mul3A_36] : memref<323584xi32, #tpu.memory_space<hbm>> -> memref<128xi32, #tpu.memory_space<hbm>>
        %dma_start3A_43 = tpu.memref_slice %arg3[%mul3A_36] : memref<323584xi32, #tpu.memory_space<hbm>> -> memref<128xi32, #tpu.memory_space<hbm>>
        tpu.enqueue_dma source(%dma_start3A_43 : memref<128xi32, #tpu.memory_space<hbm>>) target(%arg7 : memref<128xi32, #tpu.memory_space<vmem>>) target_semaphore(%run_scoped3A : memref<!tpu.dma_semaphore, #tpu.memory_space<semaphore_mem>>)
        %dma_wait3A_44 = tpu.memref_slice %arg3[%mul3A_36] : memref<323584xi32, #tpu.memory_space<hbm>> -> memref<128xi32, #tpu.memory_space<hbm>>
        %dma_wait3A_45 = tpu.memref_slice %arg3[%mul3A_36] : memref<323584xi32, #tpu.memory_space<hbm>> -> memref<128xi32, #tpu.memory_space<hbm>>
        tpu.wait_dma2 semaphore(%run_scoped3A : memref<!tpu.dma_semaphore, #tpu.memory_space<semaphore_mem>>) src(%dma_wait3A_45 : memref<128xi32, #tpu.memory_space<hbm>>) dst(%arg7 : memref<128xi32, #tpu.memory_space<vmem>>)
        tpu.yield
      }) : () -> ()
      "tpu.region"() ({
        %run_scoped3A = tpu.sem_alloc : memref<!tpu.dma_semaphore, #tpu.memory_space<semaphore_mem>>
        %dma_start3A_42 = tpu.memref_slice %arg4[%mul3A_36] : memref<323584xi32, #tpu.memory_space<hbm>> -> memref<128xi32, #tpu.memory_space<hbm>>
        %dma_start3A_43 = tpu.memref_slice %arg4[%mul3A_36] : memref<323584xi32, #tpu.memory_space<hbm>> -> memref<128xi32, #tpu.memory_space<hbm>>
        tpu.enqueue_dma source(%dma_start3A_43 : memref<128xi32, #tpu.memory_space<hbm>>) target(%arg8 : memref<128xi32, #tpu.memory_space<vmem>>) target_semaphore(%run_scoped3A : memref<!tpu.dma_semaphore, #tpu.memory_space<semaphore_mem>>)
        %dma_wait3A_44 = tpu.memref_slice %arg4[%mul3A_36] : memref<323584xi32, #tpu.memory_space<hbm>> -> memref<128xi32, #tpu.memory_space<hbm>>
        %dma_wait3A_45 = tpu.memref_slice %arg4[%mul3A_36] : memref<323584xi32, #tpu.memory_space<hbm>> -> memref<128xi32, #tpu.memory_space<hbm>>
        tpu.wait_dma2 semaphore(%run_scoped3A : memref<!tpu.dma_semaphore, #tpu.memory_space<semaphore_mem>>) src(%dma_wait3A_45 : memref<128xi32, #tpu.memory_space<hbm>>) dst(%arg8 : memref<128xi32, #tpu.memory_space<vmem>>)
        tpu.yield
      }) : () -> ()
      %dma_start3A = arith.constant 0 : i32
      %dma_start3A_37 = arith.constant 0 : i32
      %dma_start3A_38 = tpu.memref_slice %arg2[%dma_start3A, %dma_start3A_37] : memref<10000x128xf32, #tpu.memory_space<hbm>> -> memref<10000x128xf32, #tpu.memory_space<hbm>>
      tpu.enqueue_indirect_dma source(%dma_start3A_38 : memref<10000x128xf32, #tpu.memory_space<hbm>>) target(%arg9 : memref<128x128xf32, #tpu.memory_space<vmem>>) offsets(%arg7 : memref<128xi32, #tpu.memory_space<vmem>>) semaphore(%arg11 : memref<!tpu.dma_semaphore, #tpu.memory_space<semaphore_mem>>)
      %dma_wait3A = arith.constant 0 : i32
      %dma_wait3A_39 = arith.constant 0 : i32
      %dma_wait3A_40 = tpu.memref_slice %arg2[%dma_wait3A, %dma_wait3A_39] : memref<10000x128xf32, #tpu.memory_space<hbm>> -> memref<10000x128xf32, #tpu.memory_space<hbm>>
      tpu.wait_indirect_dma semaphore(%arg11 : memref<!tpu.dma_semaphore, #tpu.memory_space<semaphore_mem>>) src(%dma_wait3A_40 : memref<10000x128xf32, #tpu.memory_space<hbm>>) dst(%arg9 : memref<128x128xf32, #tpu.memory_space<vmem>>)
      "tpu.region"() ({
        %run_scoped3A = tpu.sem_alloc : memref<!tpu.dma_semaphore, #tpu.memory_space<semaphore_mem>>
        %dma_start3A_42 = arith.constant 0 : i32
        %dma_start3A_43 = arith.constant 0 : i32
        %dma_start3A_44 = tpu.memref_slice %arg10[%dma_start3A_42, %dma_start3A_43] : memref<10112x128xf32, #tpu.memory_space<vmem_shared>> -> memref<10112x128xf32, #tpu.memory_space<vmem_shared>>
        tpu.enqueue_indirect_dma source(%arg9 : memref<128x128xf32, #tpu.memory_space<vmem>>) target(%dma_start3A_44 : memref<10112x128xf32, #tpu.memory_space<vmem_shared>>) offsets(%arg8 : memref<128xi32, #tpu.memory_space<vmem>>) semaphore(%run_scoped3A : memref<!tpu.dma_semaphore, #tpu.memory_space<semaphore_mem>>) {add = true}
        %dma_wait3A_45 = arith.constant 0 : i32
        %dma_wait3A_46 = arith.constant 0 : i32
        %dma_wait3A_47 = tpu.memref_slice %arg10[%dma_wait3A_45, %dma_wait3A_46] : memref<10112x128xf32, #tpu.memory_space<vmem_shared>> -> memref<10112x128xf32, #tpu.memory_space<vmem_shared>>
        tpu.wait_indirect_dma semaphore(%run_scoped3A : memref<!tpu.dma_semaphore, #tpu.memory_space<semaphore_mem>>) src(%arg9 : memref<128x128xf32, #tpu.memory_space<vmem>>) dst(%dma_wait3A_47 : memref<10112x128xf32, #tpu.memory_space<vmem_shared>>)
        tpu.yield
      }) : () -> ()
      %scan3A_41 = arith.constant 0 : i32
      scf.yield %scan3A_41 : i32
    }
    %scan3A_14 = arith.constant 79 : i32
    %barrier3A_15 = arith.constant 0 : index
    tpu.barrier barrier_id(%barrier3A_15)
    %mul3A_16 = arith.constant 632 : i32
    %mul3A_17 = arith.muli %arg1, %mul3A_16 : i32
    %add3A_18 = arith.constant 0 : i32
    %add3A_19 = arith.addi %mul3A_17, %add3A_18 : i32
    %mul3A_20 = arith.constant 10112 : i32
    %mul3A_21 = arith.muli %arg0, %mul3A_20 : i32
    %add3A_22 = arith.addi %mul3A_21, %mul3A_17 : i32
    %add3A_23 = arith.constant 0 : i32
    %add3A_24 = arith.addi %add3A_22, %add3A_23 : i32
    "tpu.region"() ({
      %run_scoped3A = tpu.sem_alloc : memref<!tpu.dma_semaphore, #tpu.memory_space<semaphore_mem>>
      %dma_start3A = arith.constant 0 : i32
      %dma_start3A_32 = tpu.memref_slice %arg6[%add3A_24, %dma_start3A] : memref<20224x128xf32, #tpu.memory_space<hbm>> -> memref<512x128xf32, #tpu.memory_space<hbm>>
      %dma_start3A_33 = arith.constant 0 : i32
      %dma_start3A_34 = tpu.memref_slice %arg10[%add3A_19, %dma_start3A_33] : memref<10112x128xf32, #tpu.memory_space<vmem_shared>> -> memref<512x128xf32, #tpu.memory_space<vmem_shared>>
      tpu.enqueue_dma source(%dma_start3A_34 : memref<512x128xf32, #tpu.memory_space<vmem_shared>>) target(%dma_start3A_32 : memref<512x128xf32, #tpu.memory_space<hbm>>) target_semaphore(%run_scoped3A : memref<!tpu.dma_semaphore, #tpu.memory_space<semaphore_mem>>)
      %dma_wait3A = arith.constant 0 : i32
      %dma_wait3A_35 = tpu.memref_slice %arg6[%add3A_24, %dma_wait3A] : memref<20224x128xf32, #tpu.memory_space<hbm>> -> memref<512x128xf32, #tpu.memory_space<hbm>>
      %dma_wait3A_36 = arith.constant 0 : i32
      %dma_wait3A_37 = tpu.memref_slice %arg10[%add3A_19, %dma_wait3A_36] : memref<10112x128xf32, #tpu.memory_space<vmem_shared>> -> memref<512x128xf32, #tpu.memory_space<vmem_shared>>
      tpu.wait_dma2 semaphore(%run_scoped3A : memref<!tpu.dma_semaphore, #tpu.memory_space<semaphore_mem>>) src(%dma_wait3A_37 : memref<512x128xf32, #tpu.memory_space<vmem_shared>>) dst(%dma_wait3A_35 : memref<512x128xf32, #tpu.memory_space<hbm>>)
      tpu.yield
    }) : () -> ()
    %add3A_25 = arith.constant 512 : i32
    %add3A_26 = arith.addi %mul3A_17, %add3A_25 : i32
    %mul3A_27 = arith.constant 10112 : i32
    %mul3A_28 = arith.muli %arg0, %mul3A_27 : i32
    %add3A_29 = arith.addi %mul3A_28, %mul3A_17 : i32
    %add3A_30 = arith.constant 512 : i32
    %add3A_31 = arith.addi %add3A_29, %add3A_30 : i32
    "tpu.region"() ({
      %run_scoped3A = tpu.sem_alloc : memref<!tpu.dma_semaphore, #tpu.memory_space<semaphore_mem>>
      %dma_start3A = arith.constant 0 : i32
      %dma_start3A_32 = tpu.memref_slice %arg6[%add3A_31, %dma_start3A] : memref<20224x128xf32, #tpu.memory_space<hbm>> -> memref<120x128xf32, #tpu.memory_space<hbm>>
      %dma_start3A_33 = arith.constant 0 : i32
      %dma_start3A_34 = tpu.memref_slice %arg10[%add3A_26, %dma_start3A_33] : memref<10112x128xf32, #tpu.memory_space<vmem_shared>> -> memref<120x128xf32, #tpu.memory_space<vmem_shared>>
      tpu.enqueue_dma source(%dma_start3A_34 : memref<120x128xf32, #tpu.memory_space<vmem_shared>>) target(%dma_start3A_32 : memref<120x128xf32, #tpu.memory_space<hbm>>) target_semaphore(%run_scoped3A : memref<!tpu.dma_semaphore, #tpu.memory_space<semaphore_mem>>)
      %dma_wait3A = arith.constant 0 : i32
      %dma_wait3A_35 = tpu.memref_slice %arg6[%add3A_31, %dma_wait3A] : memref<20224x128xf32, #tpu.memory_space<hbm>> -> memref<120x128xf32, #tpu.memory_space<hbm>>
      %dma_wait3A_36 = arith.constant 0 : i32
      %dma_wait3A_37 = tpu.memref_slice %arg10[%add3A_26, %dma_wait3A_36] : memref<10112x128xf32, #tpu.memory_space<vmem_shared>> -> memref<120x128xf32, #tpu.memory_space<vmem_shared>>
      tpu.wait_dma2 semaphore(%run_scoped3A : memref<!tpu.dma_semaphore, #tpu.memory_space<semaphore_mem>>) src(%dma_wait3A_37 : memref<120x128xf32, #tpu.memory_space<vmem_shared>>) dst(%dma_wait3A_35 : memref<120x128xf32, #tpu.memory_space<hbm>>)
      tpu.yield
    }) : () -> ()
    return
  }
}

#map = affine_map<(d0, d1) -> (0)>
#map1 = affine_map<(d0, d1) -> (0, 0)>
module attributes {stable_mosaic.version = 14 : i64} {
  func.func @_deg_kernel(%arg0: i32, %arg1: i32, %arg2: memref<1605632xi32, #tpu.memory_space<hbm>>, %arg3: memref<50048xf32, #tpu.memory_space<hbm>>, %arg4: memref<32x50048xf32, #tpu.memory_space<hbm>>, %arg5: memref<1024xi32, #tpu.memory_space<vmem>>, %arg6: memref<50048xf32, #tpu.memory_space<vmem>>) attributes {dimension_semantics = [#tpu.dimension_semantics<core_parallel>, #tpu.dimension_semantics<subcore_parallel>], iteration_bounds = array<i64: 2, 16>, scalar_prefetch = 0 : i64, scratch_operands = 2 : i64, tpu.core_type = #tpu.core_type<sc_vector_subcore>, window_params = [{transform_indices = #map}, {transform_indices = #map}, {transform_indices = #map1}]} {
    %mul3A = arith.constant 2 : i32
    %mul3A_0 = arith.muli %arg1, %mul3A : i32
    %add3A = arith.addi %mul3A_0, %arg0 : i32
    "tpu.region"() ({
      %run_scoped3A = tpu.sem_alloc : memref<!tpu.dma_semaphore, #tpu.memory_space<semaphore_mem>>
      tpu.enqueue_dma source(%arg3 : memref<50048xf32, #tpu.memory_space<hbm>>) target(%arg6 : memref<50048xf32, #tpu.memory_space<vmem>>) target_semaphore(%run_scoped3A : memref<!tpu.dma_semaphore, #tpu.memory_space<semaphore_mem>>)
      tpu.wait_dma2 semaphore(%run_scoped3A : memref<!tpu.dma_semaphore, #tpu.memory_space<semaphore_mem>>) src(%arg3 : memref<50048xf32, #tpu.memory_space<hbm>>) dst(%arg6 : memref<50048xf32, #tpu.memory_space<vmem>>)
      tpu.yield
    }) : () -> ()
    %mul3A_1 = arith.constant 50176 : i32
    %mul3A_2 = arith.muli %add3A, %mul3A_1 : i32
    %broadcast_in_dim3A = arith.constant 1.000000e+00 : f32
    %broadcast_in_dim3A_3 = vector.broadcast %broadcast_in_dim3A : f32 to vector<16xf32>
    %scan3A = arith.constant 0 : i32
    %scan3A_4 = arith.constant 0 : i32
    %scan3A_5 = arith.constant 49 : i32
    %scan3A_6 = arith.addi %scan3A_4, %scan3A_5 : i32
    %scan3A_7 = arith.constant 1 : i32
    %scan3A_8 = scf.for %scan3A_10 = %scan3A_4 to %scan3A_6 step %scan3A_7 iter_args(%scan3A_11 = %scan3A) -> (i32)  : i32 {
      %mul3A_12 = arith.constant 1024 : i32
      %mul3A_13 = arith.muli %scan3A_10, %mul3A_12 : i32
      %add3A_14 = arith.addi %mul3A_2, %mul3A_13 : i32
      "tpu.region"() ({
        %run_scoped3A = tpu.sem_alloc : memref<!tpu.dma_semaphore, #tpu.memory_space<semaphore_mem>>
        %dma_start3A = tpu.memref_slice %arg2[%add3A_14] : memref<1605632xi32, #tpu.memory_space<hbm>> -> memref<1024xi32, #tpu.memory_space<hbm>>
        %dma_start3A_23 = tpu.memref_slice %arg2[%add3A_14] : memref<1605632xi32, #tpu.memory_space<hbm>> -> memref<1024xi32, #tpu.memory_space<hbm>>
        tpu.enqueue_dma source(%dma_start3A_23 : memref<1024xi32, #tpu.memory_space<hbm>>) target(%arg5 : memref<1024xi32, #tpu.memory_space<vmem>>) target_semaphore(%run_scoped3A : memref<!tpu.dma_semaphore, #tpu.memory_space<semaphore_mem>>)
        %dma_wait3A = tpu.memref_slice %arg2[%add3A_14] : memref<1605632xi32, #tpu.memory_space<hbm>> -> memref<1024xi32, #tpu.memory_space<hbm>>
        %dma_wait3A_24 = tpu.memref_slice %arg2[%add3A_14] : memref<1605632xi32, #tpu.memory_space<hbm>> -> memref<1024xi32, #tpu.memory_space<hbm>>
        tpu.wait_dma2 semaphore(%run_scoped3A : memref<!tpu.dma_semaphore, #tpu.memory_space<semaphore_mem>>) src(%dma_wait3A_24 : memref<1024xi32, #tpu.memory_space<hbm>>) dst(%arg5 : memref<1024xi32, #tpu.memory_space<vmem>>)
        tpu.yield
      }) : () -> ()
      %scan3A_15 = arith.constant 0 : i32
      %scan3A_16 = arith.constant 0 : i32
      %scan3A_17 = arith.constant 64 : i32
      %scan3A_18 = arith.addi %scan3A_16, %scan3A_17 : i32
      %scan3A_19 = arith.constant 1 : i32
      %scan3A_20 = scf.for %scan3A_23 = %scan3A_16 to %scan3A_18 step %scan3A_19 iter_args(%scan3A_24 = %scan3A_15) -> (i32)  : i32 {
        %mul3A_25 = arith.constant 16 : i32
        %mul3A_26 = arith.muli %scan3A_23, %mul3A_25 : i32
        %get3A = arith.index_cast %mul3A_26 : i32 to index
        %get3A_27 = tpu.vector_load %arg5[%get3A] {strides = array<i32>} : memref<1024xi32, #tpu.memory_space<vmem>>, vector<16xi32>,
        tpu.vector_store_idx %arg6[%get3A_27], %broadcast_in_dim3A_3 {add = true} : memref<50048xf32, #tpu.memory_space<vmem>>[vector<16xi32>], vector<16xf32>,
        %scan3A_28 = arith.constant 0 : i32
        scf.yield %scan3A_28 : i32
      }
      %scan3A_21 = arith.constant 64 : i32
      %scan3A_22 = arith.constant 0 : i32
      scf.yield %scan3A_22 : i32
    }
    %scan3A_9 = arith.constant 49 : i32
    "tpu.region"() ({
      %run_scoped3A = tpu.sem_alloc : memref<!tpu.dma_semaphore, #tpu.memory_space<semaphore_mem>>
      %dma_start3A = arith.constant 0 : i32
      %dma_start3A_10 = tpu.memref_slice %arg4[%add3A, %dma_start3A] : memref<32x50048xf32, #tpu.memory_space<hbm>> -> memref<1x50048xf32, #tpu.memory_space<hbm>>
      %dma_start3A_11 = tpu.memref_squeeze %dma_start3A_10 : memref<1x50048xf32, #tpu.memory_space<hbm>> -> memref<50048xf32, #tpu.memory_space<hbm>>
      %dma_start3A_12 = arith.constant 0 : i32
      %dma_start3A_13 = tpu.memref_slice %arg4[%add3A, %dma_start3A_12] : memref<32x50048xf32, #tpu.memory_space<hbm>> -> memref<1x50048xf32, #tpu.memory_space<hbm>>
      %dma_start3A_14 = tpu.memref_squeeze %dma_start3A_13 : memref<1x50048xf32, #tpu.memory_space<hbm>> -> memref<50048xf32, #tpu.memory_space<hbm>>
      tpu.enqueue_dma source(%arg6 : memref<50048xf32, #tpu.memory_space<vmem>>) target(%dma_start3A_14 : memref<50048xf32, #tpu.memory_space<hbm>>) target_semaphore(%run_scoped3A : memref<!tpu.dma_semaphore, #tpu.memory_space<semaphore_mem>>)
      %dma_wait3A = arith.constant 0 : i32
      %dma_wait3A_15 = tpu.memref_slice %arg4[%add3A, %dma_wait3A] : memref<32x50048xf32, #tpu.memory_space<hbm>> -> memref<1x50048xf32, #tpu.memory_space<hbm>>
      %dma_wait3A_16 = tpu.memref_squeeze %dma_wait3A_15 : memref<1x50048xf32, #tpu.memory_space<hbm>> -> memref<50048xf32, #tpu.memory_space<hbm>>
      %dma_wait3A_17 = arith.constant 0 : i32
      %dma_wait3A_18 = tpu.memref_slice %arg4[%add3A, %dma_wait3A_17] : memref<32x50048xf32, #tpu.memory_space<hbm>> -> memref<1x50048xf32, #tpu.memory_space<hbm>>
      %dma_wait3A_19 = tpu.memref_squeeze %dma_wait3A_18 : memref<1x50048xf32, #tpu.memory_space<hbm>> -> memref<50048xf32, #tpu.memory_space<hbm>>
      tpu.wait_dma2 semaphore(%run_scoped3A : memref<!tpu.dma_semaphore, #tpu.memory_space<semaphore_mem>>) src(%arg6 : memref<50048xf32, #tpu.memory_space<vmem>>) dst(%dma_wait3A_19 : memref<50048xf32, #tpu.memory_space<hbm>>)
      tpu.yield
    }) : () -> ()
    return
  }
}

#map = affine_map<(d0, d1) -> (0, 0)>
#map1 = affine_map<(d0, d1) -> (0)>
module attributes {stable_mosaic.version = 14 : i64} {
  func.func @spmm(%arg0: i32, %arg1: i32, %arg2: memref<8000x128xf32, #tpu.memory_space<hbm>>, %arg3: memref<258048xi32, #tpu.memory_space<hbm>>, %arg4: memref<258048xi32, #tpu.memory_space<hbm>>, %arg5: memref<512x128xf32, #tpu.memory_space<hbm>>, %arg6: memref<16128x128xf32, #tpu.memory_space<hbm>>, %arg7: memref<128xi32, #tpu.memory_space<vmem>>, %arg8: memref<128xi32, #tpu.memory_space<vmem>>, %arg9: memref<128x128xf32, #tpu.memory_space<vmem>>, %arg10: memref<8064x128xf32, #tpu.memory_space<vmem_shared>>, %arg11: memref<!tpu.dma_semaphore, #tpu.memory_space<semaphore_mem>>) attributes {dimension_semantics = [#tpu.dimension_semantics<core_parallel>, #tpu.dimension_semantics<subcore_parallel>], iteration_bounds = array<i64: 2, 16>, scalar_prefetch = 0 : i64, scratch_operands = 5 : i64, tpu.core_type = #tpu.core_type<sc_vector_subcore>, window_params = [{transform_indices = #map}, {transform_indices = #map1}, {transform_indices = #map1}, {transform_indices = #map}, {transform_indices = #map}]} {
    %mul3A = arith.constant 2 : i32
    %mul3A_0 = arith.muli %arg1, %mul3A : i32
    %add3A = arith.addi %mul3A_0, %arg0 : i32
    %mul3A_1 = arith.constant 504 : i32
    %mul3A_2 = arith.muli %arg1, %mul3A_1 : i32
    %add3A_3 = arith.constant 0 : i32
    %add3A_4 = arith.addi %mul3A_2, %add3A_3 : i32
    "tpu.region"() ({
      %run_scoped3A = tpu.sem_alloc : memref<!tpu.dma_semaphore, #tpu.memory_space<semaphore_mem>>
      %dma_start3A = arith.constant 0 : i32
      %dma_start3A_23 = tpu.memref_slice %arg10[%add3A_4, %dma_start3A] : memref<8064x128xf32, #tpu.memory_space<vmem_shared>> -> memref<504x128xf32, #tpu.memory_space<vmem_shared>>
      %dma_start3A_24 = arith.constant 0 : i32
      %dma_start3A_25 = arith.constant 0 : i32
      %dma_start3A_26 = tpu.memref_slice %arg5[%dma_start3A_24, %dma_start3A_25] : memref<512x128xf32, #tpu.memory_space<hbm>> -> memref<504x128xf32, #tpu.memory_space<hbm>>
      tpu.enqueue_dma source(%dma_start3A_26 : memref<504x128xf32, #tpu.memory_space<hbm>>) target(%dma_start3A_23 : memref<504x128xf32, #tpu.memory_space<vmem_shared>>) target_semaphore(%run_scoped3A : memref<!tpu.dma_semaphore, #tpu.memory_space<semaphore_mem>>)
      %dma_wait3A = arith.constant 0 : i32
      %dma_wait3A_27 = tpu.memref_slice %arg10[%add3A_4, %dma_wait3A] : memref<8064x128xf32, #tpu.memory_space<vmem_shared>> -> memref<504x128xf32, #tpu.memory_space<vmem_shared>>
      %dma_wait3A_28 = arith.constant 0 : i32
      %dma_wait3A_29 = arith.constant 0 : i32
      %dma_wait3A_30 = tpu.memref_slice %arg5[%dma_wait3A_28, %dma_wait3A_29] : memref<512x128xf32, #tpu.memory_space<hbm>> -> memref<504x128xf32, #tpu.memory_space<hbm>>
      tpu.wait_dma2 semaphore(%run_scoped3A : memref<!tpu.dma_semaphore, #tpu.memory_space<semaphore_mem>>) src(%dma_wait3A_30 : memref<504x128xf32, #tpu.memory_space<hbm>>) dst(%dma_wait3A_27 : memref<504x128xf32, #tpu.memory_space<vmem_shared>>)
      tpu.yield
    }) : () -> ()
    %barrier3A = arith.constant 0 : index
    tpu.barrier barrier_id(%barrier3A)
    %mul3A_5 = arith.constant 63 : i32
    %mul3A_6 = arith.muli %add3A, %mul3A_5 : i32
    %scan3A = arith.constant 0 : i32
    %scan3A_7 = arith.constant 0 : i32
    %scan3A_8 = arith.constant 63 : i32
    %scan3A_9 = arith.addi %scan3A_7, %scan3A_8 : i32
    %scan3A_10 = arith.constant 1 : i32
    %scan3A_11 = scf.for %scan3A_23 = %scan3A_7 to %scan3A_9 step %scan3A_10 iter_args(%scan3A_24 = %scan3A) -> (i32)  : i32 {
      %add3A_25 = arith.addi %mul3A_6, %scan3A_23 : i32
      %mul3A_26 = arith.constant 128 : i32
      %mul3A_27 = arith.muli %add3A_25, %mul3A_26 : i32
      "tpu.region"() ({
        %run_scoped3A = tpu.sem_alloc : memref<!tpu.dma_semaphore, #tpu.memory_space<semaphore_mem>>
        %dma_start3A_33 = tpu.memref_slice %arg3[%mul3A_27] : memref<258048xi32, #tpu.memory_space<hbm>> -> memref<128xi32, #tpu.memory_space<hbm>>
        %dma_start3A_34 = tpu.memref_slice %arg3[%mul3A_27] : memref<258048xi32, #tpu.memory_space<hbm>> -> memref<128xi32, #tpu.memory_space<hbm>>
        tpu.enqueue_dma source(%dma_start3A_34 : memref<128xi32, #tpu.memory_space<hbm>>) target(%arg7 : memref<128xi32, #tpu.memory_space<vmem>>) target_semaphore(%run_scoped3A : memref<!tpu.dma_semaphore, #tpu.memory_space<semaphore_mem>>)
        %dma_wait3A_35 = tpu.memref_slice %arg3[%mul3A_27] : memref<258048xi32, #tpu.memory_space<hbm>> -> memref<128xi32, #tpu.memory_space<hbm>>
        %dma_wait3A_36 = tpu.memref_slice %arg3[%mul3A_27] : memref<258048xi32, #tpu.memory_space<hbm>> -> memref<128xi32, #tpu.memory_space<hbm>>
        tpu.wait_dma2 semaphore(%run_scoped3A : memref<!tpu.dma_semaphore, #tpu.memory_space<semaphore_mem>>) src(%dma_wait3A_36 : memref<128xi32, #tpu.memory_space<hbm>>) dst(%arg7 : memref<128xi32, #tpu.memory_space<vmem>>)
        tpu.yield
      }) : () -> ()
      "tpu.region"() ({
        %run_scoped3A = tpu.sem_alloc : memref<!tpu.dma_semaphore, #tpu.memory_space<semaphore_mem>>
        %dma_start3A_33 = tpu.memref_slice %arg4[%mul3A_27] : memref<258048xi32, #tpu.memory_space<hbm>> -> memref<128xi32, #tpu.memory_space<hbm>>
        %dma_start3A_34 = tpu.memref_slice %arg4[%mul3A_27] : memref<258048xi32, #tpu.memory_space<hbm>> -> memref<128xi32, #tpu.memory_space<hbm>>
        tpu.enqueue_dma source(%dma_start3A_34 : memref<128xi32, #tpu.memory_space<hbm>>) target(%arg8 : memref<128xi32, #tpu.memory_space<vmem>>) target_semaphore(%run_scoped3A : memref<!tpu.dma_semaphore, #tpu.memory_space<semaphore_mem>>)
        %dma_wait3A_35 = tpu.memref_slice %arg4[%mul3A_27] : memref<258048xi32, #tpu.memory_space<hbm>> -> memref<128xi32, #tpu.memory_space<hbm>>
        %dma_wait3A_36 = tpu.memref_slice %arg4[%mul3A_27] : memref<258048xi32, #tpu.memory_space<hbm>> -> memref<128xi32, #tpu.memory_space<hbm>>
        tpu.wait_dma2 semaphore(%run_scoped3A : memref<!tpu.dma_semaphore, #tpu.memory_space<semaphore_mem>>) src(%dma_wait3A_36 : memref<128xi32, #tpu.memory_space<hbm>>) dst(%arg8 : memref<128xi32, #tpu.memory_space<vmem>>)
        tpu.yield
      }) : () -> ()
      %dma_start3A = arith.constant 0 : i32
      %dma_start3A_28 = arith.constant 0 : i32
      %dma_start3A_29 = tpu.memref_slice %arg2[%dma_start3A, %dma_start3A_28] : memref<8000x128xf32, #tpu.memory_space<hbm>> -> memref<8000x128xf32, #tpu.memory_space<hbm>>
      tpu.enqueue_indirect_dma source(%dma_start3A_29 : memref<8000x128xf32, #tpu.memory_space<hbm>>) target(%arg9 : memref<128x128xf32, #tpu.memory_space<vmem>>) offsets(%arg7 : memref<128xi32, #tpu.memory_space<vmem>>) semaphore(%arg11 : memref<!tpu.dma_semaphore, #tpu.memory_space<semaphore_mem>>)
      %dma_wait3A = arith.constant 0 : i32
      %dma_wait3A_30 = arith.constant 0 : i32
      %dma_wait3A_31 = tpu.memref_slice %arg2[%dma_wait3A, %dma_wait3A_30] : memref<8000x128xf32, #tpu.memory_space<hbm>> -> memref<8000x128xf32, #tpu.memory_space<hbm>>
      tpu.wait_indirect_dma semaphore(%arg11 : memref<!tpu.dma_semaphore, #tpu.memory_space<semaphore_mem>>) src(%dma_wait3A_31 : memref<8000x128xf32, #tpu.memory_space<hbm>>) dst(%arg9 : memref<128x128xf32, #tpu.memory_space<vmem>>)
      "tpu.region"() ({
        %run_scoped3A = tpu.sem_alloc : memref<!tpu.dma_semaphore, #tpu.memory_space<semaphore_mem>>
        %dma_start3A_33 = arith.constant 0 : i32
        %dma_start3A_34 = arith.constant 0 : i32
        %dma_start3A_35 = tpu.memref_slice %arg10[%dma_start3A_33, %dma_start3A_34] : memref<8064x128xf32, #tpu.memory_space<vmem_shared>> -> memref<8064x128xf32, #tpu.memory_space<vmem_shared>>
        tpu.enqueue_indirect_dma source(%arg9 : memref<128x128xf32, #tpu.memory_space<vmem>>) target(%dma_start3A_35 : memref<8064x128xf32, #tpu.memory_space<vmem_shared>>) offsets(%arg8 : memref<128xi32, #tpu.memory_space<vmem>>) semaphore(%run_scoped3A : memref<!tpu.dma_semaphore, #tpu.memory_space<semaphore_mem>>) {add = true}
        %dma_wait3A_36 = arith.constant 0 : i32
        %dma_wait3A_37 = arith.constant 0 : i32
        %dma_wait3A_38 = tpu.memref_slice %arg10[%dma_wait3A_36, %dma_wait3A_37] : memref<8064x128xf32, #tpu.memory_space<vmem_shared>> -> memref<8064x128xf32, #tpu.memory_space<vmem_shared>>
        tpu.wait_indirect_dma semaphore(%run_scoped3A : memref<!tpu.dma_semaphore, #tpu.memory_space<semaphore_mem>>) src(%arg9 : memref<128x128xf32, #tpu.memory_space<vmem>>) dst(%dma_wait3A_38 : memref<8064x128xf32, #tpu.memory_space<vmem_shared>>)
        tpu.yield
      }) : () -> ()
      %scan3A_32 = arith.constant 0 : i32
      scf.yield %scan3A_32 : i32
    }
    %scan3A_12 = arith.constant 63 : i32
    %barrier3A_13 = arith.constant 0 : index
    tpu.barrier barrier_id(%barrier3A_13)
    %mul3A_14 = arith.constant 504 : i32
    %mul3A_15 = arith.muli %arg1, %mul3A_14 : i32
    %add3A_16 = arith.constant 0 : i32
    %add3A_17 = arith.addi %mul3A_15, %add3A_16 : i32
    %mul3A_18 = arith.constant 8064 : i32
    %mul3A_19 = arith.muli %arg0, %mul3A_18 : i32
    %add3A_20 = arith.addi %mul3A_19, %mul3A_15 : i32
    %add3A_21 = arith.constant 0 : i32
    %add3A_22 = arith.addi %add3A_20, %add3A_21 : i32
    "tpu.region"() ({
      %run_scoped3A = tpu.sem_alloc : memref<!tpu.dma_semaphore, #tpu.memory_space<semaphore_mem>>
      %dma_start3A = arith.constant 0 : i32
      %dma_start3A_23 = tpu.memref_slice %arg6[%add3A_22, %dma_start3A] : memref<16128x128xf32, #tpu.memory_space<hbm>> -> memref<504x128xf32, #tpu.memory_space<hbm>>
      %dma_start3A_24 = arith.constant 0 : i32
      %dma_start3A_25 = tpu.memref_slice %arg10[%add3A_17, %dma_start3A_24] : memref<8064x128xf32, #tpu.memory_space<vmem_shared>> -> memref<504x128xf32, #tpu.memory_space<vmem_shared>>
      tpu.enqueue_dma source(%dma_start3A_25 : memref<504x128xf32, #tpu.memory_space<vmem_shared>>) target(%dma_start3A_23 : memref<504x128xf32, #tpu.memory_space<hbm>>) target_semaphore(%run_scoped3A : memref<!tpu.dma_semaphore, #tpu.memory_space<semaphore_mem>>)
      %dma_wait3A = arith.constant 0 : i32
      %dma_wait3A_26 = tpu.memref_slice %arg6[%add3A_22, %dma_wait3A] : memref<16128x128xf32, #tpu.memory_space<hbm>> -> memref<504x128xf32, #tpu.memory_space<hbm>>
      %dma_wait3A_27 = arith.constant 0 : i32
      %dma_wait3A_28 = tpu.memref_slice %arg10[%add3A_17, %dma_wait3A_27] : memref<8064x128xf32, #tpu.memory_space<vmem_shared>> -> memref<504x128xf32, #tpu.memory_space<vmem_shared>>
      tpu.wait_dma2 semaphore(%run_scoped3A : memref<!tpu.dma_semaphore, #tpu.memory_space<semaphore_mem>>) src(%dma_wait3A_28 : memref<504x128xf32, #tpu.memory_space<vmem_shared>>) dst(%dma_wait3A_26 : memref<504x128xf32, #tpu.memory_space<hbm>>)
      tpu.yield
    }) : () -> ()
    return
  }
}

#map = affine_map<(d0, d1) -> (0, 0)>
#map1 = affine_map<(d0, d1) -> (0)>
module attributes {stable_mosaic.version = 14 : i64} {
  func.func @spmm(%arg0: i32, %arg1: i32, %arg2: memref<12000x128xf32, #tpu.memory_space<hbm>>, %arg3: memref<385024xi32, #tpu.memory_space<hbm>>, %arg4: memref<385024xi32, #tpu.memory_space<hbm>>, %arg5: memref<512x128xf32, #tpu.memory_space<hbm>>, %arg6: memref<24064x128xf32, #tpu.memory_space<hbm>>, %arg7: memref<128xi32, #tpu.memory_space<vmem>>, %arg8: memref<128xi32, #tpu.memory_space<vmem>>, %arg9: memref<128x128xf32, #tpu.memory_space<vmem>>, %arg10: memref<12032x128xf32, #tpu.memory_space<vmem_shared>>, %arg11: memref<!tpu.dma_semaphore, #tpu.memory_space<semaphore_mem>>) attributes {dimension_semantics = [#tpu.dimension_semantics<core_parallel>, #tpu.dimension_semantics<subcore_parallel>], iteration_bounds = array<i64: 2, 16>, scalar_prefetch = 0 : i64, scratch_operands = 5 : i64, tpu.core_type = #tpu.core_type<sc_vector_subcore>, window_params = [{transform_indices = #map}, {transform_indices = #map1}, {transform_indices = #map1}, {transform_indices = #map}, {transform_indices = #map}]} {
    %mul3A = arith.constant 2 : i32
    %mul3A_0 = arith.muli %arg1, %mul3A : i32
    %add3A = arith.addi %mul3A_0, %arg0 : i32
    %mul3A_1 = arith.constant 752 : i32
    %mul3A_2 = arith.muli %arg1, %mul3A_1 : i32
    %add3A_3 = arith.constant 0 : i32
    %add3A_4 = arith.addi %mul3A_2, %add3A_3 : i32
    "tpu.region"() ({
      %run_scoped3A = tpu.sem_alloc : memref<!tpu.dma_semaphore, #tpu.memory_space<semaphore_mem>>
      %dma_start3A = arith.constant 0 : i32
      %dma_start3A_32 = tpu.memref_slice %arg10[%add3A_4, %dma_start3A] : memref<12032x128xf32, #tpu.memory_space<vmem_shared>> -> memref<512x128xf32, #tpu.memory_space<vmem_shared>>
      %dma_start3A_33 = arith.constant 0 : i32
      %dma_start3A_34 = arith.constant 0 : i32
      %dma_start3A_35 = tpu.memref_slice %arg5[%dma_start3A_33, %dma_start3A_34] : memref<512x128xf32, #tpu.memory_space<hbm>> -> memref<512x128xf32, #tpu.memory_space<hbm>>
      tpu.enqueue_dma source(%dma_start3A_35 : memref<512x128xf32, #tpu.memory_space<hbm>>) target(%dma_start3A_32 : memref<512x128xf32, #tpu.memory_space<vmem_shared>>) target_semaphore(%run_scoped3A : memref<!tpu.dma_semaphore, #tpu.memory_space<semaphore_mem>>)
      %dma_wait3A = arith.constant 0 : i32
      %dma_wait3A_36 = tpu.memref_slice %arg10[%add3A_4, %dma_wait3A] : memref<12032x128xf32, #tpu.memory_space<vmem_shared>> -> memref<512x128xf32, #tpu.memory_space<vmem_shared>>
      %dma_wait3A_37 = arith.constant 0 : i32
      %dma_wait3A_38 = arith.constant 0 : i32
      %dma_wait3A_39 = tpu.memref_slice %arg5[%dma_wait3A_37, %dma_wait3A_38] : memref<512x128xf32, #tpu.memory_space<hbm>> -> memref<512x128xf32, #tpu.memory_space<hbm>>
      tpu.wait_dma2 semaphore(%run_scoped3A : memref<!tpu.dma_semaphore, #tpu.memory_space<semaphore_mem>>) src(%dma_wait3A_39 : memref<512x128xf32, #tpu.memory_space<hbm>>) dst(%dma_wait3A_36 : memref<512x128xf32, #tpu.memory_space<vmem_shared>>)
      tpu.yield
    }) : () -> ()
    %add3A_5 = arith.constant 512 : i32
    %add3A_6 = arith.addi %mul3A_2, %add3A_5 : i32
    "tpu.region"() ({
      %run_scoped3A = tpu.sem_alloc : memref<!tpu.dma_semaphore, #tpu.memory_space<semaphore_mem>>
      %dma_start3A = arith.constant 0 : i32
      %dma_start3A_32 = tpu.memref_slice %arg10[%add3A_6, %dma_start3A] : memref<12032x128xf32, #tpu.memory_space<vmem_shared>> -> memref<240x128xf32, #tpu.memory_space<vmem_shared>>
      %dma_start3A_33 = arith.constant 0 : i32
      %dma_start3A_34 = arith.constant 0 : i32
      %dma_start3A_35 = tpu.memref_slice %arg5[%dma_start3A_33, %dma_start3A_34] : memref<512x128xf32, #tpu.memory_space<hbm>> -> memref<240x128xf32, #tpu.memory_space<hbm>>
      tpu.enqueue_dma source(%dma_start3A_35 : memref<240x128xf32, #tpu.memory_space<hbm>>) target(%dma_start3A_32 : memref<240x128xf32, #tpu.memory_space<vmem_shared>>) target_semaphore(%run_scoped3A : memref<!tpu.dma_semaphore, #tpu.memory_space<semaphore_mem>>)
      %dma_wait3A = arith.constant 0 : i32
      %dma_wait3A_36 = tpu.memref_slice %arg10[%add3A_6, %dma_wait3A] : memref<12032x128xf32, #tpu.memory_space<vmem_shared>> -> memref<240x128xf32, #tpu.memory_space<vmem_shared>>
      %dma_wait3A_37 = arith.constant 0 : i32
      %dma_wait3A_38 = arith.constant 0 : i32
      %dma_wait3A_39 = tpu.memref_slice %arg5[%dma_wait3A_37, %dma_wait3A_38] : memref<512x128xf32, #tpu.memory_space<hbm>> -> memref<240x128xf32, #tpu.memory_space<hbm>>
      tpu.wait_dma2 semaphore(%run_scoped3A : memref<!tpu.dma_semaphore, #tpu.memory_space<semaphore_mem>>) src(%dma_wait3A_39 : memref<240x128xf32, #tpu.memory_space<hbm>>) dst(%dma_wait3A_36 : memref<240x128xf32, #tpu.memory_space<vmem_shared>>)
      tpu.yield
    }) : () -> ()
    %barrier3A = arith.constant 0 : index
    tpu.barrier barrier_id(%barrier3A)
    %mul3A_7 = arith.constant 94 : i32
    %mul3A_8 = arith.muli %add3A, %mul3A_7 : i32
    %scan3A = arith.constant 0 : i32
    %scan3A_9 = arith.constant 0 : i32
    %scan3A_10 = arith.constant 94 : i32
    %scan3A_11 = arith.addi %scan3A_9, %scan3A_10 : i32
    %scan3A_12 = arith.constant 1 : i32
    %scan3A_13 = scf.for %scan3A_32 = %scan3A_9 to %scan3A_11 step %scan3A_12 iter_args(%scan3A_33 = %scan3A) -> (i32)  : i32 {
      %add3A_34 = arith.addi %mul3A_8, %scan3A_32 : i32
      %mul3A_35 = arith.constant 128 : i32
      %mul3A_36 = arith.muli %add3A_34, %mul3A_35 : i32
      "tpu.region"() ({
        %run_scoped3A = tpu.sem_alloc : memref<!tpu.dma_semaphore, #tpu.memory_space<semaphore_mem>>
        %dma_start3A_42 = tpu.memref_slice %arg3[%mul3A_36] : memref<385024xi32, #tpu.memory_space<hbm>> -> memref<128xi32, #tpu.memory_space<hbm>>
        %dma_start3A_43 = tpu.memref_slice %arg3[%mul3A_36] : memref<385024xi32, #tpu.memory_space<hbm>> -> memref<128xi32, #tpu.memory_space<hbm>>
        tpu.enqueue_dma source(%dma_start3A_43 : memref<128xi32, #tpu.memory_space<hbm>>) target(%arg7 : memref<128xi32, #tpu.memory_space<vmem>>) target_semaphore(%run_scoped3A : memref<!tpu.dma_semaphore, #tpu.memory_space<semaphore_mem>>)
        %dma_wait3A_44 = tpu.memref_slice %arg3[%mul3A_36] : memref<385024xi32, #tpu.memory_space<hbm>> -> memref<128xi32, #tpu.memory_space<hbm>>
        %dma_wait3A_45 = tpu.memref_slice %arg3[%mul3A_36] : memref<385024xi32, #tpu.memory_space<hbm>> -> memref<128xi32, #tpu.memory_space<hbm>>
        tpu.wait_dma2 semaphore(%run_scoped3A : memref<!tpu.dma_semaphore, #tpu.memory_space<semaphore_mem>>) src(%dma_wait3A_45 : memref<128xi32, #tpu.memory_space<hbm>>) dst(%arg7 : memref<128xi32, #tpu.memory_space<vmem>>)
        tpu.yield
      }) : () -> ()
      "tpu.region"() ({
        %run_scoped3A = tpu.sem_alloc : memref<!tpu.dma_semaphore, #tpu.memory_space<semaphore_mem>>
        %dma_start3A_42 = tpu.memref_slice %arg4[%mul3A_36] : memref<385024xi32, #tpu.memory_space<hbm>> -> memref<128xi32, #tpu.memory_space<hbm>>
        %dma_start3A_43 = tpu.memref_slice %arg4[%mul3A_36] : memref<385024xi32, #tpu.memory_space<hbm>> -> memref<128xi32, #tpu.memory_space<hbm>>
        tpu.enqueue_dma source(%dma_start3A_43 : memref<128xi32, #tpu.memory_space<hbm>>) target(%arg8 : memref<128xi32, #tpu.memory_space<vmem>>) target_semaphore(%run_scoped3A : memref<!tpu.dma_semaphore, #tpu.memory_space<semaphore_mem>>)
        %dma_wait3A_44 = tpu.memref_slice %arg4[%mul3A_36] : memref<385024xi32, #tpu.memory_space<hbm>> -> memref<128xi32, #tpu.memory_space<hbm>>
        %dma_wait3A_45 = tpu.memref_slice %arg4[%mul3A_36] : memref<385024xi32, #tpu.memory_space<hbm>> -> memref<128xi32, #tpu.memory_space<hbm>>
        tpu.wait_dma2 semaphore(%run_scoped3A : memref<!tpu.dma_semaphore, #tpu.memory_space<semaphore_mem>>) src(%dma_wait3A_45 : memref<128xi32, #tpu.memory_space<hbm>>) dst(%arg8 : memref<128xi32, #tpu.memory_space<vmem>>)
        tpu.yield
      }) : () -> ()
      %dma_start3A = arith.constant 0 : i32
      %dma_start3A_37 = arith.constant 0 : i32
      %dma_start3A_38 = tpu.memref_slice %arg2[%dma_start3A, %dma_start3A_37] : memref<12000x128xf32, #tpu.memory_space<hbm>> -> memref<12000x128xf32, #tpu.memory_space<hbm>>
      tpu.enqueue_indirect_dma source(%dma_start3A_38 : memref<12000x128xf32, #tpu.memory_space<hbm>>) target(%arg9 : memref<128x128xf32, #tpu.memory_space<vmem>>) offsets(%arg7 : memref<128xi32, #tpu.memory_space<vmem>>) semaphore(%arg11 : memref<!tpu.dma_semaphore, #tpu.memory_space<semaphore_mem>>)
      %dma_wait3A = arith.constant 0 : i32
      %dma_wait3A_39 = arith.constant 0 : i32
      %dma_wait3A_40 = tpu.memref_slice %arg2[%dma_wait3A, %dma_wait3A_39] : memref<12000x128xf32, #tpu.memory_space<hbm>> -> memref<12000x128xf32, #tpu.memory_space<hbm>>
      tpu.wait_indirect_dma semaphore(%arg11 : memref<!tpu.dma_semaphore, #tpu.memory_space<semaphore_mem>>) src(%dma_wait3A_40 : memref<12000x128xf32, #tpu.memory_space<hbm>>) dst(%arg9 : memref<128x128xf32, #tpu.memory_space<vmem>>)
      "tpu.region"() ({
        %run_scoped3A = tpu.sem_alloc : memref<!tpu.dma_semaphore, #tpu.memory_space<semaphore_mem>>
        %dma_start3A_42 = arith.constant 0 : i32
        %dma_start3A_43 = arith.constant 0 : i32
        %dma_start3A_44 = tpu.memref_slice %arg10[%dma_start3A_42, %dma_start3A_43] : memref<12032x128xf32, #tpu.memory_space<vmem_shared>> -> memref<12032x128xf32, #tpu.memory_space<vmem_shared>>
        tpu.enqueue_indirect_dma source(%arg9 : memref<128x128xf32, #tpu.memory_space<vmem>>) target(%dma_start3A_44 : memref<12032x128xf32, #tpu.memory_space<vmem_shared>>) offsets(%arg8 : memref<128xi32, #tpu.memory_space<vmem>>) semaphore(%run_scoped3A : memref<!tpu.dma_semaphore, #tpu.memory_space<semaphore_mem>>) {add = true}
        %dma_wait3A_45 = arith.constant 0 : i32
        %dma_wait3A_46 = arith.constant 0 : i32
        %dma_wait3A_47 = tpu.memref_slice %arg10[%dma_wait3A_45, %dma_wait3A_46] : memref<12032x128xf32, #tpu.memory_space<vmem_shared>> -> memref<12032x128xf32, #tpu.memory_space<vmem_shared>>
        tpu.wait_indirect_dma semaphore(%run_scoped3A : memref<!tpu.dma_semaphore, #tpu.memory_space<semaphore_mem>>) src(%arg9 : memref<128x128xf32, #tpu.memory_space<vmem>>) dst(%dma_wait3A_47 : memref<12032x128xf32, #tpu.memory_space<vmem_shared>>)
        tpu.yield
      }) : () -> ()
      %scan3A_41 = arith.constant 0 : i32
      scf.yield %scan3A_41 : i32
    }
    %scan3A_14 = arith.constant 94 : i32
    %barrier3A_15 = arith.constant 0 : index
    tpu.barrier barrier_id(%barrier3A_15)
    %mul3A_16 = arith.constant 752 : i32
    %mul3A_17 = arith.muli %arg1, %mul3A_16 : i32
    %add3A_18 = arith.constant 0 : i32
    %add3A_19 = arith.addi %mul3A_17, %add3A_18 : i32
    %mul3A_20 = arith.constant 12032 : i32
    %mul3A_21 = arith.muli %arg0, %mul3A_20 : i32
    %add3A_22 = arith.addi %mul3A_21, %mul3A_17 : i32
    %add3A_23 = arith.constant 0 : i32
    %add3A_24 = arith.addi %add3A_22, %add3A_23 : i32
    "tpu.region"() ({
      %run_scoped3A = tpu.sem_alloc : memref<!tpu.dma_semaphore, #tpu.memory_space<semaphore_mem>>
      %dma_start3A = arith.constant 0 : i32
      %dma_start3A_32 = tpu.memref_slice %arg6[%add3A_24, %dma_start3A] : memref<24064x128xf32, #tpu.memory_space<hbm>> -> memref<512x128xf32, #tpu.memory_space<hbm>>
      %dma_start3A_33 = arith.constant 0 : i32
      %dma_start3A_34 = tpu.memref_slice %arg10[%add3A_19, %dma_start3A_33] : memref<12032x128xf32, #tpu.memory_space<vmem_shared>> -> memref<512x128xf32, #tpu.memory_space<vmem_shared>>
      tpu.enqueue_dma source(%dma_start3A_34 : memref<512x128xf32, #tpu.memory_space<vmem_shared>>) target(%dma_start3A_32 : memref<512x128xf32, #tpu.memory_space<hbm>>) target_semaphore(%run_scoped3A : memref<!tpu.dma_semaphore, #tpu.memory_space<semaphore_mem>>)
      %dma_wait3A = arith.constant 0 : i32
      %dma_wait3A_35 = tpu.memref_slice %arg6[%add3A_24, %dma_wait3A] : memref<24064x128xf32, #tpu.memory_space<hbm>> -> memref<512x128xf32, #tpu.memory_space<hbm>>
      %dma_wait3A_36 = arith.constant 0 : i32
      %dma_wait3A_37 = tpu.memref_slice %arg10[%add3A_19, %dma_wait3A_36] : memref<12032x128xf32, #tpu.memory_space<vmem_shared>> -> memref<512x128xf32, #tpu.memory_space<vmem_shared>>
      tpu.wait_dma2 semaphore(%run_scoped3A : memref<!tpu.dma_semaphore, #tpu.memory_space<semaphore_mem>>) src(%dma_wait3A_37 : memref<512x128xf32, #tpu.memory_space<vmem_shared>>) dst(%dma_wait3A_35 : memref<512x128xf32, #tpu.memory_space<hbm>>)
      tpu.yield
    }) : () -> ()
    %add3A_25 = arith.constant 512 : i32
    %add3A_26 = arith.addi %mul3A_17, %add3A_25 : i32
    %mul3A_27 = arith.constant 12032 : i32
    %mul3A_28 = arith.muli %arg0, %mul3A_27 : i32
    %add3A_29 = arith.addi %mul3A_28, %mul3A_17 : i32
    %add3A_30 = arith.constant 512 : i32
    %add3A_31 = arith.addi %add3A_29, %add3A_30 : i32
    "tpu.region"() ({
      %run_scoped3A = tpu.sem_alloc : memref<!tpu.dma_semaphore, #tpu.memory_space<semaphore_mem>>
      %dma_start3A = arith.constant 0 : i32
      %dma_start3A_32 = tpu.memref_slice %arg6[%add3A_31, %dma_start3A] : memref<24064x128xf32, #tpu.memory_space<hbm>> -> memref<240x128xf32, #tpu.memory_space<hbm>>
      %dma_start3A_33 = arith.constant 0 : i32
      %dma_start3A_34 = tpu.memref_slice %arg10[%add3A_26, %dma_start3A_33] : memref<12032x128xf32, #tpu.memory_space<vmem_shared>> -> memref<240x128xf32, #tpu.memory_space<vmem_shared>>
      tpu.enqueue_dma source(%dma_start3A_34 : memref<240x128xf32, #tpu.memory_space<vmem_shared>>) target(%dma_start3A_32 : memref<240x128xf32, #tpu.memory_space<hbm>>) target_semaphore(%run_scoped3A : memref<!tpu.dma_semaphore, #tpu.memory_space<semaphore_mem>>)
      %dma_wait3A = arith.constant 0 : i32
      %dma_wait3A_35 = tpu.memref_slice %arg6[%add3A_31, %dma_wait3A] : memref<24064x128xf32, #tpu.memory_space<hbm>> -> memref<240x128xf32, #tpu.memory_space<hbm>>
      %dma_wait3A_36 = arith.constant 0 : i32
      %dma_wait3A_37 = tpu.memref_slice %arg10[%add3A_26, %dma_wait3A_36] : memref<12032x128xf32, #tpu.memory_space<vmem_shared>> -> memref<240x128xf32, #tpu.memory_space<vmem_shared>>
      tpu.wait_dma2 semaphore(%run_scoped3A : memref<!tpu.dma_semaphore, #tpu.memory_space<semaphore_mem>>) src(%dma_wait3A_37 : memref<240x128xf32, #tpu.memory_space<vmem_shared>>) dst(%dma_wait3A_35 : memref<240x128xf32, #tpu.memory_space<hbm>>)
      tpu.yield
    }) : () -> ()
    return
  }
}

#map = affine_map<(d0, d1) -> (0, 0)>
#map1 = affine_map<(d0, d1) -> (0)>
module attributes {stable_mosaic.version = 14 : i64} {
  func.func @spmm(%arg0: i32, %arg1: i32, %arg2: memref<8000x128xf32, #tpu.memory_space<hbm>>, %arg3: memref<258048xi32, #tpu.memory_space<hbm>>, %arg4: memref<258048xi32, #tpu.memory_space<hbm>>, %arg5: memref<512x128xf32, #tpu.memory_space<hbm>>, %arg6: memref<16128x128xf32, #tpu.memory_space<hbm>>, %arg7: memref<128xi32, #tpu.memory_space<vmem>>, %arg8: memref<128xi32, #tpu.memory_space<vmem>>, %arg9: memref<128x128xf32, #tpu.memory_space<vmem>>, %arg10: memref<8064x128xf32, #tpu.memory_space<vmem_shared>>, %arg11: memref<!tpu.dma_semaphore, #tpu.memory_space<semaphore_mem>>) attributes {dimension_semantics = [#tpu.dimension_semantics<core_parallel>, #tpu.dimension_semantics<subcore_parallel>], iteration_bounds = array<i64: 2, 16>, scalar_prefetch = 0 : i64, scratch_operands = 5 : i64, tpu.core_type = #tpu.core_type<sc_vector_subcore>, window_params = [{transform_indices = #map}, {transform_indices = #map1}, {transform_indices = #map1}, {transform_indices = #map}, {transform_indices = #map}]} {
    %mul3A = arith.constant 2 : i32
    %mul3A_0 = arith.muli %arg1, %mul3A : i32
    %add3A = arith.addi %mul3A_0, %arg0 : i32
    %mul3A_1 = arith.constant 504 : i32
    %mul3A_2 = arith.muli %arg1, %mul3A_1 : i32
    %add3A_3 = arith.constant 0 : i32
    %add3A_4 = arith.addi %mul3A_2, %add3A_3 : i32
    "tpu.region"() ({
      %run_scoped3A = tpu.sem_alloc : memref<!tpu.dma_semaphore, #tpu.memory_space<semaphore_mem>>
      %dma_start3A = arith.constant 0 : i32
      %dma_start3A_23 = tpu.memref_slice %arg10[%add3A_4, %dma_start3A] : memref<8064x128xf32, #tpu.memory_space<vmem_shared>> -> memref<504x128xf32, #tpu.memory_space<vmem_shared>>
      %dma_start3A_24 = arith.constant 0 : i32
      %dma_start3A_25 = arith.constant 0 : i32
      %dma_start3A_26 = tpu.memref_slice %arg5[%dma_start3A_24, %dma_start3A_25] : memref<512x128xf32, #tpu.memory_space<hbm>> -> memref<504x128xf32, #tpu.memory_space<hbm>>
      tpu.enqueue_dma source(%dma_start3A_26 : memref<504x128xf32, #tpu.memory_space<hbm>>) target(%dma_start3A_23 : memref<504x128xf32, #tpu.memory_space<vmem_shared>>) target_semaphore(%run_scoped3A : memref<!tpu.dma_semaphore, #tpu.memory_space<semaphore_mem>>)
      %dma_wait3A = arith.constant 0 : i32
      %dma_wait3A_27 = tpu.memref_slice %arg10[%add3A_4, %dma_wait3A] : memref<8064x128xf32, #tpu.memory_space<vmem_shared>> -> memref<504x128xf32, #tpu.memory_space<vmem_shared>>
      %dma_wait3A_28 = arith.constant 0 : i32
      %dma_wait3A_29 = arith.constant 0 : i32
      %dma_wait3A_30 = tpu.memref_slice %arg5[%dma_wait3A_28, %dma_wait3A_29] : memref<512x128xf32, #tpu.memory_space<hbm>> -> memref<504x128xf32, #tpu.memory_space<hbm>>
      tpu.wait_dma2 semaphore(%run_scoped3A : memref<!tpu.dma_semaphore, #tpu.memory_space<semaphore_mem>>) src(%dma_wait3A_30 : memref<504x128xf32, #tpu.memory_space<hbm>>) dst(%dma_wait3A_27 : memref<504x128xf32, #tpu.memory_space<vmem_shared>>)
      tpu.yield
    }) : () -> ()
    %barrier3A = arith.constant 0 : index
    tpu.barrier barrier_id(%barrier3A)
    %mul3A_5 = arith.constant 63 : i32
    %mul3A_6 = arith.muli %add3A, %mul3A_5 : i32
    %scan3A = arith.constant 0 : i32
    %scan3A_7 = arith.constant 0 : i32
    %scan3A_8 = arith.constant 63 : i32
    %scan3A_9 = arith.addi %scan3A_7, %scan3A_8 : i32
    %scan3A_10 = arith.constant 1 : i32
    %scan3A_11 = scf.for %scan3A_23 = %scan3A_7 to %scan3A_9 step %scan3A_10 iter_args(%scan3A_24 = %scan3A) -> (i32)  : i32 {
      %add3A_25 = arith.addi %mul3A_6, %scan3A_23 : i32
      %mul3A_26 = arith.constant 128 : i32
      %mul3A_27 = arith.muli %add3A_25, %mul3A_26 : i32
      "tpu.region"() ({
        %run_scoped3A = tpu.sem_alloc : memref<!tpu.dma_semaphore, #tpu.memory_space<semaphore_mem>>
        %dma_start3A_33 = tpu.memref_slice %arg3[%mul3A_27] : memref<258048xi32, #tpu.memory_space<hbm>> -> memref<128xi32, #tpu.memory_space<hbm>>
        %dma_start3A_34 = tpu.memref_slice %arg3[%mul3A_27] : memref<258048xi32, #tpu.memory_space<hbm>> -> memref<128xi32, #tpu.memory_space<hbm>>
        tpu.enqueue_dma source(%dma_start3A_34 : memref<128xi32, #tpu.memory_space<hbm>>) target(%arg7 : memref<128xi32, #tpu.memory_space<vmem>>) target_semaphore(%run_scoped3A : memref<!tpu.dma_semaphore, #tpu.memory_space<semaphore_mem>>)
        %dma_wait3A_35 = tpu.memref_slice %arg3[%mul3A_27] : memref<258048xi32, #tpu.memory_space<hbm>> -> memref<128xi32, #tpu.memory_space<hbm>>
        %dma_wait3A_36 = tpu.memref_slice %arg3[%mul3A_27] : memref<258048xi32, #tpu.memory_space<hbm>> -> memref<128xi32, #tpu.memory_space<hbm>>
        tpu.wait_dma2 semaphore(%run_scoped3A : memref<!tpu.dma_semaphore, #tpu.memory_space<semaphore_mem>>) src(%dma_wait3A_36 : memref<128xi32, #tpu.memory_space<hbm>>) dst(%arg7 : memref<128xi32, #tpu.memory_space<vmem>>)
        tpu.yield
      }) : () -> ()
      "tpu.region"() ({
        %run_scoped3A = tpu.sem_alloc : memref<!tpu.dma_semaphore, #tpu.memory_space<semaphore_mem>>
        %dma_start3A_33 = tpu.memref_slice %arg4[%mul3A_27] : memref<258048xi32, #tpu.memory_space<hbm>> -> memref<128xi32, #tpu.memory_space<hbm>>
        %dma_start3A_34 = tpu.memref_slice %arg4[%mul3A_27] : memref<258048xi32, #tpu.memory_space<hbm>> -> memref<128xi32, #tpu.memory_space<hbm>>
        tpu.enqueue_dma source(%dma_start3A_34 : memref<128xi32, #tpu.memory_space<hbm>>) target(%arg8 : memref<128xi32, #tpu.memory_space<vmem>>) target_semaphore(%run_scoped3A : memref<!tpu.dma_semaphore, #tpu.memory_space<semaphore_mem>>)
        %dma_wait3A_35 = tpu.memref_slice %arg4[%mul3A_27] : memref<258048xi32, #tpu.memory_space<hbm>> -> memref<128xi32, #tpu.memory_space<hbm>>
        %dma_wait3A_36 = tpu.memref_slice %arg4[%mul3A_27] : memref<258048xi32, #tpu.memory_space<hbm>> -> memref<128xi32, #tpu.memory_space<hbm>>
        tpu.wait_dma2 semaphore(%run_scoped3A : memref<!tpu.dma_semaphore, #tpu.memory_space<semaphore_mem>>) src(%dma_wait3A_36 : memref<128xi32, #tpu.memory_space<hbm>>) dst(%arg8 : memref<128xi32, #tpu.memory_space<vmem>>)
        tpu.yield
      }) : () -> ()
      %dma_start3A = arith.constant 0 : i32
      %dma_start3A_28 = arith.constant 0 : i32
      %dma_start3A_29 = tpu.memref_slice %arg2[%dma_start3A, %dma_start3A_28] : memref<8000x128xf32, #tpu.memory_space<hbm>> -> memref<8000x128xf32, #tpu.memory_space<hbm>>
      tpu.enqueue_indirect_dma source(%dma_start3A_29 : memref<8000x128xf32, #tpu.memory_space<hbm>>) target(%arg9 : memref<128x128xf32, #tpu.memory_space<vmem>>) offsets(%arg7 : memref<128xi32, #tpu.memory_space<vmem>>) semaphore(%arg11 : memref<!tpu.dma_semaphore, #tpu.memory_space<semaphore_mem>>)
      %dma_wait3A = arith.constant 0 : i32
      %dma_wait3A_30 = arith.constant 0 : i32
      %dma_wait3A_31 = tpu.memref_slice %arg2[%dma_wait3A, %dma_wait3A_30] : memref<8000x128xf32, #tpu.memory_space<hbm>> -> memref<8000x128xf32, #tpu.memory_space<hbm>>
      tpu.wait_indirect_dma semaphore(%arg11 : memref<!tpu.dma_semaphore, #tpu.memory_space<semaphore_mem>>) src(%dma_wait3A_31 : memref<8000x128xf32, #tpu.memory_space<hbm>>) dst(%arg9 : memref<128x128xf32, #tpu.memory_space<vmem>>)
      "tpu.region"() ({
        %run_scoped3A = tpu.sem_alloc : memref<!tpu.dma_semaphore, #tpu.memory_space<semaphore_mem>>
        %dma_start3A_33 = arith.constant 0 : i32
        %dma_start3A_34 = arith.constant 0 : i32
        %dma_start3A_35 = tpu.memref_slice %arg10[%dma_start3A_33, %dma_start3A_34] : memref<8064x128xf32, #tpu.memory_space<vmem_shared>> -> memref<8064x128xf32, #tpu.memory_space<vmem_shared>>
        tpu.enqueue_indirect_dma source(%arg9 : memref<128x128xf32, #tpu.memory_space<vmem>>) target(%dma_start3A_35 : memref<8064x128xf32, #tpu.memory_space<vmem_shared>>) offsets(%arg8 : memref<128xi32, #tpu.memory_space<vmem>>) semaphore(%run_scoped3A : memref<!tpu.dma_semaphore, #tpu.memory_space<semaphore_mem>>) {add = true}
        %dma_wait3A_36 = arith.constant 0 : i32
        %dma_wait3A_37 = arith.constant 0 : i32
        %dma_wait3A_38 = tpu.memref_slice %arg10[%dma_wait3A_36, %dma_wait3A_37] : memref<8064x128xf32, #tpu.memory_space<vmem_shared>> -> memref<8064x128xf32, #tpu.memory_space<vmem_shared>>
        tpu.wait_indirect_dma semaphore(%run_scoped3A : memref<!tpu.dma_semaphore, #tpu.memory_space<semaphore_mem>>) src(%arg9 : memref<128x128xf32, #tpu.memory_space<vmem>>) dst(%dma_wait3A_38 : memref<8064x128xf32, #tpu.memory_space<vmem_shared>>)
        tpu.yield
      }) : () -> ()
      %scan3A_32 = arith.constant 0 : i32
      scf.yield %scan3A_32 : i32
    }
    %scan3A_12 = arith.constant 63 : i32
    %barrier3A_13 = arith.constant 0 : index
    tpu.barrier barrier_id(%barrier3A_13)
    %mul3A_14 = arith.constant 504 : i32
    %mul3A_15 = arith.muli %arg1, %mul3A_14 : i32
    %add3A_16 = arith.constant 0 : i32
    %add3A_17 = arith.addi %mul3A_15, %add3A_16 : i32
    %mul3A_18 = arith.constant 8064 : i32
    %mul3A_19 = arith.muli %arg0, %mul3A_18 : i32
    %add3A_20 = arith.addi %mul3A_19, %mul3A_15 : i32
    %add3A_21 = arith.constant 0 : i32
    %add3A_22 = arith.addi %add3A_20, %add3A_21 : i32
    "tpu.region"() ({
      %run_scoped3A = tpu.sem_alloc : memref<!tpu.dma_semaphore, #tpu.memory_space<semaphore_mem>>
      %dma_start3A = arith.constant 0 : i32
      %dma_start3A_23 = tpu.memref_slice %arg6[%add3A_22, %dma_start3A] : memref<16128x128xf32, #tpu.memory_space<hbm>> -> memref<504x128xf32, #tpu.memory_space<hbm>>
      %dma_start3A_24 = arith.constant 0 : i32
      %dma_start3A_25 = tpu.memref_slice %arg10[%add3A_17, %dma_start3A_24] : memref<8064x128xf32, #tpu.memory_space<vmem_shared>> -> memref<504x128xf32, #tpu.memory_space<vmem_shared>>
      tpu.enqueue_dma source(%dma_start3A_25 : memref<504x128xf32, #tpu.memory_space<vmem_shared>>) target(%dma_start3A_23 : memref<504x128xf32, #tpu.memory_space<hbm>>) target_semaphore(%run_scoped3A : memref<!tpu.dma_semaphore, #tpu.memory_space<semaphore_mem>>)
      %dma_wait3A = arith.constant 0 : i32
      %dma_wait3A_26 = tpu.memref_slice %arg6[%add3A_22, %dma_wait3A] : memref<16128x128xf32, #tpu.memory_space<hbm>> -> memref<504x128xf32, #tpu.memory_space<hbm>>
      %dma_wait3A_27 = arith.constant 0 : i32
      %dma_wait3A_28 = tpu.memref_slice %arg10[%add3A_17, %dma_wait3A_27] : memref<8064x128xf32, #tpu.memory_space<vmem_shared>> -> memref<504x128xf32, #tpu.memory_space<vmem_shared>>
      tpu.wait_dma2 semaphore(%run_scoped3A : memref<!tpu.dma_semaphore, #tpu.memory_space<semaphore_mem>>) src(%dma_wait3A_28 : memref<504x128xf32, #tpu.memory_space<vmem_shared>>) dst(%dma_wait3A_26 : memref<504x128xf32, #tpu.memory_space<hbm>>)
      tpu.yield
    }) : () -> ()
    return
  }
}

#map = affine_map<(d0, d1) -> (0, 0)>
#map1 = affine_map<(d0, d1) -> (0)>
module attributes {stable_mosaic.version = 14 : i64} {
  func.func @spmm(%arg0: i32, %arg1: i32, %arg2: memref<12000x128xf32, #tpu.memory_space<hbm>>, %arg3: memref<385024xi32, #tpu.memory_space<hbm>>, %arg4: memref<385024xi32, #tpu.memory_space<hbm>>, %arg5: memref<512x128xf32, #tpu.memory_space<hbm>>, %arg6: memref<24064x128xf32, #tpu.memory_space<hbm>>, %arg7: memref<128xi32, #tpu.memory_space<vmem>>, %arg8: memref<128xi32, #tpu.memory_space<vmem>>, %arg9: memref<128x128xf32, #tpu.memory_space<vmem>>, %arg10: memref<12032x128xf32, #tpu.memory_space<vmem_shared>>, %arg11: memref<!tpu.dma_semaphore, #tpu.memory_space<semaphore_mem>>) attributes {dimension_semantics = [#tpu.dimension_semantics<core_parallel>, #tpu.dimension_semantics<subcore_parallel>], iteration_bounds = array<i64: 2, 16>, scalar_prefetch = 0 : i64, scratch_operands = 5 : i64, tpu.core_type = #tpu.core_type<sc_vector_subcore>, window_params = [{transform_indices = #map}, {transform_indices = #map1}, {transform_indices = #map1}, {transform_indices = #map}, {transform_indices = #map}]} {
    %mul3A = arith.constant 2 : i32
    %mul3A_0 = arith.muli %arg1, %mul3A : i32
    %add3A = arith.addi %mul3A_0, %arg0 : i32
    %mul3A_1 = arith.constant 752 : i32
    %mul3A_2 = arith.muli %arg1, %mul3A_1 : i32
    %add3A_3 = arith.constant 0 : i32
    %add3A_4 = arith.addi %mul3A_2, %add3A_3 : i32
    "tpu.region"() ({
      %run_scoped3A = tpu.sem_alloc : memref<!tpu.dma_semaphore, #tpu.memory_space<semaphore_mem>>
      %dma_start3A = arith.constant 0 : i32
      %dma_start3A_32 = tpu.memref_slice %arg10[%add3A_4, %dma_start3A] : memref<12032x128xf32, #tpu.memory_space<vmem_shared>> -> memref<512x128xf32, #tpu.memory_space<vmem_shared>>
      %dma_start3A_33 = arith.constant 0 : i32
      %dma_start3A_34 = arith.constant 0 : i32
      %dma_start3A_35 = tpu.memref_slice %arg5[%dma_start3A_33, %dma_start3A_34] : memref<512x128xf32, #tpu.memory_space<hbm>> -> memref<512x128xf32, #tpu.memory_space<hbm>>
      tpu.enqueue_dma source(%dma_start3A_35 : memref<512x128xf32, #tpu.memory_space<hbm>>) target(%dma_start3A_32 : memref<512x128xf32, #tpu.memory_space<vmem_shared>>) target_semaphore(%run_scoped3A : memref<!tpu.dma_semaphore, #tpu.memory_space<semaphore_mem>>)
      %dma_wait3A = arith.constant 0 : i32
      %dma_wait3A_36 = tpu.memref_slice %arg10[%add3A_4, %dma_wait3A] : memref<12032x128xf32, #tpu.memory_space<vmem_shared>> -> memref<512x128xf32, #tpu.memory_space<vmem_shared>>
      %dma_wait3A_37 = arith.constant 0 : i32
      %dma_wait3A_38 = arith.constant 0 : i32
      %dma_wait3A_39 = tpu.memref_slice %arg5[%dma_wait3A_37, %dma_wait3A_38] : memref<512x128xf32, #tpu.memory_space<hbm>> -> memref<512x128xf32, #tpu.memory_space<hbm>>
      tpu.wait_dma2 semaphore(%run_scoped3A : memref<!tpu.dma_semaphore, #tpu.memory_space<semaphore_mem>>) src(%dma_wait3A_39 : memref<512x128xf32, #tpu.memory_space<hbm>>) dst(%dma_wait3A_36 : memref<512x128xf32, #tpu.memory_space<vmem_shared>>)
      tpu.yield
    }) : () -> ()
    %add3A_5 = arith.constant 512 : i32
    %add3A_6 = arith.addi %mul3A_2, %add3A_5 : i32
    "tpu.region"() ({
      %run_scoped3A = tpu.sem_alloc : memref<!tpu.dma_semaphore, #tpu.memory_space<semaphore_mem>>
      %dma_start3A = arith.constant 0 : i32
      %dma_start3A_32 = tpu.memref_slice %arg10[%add3A_6, %dma_start3A] : memref<12032x128xf32, #tpu.memory_space<vmem_shared>> -> memref<240x128xf32, #tpu.memory_space<vmem_shared>>
      %dma_start3A_33 = arith.constant 0 : i32
      %dma_start3A_34 = arith.constant 0 : i32
      %dma_start3A_35 = tpu.memref_slice %arg5[%dma_start3A_33, %dma_start3A_34] : memref<512x128xf32, #tpu.memory_space<hbm>> -> memref<240x128xf32, #tpu.memory_space<hbm>>
      tpu.enqueue_dma source(%dma_start3A_35 : memref<240x128xf32, #tpu.memory_space<hbm>>) target(%dma_start3A_32 : memref<240x128xf32, #tpu.memory_space<vmem_shared>>) target_semaphore(%run_scoped3A : memref<!tpu.dma_semaphore, #tpu.memory_space<semaphore_mem>>)
      %dma_wait3A = arith.constant 0 : i32
      %dma_wait3A_36 = tpu.memref_slice %arg10[%add3A_6, %dma_wait3A] : memref<12032x128xf32, #tpu.memory_space<vmem_shared>> -> memref<240x128xf32, #tpu.memory_space<vmem_shared>>
      %dma_wait3A_37 = arith.constant 0 : i32
      %dma_wait3A_38 = arith.constant 0 : i32
      %dma_wait3A_39 = tpu.memref_slice %arg5[%dma_wait3A_37, %dma_wait3A_38] : memref<512x128xf32, #tpu.memory_space<hbm>> -> memref<240x128xf32, #tpu.memory_space<hbm>>
      tpu.wait_dma2 semaphore(%run_scoped3A : memref<!tpu.dma_semaphore, #tpu.memory_space<semaphore_mem>>) src(%dma_wait3A_39 : memref<240x128xf32, #tpu.memory_space<hbm>>) dst(%dma_wait3A_36 : memref<240x128xf32, #tpu.memory_space<vmem_shared>>)
      tpu.yield
    }) : () -> ()
    %barrier3A = arith.constant 0 : index
    tpu.barrier barrier_id(%barrier3A)
    %mul3A_7 = arith.constant 94 : i32
    %mul3A_8 = arith.muli %add3A, %mul3A_7 : i32
    %scan3A = arith.constant 0 : i32
    %scan3A_9 = arith.constant 0 : i32
    %scan3A_10 = arith.constant 94 : i32
    %scan3A_11 = arith.addi %scan3A_9, %scan3A_10 : i32
    %scan3A_12 = arith.constant 1 : i32
    %scan3A_13 = scf.for %scan3A_32 = %scan3A_9 to %scan3A_11 step %scan3A_12 iter_args(%scan3A_33 = %scan3A) -> (i32)  : i32 {
      %add3A_34 = arith.addi %mul3A_8, %scan3A_32 : i32
      %mul3A_35 = arith.constant 128 : i32
      %mul3A_36 = arith.muli %add3A_34, %mul3A_35 : i32
      "tpu.region"() ({
        %run_scoped3A = tpu.sem_alloc : memref<!tpu.dma_semaphore, #tpu.memory_space<semaphore_mem>>
        %dma_start3A_42 = tpu.memref_slice %arg3[%mul3A_36] : memref<385024xi32, #tpu.memory_space<hbm>> -> memref<128xi32, #tpu.memory_space<hbm>>
        %dma_start3A_43 = tpu.memref_slice %arg3[%mul3A_36] : memref<385024xi32, #tpu.memory_space<hbm>> -> memref<128xi32, #tpu.memory_space<hbm>>
        tpu.enqueue_dma source(%dma_start3A_43 : memref<128xi32, #tpu.memory_space<hbm>>) target(%arg7 : memref<128xi32, #tpu.memory_space<vmem>>) target_semaphore(%run_scoped3A : memref<!tpu.dma_semaphore, #tpu.memory_space<semaphore_mem>>)
        %dma_wait3A_44 = tpu.memref_slice %arg3[%mul3A_36] : memref<385024xi32, #tpu.memory_space<hbm>> -> memref<128xi32, #tpu.memory_space<hbm>>
        %dma_wait3A_45 = tpu.memref_slice %arg3[%mul3A_36] : memref<385024xi32, #tpu.memory_space<hbm>> -> memref<128xi32, #tpu.memory_space<hbm>>
        tpu.wait_dma2 semaphore(%run_scoped3A : memref<!tpu.dma_semaphore, #tpu.memory_space<semaphore_mem>>) src(%dma_wait3A_45 : memref<128xi32, #tpu.memory_space<hbm>>) dst(%arg7 : memref<128xi32, #tpu.memory_space<vmem>>)
        tpu.yield
      }) : () -> ()
      "tpu.region"() ({
        %run_scoped3A = tpu.sem_alloc : memref<!tpu.dma_semaphore, #tpu.memory_space<semaphore_mem>>
        %dma_start3A_42 = tpu.memref_slice %arg4[%mul3A_36] : memref<385024xi32, #tpu.memory_space<hbm>> -> memref<128xi32, #tpu.memory_space<hbm>>
        %dma_start3A_43 = tpu.memref_slice %arg4[%mul3A_36] : memref<385024xi32, #tpu.memory_space<hbm>> -> memref<128xi32, #tpu.memory_space<hbm>>
        tpu.enqueue_dma source(%dma_start3A_43 : memref<128xi32, #tpu.memory_space<hbm>>) target(%arg8 : memref<128xi32, #tpu.memory_space<vmem>>) target_semaphore(%run_scoped3A : memref<!tpu.dma_semaphore, #tpu.memory_space<semaphore_mem>>)
        %dma_wait3A_44 = tpu.memref_slice %arg4[%mul3A_36] : memref<385024xi32, #tpu.memory_space<hbm>> -> memref<128xi32, #tpu.memory_space<hbm>>
        %dma_wait3A_45 = tpu.memref_slice %arg4[%mul3A_36] : memref<385024xi32, #tpu.memory_space<hbm>> -> memref<128xi32, #tpu.memory_space<hbm>>
        tpu.wait_dma2 semaphore(%run_scoped3A : memref<!tpu.dma_semaphore, #tpu.memory_space<semaphore_mem>>) src(%dma_wait3A_45 : memref<128xi32, #tpu.memory_space<hbm>>) dst(%arg8 : memref<128xi32, #tpu.memory_space<vmem>>)
        tpu.yield
      }) : () -> ()
      %dma_start3A = arith.constant 0 : i32
      %dma_start3A_37 = arith.constant 0 : i32
      %dma_start3A_38 = tpu.memref_slice %arg2[%dma_start3A, %dma_start3A_37] : memref<12000x128xf32, #tpu.memory_space<hbm>> -> memref<12000x128xf32, #tpu.memory_space<hbm>>
      tpu.enqueue_indirect_dma source(%dma_start3A_38 : memref<12000x128xf32, #tpu.memory_space<hbm>>) target(%arg9 : memref<128x128xf32, #tpu.memory_space<vmem>>) offsets(%arg7 : memref<128xi32, #tpu.memory_space<vmem>>) semaphore(%arg11 : memref<!tpu.dma_semaphore, #tpu.memory_space<semaphore_mem>>)
      %dma_wait3A = arith.constant 0 : i32
      %dma_wait3A_39 = arith.constant 0 : i32
      %dma_wait3A_40 = tpu.memref_slice %arg2[%dma_wait3A, %dma_wait3A_39] : memref<12000x128xf32, #tpu.memory_space<hbm>> -> memref<12000x128xf32, #tpu.memory_space<hbm>>
      tpu.wait_indirect_dma semaphore(%arg11 : memref<!tpu.dma_semaphore, #tpu.memory_space<semaphore_mem>>) src(%dma_wait3A_40 : memref<12000x128xf32, #tpu.memory_space<hbm>>) dst(%arg9 : memref<128x128xf32, #tpu.memory_space<vmem>>)
      "tpu.region"() ({
        %run_scoped3A = tpu.sem_alloc : memref<!tpu.dma_semaphore, #tpu.memory_space<semaphore_mem>>
        %dma_start3A_42 = arith.constant 0 : i32
        %dma_start3A_43 = arith.constant 0 : i32
        %dma_start3A_44 = tpu.memref_slice %arg10[%dma_start3A_42, %dma_start3A_43] : memref<12032x128xf32, #tpu.memory_space<vmem_shared>> -> memref<12032x128xf32, #tpu.memory_space<vmem_shared>>
        tpu.enqueue_indirect_dma source(%arg9 : memref<128x128xf32, #tpu.memory_space<vmem>>) target(%dma_start3A_44 : memref<12032x128xf32, #tpu.memory_space<vmem_shared>>) offsets(%arg8 : memref<128xi32, #tpu.memory_space<vmem>>) semaphore(%run_scoped3A : memref<!tpu.dma_semaphore, #tpu.memory_space<semaphore_mem>>) {add = true}
        %dma_wait3A_45 = arith.constant 0 : i32
        %dma_wait3A_46 = arith.constant 0 : i32
        %dma_wait3A_47 = tpu.memref_slice %arg10[%dma_wait3A_45, %dma_wait3A_46] : memref<12032x128xf32, #tpu.memory_space<vmem_shared>> -> memref<12032x128xf32, #tpu.memory_space<vmem_shared>>
        tpu.wait_indirect_dma semaphore(%run_scoped3A : memref<!tpu.dma_semaphore, #tpu.memory_space<semaphore_mem>>) src(%arg9 : memref<128x128xf32, #tpu.memory_space<vmem>>) dst(%dma_wait3A_47 : memref<12032x128xf32, #tpu.memory_space<vmem_shared>>)
        tpu.yield
      }) : () -> ()
      %scan3A_41 = arith.constant 0 : i32
      scf.yield %scan3A_41 : i32
    }
    %scan3A_14 = arith.constant 94 : i32
    %barrier3A_15 = arith.constant 0 : index
    tpu.barrier barrier_id(%barrier3A_15)
    %mul3A_16 = arith.constant 752 : i32
    %mul3A_17 = arith.muli %arg1, %mul3A_16 : i32
    %add3A_18 = arith.constant 0 : i32
    %add3A_19 = arith.addi %mul3A_17, %add3A_18 : i32
    %mul3A_20 = arith.constant 12032 : i32
    %mul3A_21 = arith.muli %arg0, %mul3A_20 : i32
    %add3A_22 = arith.addi %mul3A_21, %mul3A_17 : i32
    %add3A_23 = arith.constant 0 : i32
    %add3A_24 = arith.addi %add3A_22, %add3A_23 : i32
    "tpu.region"() ({
      %run_scoped3A = tpu.sem_alloc : memref<!tpu.dma_semaphore, #tpu.memory_space<semaphore_mem>>
      %dma_start3A = arith.constant 0 : i32
      %dma_start3A_32 = tpu.memref_slice %arg6[%add3A_24, %dma_start3A] : memref<24064x128xf32, #tpu.memory_space<hbm>> -> memref<512x128xf32, #tpu.memory_space<hbm>>
      %dma_start3A_33 = arith.constant 0 : i32
      %dma_start3A_34 = tpu.memref_slice %arg10[%add3A_19, %dma_start3A_33] : memref<12032x128xf32, #tpu.memory_space<vmem_shared>> -> memref<512x128xf32, #tpu.memory_space<vmem_shared>>
      tpu.enqueue_dma source(%dma_start3A_34 : memref<512x128xf32, #tpu.memory_space<vmem_shared>>) target(%dma_start3A_32 : memref<512x128xf32, #tpu.memory_space<hbm>>) target_semaphore(%run_scoped3A : memref<!tpu.dma_semaphore, #tpu.memory_space<semaphore_mem>>)
      %dma_wait3A = arith.constant 0 : i32
      %dma_wait3A_35 = tpu.memref_slice %arg6[%add3A_24, %dma_wait3A] : memref<24064x128xf32, #tpu.memory_space<hbm>> -> memref<512x128xf32, #tpu.memory_space<hbm>>
      %dma_wait3A_36 = arith.constant 0 : i32
      %dma_wait3A_37 = tpu.memref_slice %arg10[%add3A_19, %dma_wait3A_36] : memref<12032x128xf32, #tpu.memory_space<vmem_shared>> -> memref<512x128xf32, #tpu.memory_space<vmem_shared>>
      tpu.wait_dma2 semaphore(%run_scoped3A : memref<!tpu.dma_semaphore, #tpu.memory_space<semaphore_mem>>) src(%dma_wait3A_37 : memref<512x128xf32, #tpu.memory_space<vmem_shared>>) dst(%dma_wait3A_35 : memref<512x128xf32, #tpu.memory_space<hbm>>)
      tpu.yield
    }) : () -> ()
    %add3A_25 = arith.constant 512 : i32
    %add3A_26 = arith.addi %mul3A_17, %add3A_25 : i32
    %mul3A_27 = arith.constant 12032 : i32
    %mul3A_28 = arith.muli %arg0, %mul3A_27 : i32
    %add3A_29 = arith.addi %mul3A_28, %mul3A_17 : i32
    %add3A_30 = arith.constant 512 : i32
    %add3A_31 = arith.addi %add3A_29, %add3A_30 : i32
    "tpu.region"() ({
      %run_scoped3A = tpu.sem_alloc : memref<!tpu.dma_semaphore, #tpu.memory_space<semaphore_mem>>
      %dma_start3A = arith.constant 0 : i32
      %dma_start3A_32 = tpu.memref_slice %arg6[%add3A_31, %dma_start3A] : memref<24064x128xf32, #tpu.memory_space<hbm>> -> memref<240x128xf32, #tpu.memory_space<hbm>>
      %dma_start3A_33 = arith.constant 0 : i32
      %dma_start3A_34 = tpu.memref_slice %arg10[%add3A_26, %dma_start3A_33] : memref<12032x128xf32, #tpu.memory_space<vmem_shared>> -> memref<240x128xf32, #tpu.memory_space<vmem_shared>>
      tpu.enqueue_dma source(%dma_start3A_34 : memref<240x128xf32, #tpu.memory_space<vmem_shared>>) target(%dma_start3A_32 : memref<240x128xf32, #tpu.memory_space<hbm>>) target_semaphore(%run_scoped3A : memref<!tpu.dma_semaphore, #tpu.memory_space<semaphore_mem>>)
      %dma_wait3A = arith.constant 0 : i32
      %dma_wait3A_35 = tpu.memref_slice %arg6[%add3A_31, %dma_wait3A] : memref<24064x128xf32, #tpu.memory_space<hbm>> -> memref<240x128xf32, #tpu.memory_space<hbm>>
      %dma_wait3A_36 = arith.constant 0 : i32
      %dma_wait3A_37 = tpu.memref_slice %arg10[%add3A_26, %dma_wait3A_36] : memref<12032x128xf32, #tpu.memory_space<vmem_shared>> -> memref<240x128xf32, #tpu.memory_space<vmem_shared>>
      tpu.wait_dma2 semaphore(%run_scoped3A : memref<!tpu.dma_semaphore, #tpu.memory_space<semaphore_mem>>) src(%dma_wait3A_37 : memref<240x128xf32, #tpu.memory_space<vmem_shared>>) dst(%dma_wait3A_35 : memref<240x128xf32, #tpu.memory_space<hbm>>)
      tpu.yield
    }) : () -> ()
    return
  }
}

#map = affine_map<(d0, d1) -> (0, 0)>
#map1 = affine_map<(d0, d1) -> (0)>
module attributes {stable_mosaic.version = 14 : i64} {
  func.func @spmm(%arg0: i32, %arg1: i32, %arg2: memref<10000x128xf32, #tpu.memory_space<hbm>>, %arg3: memref<323584xi32, #tpu.memory_space<hbm>>, %arg4: memref<323584xi32, #tpu.memory_space<hbm>>, %arg5: memref<512x128xf32, #tpu.memory_space<hbm>>, %arg6: memref<20224x128xf32, #tpu.memory_space<hbm>>, %arg7: memref<128xi32, #tpu.memory_space<vmem>>, %arg8: memref<128xi32, #tpu.memory_space<vmem>>, %arg9: memref<128x128xf32, #tpu.memory_space<vmem>>, %arg10: memref<10112x128xf32, #tpu.memory_space<vmem_shared>>, %arg11: memref<!tpu.dma_semaphore, #tpu.memory_space<semaphore_mem>>) attributes {dimension_semantics = [#tpu.dimension_semantics<core_parallel>, #tpu.dimension_semantics<subcore_parallel>], iteration_bounds = array<i64: 2, 16>, scalar_prefetch = 0 : i64, scratch_operands = 5 : i64, tpu.core_type = #tpu.core_type<sc_vector_subcore>, window_params = [{transform_indices = #map}, {transform_indices = #map1}, {transform_indices = #map1}, {transform_indices = #map}, {transform_indices = #map}]} {
    %mul3A = arith.constant 2 : i32
    %mul3A_0 = arith.muli %arg1, %mul3A : i32
    %add3A = arith.addi %mul3A_0, %arg0 : i32
    %mul3A_1 = arith.constant 632 : i32
    %mul3A_2 = arith.muli %arg1, %mul3A_1 : i32
    %add3A_3 = arith.constant 0 : i32
    %add3A_4 = arith.addi %mul3A_2, %add3A_3 : i32
    "tpu.region"() ({
      %run_scoped3A = tpu.sem_alloc : memref<!tpu.dma_semaphore, #tpu.memory_space<semaphore_mem>>
      %dma_start3A = arith.constant 0 : i32
      %dma_start3A_32 = tpu.memref_slice %arg10[%add3A_4, %dma_start3A] : memref<10112x128xf32, #tpu.memory_space<vmem_shared>> -> memref<512x128xf32, #tpu.memory_space<vmem_shared>>
      %dma_start3A_33 = arith.constant 0 : i32
      %dma_start3A_34 = arith.constant 0 : i32
      %dma_start3A_35 = tpu.memref_slice %arg5[%dma_start3A_33, %dma_start3A_34] : memref<512x128xf32, #tpu.memory_space<hbm>> -> memref<512x128xf32, #tpu.memory_space<hbm>>
      tpu.enqueue_dma source(%dma_start3A_35 : memref<512x128xf32, #tpu.memory_space<hbm>>) target(%dma_start3A_32 : memref<512x128xf32, #tpu.memory_space<vmem_shared>>) target_semaphore(%run_scoped3A : memref<!tpu.dma_semaphore, #tpu.memory_space<semaphore_mem>>)
      %dma_wait3A = arith.constant 0 : i32
      %dma_wait3A_36 = tpu.memref_slice %arg10[%add3A_4, %dma_wait3A] : memref<10112x128xf32, #tpu.memory_space<vmem_shared>> -> memref<512x128xf32, #tpu.memory_space<vmem_shared>>
      %dma_wait3A_37 = arith.constant 0 : i32
      %dma_wait3A_38 = arith.constant 0 : i32
      %dma_wait3A_39 = tpu.memref_slice %arg5[%dma_wait3A_37, %dma_wait3A_38] : memref<512x128xf32, #tpu.memory_space<hbm>> -> memref<512x128xf32, #tpu.memory_space<hbm>>
      tpu.wait_dma2 semaphore(%run_scoped3A : memref<!tpu.dma_semaphore, #tpu.memory_space<semaphore_mem>>) src(%dma_wait3A_39 : memref<512x128xf32, #tpu.memory_space<hbm>>) dst(%dma_wait3A_36 : memref<512x128xf32, #tpu.memory_space<vmem_shared>>)
      tpu.yield
    }) : () -> ()
    %add3A_5 = arith.constant 512 : i32
    %add3A_6 = arith.addi %mul3A_2, %add3A_5 : i32
    "tpu.region"() ({
      %run_scoped3A = tpu.sem_alloc : memref<!tpu.dma_semaphore, #tpu.memory_space<semaphore_mem>>
      %dma_start3A = arith.constant 0 : i32
      %dma_start3A_32 = tpu.memref_slice %arg10[%add3A_6, %dma_start3A] : memref<10112x128xf32, #tpu.memory_space<vmem_shared>> -> memref<120x128xf32, #tpu.memory_space<vmem_shared>>
      %dma_start3A_33 = arith.constant 0 : i32
      %dma_start3A_34 = arith.constant 0 : i32
      %dma_start3A_35 = tpu.memref_slice %arg5[%dma_start3A_33, %dma_start3A_34] : memref<512x128xf32, #tpu.memory_space<hbm>> -> memref<120x128xf32, #tpu.memory_space<hbm>>
      tpu.enqueue_dma source(%dma_start3A_35 : memref<120x128xf32, #tpu.memory_space<hbm>>) target(%dma_start3A_32 : memref<120x128xf32, #tpu.memory_space<vmem_shared>>) target_semaphore(%run_scoped3A : memref<!tpu.dma_semaphore, #tpu.memory_space<semaphore_mem>>)
      %dma_wait3A = arith.constant 0 : i32
      %dma_wait3A_36 = tpu.memref_slice %arg10[%add3A_6, %dma_wait3A] : memref<10112x128xf32, #tpu.memory_space<vmem_shared>> -> memref<120x128xf32, #tpu.memory_space<vmem_shared>>
      %dma_wait3A_37 = arith.constant 0 : i32
      %dma_wait3A_38 = arith.constant 0 : i32
      %dma_wait3A_39 = tpu.memref_slice %arg5[%dma_wait3A_37, %dma_wait3A_38] : memref<512x128xf32, #tpu.memory_space<hbm>> -> memref<120x128xf32, #tpu.memory_space<hbm>>
      tpu.wait_dma2 semaphore(%run_scoped3A : memref<!tpu.dma_semaphore, #tpu.memory_space<semaphore_mem>>) src(%dma_wait3A_39 : memref<120x128xf32, #tpu.memory_space<hbm>>) dst(%dma_wait3A_36 : memref<120x128xf32, #tpu.memory_space<vmem_shared>>)
      tpu.yield
    }) : () -> ()
    %barrier3A = arith.constant 0 : index
    tpu.barrier barrier_id(%barrier3A)
    %mul3A_7 = arith.constant 79 : i32
    %mul3A_8 = arith.muli %add3A, %mul3A_7 : i32
    %scan3A = arith.constant 0 : i32
    %scan3A_9 = arith.constant 0 : i32
    %scan3A_10 = arith.constant 79 : i32
    %scan3A_11 = arith.addi %scan3A_9, %scan3A_10 : i32
    %scan3A_12 = arith.constant 1 : i32
    %scan3A_13 = scf.for %scan3A_32 = %scan3A_9 to %scan3A_11 step %scan3A_12 iter_args(%scan3A_33 = %scan3A) -> (i32)  : i32 {
      %add3A_34 = arith.addi %mul3A_8, %scan3A_32 : i32
      %mul3A_35 = arith.constant 128 : i32
      %mul3A_36 = arith.muli %add3A_34, %mul3A_35 : i32
      "tpu.region"() ({
        %run_scoped3A = tpu.sem_alloc : memref<!tpu.dma_semaphore, #tpu.memory_space<semaphore_mem>>
        %dma_start3A_42 = tpu.memref_slice %arg3[%mul3A_36] : memref<323584xi32, #tpu.memory_space<hbm>> -> memref<128xi32, #tpu.memory_space<hbm>>
        %dma_start3A_43 = tpu.memref_slice %arg3[%mul3A_36] : memref<323584xi32, #tpu.memory_space<hbm>> -> memref<128xi32, #tpu.memory_space<hbm>>
        tpu.enqueue_dma source(%dma_start3A_43 : memref<128xi32, #tpu.memory_space<hbm>>) target(%arg7 : memref<128xi32, #tpu.memory_space<vmem>>) target_semaphore(%run_scoped3A : memref<!tpu.dma_semaphore, #tpu.memory_space<semaphore_mem>>)
        %dma_wait3A_44 = tpu.memref_slice %arg3[%mul3A_36] : memref<323584xi32, #tpu.memory_space<hbm>> -> memref<128xi32, #tpu.memory_space<hbm>>
        %dma_wait3A_45 = tpu.memref_slice %arg3[%mul3A_36] : memref<323584xi32, #tpu.memory_space<hbm>> -> memref<128xi32, #tpu.memory_space<hbm>>
        tpu.wait_dma2 semaphore(%run_scoped3A : memref<!tpu.dma_semaphore, #tpu.memory_space<semaphore_mem>>) src(%dma_wait3A_45 : memref<128xi32, #tpu.memory_space<hbm>>) dst(%arg7 : memref<128xi32, #tpu.memory_space<vmem>>)
        tpu.yield
      }) : () -> ()
      "tpu.region"() ({
        %run_scoped3A = tpu.sem_alloc : memref<!tpu.dma_semaphore, #tpu.memory_space<semaphore_mem>>
        %dma_start3A_42 = tpu.memref_slice %arg4[%mul3A_36] : memref<323584xi32, #tpu.memory_space<hbm>> -> memref<128xi32, #tpu.memory_space<hbm>>
        %dma_start3A_43 = tpu.memref_slice %arg4[%mul3A_36] : memref<323584xi32, #tpu.memory_space<hbm>> -> memref<128xi32, #tpu.memory_space<hbm>>
        tpu.enqueue_dma source(%dma_start3A_43 : memref<128xi32, #tpu.memory_space<hbm>>) target(%arg8 : memref<128xi32, #tpu.memory_space<vmem>>) target_semaphore(%run_scoped3A : memref<!tpu.dma_semaphore, #tpu.memory_space<semaphore_mem>>)
        %dma_wait3A_44 = tpu.memref_slice %arg4[%mul3A_36] : memref<323584xi32, #tpu.memory_space<hbm>> -> memref<128xi32, #tpu.memory_space<hbm>>
        %dma_wait3A_45 = tpu.memref_slice %arg4[%mul3A_36] : memref<323584xi32, #tpu.memory_space<hbm>> -> memref<128xi32, #tpu.memory_space<hbm>>
        tpu.wait_dma2 semaphore(%run_scoped3A : memref<!tpu.dma_semaphore, #tpu.memory_space<semaphore_mem>>) src(%dma_wait3A_45 : memref<128xi32, #tpu.memory_space<hbm>>) dst(%arg8 : memref<128xi32, #tpu.memory_space<vmem>>)
        tpu.yield
      }) : () -> ()
      %dma_start3A = arith.constant 0 : i32
      %dma_start3A_37 = arith.constant 0 : i32
      %dma_start3A_38 = tpu.memref_slice %arg2[%dma_start3A, %dma_start3A_37] : memref<10000x128xf32, #tpu.memory_space<hbm>> -> memref<10000x128xf32, #tpu.memory_space<hbm>>
      tpu.enqueue_indirect_dma source(%dma_start3A_38 : memref<10000x128xf32, #tpu.memory_space<hbm>>) target(%arg9 : memref<128x128xf32, #tpu.memory_space<vmem>>) offsets(%arg7 : memref<128xi32, #tpu.memory_space<vmem>>) semaphore(%arg11 : memref<!tpu.dma_semaphore, #tpu.memory_space<semaphore_mem>>)
      %dma_wait3A = arith.constant 0 : i32
      %dma_wait3A_39 = arith.constant 0 : i32
      %dma_wait3A_40 = tpu.memref_slice %arg2[%dma_wait3A, %dma_wait3A_39] : memref<10000x128xf32, #tpu.memory_space<hbm>> -> memref<10000x128xf32, #tpu.memory_space<hbm>>
      tpu.wait_indirect_dma semaphore(%arg11 : memref<!tpu.dma_semaphore, #tpu.memory_space<semaphore_mem>>) src(%dma_wait3A_40 : memref<10000x128xf32, #tpu.memory_space<hbm>>) dst(%arg9 : memref<128x128xf32, #tpu.memory_space<vmem>>)
      "tpu.region"() ({
        %run_scoped3A = tpu.sem_alloc : memref<!tpu.dma_semaphore, #tpu.memory_space<semaphore_mem>>
        %dma_start3A_42 = arith.constant 0 : i32
        %dma_start3A_43 = arith.constant 0 : i32
        %dma_start3A_44 = tpu.memref_slice %arg10[%dma_start3A_42, %dma_start3A_43] : memref<10112x128xf32, #tpu.memory_space<vmem_shared>> -> memref<10112x128xf32, #tpu.memory_space<vmem_shared>>
        tpu.enqueue_indirect_dma source(%arg9 : memref<128x128xf32, #tpu.memory_space<vmem>>) target(%dma_start3A_44 : memref<10112x128xf32, #tpu.memory_space<vmem_shared>>) offsets(%arg8 : memref<128xi32, #tpu.memory_space<vmem>>) semaphore(%run_scoped3A : memref<!tpu.dma_semaphore, #tpu.memory_space<semaphore_mem>>) {add = true}
        %dma_wait3A_45 = arith.constant 0 : i32
        %dma_wait3A_46 = arith.constant 0 : i32
        %dma_wait3A_47 = tpu.memref_slice %arg10[%dma_wait3A_45, %dma_wait3A_46] : memref<10112x128xf32, #tpu.memory_space<vmem_shared>> -> memref<10112x128xf32, #tpu.memory_space<vmem_shared>>
        tpu.wait_indirect_dma semaphore(%run_scoped3A : memref<!tpu.dma_semaphore, #tpu.memory_space<semaphore_mem>>) src(%arg9 : memref<128x128xf32, #tpu.memory_space<vmem>>) dst(%dma_wait3A_47 : memref<10112x128xf32, #tpu.memory_space<vmem_shared>>)
        tpu.yield
      }) : () -> ()
      %scan3A_41 = arith.constant 0 : i32
      scf.yield %scan3A_41 : i32
    }
    %scan3A_14 = arith.constant 79 : i32
    %barrier3A_15 = arith.constant 0 : index
    tpu.barrier barrier_id(%barrier3A_15)
    %mul3A_16 = arith.constant 632 : i32
    %mul3A_17 = arith.muli %arg1, %mul3A_16 : i32
    %add3A_18 = arith.constant 0 : i32
    %add3A_19 = arith.addi %mul3A_17, %add3A_18 : i32
    %mul3A_20 = arith.constant 10112 : i32
    %mul3A_21 = arith.muli %arg0, %mul3A_20 : i32
    %add3A_22 = arith.addi %mul3A_21, %mul3A_17 : i32
    %add3A_23 = arith.constant 0 : i32
    %add3A_24 = arith.addi %add3A_22, %add3A_23 : i32
    "tpu.region"() ({
      %run_scoped3A = tpu.sem_alloc : memref<!tpu.dma_semaphore, #tpu.memory_space<semaphore_mem>>
      %dma_start3A = arith.constant 0 : i32
      %dma_start3A_32 = tpu.memref_slice %arg6[%add3A_24, %dma_start3A] : memref<20224x128xf32, #tpu.memory_space<hbm>> -> memref<512x128xf32, #tpu.memory_space<hbm>>
      %dma_start3A_33 = arith.constant 0 : i32
      %dma_start3A_34 = tpu.memref_slice %arg10[%add3A_19, %dma_start3A_33] : memref<10112x128xf32, #tpu.memory_space<vmem_shared>> -> memref<512x128xf32, #tpu.memory_space<vmem_shared>>
      tpu.enqueue_dma source(%dma_start3A_34 : memref<512x128xf32, #tpu.memory_space<vmem_shared>>) target(%dma_start3A_32 : memref<512x128xf32, #tpu.memory_space<hbm>>) target_semaphore(%run_scoped3A : memref<!tpu.dma_semaphore, #tpu.memory_space<semaphore_mem>>)
      %dma_wait3A = arith.constant 0 : i32
      %dma_wait3A_35 = tpu.memref_slice %arg6[%add3A_24, %dma_wait3A] : memref<20224x128xf32, #tpu.memory_space<hbm>> -> memref<512x128xf32, #tpu.memory_space<hbm>>
      %dma_wait3A_36 = arith.constant 0 : i32
      %dma_wait3A_37 = tpu.memref_slice %arg10[%add3A_19, %dma_wait3A_36] : memref<10112x128xf32, #tpu.memory_space<vmem_shared>> -> memref<512x128xf32, #tpu.memory_space<vmem_shared>>
      tpu.wait_dma2 semaphore(%run_scoped3A : memref<!tpu.dma_semaphore, #tpu.memory_space<semaphore_mem>>) src(%dma_wait3A_37 : memref<512x128xf32, #tpu.memory_space<vmem_shared>>) dst(%dma_wait3A_35 : memref<512x128xf32, #tpu.memory_space<hbm>>)
      tpu.yield
    }) : () -> ()
    %add3A_25 = arith.constant 512 : i32
    %add3A_26 = arith.addi %mul3A_17, %add3A_25 : i32
    %mul3A_27 = arith.constant 10112 : i32
    %mul3A_28 = arith.muli %arg0, %mul3A_27 : i32
    %add3A_29 = arith.addi %mul3A_28, %mul3A_17 : i32
    %add3A_30 = arith.constant 512 : i32
    %add3A_31 = arith.addi %add3A_29, %add3A_30 : i32
    "tpu.region"() ({
      %run_scoped3A = tpu.sem_alloc : memref<!tpu.dma_semaphore, #tpu.memory_space<semaphore_mem>>
      %dma_start3A = arith.constant 0 : i32
      %dma_start3A_32 = tpu.memref_slice %arg6[%add3A_31, %dma_start3A] : memref<20224x128xf32, #tpu.memory_space<hbm>> -> memref<120x128xf32, #tpu.memory_space<hbm>>
      %dma_start3A_33 = arith.constant 0 : i32
      %dma_start3A_34 = tpu.memref_slice %arg10[%add3A_26, %dma_start3A_33] : memref<10112x128xf32, #tpu.memory_space<vmem_shared>> -> memref<120x128xf32, #tpu.memory_space<vmem_shared>>
      tpu.enqueue_dma source(%dma_start3A_34 : memref<120x128xf32, #tpu.memory_space<vmem_shared>>) target(%dma_start3A_32 : memref<120x128xf32, #tpu.memory_space<hbm>>) target_semaphore(%run_scoped3A : memref<!tpu.dma_semaphore, #tpu.memory_space<semaphore_mem>>)
      %dma_wait3A = arith.constant 0 : i32
      %dma_wait3A_35 = tpu.memref_slice %arg6[%add3A_31, %dma_wait3A] : memref<20224x128xf32, #tpu.memory_space<hbm>> -> memref<120x128xf32, #tpu.memory_space<hbm>>
      %dma_wait3A_36 = arith.constant 0 : i32
      %dma_wait3A_37 = tpu.memref_slice %arg10[%add3A_26, %dma_wait3A_36] : memref<10112x128xf32, #tpu.memory_space<vmem_shared>> -> memref<120x128xf32, #tpu.memory_space<vmem_shared>>
      tpu.wait_dma2 semaphore(%run_scoped3A : memref<!tpu.dma_semaphore, #tpu.memory_space<semaphore_mem>>) src(%dma_wait3A_37 : memref<120x128xf32, #tpu.memory_space<vmem_shared>>) dst(%dma_wait3A_35 : memref<120x128xf32, #tpu.memory_space<hbm>>)
      tpu.yield
    }) : () -> ()
    return
  }
}

#map = affine_map<(d0, d1) -> (0, 0)>
#map1 = affine_map<(d0, d1) -> (0)>
module attributes {stable_mosaic.version = 14 : i64} {
  func.func @_gather_kernel(%arg0: i32, %arg1: i32, %arg2: memref<6000x128xf32, #tpu.memory_space<hbm>>, %arg3: memref<4000x128xf32, #tpu.memory_space<hbm>>, %arg4: memref<4096xi32, #tpu.memory_space<hbm>>, %arg5: memref<4096xi32, #tpu.memory_space<hbm>>, %arg6: memref<4096xi32, #tpu.memory_space<hbm>>, %arg7: memref<4096x128xf32, #tpu.memory_space<hbm>>, %arg8: memref<4096x128xf32, #tpu.memory_space<hbm>>, %arg9: memref<4096x128xf32, #tpu.memory_space<hbm>>, %arg10: memref<128xi32, #tpu.memory_space<vmem>>, %arg11: memref<128x128xf32, #tpu.memory_space<vmem>>, %arg12: memref<!tpu.dma_semaphore, #tpu.memory_space<semaphore_mem>>) attributes {dimension_semantics = [#tpu.dimension_semantics<core_parallel>, #tpu.dimension_semantics<subcore_parallel>], iteration_bounds = array<i64: 2, 16>, scalar_prefetch = 0 : i64, scratch_operands = 3 : i64, tpu.core_type = #tpu.core_type<sc_vector_subcore>, window_params = [{transform_indices = #map}, {transform_indices = #map}, {transform_indices = #map1}, {transform_indices = #map1}, {transform_indices = #map1}, {transform_indices = #map}, {transform_indices = #map}, {transform_indices = #map}]} {
    %mul3A = arith.constant 2 : i32
    %mul3A_0 = arith.muli %arg1, %mul3A : i32
    %add3A = arith.addi %mul3A_0, %arg0 : i32
    %mul3A_1 = arith.constant 128 : i32
    %mul3A_2 = arith.muli %add3A, %mul3A_1 : i32
    "tpu.region"() ({
      %run_scoped3A = tpu.sem_alloc : memref<!tpu.dma_semaphore, #tpu.memory_space<semaphore_mem>>
      %dma_start3A_19 = tpu.memref_slice %arg4[%mul3A_2] : memref<4096xi32, #tpu.memory_space<hbm>> -> memref<128xi32, #tpu.memory_space<hbm>>
      %dma_start3A_20 = tpu.memref_slice %arg4[%mul3A_2] : memref<4096xi32, #tpu.memory_space<hbm>> -> memref<128xi32, #tpu.memory_space<hbm>>
      tpu.enqueue_dma source(%dma_start3A_20 : memref<128xi32, #tpu.memory_space<hbm>>) target(%arg10 : memref<128xi32, #tpu.memory_space<vmem>>) target_semaphore(%run_scoped3A : memref<!tpu.dma_semaphore, #tpu.memory_space<semaphore_mem>>)
      %dma_wait3A_21 = tpu.memref_slice %arg4[%mul3A_2] : memref<4096xi32, #tpu.memory_space<hbm>> -> memref<128xi32, #tpu.memory_space<hbm>>
      %dma_wait3A_22 = tpu.memref_slice %arg4[%mul3A_2] : memref<4096xi32, #tpu.memory_space<hbm>> -> memref<128xi32, #tpu.memory_space<hbm>>
      tpu.wait_dma2 semaphore(%run_scoped3A : memref<!tpu.dma_semaphore, #tpu.memory_space<semaphore_mem>>) src(%dma_wait3A_22 : memref<128xi32, #tpu.memory_space<hbm>>) dst(%arg10 : memref<128xi32, #tpu.memory_space<vmem>>)
      tpu.yield
    }) : () -> ()
    %dma_start3A = arith.constant 0 : i32
    %dma_start3A_3 = arith.constant 0 : i32
    %dma_start3A_4 = tpu.memref_slice %arg2[%dma_start3A, %dma_start3A_3] : memref<6000x128xf32, #tpu.memory_space<hbm>> -> memref<6000x128xf32, #tpu.memory_space<hbm>>
    tpu.enqueue_indirect_dma source(%dma_start3A_4 : memref<6000x128xf32, #tpu.memory_space<hbm>>) target(%arg11 : memref<128x128xf32, #tpu.memory_space<vmem>>) offsets(%arg10 : memref<128xi32, #tpu.memory_space<vmem>>) semaphore(%arg12 : memref<!tpu.dma_semaphore, #tpu.memory_space<semaphore_mem>>)
    %dma_wait3A = arith.constant 0 : i32
    %dma_wait3A_5 = arith.constant 0 : i32
    %dma_wait3A_6 = tpu.memref_slice %arg2[%dma_wait3A, %dma_wait3A_5] : memref<6000x128xf32, #tpu.memory_space<hbm>> -> memref<6000x128xf32, #tpu.memory_space<hbm>>
    tpu.wait_indirect_dma semaphore(%arg12 : memref<!tpu.dma_semaphore, #tpu.memory_space<semaphore_mem>>) src(%dma_wait3A_6 : memref<6000x128xf32, #tpu.memory_space<hbm>>) dst(%arg11 : memref<128x128xf32, #tpu.memory_space<vmem>>)
    "tpu.region"() ({
      %run_scoped3A = tpu.sem_alloc : memref<!tpu.dma_semaphore, #tpu.memory_space<semaphore_mem>>
      %dma_start3A_19 = arith.constant 0 : i32
      %dma_start3A_20 = tpu.memref_slice %arg7[%mul3A_2, %dma_start3A_19] : memref<4096x128xf32, #tpu.memory_space<hbm>> -> memref<128x128xf32, #tpu.memory_space<hbm>>
      %dma_start3A_21 = arith.constant 0 : i32
      %dma_start3A_22 = tpu.memref_slice %arg7[%mul3A_2, %dma_start3A_21] : memref<4096x128xf32, #tpu.memory_space<hbm>> -> memref<128x128xf32, #tpu.memory_space<hbm>>
      tpu.enqueue_dma source(%arg11 : memref<128x128xf32, #tpu.memory_space<vmem>>) target(%dma_start3A_22 : memref<128x128xf32, #tpu.memory_space<hbm>>) target_semaphore(%run_scoped3A : memref<!tpu.dma_semaphore, #tpu.memory_space<semaphore_mem>>)
      %dma_wait3A_23 = arith.constant 0 : i32
      %dma_wait3A_24 = tpu.memref_slice %arg7[%mul3A_2, %dma_wait3A_23] : memref<4096x128xf32, #tpu.memory_space<hbm>> -> memref<128x128xf32, #tpu.memory_space<hbm>>
      %dma_wait3A_25 = arith.constant 0 : i32
      %dma_wait3A_26 = tpu.memref_slice %arg7[%mul3A_2, %dma_wait3A_25] : memref<4096x128xf32, #tpu.memory_space<hbm>> -> memref<128x128xf32, #tpu.memory_space<hbm>>
      tpu.wait_dma2 semaphore(%run_scoped3A : memref<!tpu.dma_semaphore, #tpu.memory_space<semaphore_mem>>) src(%arg11 : memref<128x128xf32, #tpu.memory_space<vmem>>) dst(%dma_wait3A_26 : memref<128x128xf32, #tpu.memory_space<hbm>>)
      tpu.yield
    }) : () -> ()
    "tpu.region"() ({
      %run_scoped3A = tpu.sem_alloc : memref<!tpu.dma_semaphore, #tpu.memory_space<semaphore_mem>>
      %dma_start3A_19 = tpu.memref_slice %arg5[%mul3A_2] : memref<4096xi32, #tpu.memory_space<hbm>> -> memref<128xi32, #tpu.memory_space<hbm>>
      %dma_start3A_20 = tpu.memref_slice %arg5[%mul3A_2] : memref<4096xi32, #tpu.memory_space<hbm>> -> memref<128xi32, #tpu.memory_space<hbm>>
      tpu.enqueue_dma source(%dma_start3A_20 : memref<128xi32, #tpu.memory_space<hbm>>) target(%arg10 : memref<128xi32, #tpu.memory_space<vmem>>) target_semaphore(%run_scoped3A : memref<!tpu.dma_semaphore, #tpu.memory_space<semaphore_mem>>)
      %dma_wait3A_21 = tpu.memref_slice %arg5[%mul3A_2] : memref<4096xi32, #tpu.memory_space<hbm>> -> memref<128xi32, #tpu.memory_space<hbm>>
      %dma_wait3A_22 = tpu.memref_slice %arg5[%mul3A_2] : memref<4096xi32, #tpu.memory_space<hbm>> -> memref<128xi32, #tpu.memory_space<hbm>>
      tpu.wait_dma2 semaphore(%run_scoped3A : memref<!tpu.dma_semaphore, #tpu.memory_space<semaphore_mem>>) src(%dma_wait3A_22 : memref<128xi32, #tpu.memory_space<hbm>>) dst(%arg10 : memref<128xi32, #tpu.memory_space<vmem>>)
      tpu.yield
    }) : () -> ()
    %dma_start3A_7 = arith.constant 0 : i32
    %dma_start3A_8 = arith.constant 0 : i32
    %dma_start3A_9 = tpu.memref_slice %arg3[%dma_start3A_7, %dma_start3A_8] : memref<4000x128xf32, #tpu.memory_space<hbm>> -> memref<4000x128xf32, #tpu.memory_space<hbm>>
    tpu.enqueue_indirect_dma source(%dma_start3A_9 : memref<4000x128xf32, #tpu.memory_space<hbm>>) target(%arg11 : memref<128x128xf32, #tpu.memory_space<vmem>>) offsets(%arg10 : memref<128xi32, #tpu.memory_space<vmem>>) semaphore(%arg12 : memref<!tpu.dma_semaphore, #tpu.memory_space<semaphore_mem>>)
    %dma_wait3A_10 = arith.constant 0 : i32
    %dma_wait3A_11 = arith.constant 0 : i32
    %dma_wait3A_12 = tpu.memref_slice %arg3[%dma_wait3A_10, %dma_wait3A_11] : memref<4000x128xf32, #tpu.memory_space<hbm>> -> memref<4000x128xf32, #tpu.memory_space<hbm>>
    tpu.wait_indirect_dma semaphore(%arg12 : memref<!tpu.dma_semaphore, #tpu.memory_space<semaphore_mem>>) src(%dma_wait3A_12 : memref<4000x128xf32, #tpu.memory_space<hbm>>) dst(%arg11 : memref<128x128xf32, #tpu.memory_space<vmem>>)
    "tpu.region"() ({
      %run_scoped3A = tpu.sem_alloc : memref<!tpu.dma_semaphore, #tpu.memory_space<semaphore_mem>>
      %dma_start3A_19 = arith.constant 0 : i32
      %dma_start3A_20 = tpu.memref_slice %arg8[%mul3A_2, %dma_start3A_19] : memref<4096x128xf32, #tpu.memory_space<hbm>> -> memref<128x128xf32, #tpu.memory_space<hbm>>
      %dma_start3A_21 = arith.constant 0 : i32
      %dma_start3A_22 = tpu.memref_slice %arg8[%mul3A_2, %dma_start3A_21] : memref<4096x128xf32, #tpu.memory_space<hbm>> -> memref<128x128xf32, #tpu.memory_space<hbm>>
      tpu.enqueue_dma source(%arg11 : memref<128x128xf32, #tpu.memory_space<vmem>>) target(%dma_start3A_22 : memref<128x128xf32, #tpu.memory_space<hbm>>) target_semaphore(%run_scoped3A : memref<!tpu.dma_semaphore, #tpu.memory_space<semaphore_mem>>)
      %dma_wait3A_23 = arith.constant 0 : i32
      %dma_wait3A_24 = tpu.memref_slice %arg8[%mul3A_2, %dma_wait3A_23] : memref<4096x128xf32, #tpu.memory_space<hbm>> -> memref<128x128xf32, #tpu.memory_space<hbm>>
      %dma_wait3A_25 = arith.constant 0 : i32
      %dma_wait3A_26 = tpu.memref_slice %arg8[%mul3A_2, %dma_wait3A_25] : memref<4096x128xf32, #tpu.memory_space<hbm>> -> memref<128x128xf32, #tpu.memory_space<hbm>>
      tpu.wait_dma2 semaphore(%run_scoped3A : memref<!tpu.dma_semaphore, #tpu.memory_space<semaphore_mem>>) src(%arg11 : memref<128x128xf32, #tpu.memory_space<vmem>>) dst(%dma_wait3A_26 : memref<128x128xf32, #tpu.memory_space<hbm>>)
      tpu.yield
    }) : () -> ()
    "tpu.region"() ({
      %run_scoped3A = tpu.sem_alloc : memref<!tpu.dma_semaphore, #tpu.memory_space<semaphore_mem>>
      %dma_start3A_19 = tpu.memref_slice %arg6[%mul3A_2] : memref<4096xi32, #tpu.memory_space<hbm>> -> memref<128xi32, #tpu.memory_space<hbm>>
      %dma_start3A_20 = tpu.memref_slice %arg6[%mul3A_2] : memref<4096xi32, #tpu.memory_space<hbm>> -> memref<128xi32, #tpu.memory_space<hbm>>
      tpu.enqueue_dma source(%dma_start3A_20 : memref<128xi32, #tpu.memory_space<hbm>>) target(%arg10 : memref<128xi32, #tpu.memory_space<vmem>>) target_semaphore(%run_scoped3A : memref<!tpu.dma_semaphore, #tpu.memory_space<semaphore_mem>>)
      %dma_wait3A_21 = tpu.memref_slice %arg6[%mul3A_2] : memref<4096xi32, #tpu.memory_space<hbm>> -> memref<128xi32, #tpu.memory_space<hbm>>
      %dma_wait3A_22 = tpu.memref_slice %arg6[%mul3A_2] : memref<4096xi32, #tpu.memory_space<hbm>> -> memref<128xi32, #tpu.memory_space<hbm>>
      tpu.wait_dma2 semaphore(%run_scoped3A : memref<!tpu.dma_semaphore, #tpu.memory_space<semaphore_mem>>) src(%dma_wait3A_22 : memref<128xi32, #tpu.memory_space<hbm>>) dst(%arg10 : memref<128xi32, #tpu.memory_space<vmem>>)
      tpu.yield
    }) : () -> ()
    %dma_start3A_13 = arith.constant 0 : i32
    %dma_start3A_14 = arith.constant 0 : i32
    %dma_start3A_15 = tpu.memref_slice %arg3[%dma_start3A_13, %dma_start3A_14] : memref<4000x128xf32, #tpu.memory_space<hbm>> -> memref<4000x128xf32, #tpu.memory_space<hbm>>
    tpu.enqueue_indirect_dma source(%dma_start3A_15 : memref<4000x128xf32, #tpu.memory_space<hbm>>) target(%arg11 : memref<128x128xf32, #tpu.memory_space<vmem>>) offsets(%arg10 : memref<128xi32, #tpu.memory_space<vmem>>) semaphore(%arg12 : memref<!tpu.dma_semaphore, #tpu.memory_space<semaphore_mem>>)
    %dma_wait3A_16 = arith.constant 0 : i32
    %dma_wait3A_17 = arith.constant 0 : i32
    %dma_wait3A_18 = tpu.memref_slice %arg3[%dma_wait3A_16, %dma_wait3A_17] : memref<4000x128xf32, #tpu.memory_space<hbm>> -> memref<4000x128xf32, #tpu.memory_space<hbm>>
    tpu.wait_indirect_dma semaphore(%arg12 : memref<!tpu.dma_semaphore, #tpu.memory_space<semaphore_mem>>) src(%dma_wait3A_18 : memref<4000x128xf32, #tpu.memory_space<hbm>>) dst(%arg11 : memref<128x128xf32, #tpu.memory_space<vmem>>)
    "tpu.region"() ({
      %run_scoped3A = tpu.sem_alloc : memref<!tpu.dma_semaphore, #tpu.memory_space<semaphore_mem>>
      %dma_start3A_19 = arith.constant 0 : i32
      %dma_start3A_20 = tpu.memref_slice %arg9[%mul3A_2, %dma_start3A_19] : memref<4096x128xf32, #tpu.memory_space<hbm>> -> memref<128x128xf32, #tpu.memory_space<hbm>>
      %dma_start3A_21 = arith.constant 0 : i32
      %dma_start3A_22 = tpu.memref_slice %arg9[%mul3A_2, %dma_start3A_21] : memref<4096x128xf32, #tpu.memory_space<hbm>> -> memref<128x128xf32, #tpu.memory_space<hbm>>
      tpu.enqueue_dma source(%arg11 : memref<128x128xf32, #tpu.memory_space<vmem>>) target(%dma_start3A_22 : memref<128x128xf32, #tpu.memory_space<hbm>>) target_semaphore(%run_scoped3A : memref<!tpu.dma_semaphore, #tpu.memory_space<semaphore_mem>>)
      %dma_wait3A_23 = arith.constant 0 : i32
      %dma_wait3A_24 = tpu.memref_slice %arg9[%mul3A_2, %dma_wait3A_23] : memref<4096x128xf32, #tpu.memory_space<hbm>> -> memref<128x128xf32, #tpu.memory_space<hbm>>
      %dma_wait3A_25 = arith.constant 0 : i32
      %dma_wait3A_26 = tpu.memref_slice %arg9[%mul3A_2, %dma_wait3A_25] : memref<4096x128xf32, #tpu.memory_space<hbm>> -> memref<128x128xf32, #tpu.memory_space<hbm>>
      tpu.wait_dma2 semaphore(%run_scoped3A : memref<!tpu.dma_semaphore, #tpu.memory_space<semaphore_mem>>) src(%arg11 : memref<128x128xf32, #tpu.memory_space<vmem>>) dst(%dma_wait3A_26 : memref<128x128xf32, #tpu.memory_space<hbm>>)
      tpu.yield
    }) : () -> ()
    return
  }
}

module attributes {stable_mosaic.version = 14 : i64} {
  func.func @_dinv_body(%arg0: memref<32x50048xf32, #tpu.memory_space<vmem>>, %arg1: memref<10000xf32, #tpu.memory_space<vmem>>, %arg2: memref<10000xf32, #tpu.memory_space<vmem>>, %arg3: memref<2x6000xf32, #tpu.memory_space<vmem>>, %arg4: memref<2x4000xf32, #tpu.memory_space<vmem>>, %arg5: memref<2x6000xf32, #tpu.memory_space<vmem>>, %arg6: memref<2x4000xf32, #tpu.memory_space<vmem>>) attributes {dimension_semantics = [], scalar_prefetch = 0 : i64, scratch_operands = 0 : i64, tpu.core_type = #tpu.core_type<tc>} {
    %get3A = arith.constant 0 : index
    %get3A_0 = arith.constant 0 : index
    %get3A_1 = vector.load %arg0[%get3A, %get3A_0] : memref<32x50048xf32, #tpu.memory_space<vmem>>, vector<32x50048xf32>
    %reduce_sum3A = arith.constant dense<0.000000e+00> : vector<50048xf32>
    %reduce_sum3A_2 = vector.multi_reduction <add>, %get3A_1, %reduce_sum3A [0] : vector<32x50048xf32> to vector<50048xf32>
    %slice3A = vector.extract_strided_slice %reduce_sum3A_2 {offsets = [0], sizes = [10000], strides = [1]} : vector<50048xf32> to vector<10000xf32>
    %gt3A = arith.constant 0.000000e+00 : f32
    %gt3A_3 = vector.broadcast %gt3A : f32 to vector<10000xf32>
    %gt3A_4 = arith.cmpf ogt, %slice3A, %gt3A_3 : vector<10000xf32>
    %rsqrt3A = math.rsqrt %slice3A : vector<10000xf32>
    %jit3A = arith.constant 0.000000e+00 : f32
    %broadcast_in_dim3A = vector.broadcast %jit3A : f32 to vector<10000xf32>
    %select_n3A = arith.select %gt3A_4, %rsqrt3A, %broadcast_in_dim3A : vector<10000xi1>, vector<10000xf32>
    %swap3A = arith.constant 0 : index
    %swap3A_5 = vector.load %arg1[%swap3A] : memref<10000xf32, #tpu.memory_space<vmem>>, vector<10000xf32>
    tpu.vector_store %arg1[%swap3A], %select_n3A {strides = array<i32>} : memref<10000xf32, #tpu.memory_space<vmem>>, vector<10000xf32>,
    %mul3A = arith.mulf %select_n3A, %select_n3A : vector<10000xf32>
    %swap3A_6 = arith.constant 0 : index
    %swap3A_7 = vector.load %arg2[%swap3A_6] : memref<10000xf32, #tpu.memory_space<vmem>>, vector<10000xf32>
    tpu.vector_store %arg2[%swap3A_6], %mul3A {strides = array<i32>} : memref<10000xf32, #tpu.memory_space<vmem>>, vector<10000xf32>,
    %slice3A_8 = vector.extract_strided_slice %reduce_sum3A_2 {offsets = [16000], sizes = [6000], strides = [1]} : vector<50048xf32> to vector<6000xf32>
    %max3A = arith.constant 1.000000e+00 : f32
    %max3A_9 = vector.broadcast %max3A : f32 to vector<6000xf32>
    %max3A_10 = arith.maximumf %slice3A_8, %max3A_9 : vector<6000xf32>
    %rsqrt3A_11 = math.rsqrt %max3A_10 : vector<6000xf32>
    %slice3A_12 = vector.extract_strided_slice %reduce_sum3A_2 {offsets = [28000], sizes = [6000], strides = [1]} : vector<50048xf32> to vector<6000xf32>
    %max3A_13 = arith.constant 1.000000e+00 : f32
    %max3A_14 = vector.broadcast %max3A_13 : f32 to vector<6000xf32>
    %max3A_15 = arith.maximumf %slice3A_12, %max3A_14 : vector<6000xf32>
    %rsqrt3A_16 = math.rsqrt %max3A_15 : vector<6000xf32>
    %stack3A = vector.shape_cast %rsqrt3A_11 : vector<6000xf32> to vector<1x6000xf32>
    %stack3A_17 = vector.shape_cast %rsqrt3A_16 : vector<6000xf32> to vector<1x6000xf32>
    %stack3A_18 = tpu.concatenate %stack3A, %stack3A_17 in 0 : vector<1x6000xf32>, vector<1x6000xf32> -> vector<2x6000xf32>
    %swap3A_19 = arith.constant 0 : index
    %swap3A_20 = arith.constant 0 : index
    %swap3A_21 = vector.load %arg3[%swap3A_19, %swap3A_20] : memref<2x6000xf32, #tpu.memory_space<vmem>>, vector<2x6000xf32>
    tpu.vector_store %arg3[%swap3A_19, %swap3A_20], %stack3A_18 {strides = array<i32>} : memref<2x6000xf32, #tpu.memory_space<vmem>>, vector<2x6000xf32>,
    %slice3A_22 = vector.extract_strided_slice %reduce_sum3A_2 {offsets = [38000], sizes = [4000], strides = [1]} : vector<50048xf32> to vector<4000xf32>
    %max3A_23 = arith.constant 1.000000e+00 : f32
    %max3A_24 = vector.broadcast %max3A_23 : f32 to vector<4000xf32>
    %max3A_25 = arith.maximumf %slice3A_22, %max3A_24 : vector<4000xf32>
    %rsqrt3A_26 = math.rsqrt %max3A_25 : vector<4000xf32>
    %slice3A_27 = vector.extract_strided_slice %reduce_sum3A_2 {offsets = [46000], sizes = [4000], strides = [1]} : vector<50048xf32> to vector<4000xf32>
    %max3A_28 = arith.constant 1.000000e+00 : f32
    %max3A_29 = vector.broadcast %max3A_28 : f32 to vector<4000xf32>
    %max3A_30 = arith.maximumf %slice3A_27, %max3A_29 : vector<4000xf32>
    %rsqrt3A_31 = math.rsqrt %max3A_30 : vector<4000xf32>
    %stack3A_32 = vector.shape_cast %rsqrt3A_26 : vector<4000xf32> to vector<1x4000xf32>
    %stack3A_33 = vector.shape_cast %rsqrt3A_31 : vector<4000xf32> to vector<1x4000xf32>
    %stack3A_34 = tpu.concatenate %stack3A_32, %stack3A_33 in 0 : vector<1x4000xf32>, vector<1x4000xf32> -> vector<2x4000xf32>
    %swap3A_35 = arith.constant 0 : index
    %swap3A_36 = arith.constant 0 : index
    %swap3A_37 = vector.load %arg4[%swap3A_35, %swap3A_36] : memref<2x4000xf32, #tpu.memory_space<vmem>>, vector<2x4000xf32>
    tpu.vector_store %arg4[%swap3A_35, %swap3A_36], %stack3A_34 {strides = array<i32>} : memref<2x4000xf32, #tpu.memory_space<vmem>>, vector<2x4000xf32>,
    %slice3A_38 = vector.extract_strided_slice %reduce_sum3A_2 {offsets = [10000], sizes = [6000], strides = [1]} : vector<50048xf32> to vector<6000xf32>
    %max3A_39 = arith.constant 1.000000e+00 : f32
    %max3A_40 = vector.broadcast %max3A_39 : f32 to vector<6000xf32>
    %max3A_41 = arith.maximumf %slice3A_38, %max3A_40 : vector<6000xf32>
    %rsqrt3A_42 = math.rsqrt %max3A_41 : vector<6000xf32>
    %slice3A_43 = vector.extract_strided_slice %reduce_sum3A_2 {offsets = [22000], sizes = [6000], strides = [1]} : vector<50048xf32> to vector<6000xf32>
    %max3A_44 = arith.constant 1.000000e+00 : f32
    %max3A_45 = vector.broadcast %max3A_44 : f32 to vector<6000xf32>
    %max3A_46 = arith.maximumf %slice3A_43, %max3A_45 : vector<6000xf32>
    %rsqrt3A_47 = math.rsqrt %max3A_46 : vector<6000xf32>
    %stack3A_48 = vector.shape_cast %rsqrt3A_42 : vector<6000xf32> to vector<1x6000xf32>
    %stack3A_49 = vector.shape_cast %rsqrt3A_47 : vector<6000xf32> to vector<1x6000xf32>
    %stack3A_50 = tpu.concatenate %stack3A_48, %stack3A_49 in 0 : vector<1x6000xf32>, vector<1x6000xf32> -> vector<2x6000xf32>
    %swap3A_51 = arith.constant 0 : index
    %swap3A_52 = arith.constant 0 : index
    %swap3A_53 = vector.load %arg5[%swap3A_51, %swap3A_52] : memref<2x6000xf32, #tpu.memory_space<vmem>>, vector<2x6000xf32>
    tpu.vector_store %arg5[%swap3A_51, %swap3A_52], %stack3A_50 {strides = array<i32>} : memref<2x6000xf32, #tpu.memory_space<vmem>>, vector<2x6000xf32>,
    %slice3A_54 = vector.extract_strided_slice %reduce_sum3A_2 {offsets = [34000], sizes = [4000], strides = [1]} : vector<50048xf32> to vector<4000xf32>
    %max3A_55 = arith.constant 1.000000e+00 : f32
    %max3A_56 = vector.broadcast %max3A_55 : f32 to vector<4000xf32>
    %max3A_57 = arith.maximumf %slice3A_54, %max3A_56 : vector<4000xf32>
    %rsqrt3A_58 = math.rsqrt %max3A_57 : vector<4000xf32>
    %slice3A_59 = vector.extract_strided_slice %reduce_sum3A_2 {offsets = [42000], sizes = [4000], strides = [1]} : vector<50048xf32> to vector<4000xf32>
    %max3A_60 = arith.constant 1.000000e+00 : f32
    %max3A_61 = vector.broadcast %max3A_60 : f32 to vector<4000xf32>
    %max3A_62 = arith.maximumf %slice3A_59, %max3A_61 : vector<4000xf32>
    %rsqrt3A_63 = math.rsqrt %max3A_62 : vector<4000xf32>
    %stack3A_64 = vector.shape_cast %rsqrt3A_58 : vector<4000xf32> to vector<1x4000xf32>
    %stack3A_65 = vector.shape_cast %rsqrt3A_63 : vector<4000xf32> to vector<1x4000xf32>
    %stack3A_66 = tpu.concatenate %stack3A_64, %stack3A_65 in 0 : vector<1x4000xf32>, vector<1x4000xf32> -> vector<2x4000xf32>
    %swap3A_67 = arith.constant 0 : index
    %swap3A_68 = arith.constant 0 : index
    %swap3A_69 = vector.load %arg6[%swap3A_67, %swap3A_68] : memref<2x4000xf32, #tpu.memory_space<vmem>>, vector<2x4000xf32>
    tpu.vector_store %arg6[%swap3A_67, %swap3A_68], %stack3A_66 {strides = array<i32>} : memref<2x4000xf32, #tpu.memory_space<vmem>>, vector<2x4000xf32>,
    return
  }
}

module attributes {stable_mosaic.version = 14 : i64} {
  func.func @body(%arg0: memref<4000x128xf32, #tpu.memory_space<vmem>>, %arg1: memref<2x4000xf32, #tpu.memory_space<vmem>>, %arg2: memref<8000x128xf32, #tpu.memory_space<vmem>>) attributes {dimension_semantics = [], scalar_prefetch = 0 : i64, scratch_operands = 0 : i64, tpu.core_type = #tpu.core_type<tc>} {
    %get3A = arith.constant 0 : index
    %get3A_0 = arith.constant 0 : index
    %get3A_1 = vector.load %arg1[%get3A, %get3A_0] : memref<2x4000xf32, #tpu.memory_space<vmem>>, vector<2x4000xf32>
    %get3A_2 = arith.constant 0 : index
    %get3A_3 = arith.constant 0 : index
    %get3A_4 = vector.load %arg0[%get3A_2, %get3A_3] : memref<4000x128xf32, #tpu.memory_space<vmem>>, vector<4000x128xf32>
    %slice3A = vector.extract_strided_slice %get3A_1 {offsets = [0, 0], sizes = [1, 4000], strides = [1, 1]} : vector<2x4000xf32> to vector<1x4000xf32>
    %squeeze3A = vector.shape_cast %slice3A : vector<1x4000xf32> to vector<4000xf32>
    %broadcast_in_dim3A = vector.shape_cast %squeeze3A : vector<4000xf32> to vector<4000x1xf32>
    %mul3A = vector.broadcast %broadcast_in_dim3A : vector<4000x1xf32> to vector<4000x128xf32>
    %mul3A_5 = arith.mulf %get3A_4, %mul3A : vector<4000x128xf32>
    %swap3A = arith.constant 0 : index
    %swap3A_6 = arith.constant 0 : index
    %swap3A_7 = vector.load %arg2[%swap3A, %swap3A_6] : memref<8000x128xf32, #tpu.memory_space<vmem>>, vector<4000x128xf32>
    tpu.vector_store %arg2[%swap3A, %swap3A_6], %mul3A_5 {strides = array<i32>} : memref<8000x128xf32, #tpu.memory_space<vmem>>, vector<4000x128xf32>,
    %slice3A_8 = vector.extract_strided_slice %get3A_1 {offsets = [1, 0], sizes = [1, 4000], strides = [1, 1]} : vector<2x4000xf32> to vector<1x4000xf32>
    %squeeze3A_9 = vector.shape_cast %slice3A_8 : vector<1x4000xf32> to vector<4000xf32>
    %broadcast_in_dim3A_10 = vector.shape_cast %squeeze3A_9 : vector<4000xf32> to vector<4000x1xf32>
    %mul3A_11 = vector.broadcast %broadcast_in_dim3A_10 : vector<4000x1xf32> to vector<4000x128xf32>
    %mul3A_12 = arith.mulf %get3A_4, %mul3A_11 : vector<4000x128xf32>
    %swap3A_13 = arith.constant 4000 : index
    %swap3A_14 = arith.constant 0 : index
    %swap3A_15 = vector.load %arg2[%swap3A_13, %swap3A_14] : memref<8000x128xf32, #tpu.memory_space<vmem>>, vector<4000x128xf32>
    tpu.vector_store %arg2[%swap3A_13, %swap3A_14], %mul3A_12 {strides = array<i32>} : memref<8000x128xf32, #tpu.memory_space<vmem>>, vector<4000x128xf32>,
    return
  }
}

module attributes {stable_mosaic.version = 14 : i64} {
  func.func @body(%arg0: memref<6000x128xf32, #tpu.memory_space<vmem>>, %arg1: memref<2x6000xf32, #tpu.memory_space<vmem>>, %arg2: memref<12000x128xf32, #tpu.memory_space<vmem>>) attributes {dimension_semantics = [], scalar_prefetch = 0 : i64, scratch_operands = 0 : i64, tpu.core_type = #tpu.core_type<tc>} {
    %get3A = arith.constant 0 : index
    %get3A_0 = arith.constant 0 : index
    %get3A_1 = vector.load %arg1[%get3A, %get3A_0] : memref<2x6000xf32, #tpu.memory_space<vmem>>, vector<2x6000xf32>
    %get3A_2 = arith.constant 0 : index
    %get3A_3 = arith.constant 0 : index
    %get3A_4 = vector.load %arg0[%get3A_2, %get3A_3] : memref<6000x128xf32, #tpu.memory_space<vmem>>, vector<6000x128xf32>
    %slice3A = vector.extract_strided_slice %get3A_1 {offsets = [0, 0], sizes = [1, 6000], strides = [1, 1]} : vector<2x6000xf32> to vector<1x6000xf32>
    %squeeze3A = vector.shape_cast %slice3A : vector<1x6000xf32> to vector<6000xf32>
    %broadcast_in_dim3A = vector.shape_cast %squeeze3A : vector<6000xf32> to vector<6000x1xf32>
    %mul3A = vector.broadcast %broadcast_in_dim3A : vector<6000x1xf32> to vector<6000x128xf32>
    %mul3A_5 = arith.mulf %get3A_4, %mul3A : vector<6000x128xf32>
    %swap3A = arith.constant 0 : index
    %swap3A_6 = arith.constant 0 : index
    %swap3A_7 = vector.load %arg2[%swap3A, %swap3A_6] : memref<12000x128xf32, #tpu.memory_space<vmem>>, vector<6000x128xf32>
    tpu.vector_store %arg2[%swap3A, %swap3A_6], %mul3A_5 {strides = array<i32>} : memref<12000x128xf32, #tpu.memory_space<vmem>>, vector<6000x128xf32>,
    %slice3A_8 = vector.extract_strided_slice %get3A_1 {offsets = [1, 0], sizes = [1, 6000], strides = [1, 1]} : vector<2x6000xf32> to vector<1x6000xf32>
    %squeeze3A_9 = vector.shape_cast %slice3A_8 : vector<1x6000xf32> to vector<6000xf32>
    %broadcast_in_dim3A_10 = vector.shape_cast %squeeze3A_9 : vector<6000xf32> to vector<6000x1xf32>
    %mul3A_11 = vector.broadcast %broadcast_in_dim3A_10 : vector<6000x1xf32> to vector<6000x128xf32>
    %mul3A_12 = arith.mulf %get3A_4, %mul3A_11 : vector<6000x128xf32>
    %swap3A_13 = arith.constant 6000 : index
    %swap3A_14 = arith.constant 0 : index
    %swap3A_15 = vector.load %arg2[%swap3A_13, %swap3A_14] : memref<12000x128xf32, #tpu.memory_space<vmem>>, vector<6000x128xf32>
    tpu.vector_store %arg2[%swap3A_13, %swap3A_14], %mul3A_12 {strides = array<i32>} : memref<12000x128xf32, #tpu.memory_space<vmem>>, vector<6000x128xf32>,
    return
  }
}

module attributes {stable_mosaic.version = 14 : i64} {
  func.func @_hg0_body(%arg0: memref<6000x128xf32, #tpu.memory_space<vmem>>, %arg1: memref<4000x128xf32, #tpu.memory_space<vmem>>, %arg2: memref<10000xf32, #tpu.memory_space<vmem>>, %arg3: memref<10000x128xf32, #tpu.memory_space<vmem>>) attributes {dimension_semantics = [], scalar_prefetch = 0 : i64, scratch_operands = 0 : i64, tpu.core_type = #tpu.core_type<tc>} {
    %get3A = arith.constant 0 : index
    %get3A_0 = vector.load %arg2[%get3A] : memref<10000xf32, #tpu.memory_space<vmem>>, vector<10000xf32>
    %get3A_1 = arith.constant 0 : index
    %get3A_2 = arith.constant 0 : index
    %get3A_3 = vector.load %arg0[%get3A_1, %get3A_2] : memref<6000x128xf32, #tpu.memory_space<vmem>>, vector<6000x128xf32>
    %slice3A = vector.extract_strided_slice %get3A_0 {offsets = [0], sizes = [6000], strides = [1]} : vector<10000xf32> to vector<6000xf32>
    %broadcast_in_dim3A = vector.shape_cast %slice3A : vector<6000xf32> to vector<6000x1xf32>
    %mul3A = vector.broadcast %broadcast_in_dim3A : vector<6000x1xf32> to vector<6000x128xf32>
    %mul3A_4 = arith.mulf %get3A_3, %mul3A : vector<6000x128xf32>
    %swap3A = arith.constant 0 : index
    %swap3A_5 = arith.constant 0 : index
    %swap3A_6 = vector.load %arg3[%swap3A, %swap3A_5] : memref<10000x128xf32, #tpu.memory_space<vmem>>, vector<6000x128xf32>
    tpu.vector_store %arg3[%swap3A, %swap3A_5], %mul3A_4 {strides = array<i32>} : memref<10000x128xf32, #tpu.memory_space<vmem>>, vector<6000x128xf32>,
    %get3A_7 = arith.constant 0 : index
    %get3A_8 = arith.constant 0 : index
    %get3A_9 = vector.load %arg1[%get3A_7, %get3A_8] : memref<4000x128xf32, #tpu.memory_space<vmem>>, vector<4000x128xf32>
    %slice3A_10 = vector.extract_strided_slice %get3A_0 {offsets = [6000], sizes = [4000], strides = [1]} : vector<10000xf32> to vector<4000xf32>
    %broadcast_in_dim3A_11 = vector.shape_cast %slice3A_10 : vector<4000xf32> to vector<4000x1xf32>
    %mul3A_12 = vector.broadcast %broadcast_in_dim3A_11 : vector<4000x1xf32> to vector<4000x128xf32>
    %mul3A_13 = arith.mulf %get3A_9, %mul3A_12 : vector<4000x128xf32>
    %swap3A_14 = arith.constant 6000 : index
    %swap3A_15 = arith.constant 0 : index
    %swap3A_16 = vector.load %arg3[%swap3A_14, %swap3A_15] : memref<10000x128xf32, #tpu.memory_space<vmem>>, vector<4000x128xf32>
    tpu.vector_store %arg3[%swap3A_14, %swap3A_15], %mul3A_13 {strides = array<i32>} : memref<10000x128xf32, #tpu.memory_space<vmem>>, vector<4000x128xf32>,
    return
  }
}

module attributes {stable_mosaic.version = 14 : i64} {
  func.func @body(%arg0: memref<16128x128xf32, #tpu.memory_space<vmem>>, %arg1: memref<2x4000xf32, #tpu.memory_space<vmem>>, %arg2: memref<2x4000xf32, #tpu.memory_space<vmem>>, %arg3: memref<128x128xf32, #tpu.memory_space<vmem>>, %arg4: memref<128xf32, #tpu.memory_space<vmem>>, %arg5: memref<128x1xf32, #tpu.memory_space<vmem>>, %arg6: memref<8000x128xf32, #tpu.memory_space<vmem>>) attributes {dimension_semantics = [], scalar_prefetch = 0 : i64, scratch_operands = 0 : i64, tpu.core_type = #tpu.core_type<tc>} {
    %get3A = arith.constant 0 : index
    %get3A_0 = arith.constant 0 : index
    %get3A_1 = vector.load %arg1[%get3A, %get3A_0] : memref<2x4000xf32, #tpu.memory_space<vmem>>, vector<2x4000xf32>
    %get3A_2 = arith.constant 0 : index
    %get3A_3 = arith.constant 0 : index
    %get3A_4 = vector.load %arg0[%get3A_2, %get3A_3] : memref<16128x128xf32, #tpu.memory_space<vmem>>, vector<4000x128xf32>
    %get3A_5 = arith.constant 8064 : index
    %get3A_6 = arith.constant 0 : index
    %get3A_7 = vector.load %arg0[%get3A_5, %get3A_6] : memref<16128x128xf32, #tpu.memory_space<vmem>>, vector<4000x128xf32>
    %add3A = arith.addf %get3A_4, %get3A_7 : vector<4000x128xf32>
    %slice3A = vector.extract_strided_slice %get3A_1 {offsets = [0, 0], sizes = [1, 4000], strides = [1, 1]} : vector<2x4000xf32> to vector<1x4000xf32>
    %squeeze3A = vector.shape_cast %slice3A : vector<1x4000xf32> to vector<4000xf32>
    %broadcast_in_dim3A = vector.shape_cast %squeeze3A : vector<4000xf32> to vector<4000x1xf32>
    %mul3A = vector.broadcast %broadcast_in_dim3A : vector<4000x1xf32> to vector<4000x128xf32>
    %mul3A_8 = arith.mulf %add3A, %mul3A : vector<4000x128xf32>
    %get3A_9 = arith.constant 4000 : index
    %get3A_10 = arith.constant 0 : index
    %get3A_11 = vector.load %arg0[%get3A_9, %get3A_10] : memref<16128x128xf32, #tpu.memory_space<vmem>>, vector<4000x128xf32>
    %get3A_12 = arith.constant 12064 : index
    %get3A_13 = arith.constant 0 : index
    %get3A_14 = vector.load %arg0[%get3A_12, %get3A_13] : memref<16128x128xf32, #tpu.memory_space<vmem>>, vector<4000x128xf32>
    %add3A_15 = arith.addf %get3A_11, %get3A_14 : vector<4000x128xf32>
    %slice3A_16 = vector.extract_strided_slice %get3A_1 {offsets = [1, 0], sizes = [1, 4000], strides = [1, 1]} : vector<2x4000xf32> to vector<1x4000xf32>
    %squeeze3A_17 = vector.shape_cast %slice3A_16 : vector<1x4000xf32> to vector<4000xf32>
    %broadcast_in_dim3A_18 = vector.shape_cast %squeeze3A_17 : vector<4000xf32> to vector<4000x1xf32>
    %mul3A_19 = vector.broadcast %broadcast_in_dim3A_18 : vector<4000x1xf32> to vector<4000x128xf32>
    %mul3A_20 = arith.mulf %add3A_15, %mul3A_19 : vector<4000x128xf32>
    %get3A_21 = arith.constant 0 : index
    %get3A_22 = arith.constant 0 : index
    %get3A_23 = vector.load %arg3[%get3A_21, %get3A_22] : memref<128x128xf32, #tpu.memory_space<vmem>>, vector<128x128xf32>
    %get3A_24 = arith.constant 0 : index
    %get3A_25 = vector.load %arg4[%get3A_24] : memref<128xf32, #tpu.memory_space<vmem>>, vector<128xf32>
    %get3A_26 = arith.constant 0 : index
    %get3A_27 = arith.constant 0 : index
    %get3A_28 = vector.load %arg5[%get3A_26, %get3A_27] : memref<128x1xf32, #tpu.memory_space<vmem>>, vector<128x1xf32>
    %dot_general3A = arith.constant dense<0.000000e+00> : vector<4000x128xf32>
    %dot_general3A_29 = tpu.matmul %mul3A_8, %get3A_23, %dot_general3A {dimension_numbers = #tpu.dot_dimension_numbers<[1], [0], [0], [1], [0, 0, 1, 1], [], []>, transpose_lhs_hint = false} : vector<4000x128xf32>, vector<128x128xf32>, vector<4000x128xf32> -> vector<4000x128xf32>
    %broadcast_in_dim3A_30 = vector.shape_cast %get3A_25 : vector<128xf32> to vector<1x128xf32>
    %add3A_31 = vector.broadcast %broadcast_in_dim3A_30 : vector<1x128xf32> to vector<4000x128xf32>
    %add3A_32 = arith.addf %dot_general3A_29, %add3A_31 : vector<4000x128xf32>
    %tanh3A = math.tanh %add3A_32 : vector<4000x128xf32>
    %dot_general3A_33 = arith.constant dense<0.000000e+00> : vector<4000x1xf32>
    %dot_general3A_34 = tpu.matmul %tanh3A, %get3A_28, %dot_general3A_33 {dimension_numbers = #tpu.dot_dimension_numbers<[1], [0], [0], [1], [0, 0, 1, 1], [], []>, transpose_lhs_hint = false} : vector<4000x128xf32>, vector<128x1xf32>, vector<4000x1xf32> -> vector<4000x1xf32>
    %reduce_sum3A = vector.shape_cast %dot_general3A_34 : vector<4000x1xf32> to vector<1x4000x1xf32>
    %reduce_sum3A_35 = arith.constant dense<0.000000e+00> : vector<1xf32>
    %reduce_sum3A_36 = vector.multi_reduction <add>, %reduce_sum3A, %reduce_sum3A_35 [1, 2] : vector<1x4000x1xf32> to vector<1xf32>
    %reduce_sum3A_37 = vector.shape_cast %reduce_sum3A_36 : vector<1xf32> to vector<1x1x1xf32>
    %reduce_sum3A_38 = vector.extract %reduce_sum3A_37[0, 0, 0] : f32 from vector<1x1x1xf32>
    %div3A = arith.constant 4.000000e+03 : f32
    %div3A_39 = arith.divf %reduce_sum3A_38, %div3A : f32
    %dot_general3A_40 = arith.constant dense<0.000000e+00> : vector<4000x128xf32>
    %dot_general3A_41 = tpu.matmul %mul3A_20, %get3A_23, %dot_general3A_40 {dimension_numbers = #tpu.dot_dimension_numbers<[1], [0], [0], [1], [0, 0, 1, 1], [], []>, transpose_lhs_hint = false} : vector<4000x128xf32>, vector<128x128xf32>, vector<4000x128xf32> -> vector<4000x128xf32>
    %broadcast_in_dim3A_42 = vector.shape_cast %get3A_25 : vector<128xf32> to vector<1x128xf32>
    %add3A_43 = vector.broadcast %broadcast_in_dim3A_42 : vector<1x128xf32> to vector<4000x128xf32>
    %add3A_44 = arith.addf %dot_general3A_41, %add3A_43 : vector<4000x128xf32>
    %tanh3A_45 = math.tanh %add3A_44 : vector<4000x128xf32>
    %dot_general3A_46 = arith.constant dense<0.000000e+00> : vector<4000x1xf32>
    %dot_general3A_47 = tpu.matmul %tanh3A_45, %get3A_28, %dot_general3A_46 {dimension_numbers = #tpu.dot_dimension_numbers<[1], [0], [0], [1], [0, 0, 1, 1], [], []>, transpose_lhs_hint = false} : vector<4000x128xf32>, vector<128x1xf32>, vector<4000x1xf32> -> vector<4000x1xf32>
    %reduce_sum3A_48 = vector.shape_cast %dot_general3A_47 : vector<4000x1xf32> to vector<1x4000x1xf32>
    %reduce_sum3A_49 = arith.constant dense<0.000000e+00> : vector<1xf32>
    %reduce_sum3A_50 = vector.multi_reduction <add>, %reduce_sum3A_48, %reduce_sum3A_49 [1, 2] : vector<1x4000x1xf32> to vector<1xf32>
    %reduce_sum3A_51 = vector.shape_cast %reduce_sum3A_50 : vector<1xf32> to vector<1x1x1xf32>
    %reduce_sum3A_52 = vector.extract %reduce_sum3A_51[0, 0, 0] : f32 from vector<1x1x1xf32>
    %div3A_53 = arith.constant 4.000000e+03 : f32
    %div3A_54 = arith.divf %reduce_sum3A_52, %div3A_53 : f32
    %max3A = arith.maximumf %div3A_39, %div3A_54 : f32
    %sub3A = arith.subf %div3A_39, %max3A : f32
    %exp3A = math.exp %sub3A : f32
    %sub3A_55 = arith.subf %div3A_54, %max3A : f32
    %exp3A_56 = math.exp %sub3A_55 : f32
    %mul3A_57 = vector.broadcast %exp3A : f32 to vector<4000x128xf32>
    %mul3A_58 = arith.mulf %mul3A_57, %mul3A_8 : vector<4000x128xf32>
    %mul3A_59 = vector.broadcast %exp3A_56 : f32 to vector<4000x128xf32>
    %mul3A_60 = arith.mulf %mul3A_59, %mul3A_20 : vector<4000x128xf32>
    %add3A_61 = arith.addf %mul3A_58, %mul3A_60 : vector<4000x128xf32>
    %add3A_62 = arith.addf %exp3A, %exp3A_56 : f32
    %div3A_63 = vector.broadcast %add3A_62 : f32 to vector<4000x128xf32>
    %div3A_64 = arith.divf %add3A_61, %div3A_63 : vector<4000x128xf32>
    %get3A_65 = arith.constant 0 : index
    %get3A_66 = arith.constant 0 : index
    %get3A_67 = vector.load %arg2[%get3A_65, %get3A_66] : memref<2x4000xf32, #tpu.memory_space<vmem>>, vector<2x4000xf32>
    %slice3A_68 = vector.extract_strided_slice %get3A_67 {offsets = [0, 0], sizes = [1, 4000], strides = [1, 1]} : vector<2x4000xf32> to vector<1x4000xf32>
    %squeeze3A_69 = vector.shape_cast %slice3A_68 : vector<1x4000xf32> to vector<4000xf32>
    %broadcast_in_dim3A_70 = vector.shape_cast %squeeze3A_69 : vector<4000xf32> to vector<4000x1xf32>
    %mul3A_71 = vector.broadcast %broadcast_in_dim3A_70 : vector<4000x1xf32> to vector<4000x128xf32>
    %mul3A_72 = arith.mulf %div3A_64, %mul3A_71 : vector<4000x128xf32>
    %slice3A_73 = vector.extract_strided_slice %get3A_67 {offsets = [1, 0], sizes = [1, 4000], strides = [1, 1]} : vector<2x4000xf32> to vector<1x4000xf32>
    %squeeze3A_74 = vector.shape_cast %slice3A_73 : vector<1x4000xf32> to vector<4000xf32>
    %broadcast_in_dim3A_75 = vector.shape_cast %squeeze3A_74 : vector<4000xf32> to vector<4000x1xf32>
    %mul3A_76 = vector.broadcast %broadcast_in_dim3A_75 : vector<4000x1xf32> to vector<4000x128xf32>
    %mul3A_77 = arith.mulf %div3A_64, %mul3A_76 : vector<4000x128xf32>
    %concatenate3A = tpu.concatenate %mul3A_72, %mul3A_77 in 0 : vector<4000x128xf32>, vector<4000x128xf32> -> vector<8000x128xf32>
    %swap3A = arith.constant 0 : index
    %swap3A_78 = arith.constant 0 : index
    %swap3A_79 = vector.load %arg6[%swap3A, %swap3A_78] : memref<8000x128xf32, #tpu.memory_space<vmem>>, vector<8000x128xf32>
    tpu.vector_store %arg6[%swap3A, %swap3A_78], %concatenate3A {strides = array<i32>} : memref<8000x128xf32, #tpu.memory_space<vmem>>, vector<8000x128xf32>,
    return
  }
}

module attributes {stable_mosaic.version = 14 : i64} {
  func.func @body(%arg0: memref<24064x128xf32, #tpu.memory_space<vmem>>, %arg1: memref<2x6000xf32, #tpu.memory_space<vmem>>, %arg2: memref<2x6000xf32, #tpu.memory_space<vmem>>, %arg3: memref<128x128xf32, #tpu.memory_space<vmem>>, %arg4: memref<128xf32, #tpu.memory_space<vmem>>, %arg5: memref<128x1xf32, #tpu.memory_space<vmem>>, %arg6: memref<12000x128xf32, #tpu.memory_space<vmem>>) attributes {dimension_semantics = [], scalar_prefetch = 0 : i64, scratch_operands = 0 : i64, tpu.core_type = #tpu.core_type<tc>} {
    %get3A = arith.constant 0 : index
    %get3A_0 = arith.constant 0 : index
    %get3A_1 = vector.load %arg1[%get3A, %get3A_0] : memref<2x6000xf32, #tpu.memory_space<vmem>>, vector<2x6000xf32>
    %get3A_2 = arith.constant 0 : index
    %get3A_3 = arith.constant 0 : index
    %get3A_4 = vector.load %arg0[%get3A_2, %get3A_3] : memref<24064x128xf32, #tpu.memory_space<vmem>>, vector<6000x128xf32>
    %get3A_5 = arith.constant 12032 : index
    %get3A_6 = arith.constant 0 : index
    %get3A_7 = vector.load %arg0[%get3A_5, %get3A_6] : memref<24064x128xf32, #tpu.memory_space<vmem>>, vector<6000x128xf32>
    %add3A = arith.addf %get3A_4, %get3A_7 : vector<6000x128xf32>
    %slice3A = vector.extract_strided_slice %get3A_1 {offsets = [0, 0], sizes = [1, 6000], strides = [1, 1]} : vector<2x6000xf32> to vector<1x6000xf32>
    %squeeze3A = vector.shape_cast %slice3A : vector<1x6000xf32> to vector<6000xf32>
    %broadcast_in_dim3A = vector.shape_cast %squeeze3A : vector<6000xf32> to vector<6000x1xf32>
    %mul3A = vector.broadcast %broadcast_in_dim3A : vector<6000x1xf32> to vector<6000x128xf32>
    %mul3A_8 = arith.mulf %add3A, %mul3A : vector<6000x128xf32>
    %get3A_9 = arith.constant 6000 : index
    %get3A_10 = arith.constant 0 : index
    %get3A_11 = vector.load %arg0[%get3A_9, %get3A_10] : memref<24064x128xf32, #tpu.memory_space<vmem>>, vector<6000x128xf32>
    %get3A_12 = arith.constant 18032 : index
    %get3A_13 = arith.constant 0 : index
    %get3A_14 = vector.load %arg0[%get3A_12, %get3A_13] : memref<24064x128xf32, #tpu.memory_space<vmem>>, vector<6000x128xf32>
    %add3A_15 = arith.addf %get3A_11, %get3A_14 : vector<6000x128xf32>
    %slice3A_16 = vector.extract_strided_slice %get3A_1 {offsets = [1, 0], sizes = [1, 6000], strides = [1, 1]} : vector<2x6000xf32> to vector<1x6000xf32>
    %squeeze3A_17 = vector.shape_cast %slice3A_16 : vector<1x6000xf32> to vector<6000xf32>
    %broadcast_in_dim3A_18 = vector.shape_cast %squeeze3A_17 : vector<6000xf32> to vector<6000x1xf32>
    %mul3A_19 = vector.broadcast %broadcast_in_dim3A_18 : vector<6000x1xf32> to vector<6000x128xf32>
    %mul3A_20 = arith.mulf %add3A_15, %mul3A_19 : vector<6000x128xf32>
    %get3A_21 = arith.constant 0 : index
    %get3A_22 = arith.constant 0 : index
    %get3A_23 = vector.load %arg3[%get3A_21, %get3A_22] : memref<128x128xf32, #tpu.memory_space<vmem>>, vector<128x128xf32>
    %get3A_24 = arith.constant 0 : index
    %get3A_25 = vector.load %arg4[%get3A_24] : memref<128xf32, #tpu.memory_space<vmem>>, vector<128xf32>
    %get3A_26 = arith.constant 0 : index
    %get3A_27 = arith.constant 0 : index
    %get3A_28 = vector.load %arg5[%get3A_26, %get3A_27] : memref<128x1xf32, #tpu.memory_space<vmem>>, vector<128x1xf32>
    %dot_general3A = arith.constant dense<0.000000e+00> : vector<6000x128xf32>
    %dot_general3A_29 = tpu.matmul %mul3A_8, %get3A_23, %dot_general3A {dimension_numbers = #tpu.dot_dimension_numbers<[1], [0], [0], [1], [0, 0, 1, 1], [], []>, transpose_lhs_hint = false} : vector<6000x128xf32>, vector<128x128xf32>, vector<6000x128xf32> -> vector<6000x128xf32>
    %broadcast_in_dim3A_30 = vector.shape_cast %get3A_25 : vector<128xf32> to vector<1x128xf32>
    %add3A_31 = vector.broadcast %broadcast_in_dim3A_30 : vector<1x128xf32> to vector<6000x128xf32>
    %add3A_32 = arith.addf %dot_general3A_29, %add3A_31 : vector<6000x128xf32>
    %tanh3A = math.tanh %add3A_32 : vector<6000x128xf32>
    %dot_general3A_33 = arith.constant dense<0.000000e+00> : vector<6000x1xf32>
    %dot_general3A_34 = tpu.matmul %tanh3A, %get3A_28, %dot_general3A_33 {dimension_numbers = #tpu.dot_dimension_numbers<[1], [0], [0], [1], [0, 0, 1, 1], [], []>, transpose_lhs_hint = false} : vector<6000x128xf32>, vector<128x1xf32>, vector<6000x1xf32> -> vector<6000x1xf32>
    %reduce_sum3A = vector.shape_cast %dot_general3A_34 : vector<6000x1xf32> to vector<1x6000x1xf32>
    %reduce_sum3A_35 = arith.constant dense<0.000000e+00> : vector<1xf32>
    %reduce_sum3A_36 = vector.multi_reduction <add>, %reduce_sum3A, %reduce_sum3A_35 [1, 2] : vector<1x6000x1xf32> to vector<1xf32>
    %reduce_sum3A_37 = vector.shape_cast %reduce_sum3A_36 : vector<1xf32> to vector<1x1x1xf32>
    %reduce_sum3A_38 = vector.extract %reduce_sum3A_37[0, 0, 0] : f32 from vector<1x1x1xf32>
    %div3A = arith.constant 6.000000e+03 : f32
    %div3A_39 = arith.divf %reduce_sum3A_38, %div3A : f32
    %dot_general3A_40 = arith.constant dense<0.000000e+00> : vector<6000x128xf32>
    %dot_general3A_41 = tpu.matmul %mul3A_20, %get3A_23, %dot_general3A_40 {dimension_numbers = #tpu.dot_dimension_numbers<[1], [0], [0], [1], [0, 0, 1, 1], [], []>, transpose_lhs_hint = false} : vector<6000x128xf32>, vector<128x128xf32>, vector<6000x128xf32> -> vector<6000x128xf32>
    %broadcast_in_dim3A_42 = vector.shape_cast %get3A_25 : vector<128xf32> to vector<1x128xf32>
    %add3A_43 = vector.broadcast %broadcast_in_dim3A_42 : vector<1x128xf32> to vector<6000x128xf32>
    %add3A_44 = arith.addf %dot_general3A_41, %add3A_43 : vector<6000x128xf32>
    %tanh3A_45 = math.tanh %add3A_44 : vector<6000x128xf32>
    %dot_general3A_46 = arith.constant dense<0.000000e+00> : vector<6000x1xf32>
    %dot_general3A_47 = tpu.matmul %tanh3A_45, %get3A_28, %dot_general3A_46 {dimension_numbers = #tpu.dot_dimension_numbers<[1], [0], [0], [1], [0, 0, 1, 1], [], []>, transpose_lhs_hint = false} : vector<6000x128xf32>, vector<128x1xf32>, vector<6000x1xf32> -> vector<6000x1xf32>
    %reduce_sum3A_48 = vector.shape_cast %dot_general3A_47 : vector<6000x1xf32> to vector<1x6000x1xf32>
    %reduce_sum3A_49 = arith.constant dense<0.000000e+00> : vector<1xf32>
    %reduce_sum3A_50 = vector.multi_reduction <add>, %reduce_sum3A_48, %reduce_sum3A_49 [1, 2] : vector<1x6000x1xf32> to vector<1xf32>
    %reduce_sum3A_51 = vector.shape_cast %reduce_sum3A_50 : vector<1xf32> to vector<1x1x1xf32>
    %reduce_sum3A_52 = vector.extract %reduce_sum3A_51[0, 0, 0] : f32 from vector<1x1x1xf32>
    %div3A_53 = arith.constant 6.000000e+03 : f32
    %div3A_54 = arith.divf %reduce_sum3A_52, %div3A_53 : f32
    %max3A = arith.maximumf %div3A_39, %div3A_54 : f32
    %sub3A = arith.subf %div3A_39, %max3A : f32
    %exp3A = math.exp %sub3A : f32
    %sub3A_55 = arith.subf %div3A_54, %max3A : f32
    %exp3A_56 = math.exp %sub3A_55 : f32
    %mul3A_57 = vector.broadcast %exp3A : f32 to vector<6000x128xf32>
    %mul3A_58 = arith.mulf %mul3A_57, %mul3A_8 : vector<6000x128xf32>
    %mul3A_59 = vector.broadcast %exp3A_56 : f32 to vector<6000x128xf32>
    %mul3A_60 = arith.mulf %mul3A_59, %mul3A_20 : vector<6000x128xf32>
    %add3A_61 = arith.addf %mul3A_58, %mul3A_60 : vector<6000x128xf32>
    %add3A_62 = arith.addf %exp3A, %exp3A_56 : f32
    %div3A_63 = vector.broadcast %add3A_62 : f32 to vector<6000x128xf32>
    %div3A_64 = arith.divf %add3A_61, %div3A_63 : vector<6000x128xf32>
    %get3A_65 = arith.constant 0 : index
    %get3A_66 = arith.constant 0 : index
    %get3A_67 = vector.load %arg2[%get3A_65, %get3A_66] : memref<2x6000xf32, #tpu.memory_space<vmem>>, vector<2x6000xf32>
    %slice3A_68 = vector.extract_strided_slice %get3A_67 {offsets = [0, 0], sizes = [1, 6000], strides = [1, 1]} : vector<2x6000xf32> to vector<1x6000xf32>
    %squeeze3A_69 = vector.shape_cast %slice3A_68 : vector<1x6000xf32> to vector<6000xf32>
    %broadcast_in_dim3A_70 = vector.shape_cast %squeeze3A_69 : vector<6000xf32> to vector<6000x1xf32>
    %mul3A_71 = vector.broadcast %broadcast_in_dim3A_70 : vector<6000x1xf32> to vector<6000x128xf32>
    %mul3A_72 = arith.mulf %div3A_64, %mul3A_71 : vector<6000x128xf32>
    %slice3A_73 = vector.extract_strided_slice %get3A_67 {offsets = [1, 0], sizes = [1, 6000], strides = [1, 1]} : vector<2x6000xf32> to vector<1x6000xf32>
    %squeeze3A_74 = vector.shape_cast %slice3A_73 : vector<1x6000xf32> to vector<6000xf32>
    %broadcast_in_dim3A_75 = vector.shape_cast %squeeze3A_74 : vector<6000xf32> to vector<6000x1xf32>
    %mul3A_76 = vector.broadcast %broadcast_in_dim3A_75 : vector<6000x1xf32> to vector<6000x128xf32>
    %mul3A_77 = arith.mulf %div3A_64, %mul3A_76 : vector<6000x128xf32>
    %concatenate3A = tpu.concatenate %mul3A_72, %mul3A_77 in 0 : vector<6000x128xf32>, vector<6000x128xf32> -> vector<12000x128xf32>
    %swap3A = arith.constant 0 : index
    %swap3A_78 = arith.constant 0 : index
    %swap3A_79 = vector.load %arg6[%swap3A, %swap3A_78] : memref<12000x128xf32, #tpu.memory_space<vmem>>, vector<12000x128xf32>
    tpu.vector_store %arg6[%swap3A, %swap3A_78], %concatenate3A {strides = array<i32>} : memref<12000x128xf32, #tpu.memory_space<vmem>>, vector<12000x128xf32>,
    return
  }
}

module attributes {stable_mosaic.version = 14 : i64} {
  func.func @_gcn_scale_body(%arg0: memref<20224x128xf32, #tpu.memory_space<vmem>>, %arg1: memref<10000xf32, #tpu.memory_space<vmem>>, %arg2: memref<10000x128xf32, #tpu.memory_space<vmem>>) attributes {dimension_semantics = [], scalar_prefetch = 0 : i64, scratch_operands = 0 : i64, tpu.core_type = #tpu.core_type<tc>} {
    %get3A = arith.constant 0 : index
    %get3A_0 = arith.constant 0 : index
    %get3A_1 = vector.load %arg0[%get3A, %get3A_0] : memref<20224x128xf32, #tpu.memory_space<vmem>>, vector<10000x128xf32>
    %get3A_2 = arith.constant 10112 : index
    %get3A_3 = arith.constant 0 : index
    %get3A_4 = vector.load %arg0[%get3A_2, %get3A_3] : memref<20224x128xf32, #tpu.memory_space<vmem>>, vector<10000x128xf32>
    %add3A = arith.addf %get3A_1, %get3A_4 : vector<10000x128xf32>
    %get3A_5 = arith.constant 0 : index
    %get3A_6 = vector.load %arg1[%get3A_5] : memref<10000xf32, #tpu.memory_space<vmem>>, vector<10000xf32>
    %broadcast_in_dim3A = vector.shape_cast %get3A_6 : vector<10000xf32> to vector<10000x1xf32>
    %mul3A = vector.broadcast %broadcast_in_dim3A : vector<10000x1xf32> to vector<10000x128xf32>
    %mul3A_7 = arith.mulf %add3A, %mul3A : vector<10000x128xf32>
    %swap3A = arith.constant 0 : index
    %swap3A_8 = arith.constant 0 : index
    %swap3A_9 = vector.load %arg2[%swap3A, %swap3A_8] : memref<10000x128xf32, #tpu.memory_space<vmem>>, vector<10000x128xf32>
    tpu.vector_store %arg2[%swap3A, %swap3A_8], %mul3A_7 {strides = array<i32>} : memref<10000x128xf32, #tpu.memory_space<vmem>>, vector<10000x128xf32>,
    return
  }
}

module attributes {stable_mosaic.version = 14 : i64} {
  func.func @body(%arg0: memref<16128x128xf32, #tpu.memory_space<vmem>>, %arg1: memref<2x4000xf32, #tpu.memory_space<vmem>>, %arg2: memref<128x128xf32, #tpu.memory_space<vmem>>, %arg3: memref<128xf32, #tpu.memory_space<vmem>>, %arg4: memref<128x1xf32, #tpu.memory_space<vmem>>, %arg5: memref<4000x128xf32, #tpu.memory_space<vmem>>) attributes {dimension_semantics = [], scalar_prefetch = 0 : i64, scratch_operands = 0 : i64, tpu.core_type = #tpu.core_type<tc>} {
    %get3A = arith.constant 0 : index
    %get3A_0 = arith.constant 0 : index
    %get3A_1 = vector.load %arg1[%get3A, %get3A_0] : memref<2x4000xf32, #tpu.memory_space<vmem>>, vector<2x4000xf32>
    %get3A_2 = arith.constant 0 : index
    %get3A_3 = arith.constant 0 : index
    %get3A_4 = vector.load %arg0[%get3A_2, %get3A_3] : memref<16128x128xf32, #tpu.memory_space<vmem>>, vector<4000x128xf32>
    %get3A_5 = arith.constant 8064 : index
    %get3A_6 = arith.constant 0 : index
    %get3A_7 = vector.load %arg0[%get3A_5, %get3A_6] : memref<16128x128xf32, #tpu.memory_space<vmem>>, vector<4000x128xf32>
    %add3A = arith.addf %get3A_4, %get3A_7 : vector<4000x128xf32>
    %slice3A = vector.extract_strided_slice %get3A_1 {offsets = [0, 0], sizes = [1, 4000], strides = [1, 1]} : vector<2x4000xf32> to vector<1x4000xf32>
    %squeeze3A = vector.shape_cast %slice3A : vector<1x4000xf32> to vector<4000xf32>
    %broadcast_in_dim3A = vector.shape_cast %squeeze3A : vector<4000xf32> to vector<4000x1xf32>
    %mul3A = vector.broadcast %broadcast_in_dim3A : vector<4000x1xf32> to vector<4000x128xf32>
    %mul3A_8 = arith.mulf %add3A, %mul3A : vector<4000x128xf32>
    %get3A_9 = arith.constant 4000 : index
    %get3A_10 = arith.constant 0 : index
    %get3A_11 = vector.load %arg0[%get3A_9, %get3A_10] : memref<16128x128xf32, #tpu.memory_space<vmem>>, vector<4000x128xf32>
    %get3A_12 = arith.constant 12064 : index
    %get3A_13 = arith.constant 0 : index
    %get3A_14 = vector.load %arg0[%get3A_12, %get3A_13] : memref<16128x128xf32, #tpu.memory_space<vmem>>, vector<4000x128xf32>
    %add3A_15 = arith.addf %get3A_11, %get3A_14 : vector<4000x128xf32>
    %slice3A_16 = vector.extract_strided_slice %get3A_1 {offsets = [1, 0], sizes = [1, 4000], strides = [1, 1]} : vector<2x4000xf32> to vector<1x4000xf32>
    %squeeze3A_17 = vector.shape_cast %slice3A_16 : vector<1x4000xf32> to vector<4000xf32>
    %broadcast_in_dim3A_18 = vector.shape_cast %squeeze3A_17 : vector<4000xf32> to vector<4000x1xf32>
    %mul3A_19 = vector.broadcast %broadcast_in_dim3A_18 : vector<4000x1xf32> to vector<4000x128xf32>
    %mul3A_20 = arith.mulf %add3A_15, %mul3A_19 : vector<4000x128xf32>
    %get3A_21 = arith.constant 0 : index
    %get3A_22 = arith.constant 0 : index
    %get3A_23 = vector.load %arg2[%get3A_21, %get3A_22] : memref<128x128xf32, #tpu.memory_space<vmem>>, vector<128x128xf32>
    %get3A_24 = arith.constant 0 : index
    %get3A_25 = vector.load %arg3[%get3A_24] : memref<128xf32, #tpu.memory_space<vmem>>, vector<128xf32>
    %get3A_26 = arith.constant 0 : index
    %get3A_27 = arith.constant 0 : index
    %get3A_28 = vector.load %arg4[%get3A_26, %get3A_27] : memref<128x1xf32, #tpu.memory_space<vmem>>, vector<128x1xf32>
    %dot_general3A = arith.constant dense<0.000000e+00> : vector<4000x128xf32>
    %dot_general3A_29 = tpu.matmul %mul3A_8, %get3A_23, %dot_general3A {dimension_numbers = #tpu.dot_dimension_numbers<[1], [0], [0], [1], [0, 0, 1, 1], [], []>, transpose_lhs_hint = false} : vector<4000x128xf32>, vector<128x128xf32>, vector<4000x128xf32> -> vector<4000x128xf32>
    %broadcast_in_dim3A_30 = vector.shape_cast %get3A_25 : vector<128xf32> to vector<1x128xf32>
    %add3A_31 = vector.broadcast %broadcast_in_dim3A_30 : vector<1x128xf32> to vector<4000x128xf32>
    %add3A_32 = arith.addf %dot_general3A_29, %add3A_31 : vector<4000x128xf32>
    %tanh3A = math.tanh %add3A_32 : vector<4000x128xf32>
    %dot_general3A_33 = arith.constant dense<0.000000e+00> : vector<4000x1xf32>
    %dot_general3A_34 = tpu.matmul %tanh3A, %get3A_28, %dot_general3A_33 {dimension_numbers = #tpu.dot_dimension_numbers<[1], [0], [0], [1], [0, 0, 1, 1], [], []>, transpose_lhs_hint = false} : vector<4000x128xf32>, vector<128x1xf32>, vector<4000x1xf32> -> vector<4000x1xf32>
    %reduce_sum3A = vector.shape_cast %dot_general3A_34 : vector<4000x1xf32> to vector<1x4000x1xf32>
    %reduce_sum3A_35 = arith.constant dense<0.000000e+00> : vector<1xf32>
    %reduce_sum3A_36 = vector.multi_reduction <add>, %reduce_sum3A, %reduce_sum3A_35 [1, 2] : vector<1x4000x1xf32> to vector<1xf32>
    %reduce_sum3A_37 = vector.shape_cast %reduce_sum3A_36 : vector<1xf32> to vector<1x1x1xf32>
    %reduce_sum3A_38 = vector.extract %reduce_sum3A_37[0, 0, 0] : f32 from vector<1x1x1xf32>
    %div3A = arith.constant 4.000000e+03 : f32
    %div3A_39 = arith.divf %reduce_sum3A_38, %div3A : f32
    %dot_general3A_40 = arith.constant dense<0.000000e+00> : vector<4000x128xf32>
    %dot_general3A_41 = tpu.matmul %mul3A_20, %get3A_23, %dot_general3A_40 {dimension_numbers = #tpu.dot_dimension_numbers<[1], [0], [0], [1], [0, 0, 1, 1], [], []>, transpose_lhs_hint = false} : vector<4000x128xf32>, vector<128x128xf32>, vector<4000x128xf32> -> vector<4000x128xf32>
    %broadcast_in_dim3A_42 = vector.shape_cast %get3A_25 : vector<128xf32> to vector<1x128xf32>
    %add3A_43 = vector.broadcast %broadcast_in_dim3A_42 : vector<1x128xf32> to vector<4000x128xf32>
    %add3A_44 = arith.addf %dot_general3A_41, %add3A_43 : vector<4000x128xf32>
    %tanh3A_45 = math.tanh %add3A_44 : vector<4000x128xf32>
    %dot_general3A_46 = arith.constant dense<0.000000e+00> : vector<4000x1xf32>
    %dot_general3A_47 = tpu.matmul %tanh3A_45, %get3A_28, %dot_general3A_46 {dimension_numbers = #tpu.dot_dimension_numbers<[1], [0], [0], [1], [0, 0, 1, 1], [], []>, transpose_lhs_hint = false} : vector<4000x128xf32>, vector<128x1xf32>, vector<4000x1xf32> -> vector<4000x1xf32>
    %reduce_sum3A_48 = vector.shape_cast %dot_general3A_47 : vector<4000x1xf32> to vector<1x4000x1xf32>
    %reduce_sum3A_49 = arith.constant dense<0.000000e+00> : vector<1xf32>
    %reduce_sum3A_50 = vector.multi_reduction <add>, %reduce_sum3A_48, %reduce_sum3A_49 [1, 2] : vector<1x4000x1xf32> to vector<1xf32>
    %reduce_sum3A_51 = vector.shape_cast %reduce_sum3A_50 : vector<1xf32> to vector<1x1x1xf32>
    %reduce_sum3A_52 = vector.extract %reduce_sum3A_51[0, 0, 0] : f32 from vector<1x1x1xf32>
    %div3A_53 = arith.constant 4.000000e+03 : f32
    %div3A_54 = arith.divf %reduce_sum3A_52, %div3A_53 : f32
    %max3A = arith.maximumf %div3A_39, %div3A_54 : f32
    %sub3A = arith.subf %div3A_39, %max3A : f32
    %exp3A = math.exp %sub3A : f32
    %sub3A_55 = arith.subf %div3A_54, %max3A : f32
    %exp3A_56 = math.exp %sub3A_55 : f32
    %mul3A_57 = vector.broadcast %exp3A : f32 to vector<4000x128xf32>
    %mul3A_58 = arith.mulf %mul3A_57, %mul3A_8 : vector<4000x128xf32>
    %mul3A_59 = vector.broadcast %exp3A_56 : f32 to vector<4000x128xf32>
    %mul3A_60 = arith.mulf %mul3A_59, %mul3A_20 : vector<4000x128xf32>
    %add3A_61 = arith.addf %mul3A_58, %mul3A_60 : vector<4000x128xf32>
    %add3A_62 = arith.addf %exp3A, %exp3A_56 : f32
    %div3A_63 = vector.broadcast %add3A_62 : f32 to vector<4000x128xf32>
    %div3A_64 = arith.divf %add3A_61, %div3A_63 : vector<4000x128xf32>
    %swap3A = arith.constant 0 : index
    %swap3A_65 = arith.constant 0 : index
    %swap3A_66 = vector.load %arg5[%swap3A, %swap3A_65] : memref<4000x128xf32, #tpu.memory_space<vmem>>, vector<4000x128xf32>
    tpu.vector_store %arg5[%swap3A, %swap3A_65], %div3A_64 {strides = array<i32>} : memref<4000x128xf32, #tpu.memory_space<vmem>>, vector<4000x128xf32>,
    return
  }
}

module attributes {stable_mosaic.version = 14 : i64} {
  func.func @body(%arg0: memref<24064x128xf32, #tpu.memory_space<vmem>>, %arg1: memref<2x6000xf32, #tpu.memory_space<vmem>>, %arg2: memref<128x128xf32, #tpu.memory_space<vmem>>, %arg3: memref<128xf32, #tpu.memory_space<vmem>>, %arg4: memref<128x1xf32, #tpu.memory_space<vmem>>, %arg5: memref<6000x128xf32, #tpu.memory_space<vmem>>) attributes {dimension_semantics = [], scalar_prefetch = 0 : i64, scratch_operands = 0 : i64, tpu.core_type = #tpu.core_type<tc>} {
    %get3A = arith.constant 0 : index
    %get3A_0 = arith.constant 0 : index
    %get3A_1 = vector.load %arg1[%get3A, %get3A_0] : memref<2x6000xf32, #tpu.memory_space<vmem>>, vector<2x6000xf32>
    %get3A_2 = arith.constant 0 : index
    %get3A_3 = arith.constant 0 : index
    %get3A_4 = vector.load %arg0[%get3A_2, %get3A_3] : memref<24064x128xf32, #tpu.memory_space<vmem>>, vector<6000x128xf32>
    %get3A_5 = arith.constant 12032 : index
    %get3A_6 = arith.constant 0 : index
    %get3A_7 = vector.load %arg0[%get3A_5, %get3A_6] : memref<24064x128xf32, #tpu.memory_space<vmem>>, vector<6000x128xf32>
    %add3A = arith.addf %get3A_4, %get3A_7 : vector<6000x128xf32>
    %slice3A = vector.extract_strided_slice %get3A_1 {offsets = [0, 0], sizes = [1, 6000], strides = [1, 1]} : vector<2x6000xf32> to vector<1x6000xf32>
    %squeeze3A = vector.shape_cast %slice3A : vector<1x6000xf32> to vector<6000xf32>
    %broadcast_in_dim3A = vector.shape_cast %squeeze3A : vector<6000xf32> to vector<6000x1xf32>
    %mul3A = vector.broadcast %broadcast_in_dim3A : vector<6000x1xf32> to vector<6000x128xf32>
    %mul3A_8 = arith.mulf %add3A, %mul3A : vector<6000x128xf32>
    %get3A_9 = arith.constant 6000 : index
    %get3A_10 = arith.constant 0 : index
    %get3A_11 = vector.load %arg0[%get3A_9, %get3A_10] : memref<24064x128xf32, #tpu.memory_space<vmem>>, vector<6000x128xf32>
    %get3A_12 = arith.constant 18032 : index
    %get3A_13 = arith.constant 0 : index
    %get3A_14 = vector.load %arg0[%get3A_12, %get3A_13] : memref<24064x128xf32, #tpu.memory_space<vmem>>, vector<6000x128xf32>
    %add3A_15 = arith.addf %get3A_11, %get3A_14 : vector<6000x128xf32>
    %slice3A_16 = vector.extract_strided_slice %get3A_1 {offsets = [1, 0], sizes = [1, 6000], strides = [1, 1]} : vector<2x6000xf32> to vector<1x6000xf32>
    %squeeze3A_17 = vector.shape_cast %slice3A_16 : vector<1x6000xf32> to vector<6000xf32>
    %broadcast_in_dim3A_18 = vector.shape_cast %squeeze3A_17 : vector<6000xf32> to vector<6000x1xf32>
    %mul3A_19 = vector.broadcast %broadcast_in_dim3A_18 : vector<6000x1xf32> to vector<6000x128xf32>
    %mul3A_20 = arith.mulf %add3A_15, %mul3A_19 : vector<6000x128xf32>
    %get3A_21 = arith.constant 0 : index
    %get3A_22 = arith.constant 0 : index
    %get3A_23 = vector.load %arg2[%get3A_21, %get3A_22] : memref<128x128xf32, #tpu.memory_space<vmem>>, vector<128x128xf32>
    %get3A_24 = arith.constant 0 : index
    %get3A_25 = vector.load %arg3[%get3A_24] : memref<128xf32, #tpu.memory_space<vmem>>, vector<128xf32>
    %get3A_26 = arith.constant 0 : index
    %get3A_27 = arith.constant 0 : index
    %get3A_28 = vector.load %arg4[%get3A_26, %get3A_27] : memref<128x1xf32, #tpu.memory_space<vmem>>, vector<128x1xf32>
    %dot_general3A = arith.constant dense<0.000000e+00> : vector<6000x128xf32>
    %dot_general3A_29 = tpu.matmul %mul3A_8, %get3A_23, %dot_general3A {dimension_numbers = #tpu.dot_dimension_numbers<[1], [0], [0], [1], [0, 0, 1, 1], [], []>, transpose_lhs_hint = false} : vector<6000x128xf32>, vector<128x128xf32>, vector<6000x128xf32> -> vector<6000x128xf32>
    %broadcast_in_dim3A_30 = vector.shape_cast %get3A_25 : vector<128xf32> to vector<1x128xf32>
    %add3A_31 = vector.broadcast %broadcast_in_dim3A_30 : vector<1x128xf32> to vector<6000x128xf32>
    %add3A_32 = arith.addf %dot_general3A_29, %add3A_31 : vector<6000x128xf32>
    %tanh3A = math.tanh %add3A_32 : vector<6000x128xf32>
    %dot_general3A_33 = arith.constant dense<0.000000e+00> : vector<6000x1xf32>
    %dot_general3A_34 = tpu.matmul %tanh3A, %get3A_28, %dot_general3A_33 {dimension_numbers = #tpu.dot_dimension_numbers<[1], [0], [0], [1], [0, 0, 1, 1], [], []>, transpose_lhs_hint = false} : vector<6000x128xf32>, vector<128x1xf32>, vector<6000x1xf32> -> vector<6000x1xf32>
    %reduce_sum3A = vector.shape_cast %dot_general3A_34 : vector<6000x1xf32> to vector<1x6000x1xf32>
    %reduce_sum3A_35 = arith.constant dense<0.000000e+00> : vector<1xf32>
    %reduce_sum3A_36 = vector.multi_reduction <add>, %reduce_sum3A, %reduce_sum3A_35 [1, 2] : vector<1x6000x1xf32> to vector<1xf32>
    %reduce_sum3A_37 = vector.shape_cast %reduce_sum3A_36 : vector<1xf32> to vector<1x1x1xf32>
    %reduce_sum3A_38 = vector.extract %reduce_sum3A_37[0, 0, 0] : f32 from vector<1x1x1xf32>
    %div3A = arith.constant 6.000000e+03 : f32
    %div3A_39 = arith.divf %reduce_sum3A_38, %div3A : f32
    %dot_general3A_40 = arith.constant dense<0.000000e+00> : vector<6000x128xf32>
    %dot_general3A_41 = tpu.matmul %mul3A_20, %get3A_23, %dot_general3A_40 {dimension_numbers = #tpu.dot_dimension_numbers<[1], [0], [0], [1], [0, 0, 1, 1], [], []>, transpose_lhs_hint = false} : vector<6000x128xf32>, vector<128x128xf32>, vector<6000x128xf32> -> vector<6000x128xf32>
    %broadcast_in_dim3A_42 = vector.shape_cast %get3A_25 : vector<128xf32> to vector<1x128xf32>
    %add3A_43 = vector.broadcast %broadcast_in_dim3A_42 : vector<1x128xf32> to vector<6000x128xf32>
    %add3A_44 = arith.addf %dot_general3A_41, %add3A_43 : vector<6000x128xf32>
    %tanh3A_45 = math.tanh %add3A_44 : vector<6000x128xf32>
    %dot_general3A_46 = arith.constant dense<0.000000e+00> : vector<6000x1xf32>
    %dot_general3A_47 = tpu.matmul %tanh3A_45, %get3A_28, %dot_general3A_46 {dimension_numbers = #tpu.dot_dimension_numbers<[1], [0], [0], [1], [0, 0, 1, 1], [], []>, transpose_lhs_hint = false} : vector<6000x128xf32>, vector<128x1xf32>, vector<6000x1xf32> -> vector<6000x1xf32>
    %reduce_sum3A_48 = vector.shape_cast %dot_general3A_47 : vector<6000x1xf32> to vector<1x6000x1xf32>
    %reduce_sum3A_49 = arith.constant dense<0.000000e+00> : vector<1xf32>
    %reduce_sum3A_50 = vector.multi_reduction <add>, %reduce_sum3A_48, %reduce_sum3A_49 [1, 2] : vector<1x6000x1xf32> to vector<1xf32>
    %reduce_sum3A_51 = vector.shape_cast %reduce_sum3A_50 : vector<1xf32> to vector<1x1x1xf32>
    %reduce_sum3A_52 = vector.extract %reduce_sum3A_51[0, 0, 0] : f32 from vector<1x1x1xf32>
    %div3A_53 = arith.constant 6.000000e+03 : f32
    %div3A_54 = arith.divf %reduce_sum3A_52, %div3A_53 : f32
    %max3A = arith.maximumf %div3A_39, %div3A_54 : f32
    %sub3A = arith.subf %div3A_39, %max3A : f32
    %exp3A = math.exp %sub3A : f32
    %sub3A_55 = arith.subf %div3A_54, %max3A : f32
    %exp3A_56 = math.exp %sub3A_55 : f32
    %mul3A_57 = vector.broadcast %exp3A : f32 to vector<6000x128xf32>
    %mul3A_58 = arith.mulf %mul3A_57, %mul3A_8 : vector<6000x128xf32>
    %mul3A_59 = vector.broadcast %exp3A_56 : f32 to vector<6000x128xf32>
    %mul3A_60 = arith.mulf %mul3A_59, %mul3A_20 : vector<6000x128xf32>
    %add3A_61 = arith.addf %mul3A_58, %mul3A_60 : vector<6000x128xf32>
    %add3A_62 = arith.addf %exp3A, %exp3A_56 : f32
    %div3A_63 = vector.broadcast %add3A_62 : f32 to vector<6000x128xf32>
    %div3A_64 = arith.divf %add3A_61, %div3A_63 : vector<6000x128xf32>
    %swap3A = arith.constant 0 : index
    %swap3A_65 = arith.constant 0 : index
    %swap3A_66 = vector.load %arg5[%swap3A, %swap3A_65] : memref<6000x128xf32, #tpu.memory_space<vmem>>, vector<6000x128xf32>
    tpu.vector_store %arg5[%swap3A, %swap3A_65], %div3A_64 {strides = array<i32>} : memref<6000x128xf32, #tpu.memory_space<vmem>>, vector<6000x128xf32>,
    return
  }
}

module attributes {stable_mosaic.version = 14 : i64} {
  func.func @_final_mix_body(%arg0: memref<20224x128xf32, #tpu.memory_space<vmem>>, %arg1: memref<10000xf32, #tpu.memory_space<vmem>>, %arg2: memref<6000x128xf32, #tpu.memory_space<vmem>>, %arg3: memref<4000x128xf32, #tpu.memory_space<vmem>>, %arg4: memref<6000x128xf32, #tpu.memory_space<vmem>>, %arg5: memref<4000x128xf32, #tpu.memory_space<vmem>>) attributes {dimension_semantics = [], scalar_prefetch = 0 : i64, scratch_operands = 0 : i64, tpu.core_type = #tpu.core_type<tc>} {
    %get3A = arith.constant 0 : index
    %get3A_0 = arith.constant 0 : index
    %get3A_1 = vector.load %arg0[%get3A, %get3A_0] : memref<20224x128xf32, #tpu.memory_space<vmem>>, vector<10000x128xf32>
    %get3A_2 = arith.constant 10112 : index
    %get3A_3 = arith.constant 0 : index
    %get3A_4 = vector.load %arg0[%get3A_2, %get3A_3] : memref<20224x128xf32, #tpu.memory_space<vmem>>, vector<10000x128xf32>
    %add3A = arith.addf %get3A_1, %get3A_4 : vector<10000x128xf32>
    %get3A_5 = arith.constant 0 : index
    %get3A_6 = vector.load %arg1[%get3A_5] : memref<10000xf32, #tpu.memory_space<vmem>>, vector<10000xf32>
    %broadcast_in_dim3A = vector.shape_cast %get3A_6 : vector<10000xf32> to vector<10000x1xf32>
    %mul3A = vector.broadcast %broadcast_in_dim3A : vector<10000x1xf32> to vector<10000x128xf32>
    %mul3A_7 = arith.mulf %add3A, %mul3A : vector<10000x128xf32>
    %get3A_8 = arith.constant 0 : index
    %get3A_9 = arith.constant 0 : index
    %get3A_10 = vector.load %arg2[%get3A_8, %get3A_9] : memref<6000x128xf32, #tpu.memory_space<vmem>>, vector<6000x128xf32>
    %mul3A_11 = arith.constant 5.000000e-01 : f32
    %mul3A_12 = vector.broadcast %mul3A_11 : f32 to vector<6000x128xf32>
    %mul3A_13 = arith.mulf %mul3A_12, %get3A_10 : vector<6000x128xf32>
    %slice3A = vector.extract_strided_slice %mul3A_7 {offsets = [0, 0], sizes = [6000, 128], strides = [1, 1]} : vector<10000x128xf32> to vector<6000x128xf32>
    %mul3A_14 = arith.constant 5.000000e-01 : f32
    %mul3A_15 = vector.broadcast %mul3A_14 : f32 to vector<6000x128xf32>
    %mul3A_16 = arith.mulf %mul3A_15, %slice3A : vector<6000x128xf32>
    %add3A_17 = arith.addf %mul3A_13, %mul3A_16 : vector<6000x128xf32>
    %swap3A = arith.constant 0 : index
    %swap3A_18 = arith.constant 0 : index
    %swap3A_19 = vector.load %arg4[%swap3A, %swap3A_18] : memref<6000x128xf32, #tpu.memory_space<vmem>>, vector<6000x128xf32>
    tpu.vector_store %arg4[%swap3A, %swap3A_18], %add3A_17 {strides = array<i32>} : memref<6000x128xf32, #tpu.memory_space<vmem>>, vector<6000x128xf32>,
    %get3A_20 = arith.constant 0 : index
    %get3A_21 = arith.constant 0 : index
    %get3A_22 = vector.load %arg3[%get3A_20, %get3A_21] : memref<4000x128xf32, #tpu.memory_space<vmem>>, vector<4000x128xf32>
    %mul3A_23 = arith.constant 5.000000e-01 : f32
    %mul3A_24 = vector.broadcast %mul3A_23 : f32 to vector<4000x128xf32>
    %mul3A_25 = arith.mulf %mul3A_24, %get3A_22 : vector<4000x128xf32>
    %slice3A_26 = vector.extract_strided_slice %mul3A_7 {offsets = [6000, 0], sizes = [4000, 128], strides = [1, 1]} : vector<10000x128xf32> to vector<4000x128xf32>
    %mul3A_27 = arith.constant 5.000000e-01 : f32
    %mul3A_28 = vector.broadcast %mul3A_27 : f32 to vector<4000x128xf32>
    %mul3A_29 = arith.mulf %mul3A_28, %slice3A_26 : vector<4000x128xf32>
    %add3A_30 = arith.addf %mul3A_25, %mul3A_29 : vector<4000x128xf32>
    %swap3A_31 = arith.constant 0 : index
    %swap3A_32 = arith.constant 0 : index
    %swap3A_33 = vector.load %arg5[%swap3A_31, %swap3A_32] : memref<4000x128xf32, #tpu.memory_space<vmem>>, vector<4000x128xf32>
    tpu.vector_store %arg5[%swap3A_31, %swap3A_32], %add3A_30 {strides = array<i32>} : memref<4000x128xf32, #tpu.memory_space<vmem>>, vector<4000x128xf32>,
    return
  }
}

</mosaic_0001>

<sc_bundles>
// kernel: gather_offload_async_start
scs
__scs_entry_jumppad:
0x0: {  	(pc) =	sbr.rel $0x88, $3  }
0x1: {  	(tag) =	ssettag $0x0;
	lr =	simm.s32 $0x1  }
0x2: {  	[smem:$0x3F90] =	sst lr;
	_ =	strace $0xD0000000  }
0x3: {  	_ = 	snop  }
0x4: {  	_ = 	snop  }
0x5: {  	_ = 	snop  }
0x6: {  	_ = 	snop  }
0x7: {  	_ = 	snop  }
__scs_overlays_trampoline_lowered:
0x8: {  	[smem:$0x3F9F] =	sst s0  }
0x9: {  	[smem:$0x3FA0] =	sst s1  }
0xa: {  	[smem:$0x3FA1] =	sst s2  }
0xb: {  	[smem:$0x3FA2] =	sst s3  }
0xc: {  	[smem:$0x3FA3] =	sst s4  }
0xd: {  	[smem:$0x3FA4] =	sst s5  }
0xe: {  	[smem:$0x3FA5] =	sst s6  }
0xf: {  	[smem:$0x3FA6] =	sst s7  }
0x10: {  	[smem:$0x3FA7] =	sst s8  }
0x11: {  	[smem:$0x3FA8] =	sst s9;
	s0 =	simm.s32 @!p0 $0x0  }
0x12: {  	s1 =	sld [smem:$0x3F8E];
	s0 =	simm.s32 @p0 $0x1  }
0x13: {  	[smem:$0x3FA9] =	sst s0;
	s0 =	simm.s32 @!p1 $0x0  }
0x14: {  	s2 =	sld [smem:$0x3F8D];
	s0 =	simm.s32 @p1 $0x1  }
0x15: {  	[smem:$0x3FAA] =	sst s0;
	s0 =	simm.s32 @!p2 $0x0  }
0x16: {  	s3 =	sld [smem:$0x3FDB];
	s0 =	simm.s32 @p2 $0x1  }
0x17: {  	s4 =	simm.s32 $0x1BF5;
	[smem:$0x3FAC] =	sst s0  }
0x18: {  	s0 =	sld [smem:$0x3F8F];
	_ =	swait.ge [sflag:s4], $0x0  }
0x19: {  	s7 =	sld [smem:$0x3F90]  }
0x1a: {  	s8 =	sadd.s32 $0xFFFFE003, lr  }
0x1b: {  	s9 =	sadd.s32 $0xFFFFFEF7, lr;
	s5 =	simm.s32 $0xFFFFFFFF;
	p2 =	slt.u32 s8, $0xFFFFF086  }
0x1c: {  	p1 =	slt.u32 s9, $0xF7A;
	s5 =	simm.s32 @!p2 $0x0  }
0x1d: {  	s5 =	simm.s32 @p1 $0x1;
	p0 =	seq.s32 s7, s2  }
0x1e: {  	s7 =	smul.u32 @!p0 $0xF7A, s2;
	p2 =	seq.s32 @!p0 s5, $0x0  }
0x1f: {  	s9 =	smul.u32 $0xF7A, s1;
	s8 =	simm.s32 @!p0 $0x1BF5;
	p2 =	por !p2, p0  }
0x20: {  	[sflag:s8] =	ssyncset.s32 @!p0 $0xFFFFF086;
	s6 =	sadd.s32 @!p0 s3, s7;
	s7 =	simm.s32 @!p0 $0x108  }
0x21: {  	s3 =	sadd.s32 s3, s9;
	s6 =	sadd.s32 @!p0 $0x88, s6;
	s7 =	simm.s32 @p2 $0x1082  }
0x22: {  	[simem:s7], [sflag:s8] =	dma.local @!p0 [hbm:s6], $0xF7A  }
0x23: {  	s9 =	sor.u32 $0xD0000000, s2;
	s6 =	simm.s32 $0x108;
	_ =	swait.ge @!p0 [sflag:s8], $0x0  }
0x24: {  	s3 =	sadd.s32 $0x88, s3;
	s6 =	simm.s32 @!p1 $0x1082;
	[sflag:s4] =	ssyncset.s32 $0xFFFFF086  }
0x25: {  	[simem:s6], [sflag:s4] =	dma.local [hbm:s3], $0xF7A  }
0x26: {  	[smem:$0x3F90] =	sst s1;
	(tag) =	ssettag s2;
	_ =	strace s9  }
0x27: {  	s1 =	sld [smem:$0x3FA0]  }
0x28: {  	s2 =	sld [smem:$0x3FA1]  }
0x29: {  	s4 =	sld [smem:$0x3FA3]  }
0x2a: {  	p0 =	seq.s32 s5, $0x0;
	s5 =	sld [smem:$0x3FA4]  }
0x2b: {  	s6 =	sld [smem:$0x3FA5]  }
0x2c: {  	s7 =	sld [smem:$0x3FA6]  }
0x2d: {  	s3 =	simm.s32 $0x108;
	s8 =	sld [smem:$0x3FA7]  }
0x2e: {  	s3 =	simm.s32 @!p0 $0x1082;
	s9 =	sld [smem:$0x3FA8]  }
0x2f: {  	lr =	sadd.s32 s0, s3;
	s0 =	sld [smem:$0x3F9F]  }
0x30: {  	s3 =	sld [smem:$0x3FA2]  }
0x31: {  	[smem:$0x3FAB] =	sst s10  }
0x32: {  	s10 =	sld [smem:$0x3FA9];
	_ =	sdelay $0x3  }
0x33: {  	p0 =	seq.s32 s10, $0x1;
	s10 =	sld [smem:$0x3FAB];
	_ =	sdelay $0x3  }
0x34: {  	[smem:$0x3FAB] =	sst s10  }
0x35: {  	s10 =	sld [smem:$0x3FAA];
	_ =	sdelay $0x3  }
0x36: {  	p1 =	seq.s32 s10, $0x1;
	s10 =	sld [smem:$0x3FAB];
	_ =	sdelay $0x3  }
0x37: {  	[smem:$0x3FAB] =	sst s10  }
0x38: {  	s10 =	sld [smem:$0x3FAC]  }
0x39: {  	_ = 	snop;
	(pc) =	sbr.ind lr, $3  }
0x3a: {  	_ = 	snop  }
0x3b: {  	_ = 	snop  }
0x3c: {  	p2 =	seq.s32 s10, $0x1;
	s10 =	sld [smem:$0x3FAB]  }
0x3d: {  	_ =	shalt  }
0x3e: {  	_ =	shalt  }
0x3f: {  	_ =	shalt  }
0x40: {  	_ =	shalt  }
0x41: {  	_ =	shalt  }
0x42: {  	_ =	shalt  }
0x43: {  	_ =	shalt  }
0x44: {  	_ =	shalt  }
0x45: {  	_ =	shalt  }
0x46: {  	_ =	shalt  }
0x47: {  	_ =	shalt  }
0x48: {  	_ =	shalt  }
0x49: {  	_ =	shalt  }
0x4a: {  	_ =	shalt  }
0x4b: {  	_ =	shalt  }
0x4c: {  	_ =	shalt  }
0x4d: {  	_ =	shalt  }
0x4e: {  	_ =	shalt  }
0x4f: {  	_ =	shalt  }
0x50: {  	_ =	shalt  }
0x51: {  	_ =	shalt  }
0x52: {  	_ =	shalt  }
0x53: {  	_ =	shalt  }
0x54: {  	_ =	shalt  }
0x55: {  	_ =	shalt  }
0x56: {  	_ =	shalt  }
0x57: {  	_ =	shalt  }
0x58: {  	_ =	shalt  }
0x59: {  	_ =	shalt  }
0x5a: {  	_ =	shalt  }
0x5b: {  	_ =	shalt  }
0x5c: {  	_ =	shalt  }
0x5d: {  	_ =	shalt  }
0x5e: {  	_ =	shalt  }
0x5f: {  	_ =	shalt  }
0x60: {  	_ =	shalt  }
0x61: {  	_ =	shalt  }
0x62: {  	_ =	shalt  }
0x63: {  	_ =	shalt  }
0x64: {  	_ =	shalt  }
0x65: {  	_ =	shalt  }
0x66: {  	_ =	shalt  }
0x67: {  	_ =	shalt  }
0x68: {  	_ =	shalt  }
0x69: {  	_ =	shalt  }
0x6a: {  	_ =	shalt  }
0x6b: {  	_ =	shalt  }
0x6c: {  	_ =	shalt  }
0x6d: {  	_ =	shalt  }
0x6e: {  	_ =	shalt  }
0x6f: {  	_ =	shalt  }
0x70: {  	_ =	shalt  }
0x71: {  	_ =	shalt  }
0x72: {  	_ =	shalt  }
0x73: {  	_ =	shalt  }
0x74: {  	_ =	shalt  }
0x75: {  	_ =	shalt  }
0x76: {  	_ =	shalt  }
0x77: {  	_ =	shalt  }
0x78: {  	_ =	shalt  }
0x79: {  	_ =	shalt  }
0x7a: {  	_ =	shalt  }
0x7b: {  	_ =	shalt  }
0x7c: {  	_ =	shalt  }
0x7d: {  	_ =	shalt  }
0x7e: {  	_ =	shalt  }
0x7f: {  	_ =	shalt  }
0x80: {  	_ =	shalt  }
0x81: {  	_ =	shalt  }
0x82: {  	_ =	shalt  }
0x83: {  	_ =	shalt  }
0x84: {  	_ =	shalt  }
0x85: {  	_ =	shalt  }
0x86: {  	_ =	shalt  }
0x87: {  	_ =	shalt  }
.Lfunc_end0:
.L_simem_size_0:
called_computation_lowered:
.L_overlay_start_0:
0x88: {  	s2 =	sld [smem:$0x3FD9]  }
0x89: {  	s3 =	sld [smem:$0x3FFE];
	_ =	sdelay $0x1  }
0x8a: {  	s1 =	srdreg.scid  }
0x8b: {  	s0 =	sand.u32 $0x1, s1  }
0x8c: {  	s17 =	sshll.u32 s0, $0xA;
	s2 =	sadd.s32 s3, s2  }
0x8d: {  	s2 =	sadd.s32 s2, s17  }
0x8e: {  	[smem:$0x3FB7] =	sst s2  }
0x8f: {  	_ = 	snop  }
0x90: {  	s18 =	sld [smem:$0x3FBA];
	(tm) =	ssettm $0x1  }
0x91: {  	s19 =	sld [smem:$0x3FFB];
	_ =	sdelay $0x3  }
0x92: {  	_ =	strace s19  }
0x93: {  	s2 =	sld [smem:$0x3FFC];
	_ =	sdelay $0x3  }
0x94: {  	_ =	strace s2  }
0x95: {  	s2 =	sld [smem:$0x3FFD];
	_ =	sdelay $0x3  }
0x96: {  	_ =	strace s2  }
0x97: {  	_ =	strace $0x8FFFFFFF  }
0x98: {  	s20 =	sld [smem:$0x3FDB];
	_ =	sdelay $0x1  }
0x99: {  	s4 =	simm.s32 $_scs_section_size  }
0x9a: {  	s5 =	simm.s32 $_size__tile_overlayer_lowered;
	s6 =	simm.s32 $_tile_overlayer_lowered  }
0x9b: {  	s7 =	simm.s32 $0x1BFF;
	s21 =	sshll.u32 s6, $0x1;
	s4 =	sadd.s32 s4, s20  }
0x9c: {  	s22 =	simm.s32 $0x0;
	s5 =	sshll.u32 s5, $0x1;
	s6 =	sadd.s32 s21, s4  }
0x9d: {  	[timem:s22], [sflag:s7] =	dma.local [hbm:s6], s5  }
0x9e: {  	_ =	swait.ge [sflag:s7], s5  }
0x9f: {  	s5 =	ssub.s32 $0x0, s5;
	[sflag:s7] =	ssyncset.done $0x0  }
0xa0: {  	[sflag:s7] =	ssyncadd.s32 s5;
	_ =	sdelay $0x1  }
0xa1: {  	s23 =	simm.s32 $0x1B8B  }
0xa2: {  	_ =	swait.ge [sflag:s23], $0x1  }
0xa3: {  	[sflag:s23] =	ssyncset.done $0x0  }
0xa4: {  	[sflag:s23] =	ssyncadd.s32 $0xFFFFFFFF  }
0xa5: {  	s5 =	sld [smem:$0x0]  }
0xa6: {  	s6 =	sand.u32 $0xFFFFFFFE, s1  }
0xa7: {  	p0 =	sne.s32 s1, s6  }
0xa8: {  	s6 =	sshll.u32 @p0 s6, $0xE  }
0xa9: {  	s6 =	sadd.s32 @p0 $0x11B8D, s6;
	s7 =	sshll.u32 @p0 s5, $0x11  }
0xaa: {  	s6 =	sor.u32 @p0 s7, s6  }
0xab: {  	[sflag:s6] =	ssyncadd.remote.s32 @p0 $0x1;
	_ =	sdelay $0x1  }
0xac: {  	s6 =	simm.s32 @p0 $0x1B8D  }
0xad: {  	_ =	swait.eq @p0 [sflag:s6], $0x1  }
0xae: {  	[sflag:s6] =	ssyncadd.s32 @p0 $0xFFFFFFFF  }
0xaf: {  	s7 =	sshll.u32 @!p0 s1, $0xE  }
0xb0: {  	s7 =	sor.u32 @!p0 $0x4000, s7;
	s6 =	simm.s32 @!p0 $0x1B8D  }
0xb1: {  	s5 =	sshll.u32 @!p0 s5, $0x11;
	s7 =	sadd.s32 @!p0 $0x11B8D, s7;
	_ =	swait.eq @!p0 [sflag:s6], $0x1  }
0xb2: {  	s5 =	sor.u32 @!p0 s5, s7;
	[sflag:s6] =	ssyncadd.s32 @!p0 $0xFFFFFFFF  }
0xb3: {  	s25 =	simm.s32 $0x1B8E;
	s24 =	sld [smem:$0x3FFE];
	[sflag:s5] =	ssyncadd.remote.s32 @!p0 $0x1  }
0xb4: {  	s26 =	simm.s32 $execute0_lowered;
	[smem:$0x3FD2] =	sst s25  }
0xb5: {  	s6 =	sshll.u32 s26, $0x1;
	_ =	strace $0x8000005B;
	[dreg:$0x1] =	wrdreg $0xFFFFFFFF  }
0xb6: {  	s28 =	simm.s32 $_size_execute0_lowered;
	s4 =	sadd.s32 s4, s6;
	[dreg:$0x0] =	wrdreg $0x0  }
0xb7: {  	s6 =	sshll.u32 s28, $0x1;
	[dreg:$0x2] =	wrdreg s4  }
0xb8: {  	[dreg:$0x3] =	wrdreg s6  }
0xb9: {  	[dreg:$0x4] =	wrdreg $0xC0  }
0xba: {  	_ =	task [dreg:s22], $0x5FFFF  }
0xbb: {  	[dreg:$0x1] =	wrdreg $0xFFFFFFFF  }
0xbc: {  	[dreg:$0x0] =	wrdreg $0x60  }
0xbd: {  	[dreg:$0x2] =	wrdreg s18  }
0xbe: {  	[dreg:$0x3] =	wrdreg s24  }
0xbf: {  	[dreg:$0x4] =	wrdreg $0xA  }
0xc0: {  	_ =	task.clear_ibuf [dreg:s22], $0x5FFFF;
	_ =	strace $0x9000005B  }
0xc1: {  	s29 =	simm.s32 $0xA;
	_ =	strace $0x8000005D  }
0xc2: {  	_ =	swait.ge [sflag:s29], $0x1  }
0xc3: {  	[sflag:s29] =	ssyncadd.s32 $0xFFFFFFFF  }
0xc4: {  	_ =	strace $0x9000005D  }
0xc5: {  	_ =	sfence  }
0xc6: {  	s30 =	sld [smem:$0x0];
	_ =	sdelay $0x2  }
0xc7: {  	s31 =	sshll.u32 s1, $0xD;
	s1 =	sshrl.u32 s1, $0x2  }
0xc8: {  	s4 =	sand.u32 $0x4000, s31;
	s1 =	sadd.s32 s1, s30  }
0xc9: {  	s0 =	sor.u32 s4, s0;
	s1 =	sshll.u32 s1, $0x11  }
0xca: {  	s0 =	sor.u32 s1, s0  }
0xcb: {  	s0 =	sadd.s32 $0x8F2B, s0  }
0xcc: {  	[sflag:s0] =	ssyncadd.remote.s32 $0x1  }
0xcd: {  	_ =	sfence.sel $0xFFFF  }
0xce: {  	[dreg:$0x0] =	wrdreg $0xFFFFFFFF;
	(pc) =	sbr.abs _section_cstart, $3  }
0xcf: {  	[dreg:$0x1] =	wrdreg $0xFFFFFFFF  }
0xd0: {  	_ =	task.clear_ibuf [dreg:s22], $0x2FFFF;
	_ =	strace $0x9FFFFFFF  }
0xd1: {  	(tm) =	ssettm $0x7FFFFFFF  }
tec
execute0_lowered:
.L_overlay_start_1:
0x0: {  	(tag) =	ssettag $0x1  }
0x1: {  	s1 =	srdreg.scid;
	s2 =	rddreg [dreg:$0x0]  }
0x2: {  	s0 =	stileid.u32;
	s5 =	rddreg [dreg:$0x1];
	s6 =	simm.s32 $0x1  }
0x3: {  	s9 =	simm.s32 $0x1;
	s10 =	simm.s32 $0x3;
	s1 =	sshll.u32 s1, $0x6  }
0x4: {  	s13 =	simm.s32 $0x0;
	s3 =	sshll.u32 s0, $0x7;
	s4 =	sand.u32 $0x40, s1  }
0x5: {  	s12 =	simm.s32 $0x0;
	s1 =	rddreg [dreg:$0x2];
	s3 =	sor.u32 s3, s4  }
0x6: {  	_ =	strace $0x8000005C;
	s4 =	sadd.s32 $0x65600, s5;
	s8 =	ssub.s32 $0x1000, s3  }
.Ltmp0:
0x7: {  	s5 =	sadd.s32 $0x5200, s5;
	s7 =	sand.u32 $0x7C0, s8;
	(pc) =	sbr.rel .LBB2_1-.Ltmp0, $4  }
0x8: {  	[sflag:s6] =	ssyncpa.u1 $0x0;
	s11 =	smov.u32 s3;
	p0 =	sne.s32 s7, $0x0  }
0x9: {  	s8 =	sshrl.u32 s8, $0xB;
	s7 =	simm.s32 $0x2;
	s9 =	simm.s32 @!p0 $0x0  }
0xa: {  	[sflag:s7] =	ssyncpa.u1 $0x0;
	p0 =	por $0x0, $0x0;
	s8 =	sadd.s32 s9, s8  }
0xb: {  	vm0 =	vmmov $0xffff;
	[sflag:s10] =	ssyncpa.u1 $0x0;
	s10 =	simm.s32 $0x0;
	s9 =	sadd.s32 $0x1, s8  }
.LBB2_4:
0xc: {  	v2 =	vnsel vm1, $0x0, v2  }
0xd: {  	vm1 =	vgt.s32 v0, $0x0;
	v2 =	vmin.u32 v2, $0xFFF  }
0xe: {  	v0 =	vnsel vm1, $0x0, v0  }
0xf: {  	v0 =	vmin.u32 v0, $0xFFF  }
0x10: {  	[tilespmem:s15], [sflag:$0x1] =	stream.indirect_vreg.gather [hbm4b:s2+s10], $0x1, v1, vm0, $0x4038;
	[tilespmem:$0x100] =	vst v63  }
0x11: {  	(ifvalue) =	ssetifvalue $0x7FFFFFFF  }
0x12: {  	[tilespmem:s16], [sflag:$0x1] =	stream.indirect_vreg.gather [hbm4b:s2+s10], $0x1, v2, vm0, $0x4038;
	[tilespmem:$0x100] =	vst v63  }
0x13: {  	s29 =	sadd.s32 $0x10, s16;
	(ifvalue) =	ssetifvalue $0x7FFFFFFF  }
0x14: {  	[tilespmem:s29], [sflag:$0x1] =	stream.indirect_vreg.gather [hbm4b:s2+s10], $0x1, v0, vm0, $0x4038;
	[tilespmem:$0x100] =	vst v63  }
0x15: {  	_ =	swait.ge [sflag:s6], $0x40  }
0x16: {  	s30 =	sshrl.u32 s13, $0x3;
	[sflag:s6] =	ssyncset.done $0x0  }
0x17: {  	s31 =	sand.u32 $0x7, s13;
	s15 =	sadd.s32 s5, s30;
	[sflag:s6] =	ssyncadd.s32 $0xFFFFFFC0  }
0x18: {  	[hbm4b:s15+s31] =	stream.linear.scatter [tilespmem:s14], [sflag:$0x3], $0x40, $0x38;
	[tilespmem:$0x100] =	vst v63  }
.LBB2_5:
0x19: {  	s15 =	sadd.s32 $0x800, s11  }
0x1a: {  	p2 =	sgt.s32 s15, $0xFFF  }
0x1b: {  	s15 =	smov.u32 @p2 s3;
	p2 =	sne.s32 s12, s9  }
.Ltmp1:
0x1c: {  	p1 =	slt.u32 s12, $0x2;
	(pc) =	sbr.rel @!p2 .LBB2_6-.Ltmp1, $4  }
0x1d: {  	s14 =	simm.s32 @!p1 $0x3  }
0x1e: {  	s16 =	sadd.s32 $0x1, s12;
	_ =	swait.ge @!p1 [sflag:s14], $0x40  }
0x1f: {  	s13 =	smov.u32 s11;
	p0 =	por !p0, !p0;
	[sflag:s14] =	ssyncset.done @!p1 $0x0  }
0x20: {  	s12 =	smov.u32 s16;
	s11 =	smov.u32 s15;
	[sflag:s14] =	ssyncadd.s32 @!p1 $0xFFFFFFC0  }
.LBB2_1:
0x21: {  	p1 =	sge.u32 s12, s8  }
0x22: {  	s14 =	sxor.u32 @!p1 $0xFFFFFFFF, s12  }
0x23: {  	s31 =	sadd.s32 $0xFFFFFFFF, s12;
	s15 =	sshrl.u32 @!p1 s11, $0x3;
	s14 =	sshll.u32 @!p1 s14, $0x6  }
0x24: {  	s16 =	sand.u32 @!p1 $0x7, s11;
	s15 =	sadd.s32 @!p1 s4, s15;
	s14 =	sand.u32 @!p1 $0x40, s14  }
0x25: {  	[tilespmem:s14], [sflag:$0x2] =	stream.linear.gather @!p1 [hbm4b:s15+s16], $0x40, $0x38;
	[tilespmem:$0x100] =	vst v63  }
0x26: {  	p1 =	sge.u32 s31, s8  }
.Ltmp2:
0x27: {  	_ = 	snop;
	(pc) =	sbr.rel @p1 .LBB2_5-.Ltmp2, $1  }
0x28: {  	_ =	sdelay $0x3  }
0x29: {  	s14 =	simm.s32 $0x1  }
0x2a: {  	_ =	swait.ge [sflag:s7], $0x40;
	s14 =	simm.s32 @!p0 $0x0  }
0x2b: {  	[sflag:s7] =	ssyncset.done $0x0;
	s14 =	sshll.u32 s14, $0x6  }
0x2c: {  	[sflag:s7] =	ssyncadd.s32 $0xFFFFFFC0;
	(ifvalue) =	ssetifvalue $0x7FFFFFFF;
	v0 =	vld.msk [tilespmem:s14+$0x0 ss:$0x1], $0xffff;
	_ =	sdelay $0x4  }
0x2d: {  	s15 =	sadd.s32 $0x10, s14;
	vm1 =	vgt.s32 v0, $0x0  }
0x2e: {  	v2 =	vld.msk [tilespmem:s15+$0x0 ss:$0x1], $0xffff;
	v1 =	vnsel vm1, $0x0, v0  }
0x2f: {  	v1 =	vmin.u32 v1, $0xFFF;
	_ =	sdelay $0x1  }
0x30: {  	s16 =	sshll.u32 s12, $0x6;
	s18 =	simm.s32 $0x20  }
0x31: {  	s16 =	sand.u32 $0x40, s16;
	s17 =	sadd.s32 $0x10, s15;
	s15 =	sor.u32 $0x80, s14  }
0x32: {  	s14 =	sor.u32 $0x80, s16;
	s16 =	sadd.s32 $0x10, s15;
	v0 =	vld.msk [tilespmem:s17+$0x0 ss:$0x1], $0xffff;
	vm1 =	vgt.s32 v2, $0x0;
	(ifvalue) =	ssetifvalue $0x7FFFFFFF  }
.LBB2_3:
0x33: {  	[tilespmem:s15], [sflag:$0x1] =	stream.indirect_vreg.gather [hbm4b:s2+s10], $0x1, v1, vm0, $0x4038;
	[tilespmem:$0x100] =	vst v63  }
0x34: {  	s18 =	sadd.s32 $0x10, s18  }
0x35: {  	v2 =	vnsel vm1, $0x0, v2;
	p1 =	slt.u32 s18, $0x30  }
.Ltmp3:
0x36: {  	s15 =	smov.u32 s16;
	v1 =	vmin.u32 v2, $0xFFF;
	(pc) =	sbr.rel @p1 .LBB2_3-.Ltmp3, $3  }
0x37: {  	_ =	sdelay $0x1  }
0x38: {  	s17 =	sadd.s32 $0x10, s17  }
0x39: {  	vm1 =	vgt.s32 v0, $0x0;
	s16 =	sadd.s32 $0x10, s16;
	v2 =	vmov v0;
	(ifvalue) =	ssetifvalue $0x7FFFFFFF;
	v0 =	vld.msk [tilespmem:s17+$0x0 ss:$0x1], $0xffff  }
.Ltmp4:
0x3a: {  	_ = 	snop;
	(pc) =	sbr.rel .LBB2_4-.Ltmp4, $1  }
0x3b: {  	_ =	sdelay $0x3  }
.LBB2_6:
0x3c: {  	_ =	sfence.sel $0x180000  }
0x3d: {  	s2 =	simm.s32 $0x2;
	[bflag:$0x0] =	sbarrier.arrive $0xFFFF  }
0x3e: {  	s30 =	simm.s32 $0x3;
	[sflag:s2] =	ssyncpa.u1 $0x1  }
0x3f: {  	s31 =	simm.s32 $0x1;
	[sflag:s30] =	ssyncpa.u1 $0x1  }
0x40: {  	[sflag:s31] =	ssyncpa.u1 $0x1  }
0x41: {  	p0 =	sne.s32 s0, $0x0;
	_ =	strace $0x9000005C  }
0x42: {  	s0 =	sadd.s32 @!p0 $0x100000, s1;
	[bflag:$0x2] =	sbarrier.arrive $0xFFFF  }
0x43: {  	[sflag:s0] =	ssyncadd.tile.s32 @!p0 $0x1;
	_ =	shalt  }
.Lfunc_end2:
_tile_overlayer_lowered:
.L_overlay_start_2:
0x44: {  	(tag) =	ssettag $0x2  }
0x45: {  	s0 =	rddreg [dreg:$0x0];
	s2 =	stileid.u32  }
0x46: {  	s1 =	rddreg [dreg:$0x1];
	p0 =	sne.s32 s2, $0x0  }
0x47: {  	s3 =	rddreg [dreg:$0x2];
	[bflag:$0x3] =	sbarrier.arrive $0xFFFF;
	s2 =	simm.s32 @!p0 $0x1C01  }
0x48: {  	[timem:s3], [sflag:s2] =	dma.local @!p0 [hbm:s0], s1  }
0x49: {  	s0 =	simm.s32 @!p0 $0x1  }
0x4a: {  	_ =	swait.ge @!p0 [sflag:s0], s1  }
0x4b: {  	s1 =	ssub.s32 @!p0 $0x0, s1;
	[sflag:s0] =	ssyncset.done @!p0 $0x0  }
0x4c: {  	[sflag:s0] =	ssyncadd.s32 @!p0 s1  }
0x4d: {  	[bflag:$0x3] =	sbarrier.arrive $0xFFFF  }
0x4e: {  	_ =	shalt  }

// kernel: kernel.20.cloned.1.call-start
scs
__scs_entry_jumppad:
0x0: {  	(pc) =	sbr.rel $0x88, $3  }
0x1: {  	(tag) =	ssettag $0x0;
	lr =	simm.s32 $0x1  }
0x2: {  	[smem:$0x3F90] =	sst lr;
	_ =	strace $0xD0000000  }
0x3: {  	_ = 	snop  }
0x4: {  	_ = 	snop  }
0x5: {  	_ = 	snop  }
0x6: {  	_ = 	snop  }
0x7: {  	_ = 	snop  }
__scs_overlays_trampoline_lowered:
0x8: {  	[smem:$0x3F9F] =	sst s0  }
0x9: {  	[smem:$0x3FA0] =	sst s1  }
0xa: {  	[smem:$0x3FA1] =	sst s2  }
0xb: {  	[smem:$0x3FA2] =	sst s3  }
0xc: {  	[smem:$0x3FA3] =	sst s4  }
0xd: {  	[smem:$0x3FA4] =	sst s5  }
0xe: {  	[smem:$0x3FA5] =	sst s6  }
0xf: {  	[smem:$0x3FA6] =	sst s7  }
0x10: {  	[smem:$0x3FA7] =	sst s8  }
0x11: {  	[smem:$0x3FA8] =	sst s9;
	s0 =	simm.s32 @!p0 $0x0  }
0x12: {  	s1 =	sld [smem:$0x3F8E];
	s0 =	simm.s32 @p0 $0x1  }
0x13: {  	[smem:$0x3FA9] =	sst s0;
	s0 =	simm.s32 @!p1 $0x0  }
0x14: {  	s2 =	sld [smem:$0x3F8D];
	s0 =	simm.s32 @p1 $0x1  }
0x15: {  	[smem:$0x3FAA] =	sst s0;
	s0 =	simm.s32 @!p2 $0x0  }
0x16: {  	s3 =	sld [smem:$0x3FDB];
	s0 =	simm.s32 @p2 $0x1  }
0x17: {  	s4 =	simm.s32 $0x1BF5;
	[smem:$0x3FAC] =	sst s0  }
0x18: {  	s0 =	sld [smem:$0x3F8F];
	_ =	swait.ge [sflag:s4], $0x0  }
0x19: {  	s7 =	sld [smem:$0x3F90]  }
0x1a: {  	s8 =	sadd.s32 $0xFFFFE003, lr  }
0x1b: {  	s9 =	sadd.s32 $0xFFFFFEF7, lr;
	s5 =	simm.s32 $0xFFFFFFFF;
	p2 =	slt.u32 s8, $0xFFFFF086  }
0x1c: {  	p1 =	slt.u32 s9, $0xF7A;
	s5 =	simm.s32 @!p2 $0x0  }
0x1d: {  	s5 =	simm.s32 @p1 $0x1;
	p0 =	seq.s32 s7, s2  }
0x1e: {  	s7 =	smul.u32 @!p0 $0xF7A, s2;
	p2 =	seq.s32 @!p0 s5, $0x0  }
0x1f: {  	s9 =	smul.u32 $0xF7A, s1;
	s8 =	simm.s32 @!p0 $0x1BF5;
	p2 =	por !p2, p0  }
0x20: {  	[sflag:s8] =	ssyncset.s32 @!p0 $0xFFFFF086;
	s6 =	sadd.s32 @!p0 s3, s7;
	s7 =	simm.s32 @!p0 $0x108  }
0x21: {  	s3 =	sadd.s32 s3, s9;
	s6 =	sadd.s32 @!p0 $0x88, s6;
	s7 =	simm.s32 @p2 $0x1082  }
0x22: {  	[simem:s7], [sflag:s8] =	dma.local @!p0 [hbm:s6], $0xF7A  }
0x23: {  	s9 =	sor.u32 $0xD0000000, s2;
	s6 =	simm.s32 $0x108;
	_ =	swait.ge @!p0 [sflag:s8], $0x0  }
0x24: {  	s3 =	sadd.s32 $0x88, s3;
	s6 =	simm.s32 @!p1 $0x1082;
	[sflag:s4] =	ssyncset.s32 $0xFFFFF086  }
0x25: {  	[simem:s6], [sflag:s4] =	dma.local [hbm:s3], $0xF7A  }
0x26: {  	[smem:$0x3F90] =	sst s1;
	(tag) =	ssettag s2;
	_ =	strace s9  }
0x27: {  	s1 =	sld [smem:$0x3FA0]  }
0x28: {  	s2 =	sld [smem:$0x3FA1]  }
0x29: {  	s4 =	sld [smem:$0x3FA3]  }
0x2a: {  	p0 =	seq.s32 s5, $0x0;
	s5 =	sld [smem:$0x3FA4]  }
0x2b: {  	s6 =	sld [smem:$0x3FA5]  }
0x2c: {  	s7 =	sld [smem:$0x3FA6]  }
0x2d: {  	s3 =	simm.s32 $0x108;
	s8 =	sld [smem:$0x3FA7]  }
0x2e: {  	s3 =	simm.s32 @!p0 $0x1082;
	s9 =	sld [smem:$0x3FA8]  }
0x2f: {  	lr =	sadd.s32 s0, s3;
	s0 =	sld [smem:$0x3F9F]  }
0x30: {  	s3 =	sld [smem:$0x3FA2]  }
0x31: {  	[smem:$0x3FAB] =	sst s10  }
0x32: {  	s10 =	sld [smem:$0x3FA9];
	_ =	sdelay $0x3  }
0x33: {  	p0 =	seq.s32 s10, $0x1;
	s10 =	sld [smem:$0x3FAB];
	_ =	sdelay $0x3  }
0x34: {  	[smem:$0x3FAB] =	sst s10  }
0x35: {  	s10 =	sld [smem:$0x3FAA];
	_ =	sdelay $0x3  }
0x36: {  	p1 =	seq.s32 s10, $0x1;
	s10 =	sld [smem:$0x3FAB];
	_ =	sdelay $0x3  }
0x37: {  	[smem:$0x3FAB] =	sst s10  }
0x38: {  	s10 =	sld [smem:$0x3FAC]  }
0x39: {  	_ = 	snop;
	(pc) =	sbr.ind lr, $3  }
0x3a: {  	_ = 	snop  }
0x3b: {  	_ = 	snop  }
0x3c: {  	p2 =	seq.s32 s10, $0x1;
	s10 =	sld [smem:$0x3FAB]  }
0x3d: {  	_ =	shalt  }
0x3e: {  	_ =	shalt  }
0x3f: {  	_ =	shalt  }
0x40: {  	_ =	shalt  }
0x41: {  	_ =	shalt  }
0x42: {  	_ =	shalt  }
0x43: {  	_ =	shalt  }
0x44: {  	_ =	shalt  }
0x45: {  	_ =	shalt  }
0x46: {  	_ =	shalt  }
0x47: {  	_ =	shalt  }
0x48: {  	_ =	shalt  }
0x49: {  	_ =	shalt  }
0x4a: {  	_ =	shalt  }
0x4b: {  	_ =	shalt  }
0x4c: {  	_ =	shalt  }
0x4d: {  	_ =	shalt  }
0x4e: {  	_ =	shalt  }
0x4f: {  	_ =	shalt  }
0x50: {  	_ =	shalt  }
0x51: {  	_ =	shalt  }
0x52: {  	_ =	shalt  }
0x53: {  	_ =	shalt  }
0x54: {  	_ =	shalt  }
0x55: {  	_ =	shalt  }
0x56: {  	_ =	shalt  }
0x57: {  	_ =	shalt  }
0x58: {  	_ =	shalt  }
0x59: {  	_ =	shalt  }
0x5a: {  	_ =	shalt  }
0x5b: {  	_ =	shalt  }
0x5c: {  	_ =	shalt  }
0x5d: {  	_ =	shalt  }
0x5e: {  	_ =	shalt  }
0x5f: {  	_ =	shalt  }
0x60: {  	_ =	shalt  }
0x61: {  	_ =	shalt  }
0x62: {  	_ =	shalt  }
0x63: {  	_ =	shalt  }
0x64: {  	_ =	shalt  }
0x65: {  	_ =	shalt  }
0x66: {  	_ =	shalt  }
0x67: {  	_ =	shalt  }
0x68: {  	_ =	shalt  }
0x69: {  	_ =	shalt  }
0x6a: {  	_ =	shalt  }
0x6b: {  	_ =	shalt  }
0x6c: {  	_ =	shalt  }
0x6d: {  	_ =	shalt  }
0x6e: {  	_ =	shalt  }
0x6f: {  	_ =	shalt  }
0x70: {  	_ =	shalt  }
0x71: {  	_ =	shalt  }
0x72: {  	_ =	shalt  }
0x73: {  	_ =	shalt  }
0x74: {  	_ =	shalt  }
0x75: {  	_ =	shalt  }
0x76: {  	_ =	shalt  }
0x77: {  	_ =	shalt  }
0x78: {  	_ =	shalt  }
0x79: {  	_ =	shalt  }
0x7a: {  	_ =	shalt  }
0x7b: {  	_ =	shalt  }
0x7c: {  	_ =	shalt  }
0x7d: {  	_ =	shalt  }
0x7e: {  	_ =	shalt  }
0x7f: {  	_ =	shalt  }
0x80: {  	_ =	shalt  }
0x81: {  	_ =	shalt  }
0x82: {  	_ =	shalt  }
0x83: {  	_ =	shalt  }
0x84: {  	_ =	shalt  }
0x85: {  	_ =	shalt  }
0x86: {  	_ =	shalt  }
0x87: {  	_ =	shalt  }
.Lfunc_end0:
.L_simem_size_0:
called_computation.1_lowered:
.L_overlay_start_0:
0x88: {  	s2 =	sld [smem:$0x3FD9]  }
0x89: {  	s3 =	sld [smem:$0x3FFE];
	_ =	sdelay $0x1  }
0x8a: {  	s1 =	srdreg.scid  }
0x8b: {  	s0 =	sand.u32 $0x1, s1  }
0x8c: {  	s14 =	sshll.u32 s0, $0xA;
	s2 =	sadd.s32 s3, s2  }
0x8d: {  	s2 =	sadd.s32 s2, s14  }
0x8e: {  	[smem:$0x3FB7] =	sst s2  }
0x8f: {  	_ = 	snop  }
0x90: {  	s2 =	sld [smem:$0x3FD0];
	_ =	sdelay $0x2  }
0x91: {  	s15 =	simm.s32 $0xC;
	s4 =	simm.s32 $0x10  }
0x92: {  	[smem:s4], [sflag:s15] =	dma.local [hbm:s2], $0x1  }
0x93: {  	_ =	swait.eq [sflag:s15], $0x1  }
0x94: {  	[sflag:s15] =	ssyncset.done $0x0  }
0x95: {  	[sflag:s15] =	ssyncadd.s32 $0xFFFFFFFF  }
0x96: {  	s16 =	sld [smem:$0x12];
	(tm) =	ssettm $0x1  }
0x97: {  	s17 =	sld [smem:$0x3FFB];
	_ =	sdelay $0x3  }
0x98: {  	_ =	strace s17  }
0x99: {  	s3 =	sld [smem:$0x3FFC];
	_ =	sdelay $0x3  }
0x9a: {  	_ =	strace s3  }
0x9b: {  	s3 =	sld [smem:$0x3FFD];
	_ =	sdelay $0x3  }
0x9c: {  	_ =	strace s3  }
0x9d: {  	_ =	strace $0x8FFFFFFF  }
0x9e: {  	s18 =	sld [smem:$0x3FDB];
	_ =	sdelay $0x1  }
0x9f: {  	s19 =	simm.s32 $_scs_section_size  }
0xa0: {  	s5 =	simm.s32 $_size__tile_overlayer_lowered;
	s6 =	simm.s32 $_tile_overlayer_lowered  }
0xa1: {  	s22 =	simm.s32 $0x1BFF;
	s21 =	sshll.u32 s6, $0x1;
	s3 =	sadd.s32 s19, s18  }
0xa2: {  	s7 =	simm.s32 $0x0;
	s20 =	sshll.u32 s5, $0x1;
	s5 =	sadd.s32 s21, s3  }
0xa3: {  	[timem:s7], [sflag:s22] =	dma.local [hbm:s5], s20  }
0xa4: {  	_ =	swait.ge [sflag:s22], s20  }
0xa5: {  	s4 =	ssub.s32 $0x0, s20;
	[sflag:s22] =	ssyncset.done $0x0  }
0xa6: {  	[sflag:s22] =	ssyncadd.s32 s4;
	_ =	sdelay $0x1  }
0xa7: {  	s23 =	simm.s32 $0x1B8B  }
0xa8: {  	_ =	swait.ge [sflag:s23], $0x1  }
0xa9: {  	[sflag:s23] =	ssyncset.done $0x0  }
0xaa: {  	s25 =	simm.s32 $0x1B8E;
	s24 =	sld [smem:$0x3FFE];
	[sflag:s23] =	ssyncadd.s32 $0xFFFFFFFF  }
0xab: {  	s26 =	simm.s32 $execute0_lowered;
	[smem:$0x3FD2] =	sst s25  }
0xac: {  	s5 =	sshll.u32 s26, $0x1;
	_ =	strace $0x80000046;
	[dreg:$0x1] =	wrdreg $0xFFFFFFFF  }
0xad: {  	s28 =	simm.s32 $_size_execute0_lowered;
	s3 =	sadd.s32 s3, s5;
	[dreg:$0x0] =	wrdreg $0x0  }
0xae: {  	s5 =	sshll.u32 s28, $0x1;
	[dreg:$0x2] =	wrdreg s3  }
0xaf: {  	[dreg:$0x3] =	wrdreg s5  }
0xb0: {  	[dreg:$0x4] =	wrdreg $0xC0  }
0xb1: {  	_ =	task [dreg:s7], $0x5FFFF  }
0xb2: {  	[dreg:$0x1] =	wrdreg $0xFFFFFFFF  }
0xb3: {  	[dreg:$0x0] =	wrdreg $0x60  }
0xb4: {  	[dreg:$0x2] =	wrdreg s24  }
0xb5: {  	[dreg:$0x3] =	wrdreg s16  }
0xb6: {  	[dreg:$0x4] =	wrdreg $0x9  }
0xb7: {  	_ =	task.clear_ibuf [dreg:s7], $0x5FFFF;
	_ =	strace $0x90000046  }
0xb8: {  	s29 =	simm.s32 $0x9;
	_ =	strace $0x80000048  }
0xb9: {  	_ =	swait.ge [sflag:s29], $0x1  }
0xba: {  	[sflag:s29] =	ssyncadd.s32 $0xFFFFFFFF  }
0xbb: {  	_ =	strace $0x90000048  }
0xbc: {  	_ =	sfence  }
0xbd: {  	s30 =	sld [smem:$0x0];
	_ =	sdelay $0x2  }
0xbe: {  	s31 =	sshll.u32 s1, $0xD;
	s1 =	sshrl.u32 s1, $0x2  }
0xbf: {  	s3 =	sand.u32 $0x4000, s31;
	s1 =	sadd.s32 s1, s30  }
0xc0: {  	s0 =	sor.u32 s3, s0;
	s1 =	sshll.u32 s1, $0x11  }
0xc1: {  	s0 =	sor.u32 s1, s0  }
0xc2: {  	s0 =	sadd.s32 $0x8F2B, s0  }
0xc3: {  	[sflag:s0] =	ssyncadd.remote.s32 $0x1  }
0xc4: {  	_ =	sfence.sel $0xFFFF  }
0xc5: {  	[dreg:$0x0] =	wrdreg $0xFFFFFFFF;
	(pc) =	sbr.abs _section_cstart, $3  }
0xc6: {  	[dreg:$0x1] =	wrdreg $0xFFFFFFFF  }
0xc7: {  	_ =	task.clear_ibuf [dreg:s7], $0x2FFFF;
	_ =	strace $0x9FFFFFFF  }
0xc8: {  	(tm) =	ssettm $0x7FFFFFFF  }
0xc9: {  	_ =	shalt  }
tec
execute0_lowered:
.L_overlay_start_1:
0x0: {  	(tag) =	ssettag $0x1  }
0x1: {  	s5 =	rddreg [dreg:$0x0];
	s1 =	srdreg.scid  }
0x2: {  	s0 =	stileid.u32;
	s2 =	rddreg [dreg:$0x1];
	s10 =	simm.s32 $0x80  }
0x3: {  	s11 =	simm.s32 $0x0;
	s4 =	sand.u32 $0x1, s1;
	s3 =	sshll.u32 s0, $0x1  }
0x4: {  	s1 =	rddreg [dreg:$0x2];
	s7 =	sshrl.u32 s0, $0x2;
	s6 =	sor.u32 s4, s3  }
0x5: {  	s3 =	simm.s32 $0x0;
	s7 =	smul.u32 $0x61C00, s7;
	s8 =	sshll.u32 s6, $0x7  }
0x6: {  	s31 =	ssub.s32 $0x2, s4;
	s4 =	sadd.s32 $0x5200, s5;
	s8 =	sand.u32 $0x380, s8  }
0x7: {  	[smem:$0x7FF] =	sst s3;
	s9 =	sshrl.u32 s31, $0x1;
	s7 =	sor.u32 s7, s8  }
0x8: {  	_ =	strace $0x80000047;
	s8 =	ssub.s32 s31, s9;
	s7 =	sshrl.u32 s7, $0x3  }
0x9: {  	s9 =	simm.s32 $0x1;
	s7 =	sadd.s32 s7, s5;
	s5 =	smul.u32 $0xC400, s6  }
0xa: {  	v0 =	vimm.f32 $1.000000000e+00;
	s6 =	sadd.s32 $0x36200, s7;
	s7 =	smax.u32 s8, $0x1;
	s8 =	simm.s32 $0x400  }
.LBB2_1:
0xb: {  	[tilespmem:s8], [sflag:$0x1] =	stream.linear.gather [hbm4b:s2+s3], $0xC380, $0x38;
	[tilespmem:$0xC780] =	vst v63  }
0xc: {  	_ =	swait.ge [sflag:s9], $0xC380  }
0xd: {  	[sflag:s9] =	ssyncset.done $0x0  }
0xe: {  	s12 =	simm.s32 $0x0;
	[sflag:s9] =	ssyncadd.s32 $0xFFFF3C80  }
.LBB2_2:
0xf: {  	s13 =	sshll.u32 s12, $0xA  }
0x10: {  	s13 =	sadd.s32 s5, s13  }
0x11: {  	s13 =	sshrl.u32 s13, $0x3  }
0x12: {  	s14 =	simm.s32 $0x0;
	s13 =	sadd.s32 s4, s13  }
0x13: {  	[tilespmem:s14], [sflag:$0x1] =	stream.linear.gather [hbm4b:s13+s14], $0x400, $0x38;
	[tilespmem:$0xC780] =	vst v63  }
0x14: {  	_ =	swait.ge [sflag:s9], $0x400  }
0x15: {  	[sflag:s9] =	ssyncset.done $0x0  }
0x16: {  	s14 =	simm.s32 $0x0;
	s13 =	simm.s32 $0x40;
	[sflag:s9] =	ssyncadd.s32 $0xFFFFFC00  }
.LBB2_3:
0x17: {  	p0 =	sne.s32 s13, $0xFC0;
	v1 =	vld [tilespmem:s14+$0x0];
	_ =	sdelay $0x3  }
.Ltmp0:
0x18: {  	(pc) =	sbr.rel @p0 .LBB2_3-.Ltmp0, $2  }
0x19: {  	_ =	sdelay $0x2  }
0x1a: {  	s14 =	sshra.s32 s13, $0x2;
	s13 =	sadd.s32 $0x40, s13;
	[tilespmem:v1+s8+$0x0] =	vst.idx.add.f32.msk $0xffff, v0  }
0x1b: {  	v1 =	vld [tilespmem:s14+$0x0];
	_ =	sdelay $0x1  }
0x1c: {  	s12 =	sadd.s32 $0x1, s12  }
0x1d: {  	p0 =	sne.s32 s12, $0x31  }
.Ltmp1:
0x1e: {  	_ = 	snop;
	(pc) =	sbr.rel @p0 .LBB2_2-.Ltmp1, $2  }
0x1f: {  	_ =	sdelay $0x2  }
0x20: {  	[tilespmem:v1+s8+$0x0] =	vst.idx.add.f32.msk $0xffff, v0  }
0x21: {  	s11 =	sadd.s32 $0x1, s11  }
0x22: {  	p0 =	sne.s32 s11, s7  }
.Ltmp2:
0x23: {  	_ = 	snop;
	(pc) =	sbr.rel @p0 .LBB2_1-.Ltmp2, $4  }
0x24: {  	[hbm4b:s6+s10] =	stream.strided.scatter [tilespmem:s8], [sflag:$0x1], $0xC380, s8, s10, $0x38;
	[tilespmem:$0xC780] =	vst v63  }
0x25: {  	_ =	swait.ge [sflag:s9], $0xC380  }
0x26: {  	[sflag:s9] =	ssyncset.done $0x0  }
0x27: {  	[sflag:s9] =	ssyncadd.s32 $0xFFFF3C80  }
0x28: {  	_ =	sfence.sel $0x180000  }
0x29: {  	[bflag:$0x0] =	sbarrier.arrive $0xFFFF  }
0x2a: {  	p0 =	sne.s32 s0, $0x0;
	_ =	strace $0x90000047  }
0x2b: {  	s0 =	sadd.s32 @!p0 $0x100000, s1;
	[bflag:$0x2] =	sbarrier.arrive $0xFFFF  }
0x2c: {  	[sflag:s0] =	ssyncadd.tile.s32 @!p0 $0x1;
	_ =	shalt  }
.Lfunc_end2:
_tile_overlayer_lowered:
.L_overlay_start_2:
0x2d: {  	(tag) =	ssettag $0x2  }
0x2e: {  	s0 =	rddreg [dreg:$0x0];
	s2 =	stileid.u32  }
0x2f: {  	s1 =	rddreg [dreg:$0x1];
	p0 =	sne.s32 s2, $0x0  }
0x30: {  	s3 =	rddreg [dreg:$0x2];
	[bflag:$0x3] =	sbarrier.arrive $0xFFFF;
	s2 =	simm.s32 @!p0 $0x1C01  }
0x31: {  	[timem:s3], [sflag:s2] =	dma.local @!p0 [hbm:s0], s1  }
0x32: {  	s0 =	simm.s32 @!p0 $0x1  }
0x33: {  	_ =	swait.ge @!p0 [sflag:s0], s1  }
0x34: {  	s1 =	ssub.s32 @!p0 $0x0, s1;
	[sflag:s0] =	ssyncset.done @!p0 $0x0  }
0x35: {  	[sflag:s0] =	ssyncadd.s32 @!p0 s1  }
0x36: {  	[bflag:$0x3] =	sbarrier.arrive $0xFFFF  }
0x37: {  	_ =	shalt  }

// kernel: kernel.23.cloned.1.call-start
scs
__scs_entry_jumppad:
0x0: {  	(pc) =	sbr.rel $0x88, $3  }
0x1: {  	(tag) =	ssettag $0x0;
	lr =	simm.s32 $0x1  }
0x2: {  	[smem:$0x3F90] =	sst lr;
	_ =	strace $0xD0000000  }
0x3: {  	_ = 	snop  }
0x4: {  	_ = 	snop  }
0x5: {  	_ = 	snop  }
0x6: {  	_ = 	snop  }
0x7: {  	_ = 	snop  }
__scs_overlays_trampoline_lowered:
0x8: {  	[smem:$0x3F9F] =	sst s0  }
0x9: {  	[smem:$0x3FA0] =	sst s1  }
0xa: {  	[smem:$0x3FA1] =	sst s2  }
0xb: {  	[smem:$0x3FA2] =	sst s3  }
0xc: {  	[smem:$0x3FA3] =	sst s4  }
0xd: {  	[smem:$0x3FA4] =	sst s5  }
0xe: {  	[smem:$0x3FA5] =	sst s6  }
0xf: {  	[smem:$0x3FA6] =	sst s7  }
0x10: {  	[smem:$0x3FA7] =	sst s8  }
0x11: {  	[smem:$0x3FA8] =	sst s9;
	s0 =	simm.s32 @!p0 $0x0  }
0x12: {  	s1 =	sld [smem:$0x3F8E];
	s0 =	simm.s32 @p0 $0x1  }
0x13: {  	[smem:$0x3FA9] =	sst s0;
	s0 =	simm.s32 @!p1 $0x0  }
0x14: {  	s2 =	sld [smem:$0x3F8D];
	s0 =	simm.s32 @p1 $0x1  }
0x15: {  	[smem:$0x3FAA] =	sst s0;
	s0 =	simm.s32 @!p2 $0x0  }
0x16: {  	s3 =	sld [smem:$0x3FDB];
	s0 =	simm.s32 @p2 $0x1  }
0x17: {  	s4 =	simm.s32 $0x1BF5;
	[smem:$0x3FAC] =	sst s0  }
0x18: {  	s0 =	sld [smem:$0x3F8F];
	_ =	swait.ge [sflag:s4], $0x0  }
0x19: {  	s7 =	sld [smem:$0x3F90]  }
0x1a: {  	s8 =	sadd.s32 $0xFFFFE003, lr  }
0x1b: {  	s9 =	sadd.s32 $0xFFFFFEF7, lr;
	s5 =	simm.s32 $0xFFFFFFFF;
	p2 =	slt.u32 s8, $0xFFFFF086  }
0x1c: {  	p1 =	slt.u32 s9, $0xF7A;
	s5 =	simm.s32 @!p2 $0x0  }
0x1d: {  	s5 =	simm.s32 @p1 $0x1;
	p0 =	seq.s32 s7, s2  }
0x1e: {  	s7 =	smul.u32 @!p0 $0xF7A, s2;
	p2 =	seq.s32 @!p0 s5, $0x0  }
0x1f: {  	s9 =	smul.u32 $0xF7A, s1;
	s8 =	simm.s32 @!p0 $0x1BF5;
	p2 =	por !p2, p0  }
0x20: {  	[sflag:s8] =	ssyncset.s32 @!p0 $0xFFFFF086;
	s6 =	sadd.s32 @!p0 s3, s7;
	s7 =	simm.s32 @!p0 $0x108  }
0x21: {  	s3 =	sadd.s32 s3, s9;
	s6 =	sadd.s32 @!p0 $0x88, s6;
	s7 =	simm.s32 @p2 $0x1082  }
0x22: {  	[simem:s7], [sflag:s8] =	dma.local @!p0 [hbm:s6], $0xF7A  }
0x23: {  	s9 =	sor.u32 $0xD0000000, s2;
	s6 =	simm.s32 $0x108;
	_ =	swait.ge @!p0 [sflag:s8], $0x0  }
0x24: {  	s3 =	sadd.s32 $0x88, s3;
	s6 =	simm.s32 @!p1 $0x1082;
	[sflag:s4] =	ssyncset.s32 $0xFFFFF086  }
0x25: {  	[simem:s6], [sflag:s4] =	dma.local [hbm:s3], $0xF7A  }
0x26: {  	[smem:$0x3F90] =	sst s1;
	(tag) =	ssettag s2;
	_ =	strace s9  }
0x27: {  	s1 =	sld [smem:$0x3FA0]  }
0x28: {  	s2 =	sld [smem:$0x3FA1]  }
0x29: {  	s4 =	sld [smem:$0x3FA3]  }
0x2a: {  	p0 =	seq.s32 s5, $0x0;
	s5 =	sld [smem:$0x3FA4]  }
0x2b: {  	s6 =	sld [smem:$0x3FA5]  }
0x2c: {  	s7 =	sld [smem:$0x3FA6]  }
0x2d: {  	s3 =	simm.s32 $0x108;
	s8 =	sld [smem:$0x3FA7]  }
0x2e: {  	s3 =	simm.s32 @!p0 $0x1082;
	s9 =	sld [smem:$0x3FA8]  }
0x2f: {  	lr =	sadd.s32 s0, s3;
	s0 =	sld [smem:$0x3F9F]  }
0x30: {  	s3 =	sld [smem:$0x3FA2]  }
0x31: {  	[smem:$0x3FAB] =	sst s10  }
0x32: {  	s10 =	sld [smem:$0x3FA9];
	_ =	sdelay $0x3  }
0x33: {  	p0 =	seq.s32 s10, $0x1;
	s10 =	sld [smem:$0x3FAB];
	_ =	sdelay $0x3  }
0x34: {  	[smem:$0x3FAB] =	sst s10  }
0x35: {  	s10 =	sld [smem:$0x3FAA];
	_ =	sdelay $0x3  }
0x36: {  	p1 =	seq.s32 s10, $0x1;
	s10 =	sld [smem:$0x3FAB];
	_ =	sdelay $0x3  }
0x37: {  	[smem:$0x3FAB] =	sst s10  }
0x38: {  	s10 =	sld [smem:$0x3FAC]  }
0x39: {  	_ = 	snop;
	(pc) =	sbr.ind lr, $3  }
0x3a: {  	_ = 	snop  }
0x3b: {  	_ = 	snop  }
0x3c: {  	p2 =	seq.s32 s10, $0x1;
	s10 =	sld [smem:$0x3FAB]  }
0x3d: {  	_ =	shalt  }
0x3e: {  	_ =	shalt  }
0x3f: {  	_ =	shalt  }
0x40: {  	_ =	shalt  }
0x41: {  	_ =	shalt  }
0x42: {  	_ =	shalt  }
0x43: {  	_ =	shalt  }
0x44: {  	_ =	shalt  }
0x45: {  	_ =	shalt  }
0x46: {  	_ =	shalt  }
0x47: {  	_ =	shalt  }
0x48: {  	_ =	shalt  }
0x49: {  	_ =	shalt  }
0x4a: {  	_ =	shalt  }
0x4b: {  	_ =	shalt  }
0x4c: {  	_ =	shalt  }
0x4d: {  	_ =	shalt  }
0x4e: {  	_ =	shalt  }
0x4f: {  	_ =	shalt  }
0x50: {  	_ =	shalt  }
0x51: {  	_ =	shalt  }
0x52: {  	_ =	shalt  }
0x53: {  	_ =	shalt  }
0x54: {  	_ =	shalt  }
0x55: {  	_ =	shalt  }
0x56: {  	_ =	shalt  }
0x57: {  	_ =	shalt  }
0x58: {  	_ =	shalt  }
0x59: {  	_ =	shalt  }
0x5a: {  	_ =	shalt  }
0x5b: {  	_ =	shalt  }
0x5c: {  	_ =	shalt  }
0x5d: {  	_ =	shalt  }
0x5e: {  	_ =	shalt  }
0x5f: {  	_ =	shalt  }
0x60: {  	_ =	shalt  }
0x61: {  	_ =	shalt  }
0x62: {  	_ =	shalt  }
0x63: {  	_ =	shalt  }
0x64: {  	_ =	shalt  }
0x65: {  	_ =	shalt  }
0x66: {  	_ =	shalt  }
0x67: {  	_ =	shalt  }
0x68: {  	_ =	shalt  }
0x69: {  	_ =	shalt  }
0x6a: {  	_ =	shalt  }
0x6b: {  	_ =	shalt  }
0x6c: {  	_ =	shalt  }
0x6d: {  	_ =	shalt  }
0x6e: {  	_ =	shalt  }
0x6f: {  	_ =	shalt  }
0x70: {  	_ =	shalt  }
0x71: {  	_ =	shalt  }
0x72: {  	_ =	shalt  }
0x73: {  	_ =	shalt  }
0x74: {  	_ =	shalt  }
0x75: {  	_ =	shalt  }
0x76: {  	_ =	shalt  }
0x77: {  	_ =	shalt  }
0x78: {  	_ =	shalt  }
0x79: {  	_ =	shalt  }
0x7a: {  	_ =	shalt  }
0x7b: {  	_ =	shalt  }
0x7c: {  	_ =	shalt  }
0x7d: {  	_ =	shalt  }
0x7e: {  	_ =	shalt  }
0x7f: {  	_ =	shalt  }
0x80: {  	_ =	shalt  }
0x81: {  	_ =	shalt  }
0x82: {  	_ =	shalt  }
0x83: {  	_ =	shalt  }
0x84: {  	_ =	shalt  }
0x85: {  	_ =	shalt  }
0x86: {  	_ =	shalt  }
0x87: {  	_ =	shalt  }
.Lfunc_end0:
.L_simem_size_0:
called_computation.2_lowered:
.L_overlay_start_0:
0x88: {  	s2 =	sld [smem:$0x3FD9]  }
0x89: {  	s3 =	sld [smem:$0x3FFE];
	_ =	sdelay $0x1  }
0x8a: {  	s1 =	srdreg.scid  }
0x8b: {  	s0 =	sand.u32 $0x1, s1  }
0x8c: {  	s15 =	sshll.u32 s0, $0xA;
	s2 =	sadd.s32 s3, s2  }
0x8d: {  	s2 =	sadd.s32 s2, s15  }
0x8e: {  	[smem:$0x3FB7] =	sst s2  }
0x8f: {  	_ = 	snop  }
0x90: {  	s2 =	sld [smem:$0x3FD0];
	_ =	sdelay $0x2  }
0x91: {  	s16 =	simm.s32 $0xC;
	s4 =	simm.s32 $0x10  }
0x92: {  	[smem:s4], [sflag:s16] =	dma.local [hbm:s2], $0x1  }
0x93: {  	_ =	swait.eq [sflag:s16], $0x1  }
0x94: {  	[sflag:s16] =	ssyncset.done $0x0  }
0x95: {  	[sflag:s16] =	ssyncadd.s32 $0xFFFFFFFF  }
0x96: {  	s17 =	sld [smem:$0x10];
	(tm) =	ssettm $0x1  }
0x97: {  	s18 =	sld [smem:$0x3FFB];
	_ =	sdelay $0x3  }
0x98: {  	_ =	strace s18  }
0x99: {  	s2 =	sld [smem:$0x3FFC];
	_ =	sdelay $0x3  }
0x9a: {  	_ =	strace s2  }
0x9b: {  	s2 =	sld [smem:$0x3FFD];
	_ =	sdelay $0x3  }
0x9c: {  	_ =	strace s2  }
0x9d: {  	_ =	strace $0x8FFFFFFF  }
0x9e: {  	s19 =	sld [smem:$0x3FDB];
	_ =	sdelay $0x1  }
0x9f: {  	s20 =	simm.s32 $_scs_section_size  }
0xa0: {  	s5 =	simm.s32 $_size__tile_overlayer_lowered;
	s6 =	simm.s32 $_tile_overlayer_lowered  }
0xa1: {  	s7 =	simm.s32 $0x1BFF;
	s21 =	sshll.u32 s6, $0x1;
	s4 =	sadd.s32 s20, s19  }
0xa2: {  	s22 =	simm.s32 $0x0;
	s5 =	sshll.u32 s5, $0x1;
	s6 =	sadd.s32 s21, s4  }
0xa3: {  	[timem:s22], [sflag:s7] =	dma.local [hbm:s6], s5  }
0xa4: {  	_ =	swait.ge [sflag:s7], s5  }
0xa5: {  	s5 =	ssub.s32 $0x0, s5;
	[sflag:s7] =	ssyncset.done $0x0  }
0xa6: {  	[sflag:s7] =	ssyncadd.s32 s5;
	_ =	sdelay $0x1  }
0xa7: {  	s23 =	simm.s32 $0x1B8B  }
0xa8: {  	_ =	swait.ge [sflag:s23], $0x1  }
0xa9: {  	[sflag:s23] =	ssyncset.done $0x0  }
0xaa: {  	[sflag:s23] =	ssyncadd.s32 $0xFFFFFFFF  }
0xab: {  	s5 =	sld [smem:$0x0]  }
0xac: {  	s6 =	sand.u32 $0xFFFFFFFE, s1  }
0xad: {  	p0 =	sne.s32 s1, s6  }
0xae: {  	s6 =	sshll.u32 @p0 s6, $0xE  }
0xaf: {  	s6 =	sadd.s32 @p0 $0x11B8D, s6;
	s7 =	sshll.u32 @p0 s5, $0x11  }
0xb0: {  	s6 =	sor.u32 @p0 s7, s6  }
0xb1: {  	[sflag:s6] =	ssyncadd.remote.s32 @p0 $0x1;
	_ =	sdelay $0x1  }
0xb2: {  	s6 =	simm.s32 @p0 $0x1B8D  }
0xb3: {  	_ =	swait.eq @p0 [sflag:s6], $0x1  }
0xb4: {  	[sflag:s6] =	ssyncadd.s32 @p0 $0xFFFFFFFF  }
0xb5: {  	s7 =	sshll.u32 @!p0 s1, $0xE  }
0xb6: {  	s7 =	sor.u32 @!p0 $0x4000, s7;
	s6 =	simm.s32 @!p0 $0x1B8D  }
0xb7: {  	s5 =	sshll.u32 @!p0 s5, $0x11;
	s7 =	sadd.s32 @!p0 $0x11B8D, s7;
	_ =	swait.eq @!p0 [sflag:s6], $0x1  }
0xb8: {  	s5 =	sor.u32 @!p0 s5, s7;
	[sflag:s6] =	ssyncadd.s32 @!p0 $0xFFFFFFFF  }
0xb9: {  	s25 =	simm.s32 $0x1B8E;
	s24 =	sld [smem:$0x3FFE];
	[sflag:s5] =	ssyncadd.remote.s32 @!p0 $0x1  }
0xba: {  	s26 =	simm.s32 $execute0_lowered;
	[smem:$0x3FD2] =	sst s25  }
0xbb: {  	s6 =	sshll.u32 s26, $0x1;
	_ =	strace $0x8000004F;
	[dreg:$0x1] =	wrdreg $0xFFFFFFFF  }
0xbc: {  	s28 =	simm.s32 $_size_execute0_lowered;
	s4 =	sadd.s32 s4, s6;
	[dreg:$0x0] =	wrdreg $0x0  }
0xbd: {  	s6 =	sshll.u32 s28, $0x1;
	[dreg:$0x2] =	wrdreg s4  }
0xbe: {  	[dreg:$0x3] =	wrdreg s6  }
0xbf: {  	[dreg:$0x4] =	wrdreg $0xC0  }
0xc0: {  	_ =	task [dreg:s22], $0x5FFFF  }
0xc1: {  	[dreg:$0x1] =	wrdreg $0xFFFFFFFF  }
0xc2: {  	[dreg:$0x0] =	wrdreg $0x60  }
0xc3: {  	[dreg:$0x2] =	wrdreg s24  }
0xc4: {  	[dreg:$0x3] =	wrdreg s17  }
0xc5: {  	[dreg:$0x4] =	wrdreg $0x41000  }
0xc6: {  	[dreg:$0x5] =	wrdreg $0x9  }
0xc7: {  	_ =	task.clear_ibuf [dreg:s22], $0x6FFFF;
	_ =	strace $0x9000004F  }
0xc8: {  	s29 =	simm.s32 $0x9;
	_ =	strace $0x80000051  }
0xc9: {  	_ =	swait.ge [sflag:s29], $0x1  }
0xca: {  	[sflag:s29] =	ssyncadd.s32 $0xFFFFFFFF  }
0xcb: {  	_ =	strace $0x90000051  }
0xcc: {  	_ =	sfence  }
0xcd: {  	s30 =	sld [smem:$0x0];
	_ =	sdelay $0x2  }
0xce: {  	s31 =	sshll.u32 s1, $0xD;
	s1 =	sshrl.u32 s1, $0x2  }
0xcf: {  	s4 =	sand.u32 $0x4000, s31;
	s1 =	sadd.s32 s1, s30  }
0xd0: {  	s0 =	sor.u32 s4, s0;
	s1 =	sshll.u32 s1, $0x11  }
0xd1: {  	s0 =	sor.u32 s1, s0  }
0xd2: {  	s0 =	sadd.s32 $0x8F2B, s0  }
0xd3: {  	[sflag:s0] =	ssyncadd.remote.s32 $0x1  }
0xd4: {  	_ =	sfence.sel $0xFFFF  }
0xd5: {  	[dreg:$0x0] =	wrdreg $0xFFFFFFFF;
	(pc) =	sbr.abs _section_cstart, $3  }
0xd6: {  	[dreg:$0x1] =	wrdreg $0xFFFFFFFF  }
0xd7: {  	_ =	task.clear_ibuf [dreg:s22], $0x2FFFF;
	_ =	strace $0x9FFFFFFF  }
0xd8: {  	(tm) =	ssettm $0x7FFFFFFF  }
0xd9: {  	_ =	shalt  }
tec
execute0_lowered:
.L_overlay_start_1:
0x0: {  	(tag) =	ssettag $0x1  }
0x1: {  	s6 =	rddreg [dreg:$0x0]  }
0x2: {  	s10 =	rddreg [dreg:$0x1]  }
0x3: {  	s2 =	rddreg [dreg:$0x2]  }
0x4: {  	s0 =	rddreg [dreg:$0x3]  }
0x5: {  	s1 =	stileid.u32;
	s4 =	srdreg.scid;
	s3 =	simm.s32 $0x0  }
0x6: {  	s17 =	simm.s32 $0x1;
	s18 =	simm.s32 $0x0;
	s5 =	smul.u32 $0x278, s1  }
0x7: {  	s7 =	sand.u32 $0x1, s4;
	[smem:$0x7FF] =	sst s3;
	s11 =	smul.u32 $0x9E0, s1  }
0x8: {  	s4 =	sadd.s32 $0x10D800, s6;
	s9 =	smul.u32 $0x4F000, s1;
	s30 =	sshll.u32 s1, $0x6  }
0x9: {  	s8 =	smul.u32 $0x2780, s7;
	_ =	strace $0x80000050;
	s13 =	ssub.s32 $0x2, s7  }
0xa: {  	s16 =	smul.u32 $0x4F0, s7;
	s12 =	sadd.s32 s11, s6;
	s28 =	sshrl.u32 s9, $0x2  }
0xb: {  	s29 =	sshrl.u32 s13, $0x1;
	s10 =	sadd.s32 s11, s10;
	s8 =	sadd.s32 s5, s8  }
0xc: {  	s5 =	sadd.s32 $0x24600, s6;
	s14 =	sadd.s32 s28, s2;
	s9 =	ssub.s32 s13, s29  }
0xd: {  	s31 =	sadd.s32 s16, s12;
	s10 =	sadd.s32 s16, s10;
	s13 =	simm.s32 $0x2  }
0xe: {  	s16 =	simm.s32 $0x100;
	s8 =	sshll.u32 s8, $0x4;
	s15 =	sadd.s32 $0x10000, s14  }
0xf: {  	s9 =	smax.u32 s9, $0x1;
	s11 =	sadd.s32 $0x103A00, s31;
	s12 =	sshrl.u32 s14, $0x3  }
0x10: {  	s8 =	sadd.s32 s8, s6;
	s6 =	sor.u32 $0x1C02, s30;
	s14 =	sshrl.u32 s15, $0x3  }
0x11: {  	s15 =	simm.s32 $0x80;
	s7 =	sadd.s32 $0x134A00, s8;
	s8 =	sadd.s32 $0x136A00, s8  }
.LBB2_1:
0x12: {  	[spmem:s12], [sflag:s6] =	dma.local [hbm:s5], $0x2000  }
0x13: {  	_ =	swait.ge [sflag:s13], $0x2000  }
0x14: {  	[sflag:s13] =	ssyncset.done $0x0  }
0x15: {  	[sflag:s13] =	ssyncadd.s32 $0xFFFFE000  }
0x16: {  	[spmem:s14], [sflag:s6] =	dma.local [hbm:s5], $0x780  }
0x17: {  	_ =	swait.ge [sflag:s13], $0x780  }
0x18: {  	[sflag:s13] =	ssyncset.done $0x0  }
0x19: {  	[sflag:s13] =	ssyncadd.s32 $0xFFFFF880  }
0x1a: {  	s19 =	sadd.s32 $0x0, s11;
	[bflag:$0x0] =	sbarrier.arrive $0xFFFF  }
0x1b: {  	[tilespmem:s3], [sflag:$0x2] =	stream.linear.gather [hbm4b:s19+s3], $0x80, $0x38;
	[tilespmem:$0x17D00] =	vst v63  }
0x1c: {  	_ =	swait.ge [sflag:s13], $0x80  }
0x1d: {  	[sflag:s13] =	ssyncset.done $0x0  }
0x1e: {  	s31 =	sadd.s32 $0x0, s10;
	[sflag:s13] =	ssyncadd.s32 $0xFFFFFF80  }
0x1f: {  	[tilespmem:s15], [sflag:$0x2] =	stream.linear.gather [hbm4b:s31+s3], $0x80, $0x38;
	[tilespmem:$0x17D00] =	vst v63  }
0x20: {  	_ =	swait.ge [sflag:s13], $0x80  }
0x21: {  	[sflag:s13] =	ssyncset.done $0x0  }
0x22: {  	[sflag:s13] =	ssyncadd.s32 $0xFFFFFF80  }
0x23: {  	[tilespmem:s16], [sflag:$0x1] =	stream.indirect.gather [hbm4b:s4+s15], $0x80, s3, s15, $0xb8;
	[tilespmem:$0x17D00] =	vst v63  }
0x24: {  	_ =	swait.ge [sflag:s17], $0x4000  }
0x25: {  	[sflag:s17] =	ssyncset.done $0x0  }
0x26: {  	[sflag:s17] =	ssyncadd.s32 $0xFFFFC000  }
0x27: {  	[spmem:s2] =	stream.indirect.scatter.add.f32 [tilespmem:s16], [sflag:$0x2], $0x80, s15, s15, $0xb8;
	[tilespmem:$0x17D00] =	vst v63  }
0x28: {  	_ =	swait.ge [sflag:s13], $0x4000  }
0x29: {  	s20 =	simm.s32 $0x20;
	s19 =	simm.s32 $0x10;
	[sflag:s13] =	ssyncset.done $0x0  }
.LBB2_2:
0x2a: {  	s21 =	sadd.s32 s19, s11  }
0x2b: {  	[sflag:s13] =	ssyncadd.s32 $0xFFFFC000;
	s22 =	smov.u32 s20;
	s23 =	sadd.s32 $0x10, s20  }
0x2c: {  	[tilespmem:s3], [sflag:$0x2] =	stream.linear.gather [hbm4b:s21+s3], $0x80, $0x38;
	[tilespmem:$0x17D00] =	vst v63  }
0x2d: {  	p0 =	sne.s32 s20, $0x4E0;
	_ =	swait.ge [sflag:s13], $0x80  }
0x2e: {  	[sflag:s13] =	ssyncset.done $0x0  }
0x2f: {  	s20 =	sadd.s32 s19, s10;
	s19 =	smov.u32 s22;
	[sflag:s13] =	ssyncadd.s32 $0xFFFFFF80  }
0x30: {  	[tilespmem:s15], [sflag:$0x2] =	stream.linear.gather [hbm4b:s20+s3], $0x80, $0x38;
	[tilespmem:$0x17D00] =	vst v63  }
0x31: {  	_ =	swait.ge [sflag:s13], $0x80  }
0x32: {  	[sflag:s13] =	ssyncset.done $0x0  }
0x33: {  	[sflag:s13] =	ssyncadd.s32 $0xFFFFFF80  }
0x34: {  	[tilespmem:s16], [sflag:$0x1] =	stream.indirect.gather [hbm4b:s4+s15], $0x80, s3, s15, $0xb8;
	[tilespmem:$0x17D00] =	vst v63  }
0x35: {  	_ =	swait.ge [sflag:s17], $0x4000  }
.Ltmp0:
0x36: {  	[sflag:s17] =	ssyncset.done $0x0;
	(pc) =	sbr.rel @p0 .LBB2_2-.Ltmp0, $4  }
0x37: {  	[sflag:s17] =	ssyncadd.s32 $0xFFFFC000  }
0x38: {  	[spmem:s2] =	stream.indirect.scatter.add.f32 [tilespmem:s16], [sflag:$0x2], $0x80, s15, s15, $0xb8;
	[tilespmem:$0x17D00] =	vst v63  }
0x39: {  	_ =	swait.ge [sflag:s13], $0x4000  }
0x3a: {  	s20 =	smov.u32 s23;
	[sflag:s13] =	ssyncset.done $0x0  }
0x3b: {  	s20 =	sadd.s32 s19, s11;
	[sflag:s13] =	ssyncadd.s32 $0xFFFFC000  }
0x3c: {  	[tilespmem:s3], [sflag:$0x2] =	stream.linear.gather [hbm4b:s20+s3], $0x80, $0x38;
	[tilespmem:$0x17D00] =	vst v63  }
0x3d: {  	_ =	swait.ge [sflag:s13], $0x80  }
0x3e: {  	[sflag:s13] =	ssyncset.done $0x0  }
0x3f: {  	s31 =	sadd.s32 s19, s10;
	[sflag:s13] =	ssyncadd.s32 $0xFFFFFF80  }
0x40: {  	[tilespmem:s15], [sflag:$0x2] =	stream.linear.gather [hbm4b:s31+s3], $0x80, $0x38;
	[tilespmem:$0x17D00] =	vst v63  }
0x41: {  	_ =	swait.ge [sflag:s13], $0x80  }
0x42: {  	[sflag:s13] =	ssyncset.done $0x0  }
0x43: {  	[sflag:s13] =	ssyncadd.s32 $0xFFFFFF80  }
0x44: {  	[tilespmem:s16], [sflag:$0x1] =	stream.indirect.gather [hbm4b:s4+s15], $0x80, s3, s15, $0xb8;
	[tilespmem:$0x17D00] =	vst v63  }
0x45: {  	_ =	swait.ge [sflag:s17], $0x4000  }
0x46: {  	[sflag:s17] =	ssyncset.done $0x0  }
0x47: {  	[sflag:s17] =	ssyncadd.s32 $0xFFFFC000  }
0x48: {  	[spmem:s2] =	stream.indirect.scatter.add.f32 [tilespmem:s16], [sflag:$0x2], $0x80, s15, s15, $0xb8;
	[tilespmem:$0x17D00] =	vst v63  }
0x49: {  	_ =	swait.ge [sflag:s13], $0x4000  }
0x4a: {  	[sflag:s13] =	ssyncset.done $0x0  }
0x4b: {  	[sflag:s13] =	ssyncadd.s32 $0xFFFFC000  }
0x4c: {  	[bflag:$0x0] =	sbarrier.arrive $0xFFFF  }
0x4d: {  	[hbm:s7], [sflag:s6] =	dma.local [spmem:s12], $0x2000  }
0x4e: {  	s18 =	sadd.s32 $0x1, s18;
	_ =	swait.ge [sflag:s13], $0x2000  }
0x4f: {  	p0 =	sne.s32 s18, s9;
	[sflag:s13] =	ssyncset.done $0x0  }
.Ltmp1:
0x50: {  	[sflag:s13] =	ssyncadd.s32 $0xFFFFE000;
	(pc) =	sbr.rel @p0 .LBB2_1-.Ltmp1, $4  }
0x51: {  	[hbm:s8], [sflag:s6] =	dma.local [spmem:s14], $0x780  }
0x52: {  	_ =	swait.ge [sflag:s13], $0x780  }
0x53: {  	[sflag:s13] =	ssyncset.done $0x0  }
0x54: {  	[sflag:s13] =	ssyncadd.s32 $0xFFFFF880  }
0x55: {  	_ =	sfence.sel $0x180000  }
0x56: {  	[bflag:$0x0] =	sbarrier.arrive $0xFFFF  }
0x57: {  	p0 =	sne.s32 s1, $0x0;
	_ =	strace $0x90000050  }
0x58: {  	s0 =	sadd.s32 @!p0 $0x100000, s0;
	[bflag:$0x2] =	sbarrier.arrive $0xFFFF  }
0x59: {  	[sflag:s0] =	ssyncadd.tile.s32 @!p0 $0x1;
	_ =	shalt  }
.Lfunc_end2:
_tile_overlayer_lowered:
.L_overlay_start_2:
0x5a: {  	(tag) =	ssettag $0x2  }
0x5b: {  	s0 =	rddreg [dreg:$0x0];
	s2 =	stileid.u32  }
0x5c: {  	s1 =	rddreg [dreg:$0x1];
	p0 =	sne.s32 s2, $0x0  }
0x5d: {  	s3 =	rddreg [dreg:$0x2];
	[bflag:$0x3] =	sbarrier.arrive $0xFFFF;
	s2 =	simm.s32 @!p0 $0x1C02  }
0x5e: {  	[timem:s3], [sflag:s2] =	dma.local @!p0 [hbm:s0], s1  }
0x5f: {  	s0 =	simm.s32 @!p0 $0x2  }
0x60: {  	_ =	swait.ge @!p0 [sflag:s0], s1  }
0x61: {  	s1 =	ssub.s32 @!p0 $0x0, s1;
	[sflag:s0] =	ssyncset.done @!p0 $0x0  }
0x62: {  	[sflag:s0] =	ssyncadd.s32 @!p0 s1  }
0x63: {  	[bflag:$0x3] =	sbarrier.arrive $0xFFFF  }
0x64: {  	_ =	shalt  }

// kernel: kernel.26.cloned.1.call-start
scs
__scs_entry_jumppad:
0x0: {  	(pc) =	sbr.rel $0x88, $3  }
0x1: {  	(tag) =	ssettag $0x0;
	lr =	simm.s32 $0x1  }
0x2: {  	[smem:$0x3F90] =	sst lr;
	_ =	strace $0xD0000000  }
0x3: {  	_ = 	snop  }
0x4: {  	_ = 	snop  }
0x5: {  	_ = 	snop  }
0x6: {  	_ = 	snop  }
0x7: {  	_ = 	snop  }
__scs_overlays_trampoline_lowered:
0x8: {  	[smem:$0x3F9F] =	sst s0  }
0x9: {  	[smem:$0x3FA0] =	sst s1  }
0xa: {  	[smem:$0x3FA1] =	sst s2  }
0xb: {  	[smem:$0x3FA2] =	sst s3  }
0xc: {  	[smem:$0x3FA3] =	sst s4  }
0xd: {  	[smem:$0x3FA4] =	sst s5  }
0xe: {  	[smem:$0x3FA5] =	sst s6  }
0xf: {  	[smem:$0x3FA6] =	sst s7  }
0x10: {  	[smem:$0x3FA7] =	sst s8  }
0x11: {  	[smem:$0x3FA8] =	sst s9;
	s0 =	simm.s32 @!p0 $0x0  }
0x12: {  	s1 =	sld [smem:$0x3F8E];
	s0 =	simm.s32 @p0 $0x1  }
0x13: {  	[smem:$0x3FA9] =	sst s0;
	s0 =	simm.s32 @!p1 $0x0  }
0x14: {  	s2 =	sld [smem:$0x3F8D];
	s0 =	simm.s32 @p1 $0x1  }
0x15: {  	[smem:$0x3FAA] =	sst s0;
	s0 =	simm.s32 @!p2 $0x0  }
0x16: {  	s3 =	sld [smem:$0x3FDB];
	s0 =	simm.s32 @p2 $0x1  }
0x17: {  	s4 =	simm.s32 $0x1BF5;
	[smem:$0x3FAC] =	sst s0  }
0x18: {  	s0 =	sld [smem:$0x3F8F];
	_ =	swait.ge [sflag:s4], $0x0  }
0x19: {  	s7 =	sld [smem:$0x3F90]  }
0x1a: {  	s8 =	sadd.s32 $0xFFFFE003, lr  }
0x1b: {  	s9 =	sadd.s32 $0xFFFFFEF7, lr;
	s5 =	simm.s32 $0xFFFFFFFF;
	p2 =	slt.u32 s8, $0xFFFFF086  }
0x1c: {  	p1 =	slt.u32 s9, $0xF7A;
	s5 =	simm.s32 @!p2 $0x0  }
0x1d: {  	s5 =	simm.s32 @p1 $0x1;
	p0 =	seq.s32 s7, s2  }
0x1e: {  	s7 =	smul.u32 @!p0 $0xF7A, s2;
	p2 =	seq.s32 @!p0 s5, $0x0  }
0x1f: {  	s9 =	smul.u32 $0xF7A, s1;
	s8 =	simm.s32 @!p0 $0x1BF5;
	p2 =	por !p2, p0  }
0x20: {  	[sflag:s8] =	ssyncset.s32 @!p0 $0xFFFFF086;
	s6 =	sadd.s32 @!p0 s3, s7;
	s7 =	simm.s32 @!p0 $0x108  }
0x21: {  	s3 =	sadd.s32 s3, s9;
	s6 =	sadd.s32 @!p0 $0x88, s6;
	s7 =	simm.s32 @p2 $0x1082  }
0x22: {  	[simem:s7], [sflag:s8] =	dma.local @!p0 [hbm:s6], $0xF7A  }
0x23: {  	s9 =	sor.u32 $0xD0000000, s2;
	s6 =	simm.s32 $0x108;
	_ =	swait.ge @!p0 [sflag:s8], $0x0  }
0x24: {  	s3 =	sadd.s32 $0x88, s3;
	s6 =	simm.s32 @!p1 $0x1082;
	[sflag:s4] =	ssyncset.s32 $0xFFFFF086  }
0x25: {  	[simem:s6], [sflag:s4] =	dma.local [hbm:s3], $0xF7A  }
0x26: {  	[smem:$0x3F90] =	sst s1;
	(tag) =	ssettag s2;
	_ =	strace s9  }
0x27: {  	s1 =	sld [smem:$0x3FA0]  }
0x28: {  	s2 =	sld [smem:$0x3FA1]  }
0x29: {  	s4 =	sld [smem:$0x3FA3]  }
0x2a: {  	p0 =	seq.s32 s5, $0x0;
	s5 =	sld [smem:$0x3FA4]  }
0x2b: {  	s6 =	sld [smem:$0x3FA5]  }
0x2c: {  	s7 =	sld [smem:$0x3FA6]  }
0x2d: {  	s3 =	simm.s32 $0x108;
	s8 =	sld [smem:$0x3FA7]  }
0x2e: {  	s3 =	simm.s32 @!p0 $0x1082;
	s9 =	sld [smem:$0x3FA8]  }
0x2f: {  	lr =	sadd.s32 s0, s3;
	s0 =	sld [smem:$0x3F9F]  }
0x30: {  	s3 =	sld [smem:$0x3FA2]  }
0x31: {  	[smem:$0x3FAB] =	sst s10  }
0x32: {  	s10 =	sld [smem:$0x3FA9];
	_ =	sdelay $0x3  }
0x33: {  	p0 =	seq.s32 s10, $0x1;
	s10 =	sld [smem:$0x3FAB];
	_ =	sdelay $0x3  }
0x34: {  	[smem:$0x3FAB] =	sst s10  }
0x35: {  	s10 =	sld [smem:$0x3FAA];
	_ =	sdelay $0x3  }
0x36: {  	p1 =	seq.s32 s10, $0x1;
	s10 =	sld [smem:$0x3FAB];
	_ =	sdelay $0x3  }
0x37: {  	[smem:$0x3FAB] =	sst s10  }
0x38: {  	s10 =	sld [smem:$0x3FAC]  }
0x39: {  	_ = 	snop;
	(pc) =	sbr.ind lr, $3  }
0x3a: {  	_ = 	snop  }
0x3b: {  	_ = 	snop  }
0x3c: {  	p2 =	seq.s32 s10, $0x1;
	s10 =	sld [smem:$0x3FAB]  }
0x3d: {  	_ =	shalt  }
0x3e: {  	_ =	shalt  }
0x3f: {  	_ =	shalt  }
0x40: {  	_ =	shalt  }
0x41: {  	_ =	shalt  }
0x42: {  	_ =	shalt  }
0x43: {  	_ =	shalt  }
0x44: {  	_ =	shalt  }
0x45: {  	_ =	shalt  }
0x46: {  	_ =	shalt  }
0x47: {  	_ =	shalt  }
0x48: {  	_ =	shalt  }
0x49: {  	_ =	shalt  }
0x4a: {  	_ =	shalt  }
0x4b: {  	_ =	shalt  }
0x4c: {  	_ =	shalt  }
0x4d: {  	_ =	shalt  }
0x4e: {  	_ =	shalt  }
0x4f: {  	_ =	shalt  }
0x50: {  	_ =	shalt  }
0x51: {  	_ =	shalt  }
0x52: {  	_ =	shalt  }
0x53: {  	_ =	shalt  }
0x54: {  	_ =	shalt  }
0x55: {  	_ =	shalt  }
0x56: {  	_ =	shalt  }
0x57: {  	_ =	shalt  }
0x58: {  	_ =	shalt  }
0x59: {  	_ =	shalt  }
0x5a: {  	_ =	shalt  }
0x5b: {  	_ =	shalt  }
0x5c: {  	_ =	shalt  }
0x5d: {  	_ =	shalt  }
0x5e: {  	_ =	shalt  }
0x5f: {  	_ =	shalt  }
0x60: {  	_ =	shalt  }
0x61: {  	_ =	shalt  }
0x62: {  	_ =	shalt  }
0x63: {  	_ =	shalt  }
0x64: {  	_ =	shalt  }
0x65: {  	_ =	shalt  }
0x66: {  	_ =	shalt  }
0x67: {  	_ =	shalt  }
0x68: {  	_ =	shalt  }
0x69: {  	_ =	shalt  }
0x6a: {  	_ =	shalt  }
0x6b: {  	_ =	shalt  }
0x6c: {  	_ =	shalt  }
0x6d: {  	_ =	shalt  }
0x6e: {  	_ =	shalt  }
0x6f: {  	_ =	shalt  }
0x70: {  	_ =	shalt  }
0x71: {  	_ =	shalt  }
0x72: {  	_ =	shalt  }
0x73: {  	_ =	shalt  }
0x74: {  	_ =	shalt  }
0x75: {  	_ =	shalt  }
0x76: {  	_ =	shalt  }
0x77: {  	_ =	shalt  }
0x78: {  	_ =	shalt  }
0x79: {  	_ =	shalt  }
0x7a: {  	_ =	shalt  }
0x7b: {  	_ =	shalt  }
0x7c: {  	_ =	shalt  }
0x7d: {  	_ =	shalt  }
0x7e: {  	_ =	shalt  }
0x7f: {  	_ =	shalt  }
0x80: {  	_ =	shalt  }
0x81: {  	_ =	shalt  }
0x82: {  	_ =	shalt  }
0x83: {  	_ =	shalt  }
0x84: {  	_ =	shalt  }
0x85: {  	_ =	shalt  }
0x86: {  	_ =	shalt  }
0x87: {  	_ =	shalt  }
.Lfunc_end0:
.L_simem_size_0:
called_computation.3_lowered:
.L_overlay_start_0:
0x88: {  	s2 =	sld [smem:$0x3FD9]  }
0x89: {  	s3 =	sld [smem:$0x3FFE];
	_ =	sdelay $0x1  }
0x8a: {  	s1 =	srdreg.scid  }
0x8b: {  	s0 =	sand.u32 $0x1, s1  }
0x8c: {  	s15 =	sshll.u32 s0, $0xA;
	s2 =	sadd.s32 s3, s2  }
0x8d: {  	s2 =	sadd.s32 s2, s15  }
0x8e: {  	[smem:$0x3FB7] =	sst s2  }
0x8f: {  	_ = 	snop  }
0x90: {  	s2 =	sld [smem:$0x3FD0];
	_ =	sdelay $0x2  }
0x91: {  	s4 =	simm.s32 $0xC;
	s16 =	simm.s32 $0x10  }
0x92: {  	[smem:s16], [sflag:s4] =	dma.local [hbm:s2], $0x1  }
0x93: {  	_ =	swait.eq [sflag:s4], $0x1  }
0x94: {  	[sflag:s4] =	ssyncset.done $0x0  }
0x95: {  	s17 =	sld [smem:$0x11];
	[sflag:s4] =	ssyncadd.s32 $0xFFFFFFFF  }
0x96: {  	s18 =	sld [smem:$0x12];
	(tm) =	ssettm $0x1  }
0x97: {  	s19 =	sld [smem:$0x3FFB];
	_ =	sdelay $0x3  }
0x98: {  	_ =	strace s19  }
0x99: {  	s2 =	sld [smem:$0x3FFC];
	_ =	sdelay $0x3  }
0x9a: {  	_ =	strace s2  }
0x9b: {  	s2 =	sld [smem:$0x3FFD];
	_ =	sdelay $0x3  }
0x9c: {  	_ =	strace s2  }
0x9d: {  	_ =	strace $0x8FFFFFFF  }
0x9e: {  	s20 =	sld [smem:$0x3FDB];
	_ =	sdelay $0x1  }
0x9f: {  	s5 =	simm.s32 $_scs_section_size  }
0xa0: {  	s6 =	simm.s32 $_size__tile_overlayer_lowered;
	s7 =	simm.s32 $_tile_overlayer_lowered  }
0xa1: {  	s8 =	simm.s32 $0x1BFF;
	s21 =	sshll.u32 s7, $0x1;
	s5 =	sadd.s32 s5, s20  }
0xa2: {  	s22 =	simm.s32 $0x0;
	s6 =	sshll.u32 s6, $0x1;
	s7 =	sadd.s32 s21, s5  }
0xa3: {  	[timem:s22], [sflag:s8] =	dma.local [hbm:s7], s6  }
0xa4: {  	_ =	swait.ge [sflag:s8], s6  }
0xa5: {  	s6 =	ssub.s32 $0x0, s6;
	[sflag:s8] =	ssyncset.done $0x0  }
0xa6: {  	[sflag:s8] =	ssyncadd.s32 s6;
	_ =	sdelay $0x1  }
0xa7: {  	s23 =	simm.s32 $0x1B8B  }
0xa8: {  	_ =	swait.ge [sflag:s23], $0x1  }
0xa9: {  	[sflag:s23] =	ssyncset.done $0x0  }
0xaa: {  	[sflag:s23] =	ssyncadd.s32 $0xFFFFFFFF  }
0xab: {  	s6 =	sld [smem:$0x0]  }
0xac: {  	s7 =	sand.u32 $0xFFFFFFFE, s1  }
0xad: {  	p0 =	sne.s32 s1, s7  }
0xae: {  	s7 =	sshll.u32 @p0 s7, $0xE  }
0xaf: {  	s7 =	sadd.s32 @p0 $0x11B8D, s7;
	s8 =	sshll.u32 @p0 s6, $0x11  }
0xb0: {  	s7 =	sor.u32 @p0 s8, s7  }
0xb1: {  	[sflag:s7] =	ssyncadd.remote.s32 @p0 $0x1;
	_ =	sdelay $0x1  }
0xb2: {  	s7 =	simm.s32 @p0 $0x1B8D  }
0xb3: {  	_ =	swait.eq @p0 [sflag:s7], $0x1  }
0xb4: {  	[sflag:s7] =	ssyncadd.s32 @p0 $0xFFFFFFFF  }
0xb5: {  	s8 =	sshll.u32 @!p0 s1, $0xE  }
0xb6: {  	s8 =	sor.u32 @!p0 $0x4000, s8;
	s7 =	simm.s32 @!p0 $0x1B8D  }
0xb7: {  	s6 =	sshll.u32 @!p0 s6, $0x11;
	s8 =	sadd.s32 @!p0 $0x11B8D, s8;
	_ =	swait.eq @!p0 [sflag:s7], $0x1  }
0xb8: {  	s6 =	sor.u32 @!p0 s6, s8;
	[sflag:s7] =	ssyncadd.s32 @!p0 $0xFFFFFFFF  }
0xb9: {  	s25 =	simm.s32 $0x1B8E;
	s24 =	sld [smem:$0x3FFE];
	[sflag:s6] =	ssyncadd.remote.s32 @!p0 $0x1  }
0xba: {  	s26 =	simm.s32 $execute0_lowered;
	[smem:$0x3FD2] =	sst s25  }
0xbb: {  	s7 =	sshll.u32 s26, $0x1;
	_ =	strace $0x8000004C;
	[dreg:$0x1] =	wrdreg $0xFFFFFFFF  }
0xbc: {  	s28 =	simm.s32 $_size_execute0_lowered;
	s5 =	sadd.s32 s5, s7;
	[dreg:$0x0] =	wrdreg $0x0  }
0xbd: {  	s7 =	sshll.u32 s28, $0x1;
	[dreg:$0x2] =	wrdreg s5  }
0xbe: {  	[dreg:$0x3] =	wrdreg s7  }
0xbf: {  	[dreg:$0x4] =	wrdreg $0xC0  }
0xc0: {  	_ =	task [dreg:s22], $0x5FFFF  }
0xc1: {  	[dreg:$0x1] =	wrdreg $0xFFFFFFFF  }
0xc2: {  	[dreg:$0x0] =	wrdreg $0x60  }
0xc3: {  	[dreg:$0x2] =	wrdreg s24  }
0xc4: {  	[dreg:$0x3] =	wrdreg s18  }
0xc5: {  	[dreg:$0x4] =	wrdreg s17  }
0xc6: {  	[dreg:$0x5] =	wrdreg $0x41000  }
0xc7: {  	[dreg:$0x6] =	wrdreg $0xB  }
0xc8: {  	_ =	task.clear_ibuf [dreg:s22], $0x7FFFF;
	_ =	strace $0x9000004C  }
0xc9: {  	s29 =	simm.s32 $0xB;
	_ =	strace $0x8000004E  }
0xca: {  	_ =	swait.ge [sflag:s29], $0x1  }
0xcb: {  	[sflag:s29] =	ssyncadd.s32 $0xFFFFFFFF  }
0xcc: {  	_ =	strace $0x9000004E  }
0xcd: {  	_ =	sfence  }
0xce: {  	s30 =	sld [smem:$0x0];
	_ =	sdelay $0x2  }
0xcf: {  	s31 =	sshll.u32 s1, $0xD;
	s1 =	sshrl.u32 s1, $0x2  }
0xd0: {  	s4 =	sand.u32 $0x4000, s31;
	s1 =	sadd.s32 s1, s30  }
0xd1: {  	s0 =	sor.u32 s4, s0;
	s1 =	sshll.u32 s1, $0x11  }
0xd2: {  	s0 =	sor.u32 s1, s0  }
0xd3: {  	s0 =	sadd.s32 $0x8F2B, s0  }
0xd4: {  	[sflag:s0] =	ssyncadd.remote.s32 $0x1  }
0xd5: {  	_ =	sfence.sel $0xFFFF  }
0xd6: {  	[dreg:$0x0] =	wrdreg $0xFFFFFFFF;
	(pc) =	sbr.abs _section_cstart, $3  }
0xd7: {  	[dreg:$0x1] =	wrdreg $0xFFFFFFFF  }
0xd8: {  	_ =	task.clear_ibuf [dreg:s22], $0x2FFFF;
	_ =	strace $0x9FFFFFFF  }
0xd9: {  	(tm) =	ssettm $0x7FFFFFFF  }
tec
execute0_lowered:
.L_overlay_start_1:
0x0: {  	(tag) =	ssettag $0x1  }
0x1: {  	s6 =	rddreg [dreg:$0x0]  }
0x2: {  	s10 =	rddreg [dreg:$0x1]  }
0x3: {  	s11 =	rddreg [dreg:$0x2]  }
0x4: {  	s2 =	rddreg [dreg:$0x3]  }
0x5: {  	s0 =	rddreg [dreg:$0x4]  }
0x6: {  	s4 =	srdreg.scid;
	s1 =	stileid.u32  }
0x7: {  	s3 =	simm.s32 $0x0;
	s17 =	simm.s32 $0x1;
	s5 =	smul.u32 $0x2F0, s1  }
0x8: {  	s18 =	simm.s32 $0x0;
	s9 =	sand.u32 $0x1, s4;
	s8 =	smul.u32 $0x5E000, s1  }
0x9: {  	[smem:$0x7FF] =	sst s3;
	s4 =	sadd.s32 $0x76C00, s6;
	s16 =	smul.u32 $0xBC0, s1  }
0xa: {  	s29 =	sshll.u32 s1, $0x6;
	s7 =	smul.u32 $0x2F00, s9;
	s12 =	ssub.s32 $0x2, s9  }
0xb: {  	_ =	strace $0x8000004D;
	s30 =	smul.u32 $0x5E0, s9;
	s26 =	sshrl.u32 s12, $0x1  }
0xc: {  	s28 =	sshrl.u32 s8, $0x2;
	s11 =	sadd.s32 s16, s11;
	s31 =	sadd.s32 s16, s10  }
0xd: {  	s16 =	simm.s32 $0x100;
	s7 =	sadd.s32 s5, s7;
	s5 =	sadd.s32 $0x24600, s6  }
0xe: {  	s12 =	ssub.s32 s12, s26;
	s14 =	sadd.s32 s28, s2;
	s10 =	sadd.s32 s30, s11  }
0xf: {  	s11 =	sadd.s32 s30, s31;
	s7 =	sshll.u32 s7, $0x4;
	s15 =	sadd.s32 $0x10000, s14  }
0x10: {  	s9 =	smax.u32 s12, $0x1;
	s12 =	sshrl.u32 s14, $0x3;
	s13 =	sadd.s32 s7, s6  }
0x11: {  	s6 =	sor.u32 $0x1C02, s29;
	s14 =	sshrl.u32 s15, $0x3;
	s15 =	simm.s32 $0x80  }
0x12: {  	s7 =	sadd.s32 $0xA5A00, s13;
	s8 =	sadd.s32 $0xA7A00, s13;
	s13 =	simm.s32 $0x2  }
.LBB2_1:
0x13: {  	[spmem:s12], [sflag:s6] =	dma.local [hbm:s5], $0x2000  }
0x14: {  	_ =	swait.ge [sflag:s13], $0x2000  }
0x15: {  	[sflag:s13] =	ssyncset.done $0x0  }
0x16: {  	[sflag:s13] =	ssyncadd.s32 $0xFFFFE000  }
0x17: {  	[spmem:s14], [sflag:s6] =	dma.local [hbm:s5], $0xF00  }
0x18: {  	_ =	swait.ge [sflag:s13], $0xF00  }
0x19: {  	[sflag:s13] =	ssyncset.done $0x0  }
0x1a: {  	[sflag:s13] =	ssyncadd.s32 $0xFFFFF100  }
0x1b: {  	s19 =	sadd.s32 $0x0, s11;
	[bflag:$0x0] =	sbarrier.arrive $0xFFFF  }
0x1c: {  	[tilespmem:s3], [sflag:$0x2] =	stream.linear.gather [hbm4b:s19+s3], $0x80, $0x38;
	[tilespmem:$0x1B900] =	vst v63  }
0x1d: {  	_ =	swait.ge [sflag:s13], $0x80  }
0x1e: {  	[sflag:s13] =	ssyncset.done $0x0  }
0x1f: {  	s31 =	sadd.s32 $0x0, s10;
	[sflag:s13] =	ssyncadd.s32 $0xFFFFFF80  }
0x20: {  	[tilespmem:s15], [sflag:$0x2] =	stream.linear.gather [hbm4b:s31+s3], $0x80, $0x38;
	[tilespmem:$0x1B900] =	vst v63  }
0x21: {  	_ =	swait.ge [sflag:s13], $0x80  }
0x22: {  	[sflag:s13] =	ssyncset.done $0x0  }
0x23: {  	[sflag:s13] =	ssyncadd.s32 $0xFFFFFF80  }
0x24: {  	[tilespmem:s16], [sflag:$0x1] =	stream.indirect.gather [hbm4b:s4+s15], $0x80, s3, s15, $0xb8;
	[tilespmem:$0x1B900] =	vst v63  }
0x25: {  	_ =	swait.ge [sflag:s17], $0x4000  }
0x26: {  	[sflag:s17] =	ssyncset.done $0x0  }
0x27: {  	[sflag:s17] =	ssyncadd.s32 $0xFFFFC000  }
0x28: {  	[spmem:s2] =	stream.indirect.scatter.add.f32 [tilespmem:s16], [sflag:$0x2], $0x80, s15, s15, $0xb8;
	[tilespmem:$0x1B900] =	vst v63  }
0x29: {  	_ =	swait.ge [sflag:s13], $0x4000  }
0x2a: {  	s20 =	simm.s32 $0x20;
	s19 =	simm.s32 $0x10;
	[sflag:s13] =	ssyncset.done $0x0  }
.LBB2_2:
0x2b: {  	s21 =	sadd.s32 s19, s11  }
0x2c: {  	[sflag:s13] =	ssyncadd.s32 $0xFFFFC000;
	s22 =	smov.u32 s20;
	s23 =	sadd.s32 $0x10, s20  }
0x2d: {  	[tilespmem:s3], [sflag:$0x2] =	stream.linear.gather [hbm4b:s21+s3], $0x80, $0x38;
	[tilespmem:$0x1B900] =	vst v63  }
0x2e: {  	p0 =	sne.s32 s20, $0x5D0;
	_ =	swait.ge [sflag:s13], $0x80  }
0x2f: {  	[sflag:s13] =	ssyncset.done $0x0  }
0x30: {  	s20 =	sadd.s32 s19, s10;
	s19 =	smov.u32 s22;
	[sflag:s13] =	ssyncadd.s32 $0xFFFFFF80  }
0x31: {  	[tilespmem:s15], [sflag:$0x2] =	stream.linear.gather [hbm4b:s20+s3], $0x80, $0x38;
	[tilespmem:$0x1B900] =	vst v63  }
0x32: {  	_ =	swait.ge [sflag:s13], $0x80  }
0x33: {  	[sflag:s13] =	ssyncset.done $0x0  }
0x34: {  	[sflag:s13] =	ssyncadd.s32 $0xFFFFFF80  }
0x35: {  	[tilespmem:s16], [sflag:$0x1] =	stream.indirect.gather [hbm4b:s4+s15], $0x80, s3, s15, $0xb8;
	[tilespmem:$0x1B900] =	vst v63  }
0x36: {  	_ =	swait.ge [sflag:s17], $0x4000  }
.Ltmp0:
0x37: {  	[sflag:s17] =	ssyncset.done $0x0;
	(pc) =	sbr.rel @p0 .LBB2_2-.Ltmp0, $4  }
0x38: {  	[sflag:s17] =	ssyncadd.s32 $0xFFFFC000  }
0x39: {  	[spmem:s2] =	stream.indirect.scatter.add.f32 [tilespmem:s16], [sflag:$0x2], $0x80, s15, s15, $0xb8;
	[tilespmem:$0x1B900] =	vst v63  }
0x3a: {  	_ =	swait.ge [sflag:s13], $0x4000  }
0x3b: {  	s20 =	smov.u32 s23;
	[sflag:s13] =	ssyncset.done $0x0  }
0x3c: {  	s20 =	sadd.s32 s19, s11;
	[sflag:s13] =	ssyncadd.s32 $0xFFFFC000  }
0x3d: {  	[tilespmem:s3], [sflag:$0x2] =	stream.linear.gather [hbm4b:s20+s3], $0x80, $0x38;
	[tilespmem:$0x1B900] =	vst v63  }
0x3e: {  	_ =	swait.ge [sflag:s13], $0x80  }
0x3f: {  	[sflag:s13] =	ssyncset.done $0x0  }
0x40: {  	s31 =	sadd.s32 s19, s10;
	[sflag:s13] =	ssyncadd.s32 $0xFFFFFF80  }
0x41: {  	[tilespmem:s15], [sflag:$0x2] =	stream.linear.gather [hbm4b:s31+s3], $0x80, $0x38;
	[tilespmem:$0x1B900] =	vst v63  }
0x42: {  	_ =	swait.ge [sflag:s13], $0x80  }
0x43: {  	[sflag:s13] =	ssyncset.done $0x0  }
0x44: {  	[sflag:s13] =	ssyncadd.s32 $0xFFFFFF80  }
0x45: {  	[tilespmem:s16], [sflag:$0x1] =	stream.indirect.gather [hbm4b:s4+s15], $0x80, s3, s15, $0xb8;
	[tilespmem:$0x1B900] =	vst v63  }
0x46: {  	_ =	swait.ge [sflag:s17], $0x4000  }
0x47: {  	[sflag:s17] =	ssyncset.done $0x0  }
0x48: {  	[sflag:s17] =	ssyncadd.s32 $0xFFFFC000  }
0x49: {  	[spmem:s2] =	stream.indirect.scatter.add.f32 [tilespmem:s16], [sflag:$0x2], $0x80, s15, s15, $0xb8;
	[tilespmem:$0x1B900] =	vst v63  }
0x4a: {  	_ =	swait.ge [sflag:s13], $0x4000  }
0x4b: {  	[sflag:s13] =	ssyncset.done $0x0  }
0x4c: {  	[sflag:s13] =	ssyncadd.s32 $0xFFFFC000  }
0x4d: {  	[bflag:$0x0] =	sbarrier.arrive $0xFFFF  }
0x4e: {  	[hbm:s7], [sflag:s6] =	dma.local [spmem:s12], $0x2000  }
0x4f: {  	s18 =	sadd.s32 $0x1, s18;
	_ =	swait.ge [sflag:s13], $0x2000  }
0x50: {  	p0 =	sne.s32 s18, s9;
	[sflag:s13] =	ssyncset.done $0x0  }
.Ltmp1:
0x51: {  	[sflag:s13] =	ssyncadd.s32 $0xFFFFE000;
	(pc) =	sbr.rel @p0 .LBB2_1-.Ltmp1, $4  }
0x52: {  	[hbm:s8], [sflag:s6] =	dma.local [spmem:s14], $0xF00  }
0x53: {  	_ =	swait.ge [sflag:s13], $0xF00  }
0x54: {  	[sflag:s13] =	ssyncset.done $0x0  }
0x55: {  	[sflag:s13] =	ssyncadd.s32 $0xFFFFF100  }
0x56: {  	_ =	sfence.sel $0x180000  }
0x57: {  	[bflag:$0x0] =	sbarrier.arrive $0xFFFF  }
0x58: {  	p0 =	sne.s32 s1, $0x0;
	_ =	strace $0x9000004D  }
0x59: {  	s0 =	sadd.s32 @!p0 $0x100000, s0;
	[bflag:$0x2] =	sbarrier.arrive $0xFFFF  }
0x5a: {  	[sflag:s0] =	ssyncadd.tile.s32 @!p0 $0x1;
	_ =	shalt  }
.Lfunc_end2:
_tile_overlayer_lowered:
.L_overlay_start_2:
0x5b: {  	(tag) =	ssettag $0x2  }
0x5c: {  	s0 =	rddreg [dreg:$0x0];
	s2 =	stileid.u32  }
0x5d: {  	s1 =	rddreg [dreg:$0x1];
	p0 =	sne.s32 s2, $0x0  }
0x5e: {  	s3 =	rddreg [dreg:$0x2];
	[bflag:$0x3] =	sbarrier.arrive $0xFFFF;
	s2 =	simm.s32 @!p0 $0x1C02  }
0x5f: {  	[timem:s3], [sflag:s2] =	dma.local @!p0 [hbm:s0], s1  }
0x60: {  	s0 =	simm.s32 @!p0 $0x2  }
0x61: {  	_ =	swait.ge @!p0 [sflag:s0], s1  }
0x62: {  	s1 =	ssub.s32 @!p0 $0x0, s1;
	[sflag:s0] =	ssyncset.done @!p0 $0x0  }
0x63: {  	[sflag:s0] =	ssyncadd.s32 @!p0 s1  }
0x64: {  	[bflag:$0x3] =	sbarrier.arrive $0xFFFF  }
0x65: {  	_ =	shalt  }

// kernel: kernel.29.cloned.1.call-start
scs
__scs_entry_jumppad:
0x0: {  	(pc) =	sbr.rel $0x88, $3  }
0x1: {  	(tag) =	ssettag $0x0;
	lr =	simm.s32 $0x1  }
0x2: {  	[smem:$0x3F90] =	sst lr;
	_ =	strace $0xD0000000  }
0x3: {  	_ = 	snop  }
0x4: {  	_ = 	snop  }
0x5: {  	_ = 	snop  }
0x6: {  	_ = 	snop  }
0x7: {  	_ = 	snop  }
__scs_overlays_trampoline_lowered:
0x8: {  	[smem:$0x3F9F] =	sst s0  }
0x9: {  	[smem:$0x3FA0] =	sst s1  }
0xa: {  	[smem:$0x3FA1] =	sst s2  }
0xb: {  	[smem:$0x3FA2] =	sst s3  }
0xc: {  	[smem:$0x3FA3] =	sst s4  }
0xd: {  	[smem:$0x3FA4] =	sst s5  }
0xe: {  	[smem:$0x3FA5] =	sst s6  }
0xf: {  	[smem:$0x3FA6] =	sst s7  }
0x10: {  	[smem:$0x3FA7] =	sst s8  }
0x11: {  	[smem:$0x3FA8] =	sst s9;
	s0 =	simm.s32 @!p0 $0x0  }
0x12: {  	s1 =	sld [smem:$0x3F8E];
	s0 =	simm.s32 @p0 $0x1  }
0x13: {  	[smem:$0x3FA9] =	sst s0;
	s0 =	simm.s32 @!p1 $0x0  }
0x14: {  	s2 =	sld [smem:$0x3F8D];
	s0 =	simm.s32 @p1 $0x1  }
0x15: {  	[smem:$0x3FAA] =	sst s0;
	s0 =	simm.s32 @!p2 $0x0  }
0x16: {  	s3 =	sld [smem:$0x3FDB];
	s0 =	simm.s32 @p2 $0x1  }
0x17: {  	s4 =	simm.s32 $0x1BF5;
	[smem:$0x3FAC] =	sst s0  }
0x18: {  	s0 =	sld [smem:$0x3F8F];
	_ =	swait.ge [sflag:s4], $0x0  }
0x19: {  	s7 =	sld [smem:$0x3F90]  }
0x1a: {  	s8 =	sadd.s32 $0xFFFFE003, lr  }
0x1b: {  	s9 =	sadd.s32 $0xFFFFFEF7, lr;
	s5 =	simm.s32 $0xFFFFFFFF;
	p2 =	slt.u32 s8, $0xFFFFF086  }
0x1c: {  	p1 =	slt.u32 s9, $0xF7A;
	s5 =	simm.s32 @!p2 $0x0  }
0x1d: {  	s5 =	simm.s32 @p1 $0x1;
	p0 =	seq.s32 s7, s2  }
0x1e: {  	s7 =	smul.u32 @!p0 $0xF7A, s2;
	p2 =	seq.s32 @!p0 s5, $0x0  }
0x1f: {  	s9 =	smul.u32 $0xF7A, s1;
	s8 =	simm.s32 @!p0 $0x1BF5;
	p2 =	por !p2, p0  }
0x20: {  	[sflag:s8] =	ssyncset.s32 @!p0 $0xFFFFF086;
	s6 =	sadd.s32 @!p0 s3, s7;
	s7 =	simm.s32 @!p0 $0x108  }
0x21: {  	s3 =	sadd.s32 s3, s9;
	s6 =	sadd.s32 @!p0 $0x88, s6;
	s7 =	simm.s32 @p2 $0x1082  }
0x22: {  	[simem:s7], [sflag:s8] =	dma.local @!p0 [hbm:s6], $0xF7A  }
0x23: {  	s9 =	sor.u32 $0xD0000000, s2;
	s6 =	simm.s32 $0x108;
	_ =	swait.ge @!p0 [sflag:s8], $0x0  }
0x24: {  	s3 =	sadd.s32 $0x88, s3;
	s6 =	simm.s32 @!p1 $0x1082;
	[sflag:s4] =	ssyncset.s32 $0xFFFFF086  }
0x25: {  	[simem:s6], [sflag:s4] =	dma.local [hbm:s3], $0xF7A  }
0x26: {  	[smem:$0x3F90] =	sst s1;
	(tag) =	ssettag s2;
	_ =	strace s9  }
0x27: {  	s1 =	sld [smem:$0x3FA0]  }
0x28: {  	s2 =	sld [smem:$0x3FA1]  }
0x29: {  	s4 =	sld [smem:$0x3FA3]  }
0x2a: {  	p0 =	seq.s32 s5, $0x0;
	s5 =	sld [smem:$0x3FA4]  }
0x2b: {  	s6 =	sld [smem:$0x3FA5]  }
0x2c: {  	s7 =	sld [smem:$0x3FA6]  }
0x2d: {  	s3 =	simm.s32 $0x108;
	s8 =	sld [smem:$0x3FA7]  }
0x2e: {  	s3 =	simm.s32 @!p0 $0x1082;
	s9 =	sld [smem:$0x3FA8]  }
0x2f: {  	lr =	sadd.s32 s0, s3;
	s0 =	sld [smem:$0x3F9F]  }
0x30: {  	s3 =	sld [smem:$0x3FA2]  }
0x31: {  	[smem:$0x3FAB] =	sst s10  }
0x32: {  	s10 =	sld [smem:$0x3FA9];
	_ =	sdelay $0x3  }
0x33: {  	p0 =	seq.s32 s10, $0x1;
	s10 =	sld [smem:$0x3FAB];
	_ =	sdelay $0x3  }
0x34: {  	[smem:$0x3FAB] =	sst s10  }
0x35: {  	s10 =	sld [smem:$0x3FAA];
	_ =	sdelay $0x3  }
0x36: {  	p1 =	seq.s32 s10, $0x1;
	s10 =	sld [smem:$0x3FAB];
	_ =	sdelay $0x3  }
0x37: {  	[smem:$0x3FAB] =	sst s10  }
0x38: {  	s10 =	sld [smem:$0x3FAC]  }
0x39: {  	_ = 	snop;
	(pc) =	sbr.ind lr, $3  }
0x3a: {  	_ = 	snop  }
0x3b: {  	_ = 	snop  }
0x3c: {  	p2 =	seq.s32 s10, $0x1;
	s10 =	sld [smem:$0x3FAB]  }
0x3d: {  	_ =	shalt  }
0x3e: {  	_ =	shalt  }
0x3f: {  	_ =	shalt  }
0x40: {  	_ =	shalt  }
0x41: {  	_ =	shalt  }
0x42: {  	_ =	shalt  }
0x43: {  	_ =	shalt  }
0x44: {  	_ =	shalt  }
0x45: {  	_ =	shalt  }
0x46: {  	_ =	shalt  }
0x47: {  	_ =	shalt  }
0x48: {  	_ =	shalt  }
0x49: {  	_ =	shalt  }
0x4a: {  	_ =	shalt  }
0x4b: {  	_ =	shalt  }
0x4c: {  	_ =	shalt  }
0x4d: {  	_ =	shalt  }
0x4e: {  	_ =	shalt  }
0x4f: {  	_ =	shalt  }
0x50: {  	_ =	shalt  }
0x51: {  	_ =	shalt  }
0x52: {  	_ =	shalt  }
0x53: {  	_ =	shalt  }
0x54: {  	_ =	shalt  }
0x55: {  	_ =	shalt  }
0x56: {  	_ =	shalt  }
0x57: {  	_ =	shalt  }
0x58: {  	_ =	shalt  }
0x59: {  	_ =	shalt  }
0x5a: {  	_ =	shalt  }
0x5b: {  	_ =	shalt  }
0x5c: {  	_ =	shalt  }
0x5d: {  	_ =	shalt  }
0x5e: {  	_ =	shalt  }
0x5f: {  	_ =	shalt  }
0x60: {  	_ =	shalt  }
0x61: {  	_ =	shalt  }
0x62: {  	_ =	shalt  }
0x63: {  	_ =	shalt  }
0x64: {  	_ =	shalt  }
0x65: {  	_ =	shalt  }
0x66: {  	_ =	shalt  }
0x67: {  	_ =	shalt  }
0x68: {  	_ =	shalt  }
0x69: {  	_ =	shalt  }
0x6a: {  	_ =	shalt  }
0x6b: {  	_ =	shalt  }
0x6c: {  	_ =	shalt  }
0x6d: {  	_ =	shalt  }
0x6e: {  	_ =	shalt  }
0x6f: {  	_ =	shalt  }
0x70: {  	_ =	shalt  }
0x71: {  	_ =	shalt  }
0x72: {  	_ =	shalt  }
0x73: {  	_ =	shalt  }
0x74: {  	_ =	shalt  }
0x75: {  	_ =	shalt  }
0x76: {  	_ =	shalt  }
0x77: {  	_ =	shalt  }
0x78: {  	_ =	shalt  }
0x79: {  	_ =	shalt  }
0x7a: {  	_ =	shalt  }
0x7b: {  	_ =	shalt  }
0x7c: {  	_ =	shalt  }
0x7d: {  	_ =	shalt  }
0x7e: {  	_ =	shalt  }
0x7f: {  	_ =	shalt  }
0x80: {  	_ =	shalt  }
0x81: {  	_ =	shalt  }
0x82: {  	_ =	shalt  }
0x83: {  	_ =	shalt  }
0x84: {  	_ =	shalt  }
0x85: {  	_ =	shalt  }
0x86: {  	_ =	shalt  }
0x87: {  	_ =	shalt  }
.Lfunc_end0:
.L_simem_size_0:
called_computation.4_lowered:
.L_overlay_start_0:
0x88: {  	s2 =	sld [smem:$0x3FD9]  }
0x89: {  	s3 =	sld [smem:$0x3FFE];
	_ =	sdelay $0x1  }
0x8a: {  	s1 =	srdreg.scid  }
0x8b: {  	s0 =	sand.u32 $0x1, s1  }
0x8c: {  	s16 =	sshll.u32 s0, $0xA;
	s2 =	sadd.s32 s3, s2  }
0x8d: {  	s2 =	sadd.s32 s2, s16  }
0x8e: {  	[smem:$0x3FB7] =	sst s2  }
0x8f: {  	_ = 	snop  }
0x90: {  	(tm) =	ssettm $0x1  }
0x91: {  	s17 =	sld [smem:$0x3FFB];
	_ =	sdelay $0x3  }
0x92: {  	_ =	strace s17  }
0x93: {  	s2 =	sld [smem:$0x3FFC];
	_ =	sdelay $0x3  }
0x94: {  	_ =	strace s2  }
0x95: {  	s2 =	sld [smem:$0x3FFD];
	_ =	sdelay $0x3  }
0x96: {  	_ =	strace s2  }
0x97: {  	_ =	strace $0x8FFFFFFF  }
0x98: {  	s18 =	sld [smem:$0x3FDB];
	_ =	sdelay $0x1  }
0x99: {  	s19 =	simm.s32 $_scs_section_size  }
0x9a: {  	s4 =	simm.s32 $_size__tile_overlayer_lowered;
	s5 =	simm.s32 $_tile_overlayer_lowered  }
0x9b: {  	s22 =	simm.s32 $0x1BFF;
	s21 =	sshll.u32 s5, $0x1;
	s2 =	sadd.s32 s19, s18  }
0x9c: {  	s6 =	simm.s32 $0x0;
	s20 =	sshll.u32 s4, $0x1;
	s4 =	sadd.s32 s21, s2  }
0x9d: {  	[timem:s6], [sflag:s22] =	dma.local [hbm:s4], s20  }
0x9e: {  	_ =	swait.ge [sflag:s22], s20  }
0x9f: {  	s3 =	ssub.s32 $0x0, s20;
	[sflag:s22] =	ssyncset.done $0x0  }
0xa0: {  	[sflag:s22] =	ssyncadd.s32 s3;
	_ =	sdelay $0x1  }
0xa1: {  	s23 =	simm.s32 $0x1B8B  }
0xa2: {  	_ =	swait.ge [sflag:s23], $0x1  }
0xa3: {  	[sflag:s23] =	ssyncset.done $0x0  }
0xa4: {  	s25 =	simm.s32 $0x1B8E;
	s24 =	sld [smem:$0x3FFE];
	[sflag:s23] =	ssyncadd.s32 $0xFFFFFFFF  }
0xa5: {  	s26 =	simm.s32 $execute0_lowered;
	[smem:$0x3FD2] =	sst s25  }
0xa6: {  	s4 =	sshll.u32 s26, $0x1;
	_ =	strace $0x80000049;
	[dreg:$0x1] =	wrdreg $0xFFFFFFFF  }
0xa7: {  	s28 =	simm.s32 $_size_execute0_lowered;
	s2 =	sadd.s32 s2, s4;
	[dreg:$0x0] =	wrdreg $0x0  }
0xa8: {  	s4 =	sshll.u32 s28, $0x1;
	[dreg:$0x2] =	wrdreg s2  }
0xa9: {  	[dreg:$0x3] =	wrdreg s4  }
0xaa: {  	[dreg:$0x4] =	wrdreg $0xC0  }
0xab: {  	_ =	task [dreg:s6], $0x5FFFF  }
0xac: {  	[dreg:$0x1] =	wrdreg $0xFFFFFFFF  }
0xad: {  	[dreg:$0x0] =	wrdreg $0x60  }
0xae: {  	[dreg:$0x2] =	wrdreg s24  }
0xaf: {  	[dreg:$0x3] =	wrdreg $0x41000  }
0xb0: {  	[dreg:$0x4] =	wrdreg $0xA  }
0xb1: {  	_ =	task.clear_ibuf [dreg:s6], $0x5FFFF;
	_ =	strace $0x90000049  }
0xb2: {  	s29 =	simm.s32 $0xA;
	_ =	strace $0x8000004B  }
0xb3: {  	_ =	swait.ge [sflag:s29], $0x1  }
0xb4: {  	[sflag:s29] =	ssyncadd.s32 $0xFFFFFFFF  }
0xb5: {  	_ =	strace $0x9000004B  }
0xb6: {  	_ =	sfence  }
0xb7: {  	s30 =	sld [smem:$0x0];
	_ =	sdelay $0x2  }
0xb8: {  	s31 =	sshll.u32 s1, $0xD;
	s1 =	sshrl.u32 s1, $0x2  }
0xb9: {  	s3 =	sand.u32 $0x4000, s31;
	s1 =	sadd.s32 s1, s30  }
0xba: {  	s0 =	sor.u32 s3, s0;
	s1 =	sshll.u32 s1, $0x11  }
0xbb: {  	s0 =	sor.u32 s1, s0  }
0xbc: {  	s0 =	sadd.s32 $0x8F2B, s0  }
0xbd: {  	[sflag:s0] =	ssyncadd.remote.s32 $0x1  }
0xbe: {  	_ =	sfence.sel $0xFFFF  }
0xbf: {  	[dreg:$0x0] =	wrdreg $0xFFFFFFFF;
	(pc) =	sbr.abs _section_cstart, $3  }
0xc0: {  	[dreg:$0x1] =	wrdreg $0xFFFFFFFF  }
0xc1: {  	_ =	task.clear_ibuf [dreg:s6], $0x2FFFF;
	_ =	strace $0x9FFFFFFF  }
0xc2: {  	(tm) =	ssettm $0x7FFFFFFF  }
0xc3: {  	_ =	shalt  }
tec
execute0_lowered:
.L_overlay_start_1:
0x0: {  	(tag) =	ssettag $0x1  }
0x1: {  	s6 =	rddreg [dreg:$0x0]  }
0x2: {  	s2 =	rddreg [dreg:$0x1]  }
0x3: {  	s0 =	rddreg [dreg:$0x2];
	s1 =	stileid.u32  }
0x4: {  	s4 =	srdreg.scid;
	s3 =	simm.s32 $0x0;
	s14 =	simm.s32 $0x100  }
0x5: {  	s15 =	simm.s32 $0x1;
	s16 =	simm.s32 $0x0;
	s5 =	smul.u32 $0x7E0, s1  }
0x6: {  	s7 =	sand.u32 $0x1, s4;
	s8 =	smul.u32 $0x1F80, s1;
	[smem:$0x7FF] =	sst s3  }
0x7: {  	s4 =	sadd.s32 $0x5200, s6;
	s29 =	smul.u32 $0x3F000, s1;
	s31 =	sshll.u32 s1, $0x6  }
0x8: {  	s9 =	smul.u32 $0x1F800, s7;
	_ =	strace $0x8000004A;
	s30 =	ssub.s32 $0x2, s7  }
0x9: {  	s12 =	smul.u32 $0x3F0, s7;
	s10 =	sadd.s32 s5, s6;
	s5 =	sadd.s32 $0x24600, s6  }
0xa: {  	s11 =	sshrl.u32 s30, $0x1;
	s8 =	sadd.s32 s8, s9;
	s9 =	sshrl.u32 s29, $0x2  }
0xb: {  	s11 =	ssub.s32 s30, s11;
	s10 =	sadd.s32 s12, s10;
	s12 =	simm.s32 $0x2  }
0xc: {  	s8 =	sadd.s32 s8, s6;
	s13 =	sadd.s32 s9, s2;
	s6 =	sor.u32 $0x1C02, s31  }
0xd: {  	s9 =	sadd.s32 $0x6EE00, s10;
	s10 =	sadd.s32 $0x67000, s10;
	s7 =	sadd.s32 $0x26600, s8  }
0xe: {  	s8 =	smax.u32 s11, $0x1;
	s11 =	sshrl.u32 s13, $0x3;
	s13 =	simm.s32 $0x80  }
.LBB2_1:
0xf: {  	[spmem:s11], [sflag:s6] =	dma.local [hbm:s5], $0x1F80  }
0x10: {  	_ =	swait.ge [sflag:s12], $0x1F80  }
0x11: {  	[sflag:s12] =	ssyncset.done $0x0  }
0x12: {  	[sflag:s12] =	ssyncadd.s32 $0xFFFFE080  }
0x13: {  	s17 =	sadd.s32 $0x0, s10;
	[bflag:$0x0] =	sbarrier.arrive $0xFFFF  }
0x14: {  	[tilespmem:s3], [sflag:$0x2] =	stream.linear.gather [hbm4b:s17+s3], $0x80, $0x38;
	[tilespmem:$0x13D00] =	vst v63  }
0x15: {  	_ =	swait.ge [sflag:s12], $0x80  }
0x16: {  	[sflag:s12] =	ssyncset.done $0x0  }
0x17: {  	s31 =	sadd.s32 $0x0, s9;
	[sflag:s12] =	ssyncadd.s32 $0xFFFFFF80  }
0x18: {  	[tilespmem:s13], [sflag:$0x2] =	stream.linear.gather [hbm4b:s31+s3], $0x80, $0x38;
	[tilespmem:$0x13D00] =	vst v63  }
0x19: {  	_ =	swait.ge [sflag:s12], $0x80  }
0x1a: {  	[sflag:s12] =	ssyncset.done $0x0  }
0x1b: {  	[sflag:s12] =	ssyncadd.s32 $0xFFFFFF80  }
0x1c: {  	[tilespmem:s14], [sflag:$0x1] =	stream.indirect.gather [hbm4b:s4+s13], $0x80, s3, s13, $0xb8;
	[tilespmem:$0x13D00] =	vst v63  }
0x1d: {  	_ =	swait.ge [sflag:s15], $0x4000  }
0x1e: {  	[sflag:s15] =	ssyncset.done $0x0  }
0x1f: {  	[sflag:s15] =	ssyncadd.s32 $0xFFFFC000  }
0x20: {  	[spmem:s2] =	stream.indirect.scatter.add.f32 [tilespmem:s14], [sflag:$0x2], $0x80, s13, s13, $0xb8;
	[tilespmem:$0x13D00] =	vst v63  }
0x21: {  	_ =	swait.ge [sflag:s12], $0x4000  }
0x22: {  	s18 =	simm.s32 $0x20;
	s17 =	simm.s32 $0x10;
	[sflag:s12] =	ssyncset.done $0x0  }
.LBB2_2:
0x23: {  	s19 =	sadd.s32 s17, s10  }
0x24: {  	[sflag:s12] =	ssyncadd.s32 $0xFFFFC000;
	s20 =	smov.u32 s18;
	s21 =	sadd.s32 $0x10, s18  }
0x25: {  	[tilespmem:s3], [sflag:$0x2] =	stream.linear.gather [hbm4b:s19+s3], $0x80, $0x38;
	[tilespmem:$0x13D00] =	vst v63  }
0x26: {  	p0 =	sne.s32 s18, $0x3E0;
	_ =	swait.ge [sflag:s12], $0x80  }
0x27: {  	[sflag:s12] =	ssyncset.done $0x0  }
0x28: {  	s18 =	sadd.s32 s17, s9;
	s17 =	smov.u32 s20;
	[sflag:s12] =	ssyncadd.s32 $0xFFFFFF80  }
0x29: {  	[tilespmem:s13], [sflag:$0x2] =	stream.linear.gather [hbm4b:s18+s3], $0x80, $0x38;
	[tilespmem:$0x13D00] =	vst v63  }
0x2a: {  	_ =	swait.ge [sflag:s12], $0x80  }
0x2b: {  	[sflag:s12] =	ssyncset.done $0x0  }
0x2c: {  	[sflag:s12] =	ssyncadd.s32 $0xFFFFFF80  }
0x2d: {  	[tilespmem:s14], [sflag:$0x1] =	stream.indirect.gather [hbm4b:s4+s13], $0x80, s3, s13, $0xb8;
	[tilespmem:$0x13D00] =	vst v63  }
0x2e: {  	_ =	swait.ge [sflag:s15], $0x4000  }
.Ltmp0:
0x2f: {  	[sflag:s15] =	ssyncset.done $0x0;
	(pc) =	sbr.rel @p0 .LBB2_2-.Ltmp0, $4  }
0x30: {  	[sflag:s15] =	ssyncadd.s32 $0xFFFFC000  }
0x31: {  	[spmem:s2] =	stream.indirect.scatter.add.f32 [tilespmem:s14], [sflag:$0x2], $0x80, s13, s13, $0xb8;
	[tilespmem:$0x13D00] =	vst v63  }
0x32: {  	_ =	swait.ge [sflag:s12], $0x4000  }
0x33: {  	s18 =	smov.u32 s21;
	[sflag:s12] =	ssyncset.done $0x0  }
0x34: {  	s18 =	sadd.s32 s17, s10;
	[sflag:s12] =	ssyncadd.s32 $0xFFFFC000  }
0x35: {  	[tilespmem:s3], [sflag:$0x2] =	stream.linear.gather [hbm4b:s18+s3], $0x80, $0x38;
	[tilespmem:$0x13D00] =	vst v63  }
0x36: {  	_ =	swait.ge [sflag:s12], $0x80  }
0x37: {  	[sflag:s12] =	ssyncset.done $0x0  }
0x38: {  	s31 =	sadd.s32 s17, s9;
	[sflag:s12] =	ssyncadd.s32 $0xFFFFFF80  }
0x39: {  	[tilespmem:s13], [sflag:$0x2] =	stream.linear.gather [hbm4b:s31+s3], $0x80, $0x38;
	[tilespmem:$0x13D00] =	vst v63  }
0x3a: {  	_ =	swait.ge [sflag:s12], $0x80  }
0x3b: {  	[sflag:s12] =	ssyncset.done $0x0  }
0x3c: {  	[sflag:s12] =	ssyncadd.s32 $0xFFFFFF80  }
0x3d: {  	[tilespmem:s14], [sflag:$0x1] =	stream.indirect.gather [hbm4b:s4+s13], $0x80, s3, s13, $0xb8;
	[tilespmem:$0x13D00] =	vst v63  }
0x3e: {  	_ =	swait.ge [sflag:s15], $0x4000  }
0x3f: {  	[sflag:s15] =	ssyncset.done $0x0  }
0x40: {  	[sflag:s15] =	ssyncadd.s32 $0xFFFFC000  }
0x41: {  	[spmem:s2] =	stream.indirect.scatter.add.f32 [tilespmem:s14], [sflag:$0x2], $0x80, s13, s13, $0xb8;
	[tilespmem:$0x13D00] =	vst v63  }
0x42: {  	_ =	swait.ge [sflag:s12], $0x4000  }
0x43: {  	s16 =	sadd.s32 $0x1, s16;
	[sflag:s12] =	ssyncset.done $0x0  }
0x44: {  	p0 =	sne.s32 s16, s8;
	[sflag:s12] =	ssyncadd.s32 $0xFFFFC000  }
.Ltmp1:
0x45: {  	[bflag:$0x0] =	sbarrier.arrive $0xFFFF;
	(pc) =	sbr.rel @p0 .LBB2_1-.Ltmp1, $4  }
0x46: {  	[hbm:s7], [sflag:s6] =	dma.local [spmem:s11], $0x1F80  }
0x47: {  	_ =	swait.ge [sflag:s12], $0x1F80  }
0x48: {  	[sflag:s12] =	ssyncset.done $0x0  }
0x49: {  	[sflag:s12] =	ssyncadd.s32 $0xFFFFE080  }
0x4a: {  	_ =	sfence.sel $0x180000  }
0x4b: {  	[bflag:$0x0] =	sbarrier.arrive $0xFFFF  }
0x4c: {  	p0 =	sne.s32 s1, $0x0;
	_ =	strace $0x9000004A  }
0x4d: {  	s0 =	sadd.s32 @!p0 $0x100000, s0;
	[bflag:$0x2] =	sbarrier.arrive $0xFFFF  }
0x4e: {  	[sflag:s0] =	ssyncadd.tile.s32 @!p0 $0x1;
	_ =	shalt  }
.Lfunc_end2:
_tile_overlayer_lowered:
.L_overlay_start_2:
0x4f: {  	(tag) =	ssettag $0x2  }
0x50: {  	s0 =	rddreg [dreg:$0x0];
	s2 =	stileid.u32  }
0x51: {  	s1 =	rddreg [dreg:$0x1];
	p0 =	sne.s32 s2, $0x0  }
0x52: {  	s3 =	rddreg [dreg:$0x2];
	[bflag:$0x3] =	sbarrier.arrive $0xFFFF;
	s2 =	simm.s32 @!p0 $0x1C02  }
0x53: {  	[timem:s3], [sflag:s2] =	dma.local @!p0 [hbm:s0], s1  }
0x54: {  	s0 =	simm.s32 @!p0 $0x2  }
0x55: {  	_ =	swait.ge @!p0 [sflag:s0], s1  }
0x56: {  	s1 =	ssub.s32 @!p0 $0x0, s1;
	[sflag:s0] =	ssyncset.done @!p0 $0x0  }
0x57: {  	[sflag:s0] =	ssyncadd.s32 @!p0 s1  }
0x58: {  	[bflag:$0x3] =	sbarrier.arrive $0xFFFF  }
0x59: {  	_ =	shalt  }

// kernel: kernel.32.cloned.1.call-start
scs
__scs_entry_jumppad:
0x0: {  	(pc) =	sbr.rel $0x88, $3  }
0x1: {  	(tag) =	ssettag $0x0;
	lr =	simm.s32 $0x1  }
0x2: {  	[smem:$0x3F90] =	sst lr;
	_ =	strace $0xD0000000  }
0x3: {  	_ = 	snop  }
0x4: {  	_ = 	snop  }
0x5: {  	_ = 	snop  }
0x6: {  	_ = 	snop  }
0x7: {  	_ = 	snop  }
__scs_overlays_trampoline_lowered:
0x8: {  	[smem:$0x3F9F] =	sst s0  }
0x9: {  	[smem:$0x3FA0] =	sst s1  }
0xa: {  	[smem:$0x3FA1] =	sst s2  }
0xb: {  	[smem:$0x3FA2] =	sst s3  }
0xc: {  	[smem:$0x3FA3] =	sst s4  }
0xd: {  	[smem:$0x3FA4] =	sst s5  }
0xe: {  	[smem:$0x3FA5] =	sst s6  }
0xf: {  	[smem:$0x3FA6] =	sst s7  }
0x10: {  	[smem:$0x3FA7] =	sst s8  }
0x11: {  	[smem:$0x3FA8] =	sst s9;
	s0 =	simm.s32 @!p0 $0x0  }
0x12: {  	s1 =	sld [smem:$0x3F8E];
	s0 =	simm.s32 @p0 $0x1  }
0x13: {  	[smem:$0x3FA9] =	sst s0;
	s0 =	simm.s32 @!p1 $0x0  }
0x14: {  	s2 =	sld [smem:$0x3F8D];
	s0 =	simm.s32 @p1 $0x1  }
0x15: {  	[smem:$0x3FAA] =	sst s0;
	s0 =	simm.s32 @!p2 $0x0  }
0x16: {  	s3 =	sld [smem:$0x3FDB];
	s0 =	simm.s32 @p2 $0x1  }
0x17: {  	s4 =	simm.s32 $0x1BF5;
	[smem:$0x3FAC] =	sst s0  }
0x18: {  	s0 =	sld [smem:$0x3F8F];
	_ =	swait.ge [sflag:s4], $0x0  }
0x19: {  	s7 =	sld [smem:$0x3F90]  }
0x1a: {  	s8 =	sadd.s32 $0xFFFFE003, lr  }
0x1b: {  	s9 =	sadd.s32 $0xFFFFFEF7, lr;
	s5 =	simm.s32 $0xFFFFFFFF;
	p2 =	slt.u32 s8, $0xFFFFF086  }
0x1c: {  	p1 =	slt.u32 s9, $0xF7A;
	s5 =	simm.s32 @!p2 $0x0  }
0x1d: {  	s5 =	simm.s32 @p1 $0x1;
	p0 =	seq.s32 s7, s2  }
0x1e: {  	s7 =	smul.u32 @!p0 $0xF7A, s2;
	p2 =	seq.s32 @!p0 s5, $0x0  }
0x1f: {  	s9 =	smul.u32 $0xF7A, s1;
	s8 =	simm.s32 @!p0 $0x1BF5;
	p2 =	por !p2, p0  }
0x20: {  	[sflag:s8] =	ssyncset.s32 @!p0 $0xFFFFF086;
	s6 =	sadd.s32 @!p0 s3, s7;
	s7 =	simm.s32 @!p0 $0x108  }
0x21: {  	s3 =	sadd.s32 s3, s9;
	s6 =	sadd.s32 @!p0 $0x88, s6;
	s7 =	simm.s32 @p2 $0x1082  }
0x22: {  	[simem:s7], [sflag:s8] =	dma.local @!p0 [hbm:s6], $0xF7A  }
0x23: {  	s9 =	sor.u32 $0xD0000000, s2;
	s6 =	simm.s32 $0x108;
	_ =	swait.ge @!p0 [sflag:s8], $0x0  }
0x24: {  	s3 =	sadd.s32 $0x88, s3;
	s6 =	simm.s32 @!p1 $0x1082;
	[sflag:s4] =	ssyncset.s32 $0xFFFFF086  }
0x25: {  	[simem:s6], [sflag:s4] =	dma.local [hbm:s3], $0xF7A  }
0x26: {  	[smem:$0x3F90] =	sst s1;
	(tag) =	ssettag s2;
	_ =	strace s9  }
0x27: {  	s1 =	sld [smem:$0x3FA0]  }
0x28: {  	s2 =	sld [smem:$0x3FA1]  }
0x29: {  	s4 =	sld [smem:$0x3FA3]  }
0x2a: {  	p0 =	seq.s32 s5, $0x0;
	s5 =	sld [smem:$0x3FA4]  }
0x2b: {  	s6 =	sld [smem:$0x3FA5]  }
0x2c: {  	s7 =	sld [smem:$0x3FA6]  }
0x2d: {  	s3 =	simm.s32 $0x108;
	s8 =	sld [smem:$0x3FA7]  }
0x2e: {  	s3 =	simm.s32 @!p0 $0x1082;
	s9 =	sld [smem:$0x3FA8]  }
0x2f: {  	lr =	sadd.s32 s0, s3;
	s0 =	sld [smem:$0x3F9F]  }
0x30: {  	s3 =	sld [smem:$0x3FA2]  }
0x31: {  	[smem:$0x3FAB] =	sst s10  }
0x32: {  	s10 =	sld [smem:$0x3FA9];
	_ =	sdelay $0x3  }
0x33: {  	p0 =	seq.s32 s10, $0x1;
	s10 =	sld [smem:$0x3FAB];
	_ =	sdelay $0x3  }
0x34: {  	[smem:$0x3FAB] =	sst s10  }
0x35: {  	s10 =	sld [smem:$0x3FAA];
	_ =	sdelay $0x3  }
0x36: {  	p1 =	seq.s32 s10, $0x1;
	s10 =	sld [smem:$0x3FAB];
	_ =	sdelay $0x3  }
0x37: {  	[smem:$0x3FAB] =	sst s10  }
0x38: {  	s10 =	sld [smem:$0x3FAC]  }
0x39: {  	_ = 	snop;
	(pc) =	sbr.ind lr, $3  }
0x3a: {  	_ = 	snop  }
0x3b: {  	_ = 	snop  }
0x3c: {  	p2 =	seq.s32 s10, $0x1;
	s10 =	sld [smem:$0x3FAB]  }
0x3d: {  	_ =	shalt  }
0x3e: {  	_ =	shalt  }
0x3f: {  	_ =	shalt  }
0x40: {  	_ =	shalt  }
0x41: {  	_ =	shalt  }
0x42: {  	_ =	shalt  }
0x43: {  	_ =	shalt  }
0x44: {  	_ =	shalt  }
0x45: {  	_ =	shalt  }
0x46: {  	_ =	shalt  }
0x47: {  	_ =	shalt  }
0x48: {  	_ =	shalt  }
0x49: {  	_ =	shalt  }
0x4a: {  	_ =	shalt  }
0x4b: {  	_ =	shalt  }
0x4c: {  	_ =	shalt  }
0x4d: {  	_ =	shalt  }
0x4e: {  	_ =	shalt  }
0x4f: {  	_ =	shalt  }
0x50: {  	_ =	shalt  }
0x51: {  	_ =	shalt  }
0x52: {  	_ =	shalt  }
0x53: {  	_ =	shalt  }
0x54: {  	_ =	shalt  }
0x55: {  	_ =	shalt  }
0x56: {  	_ =	shalt  }
0x57: {  	_ =	shalt  }
0x58: {  	_ =	shalt  }
0x59: {  	_ =	shalt  }
0x5a: {  	_ =	shalt  }
0x5b: {  	_ =	shalt  }
0x5c: {  	_ =	shalt  }
0x5d: {  	_ =	shalt  }
0x5e: {  	_ =	shalt  }
0x5f: {  	_ =	shalt  }
0x60: {  	_ =	shalt  }
0x61: {  	_ =	shalt  }
0x62: {  	_ =	shalt  }
0x63: {  	_ =	shalt  }
0x64: {  	_ =	shalt  }
0x65: {  	_ =	shalt  }
0x66: {  	_ =	shalt  }
0x67: {  	_ =	shalt  }
0x68: {  	_ =	shalt  }
0x69: {  	_ =	shalt  }
0x6a: {  	_ =	shalt  }
0x6b: {  	_ =	shalt  }
0x6c: {  	_ =	shalt  }
0x6d: {  	_ =	shalt  }
0x6e: {  	_ =	shalt  }
0x6f: {  	_ =	shalt  }
0x70: {  	_ =	shalt  }
0x71: {  	_ =	shalt  }
0x72: {  	_ =	shalt  }
0x73: {  	_ =	shalt  }
0x74: {  	_ =	shalt  }
0x75: {  	_ =	shalt  }
0x76: {  	_ =	shalt  }
0x77: {  	_ =	shalt  }
0x78: {  	_ =	shalt  }
0x79: {  	_ =	shalt  }
0x7a: {  	_ =	shalt  }
0x7b: {  	_ =	shalt  }
0x7c: {  	_ =	shalt  }
0x7d: {  	_ =	shalt  }
0x7e: {  	_ =	shalt  }
0x7f: {  	_ =	shalt  }
0x80: {  	_ =	shalt  }
0x81: {  	_ =	shalt  }
0x82: {  	_ =	shalt  }
0x83: {  	_ =	shalt  }
0x84: {  	_ =	shalt  }
0x85: {  	_ =	shalt  }
0x86: {  	_ =	shalt  }
0x87: {  	_ =	shalt  }
.Lfunc_end0:
.L_simem_size_0:
called_computation.5_lowered:
.L_overlay_start_0:
0x88: {  	s2 =	sld [smem:$0x3FD9]  }
0x89: {  	s3 =	sld [smem:$0x3FFE];
	_ =	sdelay $0x1  }
0x8a: {  	s1 =	srdreg.scid  }
0x8b: {  	s0 =	sand.u32 $0x1, s1  }
0x8c: {  	s15 =	sshll.u32 s0, $0xA;
	s2 =	sadd.s32 s3, s2  }
0x8d: {  	s2 =	sadd.s32 s2, s15  }
0x8e: {  	[smem:$0x3FB7] =	sst s2  }
0x8f: {  	_ = 	snop  }
0x90: {  	s2 =	sld [smem:$0x3FD0];
	_ =	sdelay $0x2  }
0x91: {  	s16 =	simm.s32 $0xC;
	s4 =	simm.s32 $0x10  }
0x92: {  	[smem:s4], [sflag:s16] =	dma.local [hbm:s2], $0x1  }
0x93: {  	_ =	swait.eq [sflag:s16], $0x1  }
0x94: {  	[sflag:s16] =	ssyncset.done $0x0  }
0x95: {  	[sflag:s16] =	ssyncadd.s32 $0xFFFFFFFF  }
0x96: {  	s17 =	sld [smem:$0x10];
	(tm) =	ssettm $0x1  }
0x97: {  	s18 =	sld [smem:$0x3FFB];
	_ =	sdelay $0x3  }
0x98: {  	_ =	strace s18  }
0x99: {  	s2 =	sld [smem:$0x3FFC];
	_ =	sdelay $0x3  }
0x9a: {  	_ =	strace s2  }
0x9b: {  	s2 =	sld [smem:$0x3FFD];
	_ =	sdelay $0x3  }
0x9c: {  	_ =	strace s2  }
0x9d: {  	_ =	strace $0x8FFFFFFF  }
0x9e: {  	s19 =	sld [smem:$0x3FDB];
	_ =	sdelay $0x1  }
0x9f: {  	s20 =	simm.s32 $_scs_section_size  }
0xa0: {  	s5 =	simm.s32 $_size__tile_overlayer_lowered;
	s6 =	simm.s32 $_tile_overlayer_lowered  }
0xa1: {  	s7 =	simm.s32 $0x1BFF;
	s21 =	sshll.u32 s6, $0x1;
	s4 =	sadd.s32 s20, s19  }
0xa2: {  	s22 =	simm.s32 $0x0;
	s5 =	sshll.u32 s5, $0x1;
	s6 =	sadd.s32 s21, s4  }
0xa3: {  	[timem:s22], [sflag:s7] =	dma.local [hbm:s6], s5  }
0xa4: {  	_ =	swait.ge [sflag:s7], s5  }
0xa5: {  	s5 =	ssub.s32 $0x0, s5;
	[sflag:s7] =	ssyncset.done $0x0  }
0xa6: {  	[sflag:s7] =	ssyncadd.s32 s5;
	_ =	sdelay $0x1  }
0xa7: {  	s23 =	simm.s32 $0x1B8B  }
0xa8: {  	_ =	swait.ge [sflag:s23], $0x1  }
0xa9: {  	[sflag:s23] =	ssyncset.done $0x0  }
0xaa: {  	[sflag:s23] =	ssyncadd.s32 $0xFFFFFFFF  }
0xab: {  	s5 =	sld [smem:$0x0]  }
0xac: {  	s6 =	sand.u32 $0xFFFFFFFE, s1  }
0xad: {  	p0 =	sne.s32 s1, s6  }
0xae: {  	s6 =	sshll.u32 @p0 s6, $0xE  }
0xaf: {  	s6 =	sadd.s32 @p0 $0x11B8D, s6;
	s7 =	sshll.u32 @p0 s5, $0x11  }
0xb0: {  	s6 =	sor.u32 @p0 s7, s6  }
0xb1: {  	[sflag:s6] =	ssyncadd.remote.s32 @p0 $0x1;
	_ =	sdelay $0x1  }
0xb2: {  	s6 =	simm.s32 @p0 $0x1B8D  }
0xb3: {  	_ =	swait.eq @p0 [sflag:s6], $0x1  }
0xb4: {  	[sflag:s6] =	ssyncadd.s32 @p0 $0xFFFFFFFF  }
0xb5: {  	s7 =	sshll.u32 @!p0 s1, $0xE  }
0xb6: {  	s7 =	sor.u32 @!p0 $0x4000, s7;
	s6 =	simm.s32 @!p0 $0x1B8D  }
0xb7: {  	s5 =	sshll.u32 @!p0 s5, $0x11;
	s7 =	sadd.s32 @!p0 $0x11B8D, s7;
	_ =	swait.eq @!p0 [sflag:s6], $0x1  }
0xb8: {  	s5 =	sor.u32 @!p0 s5, s7;
	[sflag:s6] =	ssyncadd.s32 @!p0 $0xFFFFFFFF  }
0xb9: {  	s25 =	simm.s32 $0x1B8E;
	s24 =	sld [smem:$0x3FFE];
	[sflag:s5] =	ssyncadd.remote.s32 @!p0 $0x1  }
0xba: {  	s26 =	simm.s32 $execute0_lowered;
	[smem:$0x3FD2] =	sst s25  }
0xbb: {  	s6 =	sshll.u32 s26, $0x1;
	_ =	strace $0x80000058;
	[dreg:$0x1] =	wrdreg $0xFFFFFFFF  }
0xbc: {  	s28 =	simm.s32 $_size_execute0_lowered;
	s4 =	sadd.s32 s4, s6;
	[dreg:$0x0] =	wrdreg $0x0  }
0xbd: {  	s6 =	sshll.u32 s28, $0x1;
	[dreg:$0x2] =	wrdreg s4  }
0xbe: {  	[dreg:$0x3] =	wrdreg s6  }
0xbf: {  	[dreg:$0x4] =	wrdreg $0xC0  }
0xc0: {  	_ =	task [dreg:s22], $0x5FFFF  }
0xc1: {  	[dreg:$0x1] =	wrdreg $0xFFFFFFFF  }
0xc2: {  	[dreg:$0x0] =	wrdreg $0x60  }
0xc3: {  	[dreg:$0x2] =	wrdreg s24  }
0xc4: {  	[dreg:$0x3] =	wrdreg s17  }
0xc5: {  	[dreg:$0x4] =	wrdreg $0x41000  }
0xc6: {  	[dreg:$0x5] =	wrdreg $0x9  }
0xc7: {  	_ =	task.clear_ibuf [dreg:s22], $0x6FFFF;
	_ =	strace $0x90000058  }
0xc8: {  	s29 =	simm.s32 $0x9;
	_ =	strace $0x8000005A  }
0xc9: {  	_ =	swait.ge [sflag:s29], $0x1  }
0xca: {  	[sflag:s29] =	ssyncadd.s32 $0xFFFFFFFF  }
0xcb: {  	_ =	strace $0x9000005A  }
0xcc: {  	_ =	sfence  }
0xcd: {  	s30 =	sld [smem:$0x0];
	_ =	sdelay $0x2  }
0xce: {  	s31 =	sshll.u32 s1, $0xD;
	s1 =	sshrl.u32 s1, $0x2  }
0xcf: {  	s4 =	sand.u32 $0x4000, s31;
	s1 =	sadd.s32 s1, s30  }
0xd0: {  	s0 =	sor.u32 s4, s0;
	s1 =	sshll.u32 s1, $0x11  }
0xd1: {  	s0 =	sor.u32 s1, s0  }
0xd2: {  	s0 =	sadd.s32 $0x8F2B, s0  }
0xd3: {  	[sflag:s0] =	ssyncadd.remote.s32 $0x1  }
0xd4: {  	_ =	sfence.sel $0xFFFF  }
0xd5: {  	[dreg:$0x0] =	wrdreg $0xFFFFFFFF;
	(pc) =	sbr.abs _section_cstart, $3  }
0xd6: {  	[dreg:$0x1] =	wrdreg $0xFFFFFFFF  }
0xd7: {  	_ =	task.clear_ibuf [dreg:s22], $0x2FFFF;
	_ =	strace $0x9FFFFFFF  }
0xd8: {  	(tm) =	ssettm $0x7FFFFFFF  }
0xd9: {  	_ =	shalt  }
tec
execute0_lowered:
.L_overlay_start_1:
0x0: {  	(tag) =	ssettag $0x1  }
0x1: {  	s6 =	rddreg [dreg:$0x0]  }
0x2: {  	s10 =	rddreg [dreg:$0x1]  }
0x3: {  	s2 =	rddreg [dreg:$0x2]  }
0x4: {  	s0 =	rddreg [dreg:$0x3]  }
0x5: {  	s1 =	stileid.u32;
	s4 =	srdreg.scid;
	s3 =	simm.s32 $0x0  }
0x6: {  	s17 =	simm.s32 $0x1;
	s18 =	simm.s32 $0x0;
	s5 =	smul.u32 $0x278, s1  }
0x7: {  	s7 =	sand.u32 $0x1, s4;
	[smem:$0x7FF] =	sst s3;
	s11 =	smul.u32 $0x9E0, s1  }
0x8: {  	s4 =	sadd.s32 $0x10D800, s6;
	s9 =	smul.u32 $0x4F000, s1;
	s30 =	sshll.u32 s1, $0x6  }
0x9: {  	s8 =	smul.u32 $0x2780, s7;
	_ =	strace $0x80000059;
	s13 =	ssub.s32 $0x2, s7  }
0xa: {  	s16 =	smul.u32 $0x4F0, s7;
	s12 =	sadd.s32 s11, s6;
	s28 =	sshrl.u32 s9, $0x2  }
0xb: {  	s29 =	sshrl.u32 s13, $0x1;
	s10 =	sadd.s32 s11, s10;
	s8 =	sadd.s32 s5, s8  }
0xc: {  	s5 =	sadd.s32 $0x24600, s6;
	s14 =	sadd.s32 s28, s2;
	s9 =	ssub.s32 s13, s29  }
0xd: {  	s31 =	sadd.s32 s16, s12;
	s10 =	sadd.s32 s16, s10;
	s13 =	simm.s32 $0x2  }
0xe: {  	s16 =	simm.s32 $0x100;
	s8 =	sshll.u32 s8, $0x4;
	s15 =	sadd.s32 $0x10000, s14  }
0xf: {  	s9 =	smax.u32 s9, $0x1;
	s11 =	sadd.s32 $0x103A00, s31;
	s12 =	sshrl.u32 s14, $0x3  }
0x10: {  	s8 =	sadd.s32 s8, s6;
	s6 =	sor.u32 $0x1C02, s30;
	s14 =	sshrl.u32 s15, $0x3  }
0x11: {  	s15 =	simm.s32 $0x80;
	s7 =	sadd.s32 $0x134A00, s8;
	s8 =	sadd.s32 $0x136A00, s8  }
.LBB2_1:
0x12: {  	[spmem:s12], [sflag:s6] =	dma.local [hbm:s5], $0x2000  }
0x13: {  	_ =	swait.ge [sflag:s13], $0x2000  }
0x14: {  	[sflag:s13] =	ssyncset.done $0x0  }
0x15: {  	[sflag:s13] =	ssyncadd.s32 $0xFFFFE000  }
0x16: {  	[spmem:s14], [sflag:s6] =	dma.local [hbm:s5], $0x780  }
0x17: {  	_ =	swait.ge [sflag:s13], $0x780  }
0x18: {  	[sflag:s13] =	ssyncset.done $0x0  }
0x19: {  	[sflag:s13] =	ssyncadd.s32 $0xFFFFF880  }
0x1a: {  	s19 =	sadd.s32 $0x0, s11;
	[bflag:$0x0] =	sbarrier.arrive $0xFFFF  }
0x1b: {  	[tilespmem:s3], [sflag:$0x2] =	stream.linear.gather [hbm4b:s19+s3], $0x80, $0x38;
	[tilespmem:$0x17D00] =	vst v63  }
0x1c: {  	_ =	swait.ge [sflag:s13], $0x80  }
0x1d: {  	[sflag:s13] =	ssyncset.done $0x0  }
0x1e: {  	s31 =	sadd.s32 $0x0, s10;
	[sflag:s13] =	ssyncadd.s32 $0xFFFFFF80  }
0x1f: {  	[tilespmem:s15], [sflag:$0x2] =	stream.linear.gather [hbm4b:s31+s3], $0x80, $0x38;
	[tilespmem:$0x17D00] =	vst v63  }
0x20: {  	_ =	swait.ge [sflag:s13], $0x80  }
0x21: {  	[sflag:s13] =	ssyncset.done $0x0  }
0x22: {  	[sflag:s13] =	ssyncadd.s32 $0xFFFFFF80  }
0x23: {  	[tilespmem:s16], [sflag:$0x1] =	stream.indirect.gather [hbm4b:s4+s15], $0x80, s3, s15, $0xb8;
	[tilespmem:$0x17D00] =	vst v63  }
0x24: {  	_ =	swait.ge [sflag:s17], $0x4000  }
0x25: {  	[sflag:s17] =	ssyncset.done $0x0  }
0x26: {  	[sflag:s17] =	ssyncadd.s32 $0xFFFFC000  }
0x27: {  	[spmem:s2] =	stream.indirect.scatter.add.f32 [tilespmem:s16], [sflag:$0x2], $0x80, s15, s15, $0xb8;
	[tilespmem:$0x17D00] =	vst v63  }
0x28: {  	_ =	swait.ge [sflag:s13], $0x4000  }
0x29: {  	s20 =	simm.s32 $0x20;
	s19 =	simm.s32 $0x10;
	[sflag:s13] =	ssyncset.done $0x0  }
.LBB2_2:
0x2a: {  	s21 =	sadd.s32 s19, s11  }
0x2b: {  	[sflag:s13] =	ssyncadd.s32 $0xFFFFC000;
	s22 =	smov.u32 s20;
	s23 =	sadd.s32 $0x10, s20  }
0x2c: {  	[tilespmem:s3], [sflag:$0x2] =	stream.linear.gather [hbm4b:s21+s3], $0x80, $0x38;
	[tilespmem:$0x17D00] =	vst v63  }
0x2d: {  	p0 =	sne.s32 s20, $0x4E0;
	_ =	swait.ge [sflag:s13], $0x80  }
0x2e: {  	[sflag:s13] =	ssyncset.done $0x0  }
0x2f: {  	s20 =	sadd.s32 s19, s10;
	s19 =	smov.u32 s22;
	[sflag:s13] =	ssyncadd.s32 $0xFFFFFF80  }
0x30: {  	[tilespmem:s15], [sflag:$0x2] =	stream.linear.gather [hbm4b:s20+s3], $0x80, $0x38;
	[tilespmem:$0x17D00] =	vst v63  }
0x31: {  	_ =	swait.ge [sflag:s13], $0x80  }
0x32: {  	[sflag:s13] =	ssyncset.done $0x0  }
0x33: {  	[sflag:s13] =	ssyncadd.s32 $0xFFFFFF80  }
0x34: {  	[tilespmem:s16], [sflag:$0x1] =	stream.indirect.gather [hbm4b:s4+s15], $0x80, s3, s15, $0xb8;
	[tilespmem:$0x17D00] =	vst v63  }
0x35: {  	_ =	swait.ge [sflag:s17], $0x4000  }
.Ltmp0:
0x36: {  	[sflag:s17] =	ssyncset.done $0x0;
	(pc) =	sbr.rel @p0 .LBB2_2-.Ltmp0, $4  }
0x37: {  	[sflag:s17] =	ssyncadd.s32 $0xFFFFC000  }
0x38: {  	[spmem:s2] =	stream.indirect.scatter.add.f32 [tilespmem:s16], [sflag:$0x2], $0x80, s15, s15, $0xb8;
	[tilespmem:$0x17D00] =	vst v63  }
0x39: {  	_ =	swait.ge [sflag:s13], $0x4000  }
0x3a: {  	s20 =	smov.u32 s23;
	[sflag:s13] =	ssyncset.done $0x0  }
0x3b: {  	s20 =	sadd.s32 s19, s11;
	[sflag:s13] =	ssyncadd.s32 $0xFFFFC000  }
0x3c: {  	[tilespmem:s3], [sflag:$0x2] =	stream.linear.gather [hbm4b:s20+s3], $0x80, $0x38;
	[tilespmem:$0x17D00] =	vst v63  }
0x3d: {  	_ =	swait.ge [sflag:s13], $0x80  }
0x3e: {  	[sflag:s13] =	ssyncset.done $0x0  }
0x3f: {  	s31 =	sadd.s32 s19, s10;
	[sflag:s13] =	ssyncadd.s32 $0xFFFFFF80  }
0x40: {  	[tilespmem:s15], [sflag:$0x2] =	stream.linear.gather [hbm4b:s31+s3], $0x80, $0x38;
	[tilespmem:$0x17D00] =	vst v63  }
0x41: {  	_ =	swait.ge [sflag:s13], $0x80  }
0x42: {  	[sflag:s13] =	ssyncset.done $0x0  }
0x43: {  	[sflag:s13] =	ssyncadd.s32 $0xFFFFFF80  }
0x44: {  	[tilespmem:s16], [sflag:$0x1] =	stream.indirect.gather [hbm4b:s4+s15], $0x80, s3, s15, $0xb8;
	[tilespmem:$0x17D00] =	vst v63  }
0x45: {  	_ =	swait.ge [sflag:s17], $0x4000  }
0x46: {  	[sflag:s17] =	ssyncset.done $0x0  }
0x47: {  	[sflag:s17] =	ssyncadd.s32 $0xFFFFC000  }
0x48: {  	[spmem:s2] =	stream.indirect.scatter.add.f32 [tilespmem:s16], [sflag:$0x2], $0x80, s15, s15, $0xb8;
	[tilespmem:$0x17D00] =	vst v63  }
0x49: {  	_ =	swait.ge [sflag:s13], $0x4000  }
0x4a: {  	[sflag:s13] =	ssyncset.done $0x0  }
0x4b: {  	[sflag:s13] =	ssyncadd.s32 $0xFFFFC000  }
0x4c: {  	[bflag:$0x0] =	sbarrier.arrive $0xFFFF  }
0x4d: {  	[hbm:s7], [sflag:s6] =	dma.local [spmem:s12], $0x2000  }
0x4e: {  	s18 =	sadd.s32 $0x1, s18;
	_ =	swait.ge [sflag:s13], $0x2000  }
0x4f: {  	p0 =	sne.s32 s18, s9;
	[sflag:s13] =	ssyncset.done $0x0  }
.Ltmp1:
0x50: {  	[sflag:s13] =	ssyncadd.s32 $0xFFFFE000;
	(pc) =	sbr.rel @p0 .LBB2_1-.Ltmp1, $4  }
0x51: {  	[hbm:s8], [sflag:s6] =	dma.local [spmem:s14], $0x780  }
0x52: {  	_ =	swait.ge [sflag:s13], $0x780  }
0x53: {  	[sflag:s13] =	ssyncset.done $0x0  }
0x54: {  	[sflag:s13] =	ssyncadd.s32 $0xFFFFF880  }
0x55: {  	_ =	sfence.sel $0x180000  }
0x56: {  	[bflag:$0x0] =	sbarrier.arrive $0xFFFF  }
0x57: {  	p0 =	sne.s32 s1, $0x0;
	_ =	strace $0x90000059  }
0x58: {  	s0 =	sadd.s32 @!p0 $0x100000, s0;
	[bflag:$0x2] =	sbarrier.arrive $0xFFFF  }
0x59: {  	[sflag:s0] =	ssyncadd.tile.s32 @!p0 $0x1;
	_ =	shalt  }
.Lfunc_end2:
_tile_overlayer_lowered:
.L_overlay_start_2:
0x5a: {  	(tag) =	ssettag $0x2  }
0x5b: {  	s0 =	rddreg [dreg:$0x0];
	s2 =	stileid.u32  }
0x5c: {  	s1 =	rddreg [dreg:$0x1];
	p0 =	sne.s32 s2, $0x0  }
0x5d: {  	s3 =	rddreg [dreg:$0x2];
	[bflag:$0x3] =	sbarrier.arrive $0xFFFF;
	s2 =	simm.s32 @!p0 $0x1C02  }
0x5e: {  	[timem:s3], [sflag:s2] =	dma.local @!p0 [hbm:s0], s1  }
0x5f: {  	s0 =	simm.s32 @!p0 $0x2  }
0x60: {  	_ =	swait.ge @!p0 [sflag:s0], s1  }
0x61: {  	s1 =	ssub.s32 @!p0 $0x0, s1;
	[sflag:s0] =	ssyncset.done @!p0 $0x0  }
0x62: {  	[sflag:s0] =	ssyncadd.s32 @!p0 s1  }
0x63: {  	[bflag:$0x3] =	sbarrier.arrive $0xFFFF  }
0x64: {  	_ =	shalt  }

// kernel: kernel.35.cloned.1.call-start
scs
__scs_entry_jumppad:
0x0: {  	(pc) =	sbr.rel $0x88, $3  }
0x1: {  	(tag) =	ssettag $0x0;
	lr =	simm.s32 $0x1  }
0x2: {  	[smem:$0x3F90] =	sst lr;
	_ =	strace $0xD0000000  }
0x3: {  	_ = 	snop  }
0x4: {  	_ = 	snop  }
0x5: {  	_ = 	snop  }
0x6: {  	_ = 	snop  }
0x7: {  	_ = 	snop  }
__scs_overlays_trampoline_lowered:
0x8: {  	[smem:$0x3F9F] =	sst s0  }
0x9: {  	[smem:$0x3FA0] =	sst s1  }
0xa: {  	[smem:$0x3FA1] =	sst s2  }
0xb: {  	[smem:$0x3FA2] =	sst s3  }
0xc: {  	[smem:$0x3FA3] =	sst s4  }
0xd: {  	[smem:$0x3FA4] =	sst s5  }
0xe: {  	[smem:$0x3FA5] =	sst s6  }
0xf: {  	[smem:$0x3FA6] =	sst s7  }
0x10: {  	[smem:$0x3FA7] =	sst s8  }
0x11: {  	[smem:$0x3FA8] =	sst s9;
	s0 =	simm.s32 @!p0 $0x0  }
0x12: {  	s1 =	sld [smem:$0x3F8E];
	s0 =	simm.s32 @p0 $0x1  }
0x13: {  	[smem:$0x3FA9] =	sst s0;
	s0 =	simm.s32 @!p1 $0x0  }
0x14: {  	s2 =	sld [smem:$0x3F8D];
	s0 =	simm.s32 @p1 $0x1  }
0x15: {  	[smem:$0x3FAA] =	sst s0;
	s0 =	simm.s32 @!p2 $0x0  }
0x16: {  	s3 =	sld [smem:$0x3FDB];
	s0 =	simm.s32 @p2 $0x1  }
0x17: {  	s4 =	simm.s32 $0x1BF5;
	[smem:$0x3FAC] =	sst s0  }
0x18: {  	s0 =	sld [smem:$0x3F8F];
	_ =	swait.ge [sflag:s4], $0x0  }
0x19: {  	s7 =	sld [smem:$0x3F90]  }
0x1a: {  	s8 =	sadd.s32 $0xFFFFE003, lr  }
0x1b: {  	s9 =	sadd.s32 $0xFFFFFEF7, lr;
	s5 =	simm.s32 $0xFFFFFFFF;
	p2 =	slt.u32 s8, $0xFFFFF086  }
0x1c: {  	p1 =	slt.u32 s9, $0xF7A;
	s5 =	simm.s32 @!p2 $0x0  }
0x1d: {  	s5 =	simm.s32 @p1 $0x1;
	p0 =	seq.s32 s7, s2  }
0x1e: {  	s7 =	smul.u32 @!p0 $0xF7A, s2;
	p2 =	seq.s32 @!p0 s5, $0x0  }
0x1f: {  	s9 =	smul.u32 $0xF7A, s1;
	s8 =	simm.s32 @!p0 $0x1BF5;
	p2 =	por !p2, p0  }
0x20: {  	[sflag:s8] =	ssyncset.s32 @!p0 $0xFFFFF086;
	s6 =	sadd.s32 @!p0 s3, s7;
	s7 =	simm.s32 @!p0 $0x108  }
0x21: {  	s3 =	sadd.s32 s3, s9;
	s6 =	sadd.s32 @!p0 $0x88, s6;
	s7 =	simm.s32 @p2 $0x1082  }
0x22: {  	[simem:s7], [sflag:s8] =	dma.local @!p0 [hbm:s6], $0xF7A  }
0x23: {  	s9 =	sor.u32 $0xD0000000, s2;
	s6 =	simm.s32 $0x108;
	_ =	swait.ge @!p0 [sflag:s8], $0x0  }
0x24: {  	s3 =	sadd.s32 $0x88, s3;
	s6 =	simm.s32 @!p1 $0x1082;
	[sflag:s4] =	ssyncset.s32 $0xFFFFF086  }
0x25: {  	[simem:s6], [sflag:s4] =	dma.local [hbm:s3], $0xF7A  }
0x26: {  	[smem:$0x3F90] =	sst s1;
	(tag) =	ssettag s2;
	_ =	strace s9  }
0x27: {  	s1 =	sld [smem:$0x3FA0]  }
0x28: {  	s2 =	sld [smem:$0x3FA1]  }
0x29: {  	s4 =	sld [smem:$0x3FA3]  }
0x2a: {  	p0 =	seq.s32 s5, $0x0;
	s5 =	sld [smem:$0x3FA4]  }
0x2b: {  	s6 =	sld [smem:$0x3FA5]  }
0x2c: {  	s7 =	sld [smem:$0x3FA6]  }
0x2d: {  	s3 =	simm.s32 $0x108;
	s8 =	sld [smem:$0x3FA7]  }
0x2e: {  	s3 =	simm.s32 @!p0 $0x1082;
	s9 =	sld [smem:$0x3FA8]  }
0x2f: {  	lr =	sadd.s32 s0, s3;
	s0 =	sld [smem:$0x3F9F]  }
0x30: {  	s3 =	sld [smem:$0x3FA2]  }
0x31: {  	[smem:$0x3FAB] =	sst s10  }
0x32: {  	s10 =	sld [smem:$0x3FA9];
	_ =	sdelay $0x3  }
0x33: {  	p0 =	seq.s32 s10, $0x1;
	s10 =	sld [smem:$0x3FAB];
	_ =	sdelay $0x3  }
0x34: {  	[smem:$0x3FAB] =	sst s10  }
0x35: {  	s10 =	sld [smem:$0x3FAA];
	_ =	sdelay $0x3  }
0x36: {  	p1 =	seq.s32 s10, $0x1;
	s10 =	sld [smem:$0x3FAB];
	_ =	sdelay $0x3  }
0x37: {  	[smem:$0x3FAB] =	sst s10  }
0x38: {  	s10 =	sld [smem:$0x3FAC]  }
0x39: {  	_ = 	snop;
	(pc) =	sbr.ind lr, $3  }
0x3a: {  	_ = 	snop  }
0x3b: {  	_ = 	snop  }
0x3c: {  	p2 =	seq.s32 s10, $0x1;
	s10 =	sld [smem:$0x3FAB]  }
0x3d: {  	_ =	shalt  }
0x3e: {  	_ =	shalt  }
0x3f: {  	_ =	shalt  }
0x40: {  	_ =	shalt  }
0x41: {  	_ =	shalt  }
0x42: {  	_ =	shalt  }
0x43: {  	_ =	shalt  }
0x44: {  	_ =	shalt  }
0x45: {  	_ =	shalt  }
0x46: {  	_ =	shalt  }
0x47: {  	_ =	shalt  }
0x48: {  	_ =	shalt  }
0x49: {  	_ =	shalt  }
0x4a: {  	_ =	shalt  }
0x4b: {  	_ =	shalt  }
0x4c: {  	_ =	shalt  }
0x4d: {  	_ =	shalt  }
0x4e: {  	_ =	shalt  }
0x4f: {  	_ =	shalt  }
0x50: {  	_ =	shalt  }
0x51: {  	_ =	shalt  }
0x52: {  	_ =	shalt  }
0x53: {  	_ =	shalt  }
0x54: {  	_ =	shalt  }
0x55: {  	_ =	shalt  }
0x56: {  	_ =	shalt  }
0x57: {  	_ =	shalt  }
0x58: {  	_ =	shalt  }
0x59: {  	_ =	shalt  }
0x5a: {  	_ =	shalt  }
0x5b: {  	_ =	shalt  }
0x5c: {  	_ =	shalt  }
0x5d: {  	_ =	shalt  }
0x5e: {  	_ =	shalt  }
0x5f: {  	_ =	shalt  }
0x60: {  	_ =	shalt  }
0x61: {  	_ =	shalt  }
0x62: {  	_ =	shalt  }
0x63: {  	_ =	shalt  }
0x64: {  	_ =	shalt  }
0x65: {  	_ =	shalt  }
0x66: {  	_ =	shalt  }
0x67: {  	_ =	shalt  }
0x68: {  	_ =	shalt  }
0x69: {  	_ =	shalt  }
0x6a: {  	_ =	shalt  }
0x6b: {  	_ =	shalt  }
0x6c: {  	_ =	shalt  }
0x6d: {  	_ =	shalt  }
0x6e: {  	_ =	shalt  }
0x6f: {  	_ =	shalt  }
0x70: {  	_ =	shalt  }
0x71: {  	_ =	shalt  }
0x72: {  	_ =	shalt  }
0x73: {  	_ =	shalt  }
0x74: {  	_ =	shalt  }
0x75: {  	_ =	shalt  }
0x76: {  	_ =	shalt  }
0x77: {  	_ =	shalt  }
0x78: {  	_ =	shalt  }
0x79: {  	_ =	shalt  }
0x7a: {  	_ =	shalt  }
0x7b: {  	_ =	shalt  }
0x7c: {  	_ =	shalt  }
0x7d: {  	_ =	shalt  }
0x7e: {  	_ =	shalt  }
0x7f: {  	_ =	shalt  }
0x80: {  	_ =	shalt  }
0x81: {  	_ =	shalt  }
0x82: {  	_ =	shalt  }
0x83: {  	_ =	shalt  }
0x84: {  	_ =	shalt  }
0x85: {  	_ =	shalt  }
0x86: {  	_ =	shalt  }
0x87: {  	_ =	shalt  }
.Lfunc_end0:
.L_simem_size_0:
called_computation.6_lowered:
.L_overlay_start_0:
0x88: {  	s2 =	sld [smem:$0x3FD9]  }
0x89: {  	s3 =	sld [smem:$0x3FFE];
	_ =	sdelay $0x1  }
0x8a: {  	s1 =	srdreg.scid  }
0x8b: {  	s0 =	sand.u32 $0x1, s1  }
0x8c: {  	s15 =	sshll.u32 s0, $0xA;
	s2 =	sadd.s32 s3, s2  }
0x8d: {  	s2 =	sadd.s32 s2, s15  }
0x8e: {  	[smem:$0x3FB7] =	sst s2  }
0x8f: {  	_ = 	snop  }
0x90: {  	s2 =	sld [smem:$0x3FD0];
	_ =	sdelay $0x2  }
0x91: {  	s4 =	simm.s32 $0xC;
	s16 =	simm.s32 $0x10  }
0x92: {  	[smem:s16], [sflag:s4] =	dma.local [hbm:s2], $0x1  }
0x93: {  	_ =	swait.eq [sflag:s4], $0x1  }
0x94: {  	[sflag:s4] =	ssyncset.done $0x0  }
0x95: {  	s17 =	sld [smem:$0x11];
	[sflag:s4] =	ssyncadd.s32 $0xFFFFFFFF  }
0x96: {  	s18 =	sld [smem:$0x12];
	(tm) =	ssettm $0x1  }
0x97: {  	s19 =	sld [smem:$0x3FFB];
	_ =	sdelay $0x3  }
0x98: {  	_ =	strace s19  }
0x99: {  	s2 =	sld [smem:$0x3FFC];
	_ =	sdelay $0x3  }
0x9a: {  	_ =	strace s2  }
0x9b: {  	s2 =	sld [smem:$0x3FFD];
	_ =	sdelay $0x3  }
0x9c: {  	_ =	strace s2  }
0x9d: {  	_ =	strace $0x8FFFFFFF  }
0x9e: {  	s20 =	sld [smem:$0x3FDB];
	_ =	sdelay $0x1  }
0x9f: {  	s5 =	simm.s32 $_scs_section_size  }
0xa0: {  	s6 =	simm.s32 $_size__tile_overlayer_lowered;
	s7 =	simm.s32 $_tile_overlayer_lowered  }
0xa1: {  	s8 =	simm.s32 $0x1BFF;
	s21 =	sshll.u32 s7, $0x1;
	s5 =	sadd.s32 s5, s20  }
0xa2: {  	s22 =	simm.s32 $0x0;
	s6 =	sshll.u32 s6, $0x1;
	s7 =	sadd.s32 s21, s5  }
0xa3: {  	[timem:s22], [sflag:s8] =	dma.local [hbm:s7], s6  }
0xa4: {  	_ =	swait.ge [sflag:s8], s6  }
0xa5: {  	s6 =	ssub.s32 $0x0, s6;
	[sflag:s8] =	ssyncset.done $0x0  }
0xa6: {  	[sflag:s8] =	ssyncadd.s32 s6;
	_ =	sdelay $0x1  }
0xa7: {  	s23 =	simm.s32 $0x1B8B  }
0xa8: {  	_ =	swait.ge [sflag:s23], $0x1  }
0xa9: {  	[sflag:s23] =	ssyncset.done $0x0  }
0xaa: {  	[sflag:s23] =	ssyncadd.s32 $0xFFFFFFFF  }
0xab: {  	s6 =	sld [smem:$0x0]  }
0xac: {  	s7 =	sand.u32 $0xFFFFFFFE, s1  }
0xad: {  	p0 =	sne.s32 s1, s7  }
0xae: {  	s7 =	sshll.u32 @p0 s7, $0xE  }
0xaf: {  	s7 =	sadd.s32 @p0 $0x11B8D, s7;
	s8 =	sshll.u32 @p0 s6, $0x11  }
0xb0: {  	s7 =	sor.u32 @p0 s8, s7  }
0xb1: {  	[sflag:s7] =	ssyncadd.remote.s32 @p0 $0x1;
	_ =	sdelay $0x1  }
0xb2: {  	s7 =	simm.s32 @p0 $0x1B8D  }
0xb3: {  	_ =	swait.eq @p0 [sflag:s7], $0x1  }
0xb4: {  	[sflag:s7] =	ssyncadd.s32 @p0 $0xFFFFFFFF  }
0xb5: {  	s8 =	sshll.u32 @!p0 s1, $0xE  }
0xb6: {  	s8 =	sor.u32 @!p0 $0x4000, s8;
	s7 =	simm.s32 @!p0 $0x1B8D  }
0xb7: {  	s6 =	sshll.u32 @!p0 s6, $0x11;
	s8 =	sadd.s32 @!p0 $0x11B8D, s8;
	_ =	swait.eq @!p0 [sflag:s7], $0x1  }
0xb8: {  	s6 =	sor.u32 @!p0 s6, s8;
	[sflag:s7] =	ssyncadd.s32 @!p0 $0xFFFFFFFF  }
0xb9: {  	s25 =	simm.s32 $0x1B8E;
	s24 =	sld [smem:$0x3FFE];
	[sflag:s6] =	ssyncadd.remote.s32 @!p0 $0x1  }
0xba: {  	s26 =	simm.s32 $execute0_lowered;
	[smem:$0x3FD2] =	sst s25  }
0xbb: {  	s7 =	sshll.u32 s26, $0x1;
	_ =	strace $0x80000055;
	[dreg:$0x1] =	wrdreg $0xFFFFFFFF  }
0xbc: {  	s28 =	simm.s32 $_size_execute0_lowered;
	s5 =	sadd.s32 s5, s7;
	[dreg:$0x0] =	wrdreg $0x0  }
0xbd: {  	s7 =	sshll.u32 s28, $0x1;
	[dreg:$0x2] =	wrdreg s5  }
0xbe: {  	[dreg:$0x3] =	wrdreg s7  }
0xbf: {  	[dreg:$0x4] =	wrdreg $0xC0  }
0xc0: {  	_ =	task [dreg:s22], $0x5FFFF  }
0xc1: {  	[dreg:$0x1] =	wrdreg $0xFFFFFFFF  }
0xc2: {  	[dreg:$0x0] =	wrdreg $0x60  }
0xc3: {  	[dreg:$0x2] =	wrdreg s24  }
0xc4: {  	[dreg:$0x3] =	wrdreg s18  }
0xc5: {  	[dreg:$0x4] =	wrdreg s17  }
0xc6: {  	[dreg:$0x5] =	wrdreg $0x41000  }
0xc7: {  	[dreg:$0x6] =	wrdreg $0xB  }
0xc8: {  	_ =	task.clear_ibuf [dreg:s22], $0x7FFFF;
	_ =	strace $0x90000055  }
0xc9: {  	s29 =	simm.s32 $0xB;
	_ =	strace $0x80000057  }
0xca: {  	_ =	swait.ge [sflag:s29], $0x1  }
0xcb: {  	[sflag:s29] =	ssyncadd.s32 $0xFFFFFFFF  }
0xcc: {  	_ =	strace $0x90000057  }
0xcd: {  	_ =	sfence  }
0xce: {  	s30 =	sld [smem:$0x0];
	_ =	sdelay $0x2  }
0xcf: {  	s31 =	sshll.u32 s1, $0xD;
	s1 =	sshrl.u32 s1, $0x2  }
0xd0: {  	s4 =	sand.u32 $0x4000, s31;
	s1 =	sadd.s32 s1, s30  }
0xd1: {  	s0 =	sor.u32 s4, s0;
	s1 =	sshll.u32 s1, $0x11  }
0xd2: {  	s0 =	sor.u32 s1, s0  }
0xd3: {  	s0 =	sadd.s32 $0x8F2B, s0  }
0xd4: {  	[sflag:s0] =	ssyncadd.remote.s32 $0x1  }
0xd5: {  	_ =	sfence.sel $0xFFFF  }
0xd6: {  	[dreg:$0x0] =	wrdreg $0xFFFFFFFF;
	(pc) =	sbr.abs _section_cstart, $3  }
0xd7: {  	[dreg:$0x1] =	wrdreg $0xFFFFFFFF  }
0xd8: {  	_ =	task.clear_ibuf [dreg:s22], $0x2FFFF;
	_ =	strace $0x9FFFFFFF  }
0xd9: {  	(tm) =	ssettm $0x7FFFFFFF  }
tec
execute0_lowered:
.L_overlay_start_1:
0x0: {  	(tag) =	ssettag $0x1  }
0x1: {  	s6 =	rddreg [dreg:$0x0]  }
0x2: {  	s10 =	rddreg [dreg:$0x1]  }
0x3: {  	s11 =	rddreg [dreg:$0x2]  }
0x4: {  	s2 =	rddreg [dreg:$0x3]  }
0x5: {  	s0 =	rddreg [dreg:$0x4]  }
0x6: {  	s4 =	srdreg.scid;
	s1 =	stileid.u32  }
0x7: {  	s3 =	simm.s32 $0x0;
	s17 =	simm.s32 $0x1;
	s5 =	smul.u32 $0x2F0, s1  }
0x8: {  	s18 =	simm.s32 $0x0;
	s9 =	sand.u32 $0x1, s4;
	s8 =	smul.u32 $0x5E000, s1  }
0x9: {  	[smem:$0x7FF] =	sst s3;
	s4 =	sadd.s32 $0x76C00, s6;
	s16 =	smul.u32 $0xBC0, s1  }
0xa: {  	s29 =	sshll.u32 s1, $0x6;
	s7 =	smul.u32 $0x2F00, s9;
	s12 =	ssub.s32 $0x2, s9  }
0xb: {  	_ =	strace $0x80000056;
	s30 =	smul.u32 $0x5E0, s9;
	s26 =	sshrl.u32 s12, $0x1  }
0xc: {  	s28 =	sshrl.u32 s8, $0x2;
	s11 =	sadd.s32 s16, s11;
	s31 =	sadd.s32 s16, s10  }
0xd: {  	s16 =	simm.s32 $0x100;
	s7 =	sadd.s32 s5, s7;
	s5 =	sadd.s32 $0x24600, s6  }
0xe: {  	s12 =	ssub.s32 s12, s26;
	s14 =	sadd.s32 s28, s2;
	s10 =	sadd.s32 s30, s11  }
0xf: {  	s11 =	sadd.s32 s30, s31;
	s7 =	sshll.u32 s7, $0x4;
	s15 =	sadd.s32 $0x10000, s14  }
0x10: {  	s9 =	smax.u32 s12, $0x1;
	s12 =	sshrl.u32 s14, $0x3;
	s13 =	sadd.s32 s7, s6  }
0x11: {  	s6 =	sor.u32 $0x1C02, s29;
	s14 =	sshrl.u32 s15, $0x3;
	s15 =	simm.s32 $0x80  }
0x12: {  	s7 =	sadd.s32 $0xA5A00, s13;
	s8 =	sadd.s32 $0xA7A00, s13;
	s13 =	simm.s32 $0x2  }
.LBB2_1:
0x13: {  	[spmem:s12], [sflag:s6] =	dma.local [hbm:s5], $0x2000  }
0x14: {  	_ =	swait.ge [sflag:s13], $0x2000  }
0x15: {  	[sflag:s13] =	ssyncset.done $0x0  }
0x16: {  	[sflag:s13] =	ssyncadd.s32 $0xFFFFE000  }
0x17: {  	[spmem:s14], [sflag:s6] =	dma.local [hbm:s5], $0xF00  }
0x18: {  	_ =	swait.ge [sflag:s13], $0xF00  }
0x19: {  	[sflag:s13] =	ssyncset.done $0x0  }
0x1a: {  	[sflag:s13] =	ssyncadd.s32 $0xFFFFF100  }
0x1b: {  	s19 =	sadd.s32 $0x0, s11;
	[bflag:$0x0] =	sbarrier.arrive $0xFFFF  }
0x1c: {  	[tilespmem:s3], [sflag:$0x2] =	stream.linear.gather [hbm4b:s19+s3], $0x80, $0x38;
	[tilespmem:$0x1B900] =	vst v63  }
0x1d: {  	_ =	swait.ge [sflag:s13], $0x80  }
0x1e: {  	[sflag:s13] =	ssyncset.done $0x0  }
0x1f: {  	s31 =	sadd.s32 $0x0, s10;
	[sflag:s13] =	ssyncadd.s32 $0xFFFFFF80  }
0x20: {  	[tilespmem:s15], [sflag:$0x2] =	stream.linear.gather [hbm4b:s31+s3], $0x80, $0x38;
	[tilespmem:$0x1B900] =	vst v63  }
0x21: {  	_ =	swait.ge [sflag:s13], $0x80  }
0x22: {  	[sflag:s13] =	ssyncset.done $0x0  }
0x23: {  	[sflag:s13] =	ssyncadd.s32 $0xFFFFFF80  }
0x24: {  	[tilespmem:s16], [sflag:$0x1] =	stream.indirect.gather [hbm4b:s4+s15], $0x80, s3, s15, $0xb8;
	[tilespmem:$0x1B900] =	vst v63  }
0x25: {  	_ =	swait.ge [sflag:s17], $0x4000  }
0x26: {  	[sflag:s17] =	ssyncset.done $0x0  }
0x27: {  	[sflag:s17] =	ssyncadd.s32 $0xFFFFC000  }
0x28: {  	[spmem:s2] =	stream.indirect.scatter.add.f32 [tilespmem:s16], [sflag:$0x2], $0x80, s15, s15, $0xb8;
	[tilespmem:$0x1B900] =	vst v63  }
0x29: {  	_ =	swait.ge [sflag:s13], $0x4000  }
0x2a: {  	s20 =	simm.s32 $0x20;
	s19 =	simm.s32 $0x10;
	[sflag:s13] =	ssyncset.done $0x0  }
.LBB2_2:
0x2b: {  	s21 =	sadd.s32 s19, s11  }
0x2c: {  	[sflag:s13] =	ssyncadd.s32 $0xFFFFC000;
	s22 =	smov.u32 s20;
	s23 =	sadd.s32 $0x10, s20  }
0x2d: {  	[tilespmem:s3], [sflag:$0x2] =	stream.linear.gather [hbm4b:s21+s3], $0x80, $0x38;
	[tilespmem:$0x1B900] =	vst v63  }
0x2e: {  	p0 =	sne.s32 s20, $0x5D0;
	_ =	swait.ge [sflag:s13], $0x80  }
0x2f: {  	[sflag:s13] =	ssyncset.done $0x0  }
0x30: {  	s20 =	sadd.s32 s19, s10;
	s19 =	smov.u32 s22;
	[sflag:s13] =	ssyncadd.s32 $0xFFFFFF80  }
0x31: {  	[tilespmem:s15], [sflag:$0x2] =	stream.linear.gather [hbm4b:s20+s3], $0x80, $0x38;
	[tilespmem:$0x1B900] =	vst v63  }
0x32: {  	_ =	swait.ge [sflag:s13], $0x80  }
0x33: {  	[sflag:s13] =	ssyncset.done $0x0  }
0x34: {  	[sflag:s13] =	ssyncadd.s32 $0xFFFFFF80  }
0x35: {  	[tilespmem:s16], [sflag:$0x1] =	stream.indirect.gather [hbm4b:s4+s15], $0x80, s3, s15, $0xb8;
	[tilespmem:$0x1B900] =	vst v63  }
0x36: {  	_ =	swait.ge [sflag:s17], $0x4000  }
.Ltmp0:
0x37: {  	[sflag:s17] =	ssyncset.done $0x0;
	(pc) =	sbr.rel @p0 .LBB2_2-.Ltmp0, $4  }
0x38: {  	[sflag:s17] =	ssyncadd.s32 $0xFFFFC000  }
0x39: {  	[spmem:s2] =	stream.indirect.scatter.add.f32 [tilespmem:s16], [sflag:$0x2], $0x80, s15, s15, $0xb8;
	[tilespmem:$0x1B900] =	vst v63  }
0x3a: {  	_ =	swait.ge [sflag:s13], $0x4000  }
0x3b: {  	s20 =	smov.u32 s23;
	[sflag:s13] =	ssyncset.done $0x0  }
0x3c: {  	s20 =	sadd.s32 s19, s11;
	[sflag:s13] =	ssyncadd.s32 $0xFFFFC000  }
0x3d: {  	[tilespmem:s3], [sflag:$0x2] =	stream.linear.gather [hbm4b:s20+s3], $0x80, $0x38;
	[tilespmem:$0x1B900] =	vst v63  }
0x3e: {  	_ =	swait.ge [sflag:s13], $0x80  }
0x3f: {  	[sflag:s13] =	ssyncset.done $0x0  }
0x40: {  	s31 =	sadd.s32 s19, s10;
	[sflag:s13] =	ssyncadd.s32 $0xFFFFFF80  }
0x41: {  	[tilespmem:s15], [sflag:$0x2] =	stream.linear.gather [hbm4b:s31+s3], $0x80, $0x38;
	[tilespmem:$0x1B900] =	vst v63  }
0x42: {  	_ =	swait.ge [sflag:s13], $0x80  }
0x43: {  	[sflag:s13] =	ssyncset.done $0x0  }
0x44: {  	[sflag:s13] =	ssyncadd.s32 $0xFFFFFF80  }
0x45: {  	[tilespmem:s16], [sflag:$0x1] =	stream.indirect.gather [hbm4b:s4+s15], $0x80, s3, s15, $0xb8;
	[tilespmem:$0x1B900] =	vst v63  }
0x46: {  	_ =	swait.ge [sflag:s17], $0x4000  }
0x47: {  	[sflag:s17] =	ssyncset.done $0x0  }
0x48: {  	[sflag:s17] =	ssyncadd.s32 $0xFFFFC000  }
0x49: {  	[spmem:s2] =	stream.indirect.scatter.add.f32 [tilespmem:s16], [sflag:$0x2], $0x80, s15, s15, $0xb8;
	[tilespmem:$0x1B900] =	vst v63  }
0x4a: {  	_ =	swait.ge [sflag:s13], $0x4000  }
0x4b: {  	[sflag:s13] =	ssyncset.done $0x0  }
0x4c: {  	[sflag:s13] =	ssyncadd.s32 $0xFFFFC000  }
0x4d: {  	[bflag:$0x0] =	sbarrier.arrive $0xFFFF  }
0x4e: {  	[hbm:s7], [sflag:s6] =	dma.local [spmem:s12], $0x2000  }
0x4f: {  	s18 =	sadd.s32 $0x1, s18;
	_ =	swait.ge [sflag:s13], $0x2000  }
0x50: {  	p0 =	sne.s32 s18, s9;
	[sflag:s13] =	ssyncset.done $0x0  }
.Ltmp1:
0x51: {  	[sflag:s13] =	ssyncadd.s32 $0xFFFFE000;
	(pc) =	sbr.rel @p0 .LBB2_1-.Ltmp1, $4  }
0x52: {  	[hbm:s8], [sflag:s6] =	dma.local [spmem:s14], $0xF00  }
0x53: {  	_ =	swait.ge [sflag:s13], $0xF00  }
0x54: {  	[sflag:s13] =	ssyncset.done $0x0  }
0x55: {  	[sflag:s13] =	ssyncadd.s32 $0xFFFFF100  }
0x56: {  	_ =	sfence.sel $0x180000  }
0x57: {  	[bflag:$0x0] =	sbarrier.arrive $0xFFFF  }
0x58: {  	p0 =	sne.s32 s1, $0x0;
	_ =	strace $0x90000056  }
0x59: {  	s0 =	sadd.s32 @!p0 $0x100000, s0;
	[bflag:$0x2] =	sbarrier.arrive $0xFFFF  }
0x5a: {  	[sflag:s0] =	ssyncadd.tile.s32 @!p0 $0x1;
	_ =	shalt  }
.Lfunc_end2:
_tile_overlayer_lowered:
.L_overlay_start_2:
0x5b: {  	(tag) =	ssettag $0x2  }
0x5c: {  	s0 =	rddreg [dreg:$0x0];
	s2 =	stileid.u32  }
0x5d: {  	s1 =	rddreg [dreg:$0x1];
	p0 =	sne.s32 s2, $0x0  }
0x5e: {  	s3 =	rddreg [dreg:$0x2];
	[bflag:$0x3] =	sbarrier.arrive $0xFFFF;
	s2 =	simm.s32 @!p0 $0x1C02  }
0x5f: {  	[timem:s3], [sflag:s2] =	dma.local @!p0 [hbm:s0], s1  }
0x60: {  	s0 =	simm.s32 @!p0 $0x2  }
0x61: {  	_ =	swait.ge @!p0 [sflag:s0], s1  }
0x62: {  	s1 =	ssub.s32 @!p0 $0x0, s1;
	[sflag:s0] =	ssyncset.done @!p0 $0x0  }
0x63: {  	[sflag:s0] =	ssyncadd.s32 @!p0 s1  }
0x64: {  	[bflag:$0x3] =	sbarrier.arrive $0xFFFF  }
0x65: {  	_ =	shalt  }

// kernel: kernel.38.cloned.1.call-start
scs
__scs_entry_jumppad:
0x0: {  	(pc) =	sbr.rel $0x88, $3  }
0x1: {  	(tag) =	ssettag $0x0;
	lr =	simm.s32 $0x1  }
0x2: {  	[smem:$0x3F90] =	sst lr;
	_ =	strace $0xD0000000  }
0x3: {  	_ = 	snop  }
0x4: {  	_ = 	snop  }
0x5: {  	_ = 	snop  }
0x6: {  	_ = 	snop  }
0x7: {  	_ = 	snop  }
__scs_overlays_trampoline_lowered:
0x8: {  	[smem:$0x3F9F] =	sst s0  }
0x9: {  	[smem:$0x3FA0] =	sst s1  }
0xa: {  	[smem:$0x3FA1] =	sst s2  }
0xb: {  	[smem:$0x3FA2] =	sst s3  }
0xc: {  	[smem:$0x3FA3] =	sst s4  }
0xd: {  	[smem:$0x3FA4] =	sst s5  }
0xe: {  	[smem:$0x3FA5] =	sst s6  }
0xf: {  	[smem:$0x3FA6] =	sst s7  }
0x10: {  	[smem:$0x3FA7] =	sst s8  }
0x11: {  	[smem:$0x3FA8] =	sst s9;
	s0 =	simm.s32 @!p0 $0x0  }
0x12: {  	s1 =	sld [smem:$0x3F8E];
	s0 =	simm.s32 @p0 $0x1  }
0x13: {  	[smem:$0x3FA9] =	sst s0;
	s0 =	simm.s32 @!p1 $0x0  }
0x14: {  	s2 =	sld [smem:$0x3F8D];
	s0 =	simm.s32 @p1 $0x1  }
0x15: {  	[smem:$0x3FAA] =	sst s0;
	s0 =	simm.s32 @!p2 $0x0  }
0x16: {  	s3 =	sld [smem:$0x3FDB];
	s0 =	simm.s32 @p2 $0x1  }
0x17: {  	s4 =	simm.s32 $0x1BF5;
	[smem:$0x3FAC] =	sst s0  }
0x18: {  	s0 =	sld [smem:$0x3F8F];
	_ =	swait.ge [sflag:s4], $0x0  }
0x19: {  	s7 =	sld [smem:$0x3F90]  }
0x1a: {  	s8 =	sadd.s32 $0xFFFFE003, lr  }
0x1b: {  	s9 =	sadd.s32 $0xFFFFFEF7, lr;
	s5 =	simm.s32 $0xFFFFFFFF;
	p2 =	slt.u32 s8, $0xFFFFF086  }
0x1c: {  	p1 =	slt.u32 s9, $0xF7A;
	s5 =	simm.s32 @!p2 $0x0  }
0x1d: {  	s5 =	simm.s32 @p1 $0x1;
	p0 =	seq.s32 s7, s2  }
0x1e: {  	s7 =	smul.u32 @!p0 $0xF7A, s2;
	p2 =	seq.s32 @!p0 s5, $0x0  }
0x1f: {  	s9 =	smul.u32 $0xF7A, s1;
	s8 =	simm.s32 @!p0 $0x1BF5;
	p2 =	por !p2, p0  }
0x20: {  	[sflag:s8] =	ssyncset.s32 @!p0 $0xFFFFF086;
	s6 =	sadd.s32 @!p0 s3, s7;
	s7 =	simm.s32 @!p0 $0x108  }
0x21: {  	s3 =	sadd.s32 s3, s9;
	s6 =	sadd.s32 @!p0 $0x88, s6;
	s7 =	simm.s32 @p2 $0x1082  }
0x22: {  	[simem:s7], [sflag:s8] =	dma.local @!p0 [hbm:s6], $0xF7A  }
0x23: {  	s9 =	sor.u32 $0xD0000000, s2;
	s6 =	simm.s32 $0x108;
	_ =	swait.ge @!p0 [sflag:s8], $0x0  }
0x24: {  	s3 =	sadd.s32 $0x88, s3;
	s6 =	simm.s32 @!p1 $0x1082;
	[sflag:s4] =	ssyncset.s32 $0xFFFFF086  }
0x25: {  	[simem:s6], [sflag:s4] =	dma.local [hbm:s3], $0xF7A  }
0x26: {  	[smem:$0x3F90] =	sst s1;
	(tag) =	ssettag s2;
	_ =	strace s9  }
0x27: {  	s1 =	sld [smem:$0x3FA0]  }
0x28: {  	s2 =	sld [smem:$0x3FA1]  }
0x29: {  	s4 =	sld [smem:$0x3FA3]  }
0x2a: {  	p0 =	seq.s32 s5, $0x0;
	s5 =	sld [smem:$0x3FA4]  }
0x2b: {  	s6 =	sld [smem:$0x3FA5]  }
0x2c: {  	s7 =	sld [smem:$0x3FA6]  }
0x2d: {  	s3 =	simm.s32 $0x108;
	s8 =	sld [smem:$0x3FA7]  }
0x2e: {  	s3 =	simm.s32 @!p0 $0x1082;
	s9 =	sld [smem:$0x3FA8]  }
0x2f: {  	lr =	sadd.s32 s0, s3;
	s0 =	sld [smem:$0x3F9F]  }
0x30: {  	s3 =	sld [smem:$0x3FA2]  }
0x31: {  	[smem:$0x3FAB] =	sst s10  }
0x32: {  	s10 =	sld [smem:$0x3FA9];
	_ =	sdelay $0x3  }
0x33: {  	p0 =	seq.s32 s10, $0x1;
	s10 =	sld [smem:$0x3FAB];
	_ =	sdelay $0x3  }
0x34: {  	[smem:$0x3FAB] =	sst s10  }
0x35: {  	s10 =	sld [smem:$0x3FAA];
	_ =	sdelay $0x3  }
0x36: {  	p1 =	seq.s32 s10, $0x1;
	s10 =	sld [smem:$0x3FAB];
	_ =	sdelay $0x3  }
0x37: {  	[smem:$0x3FAB] =	sst s10  }
0x38: {  	s10 =	sld [smem:$0x3FAC]  }
0x39: {  	_ = 	snop;
	(pc) =	sbr.ind lr, $3  }
0x3a: {  	_ = 	snop  }
0x3b: {  	_ = 	snop  }
0x3c: {  	p2 =	seq.s32 s10, $0x1;
	s10 =	sld [smem:$0x3FAB]  }
0x3d: {  	_ =	shalt  }
0x3e: {  	_ =	shalt  }
0x3f: {  	_ =	shalt  }
0x40: {  	_ =	shalt  }
0x41: {  	_ =	shalt  }
0x42: {  	_ =	shalt  }
0x43: {  	_ =	shalt  }
0x44: {  	_ =	shalt  }
0x45: {  	_ =	shalt  }
0x46: {  	_ =	shalt  }
0x47: {  	_ =	shalt  }
0x48: {  	_ =	shalt  }
0x49: {  	_ =	shalt  }
0x4a: {  	_ =	shalt  }
0x4b: {  	_ =	shalt  }
0x4c: {  	_ =	shalt  }
0x4d: {  	_ =	shalt  }
0x4e: {  	_ =	shalt  }
0x4f: {  	_ =	shalt  }
0x50: {  	_ =	shalt  }
0x51: {  	_ =	shalt  }
0x52: {  	_ =	shalt  }
0x53: {  	_ =	shalt  }
0x54: {  	_ =	shalt  }
0x55: {  	_ =	shalt  }
0x56: {  	_ =	shalt  }
0x57: {  	_ =	shalt  }
0x58: {  	_ =	shalt  }
0x59: {  	_ =	shalt  }
0x5a: {  	_ =	shalt  }
0x5b: {  	_ =	shalt  }
0x5c: {  	_ =	shalt  }
0x5d: {  	_ =	shalt  }
0x5e: {  	_ =	shalt  }
0x5f: {  	_ =	shalt  }
0x60: {  	_ =	shalt  }
0x61: {  	_ =	shalt  }
0x62: {  	_ =	shalt  }
0x63: {  	_ =	shalt  }
0x64: {  	_ =	shalt  }
0x65: {  	_ =	shalt  }
0x66: {  	_ =	shalt  }
0x67: {  	_ =	shalt  }
0x68: {  	_ =	shalt  }
0x69: {  	_ =	shalt  }
0x6a: {  	_ =	shalt  }
0x6b: {  	_ =	shalt  }
0x6c: {  	_ =	shalt  }
0x6d: {  	_ =	shalt  }
0x6e: {  	_ =	shalt  }
0x6f: {  	_ =	shalt  }
0x70: {  	_ =	shalt  }
0x71: {  	_ =	shalt  }
0x72: {  	_ =	shalt  }
0x73: {  	_ =	shalt  }
0x74: {  	_ =	shalt  }
0x75: {  	_ =	shalt  }
0x76: {  	_ =	shalt  }
0x77: {  	_ =	shalt  }
0x78: {  	_ =	shalt  }
0x79: {  	_ =	shalt  }
0x7a: {  	_ =	shalt  }
0x7b: {  	_ =	shalt  }
0x7c: {  	_ =	shalt  }
0x7d: {  	_ =	shalt  }
0x7e: {  	_ =	shalt  }
0x7f: {  	_ =	shalt  }
0x80: {  	_ =	shalt  }
0x81: {  	_ =	shalt  }
0x82: {  	_ =	shalt  }
0x83: {  	_ =	shalt  }
0x84: {  	_ =	shalt  }
0x85: {  	_ =	shalt  }
0x86: {  	_ =	shalt  }
0x87: {  	_ =	shalt  }
.Lfunc_end0:
.L_simem_size_0:
called_computation.7_lowered:
.L_overlay_start_0:
0x88: {  	s2 =	sld [smem:$0x3FD9]  }
0x89: {  	s3 =	sld [smem:$0x3FFE];
	_ =	sdelay $0x1  }
0x8a: {  	s1 =	srdreg.scid  }
0x8b: {  	s0 =	sand.u32 $0x1, s1  }
0x8c: {  	s17 =	sshll.u32 s0, $0xA;
	s2 =	sadd.s32 s3, s2  }
0x8d: {  	s2 =	sadd.s32 s2, s17  }
0x8e: {  	[smem:$0x3FB7] =	sst s2  }
0x8f: {  	_ = 	snop  }
0x90: {  	(tm) =	ssettm $0x1  }
0x91: {  	s18 =	sld [smem:$0x3FFB];
	_ =	sdelay $0x3  }
0x92: {  	_ =	strace s18  }
0x93: {  	s2 =	sld [smem:$0x3FFC];
	_ =	sdelay $0x3  }
0x94: {  	_ =	strace s2  }
0x95: {  	s2 =	sld [smem:$0x3FFD];
	_ =	sdelay $0x3  }
0x96: {  	_ =	strace s2  }
0x97: {  	_ =	strace $0x8FFFFFFF  }
0x98: {  	s19 =	sld [smem:$0x3FDB];
	_ =	sdelay $0x1  }
0x99: {  	s20 =	simm.s32 $_scs_section_size  }
0x9a: {  	s4 =	simm.s32 $_size__tile_overlayer_lowered;
	s5 =	simm.s32 $_tile_overlayer_lowered  }
0x9b: {  	s6 =	simm.s32 $0x1BFF;
	s21 =	sshll.u32 s5, $0x1;
	s3 =	sadd.s32 s20, s19  }
0x9c: {  	s22 =	simm.s32 $0x0;
	s4 =	sshll.u32 s4, $0x1;
	s5 =	sadd.s32 s21, s3  }
0x9d: {  	[timem:s22], [sflag:s6] =	dma.local [hbm:s5], s4  }
0x9e: {  	_ =	swait.ge [sflag:s6], s4  }
0x9f: {  	s4 =	ssub.s32 $0x0, s4;
	[sflag:s6] =	ssyncset.done $0x0  }
0xa0: {  	[sflag:s6] =	ssyncadd.s32 s4;
	_ =	sdelay $0x1  }
0xa1: {  	s23 =	simm.s32 $0x1B8B  }
0xa2: {  	_ =	swait.ge [sflag:s23], $0x1  }
0xa3: {  	[sflag:s23] =	ssyncset.done $0x0  }
0xa4: {  	[sflag:s23] =	ssyncadd.s32 $0xFFFFFFFF  }
0xa5: {  	s4 =	sld [smem:$0x0]  }
0xa6: {  	s5 =	sand.u32 $0xFFFFFFFE, s1  }
0xa7: {  	p0 =	sne.s32 s1, s5  }
0xa8: {  	s5 =	sshll.u32 @p0 s5, $0xE  }
0xa9: {  	s5 =	sadd.s32 @p0 $0x11B8D, s5;
	s6 =	sshll.u32 @p0 s4, $0x11  }
0xaa: {  	s5 =	sor.u32 @p0 s6, s5  }
0xab: {  	[sflag:s5] =	ssyncadd.remote.s32 @p0 $0x1;
	_ =	sdelay $0x1  }
0xac: {  	s5 =	simm.s32 @p0 $0x1B8D  }
0xad: {  	_ =	swait.eq @p0 [sflag:s5], $0x1  }
0xae: {  	[sflag:s5] =	ssyncadd.s32 @p0 $0xFFFFFFFF  }
0xaf: {  	s6 =	sshll.u32 @!p0 s1, $0xE  }
0xb0: {  	s6 =	sor.u32 @!p0 $0x4000, s6;
	s5 =	simm.s32 @!p0 $0x1B8D  }
0xb1: {  	s4 =	sshll.u32 @!p0 s4, $0x11;
	s6 =	sadd.s32 @!p0 $0x11B8D, s6;
	_ =	swait.eq @!p0 [sflag:s5], $0x1  }
0xb2: {  	s4 =	sor.u32 @!p0 s4, s6;
	[sflag:s5] =	ssyncadd.s32 @!p0 $0xFFFFFFFF  }
0xb3: {  	s25 =	simm.s32 $0x1B8E;
	s24 =	sld [smem:$0x3FFE];
	[sflag:s4] =	ssyncadd.remote.s32 @!p0 $0x1  }
0xb4: {  	s26 =	simm.s32 $execute0_lowered;
	[smem:$0x3FD2] =	sst s25  }
0xb5: {  	s5 =	sshll.u32 s26, $0x1;
	_ =	strace $0x80000052;
	[dreg:$0x1] =	wrdreg $0xFFFFFFFF  }
0xb6: {  	s28 =	simm.s32 $_size_execute0_lowered;
	s3 =	sadd.s32 s3, s5;
	[dreg:$0x0] =	wrdreg $0x0  }
0xb7: {  	s5 =	sshll.u32 s28, $0x1;
	[dreg:$0x2] =	wrdreg s3  }
0xb8: {  	[dreg:$0x3] =	wrdreg s5  }
0xb9: {  	[dreg:$0x4] =	wrdreg $0xC0  }
0xba: {  	_ =	task [dreg:s22], $0x5FFFF  }
0xbb: {  	[dreg:$0x1] =	wrdreg $0xFFFFFFFF  }
0xbc: {  	[dreg:$0x0] =	wrdreg $0x60  }
0xbd: {  	[dreg:$0x2] =	wrdreg s24  }
0xbe: {  	[dreg:$0x3] =	wrdreg $0x41000  }
0xbf: {  	[dreg:$0x4] =	wrdreg $0xA  }
0xc0: {  	_ =	task.clear_ibuf [dreg:s22], $0x5FFFF;
	_ =	strace $0x90000052  }
0xc1: {  	s29 =	simm.s32 $0xA;
	_ =	strace $0x80000054  }
0xc2: {  	_ =	swait.ge [sflag:s29], $0x1  }
0xc3: {  	[sflag:s29] =	ssyncadd.s32 $0xFFFFFFFF  }
0xc4: {  	_ =	strace $0x90000054  }
0xc5: {  	_ =	sfence  }
0xc6: {  	s30 =	sld [smem:$0x0];
	_ =	sdelay $0x2  }
0xc7: {  	s31 =	sshll.u32 s1, $0xD;
	s1 =	sshrl.u32 s1, $0x2  }
0xc8: {  	s4 =	sand.u32 $0x4000, s31;
	s1 =	sadd.s32 s1, s30  }
0xc9: {  	s0 =	sor.u32 s4, s0;
	s1 =	sshll.u32 s1, $0x11  }
0xca: {  	s0 =	sor.u32 s1, s0  }
0xcb: {  	s0 =	sadd.s32 $0x8F2B, s0  }
0xcc: {  	[sflag:s0] =	ssyncadd.remote.s32 $0x1  }
0xcd: {  	_ =	sfence.sel $0xFFFF  }
0xce: {  	[dreg:$0x0] =	wrdreg $0xFFFFFFFF;
	(pc) =	sbr.abs _section_cstart, $3  }
0xcf: {  	[dreg:$0x1] =	wrdreg $0xFFFFFFFF  }
0xd0: {  	_ =	task.clear_ibuf [dreg:s22], $0x2FFFF;
	_ =	strace $0x9FFFFFFF  }
0xd1: {  	(tm) =	ssettm $0x7FFFFFFF  }
tec
execute0_lowered:
.L_overlay_start_1:
0x0: {  	(tag) =	ssettag $0x1  }
0x1: {  	s6 =	rddreg [dreg:$0x0]  }
0x2: {  	s2 =	rddreg [dreg:$0x1]  }
0x3: {  	s0 =	rddreg [dreg:$0x2];
	s1 =	stileid.u32  }
0x4: {  	s4 =	srdreg.scid;
	s3 =	simm.s32 $0x0;
	s14 =	simm.s32 $0x100  }
0x5: {  	s15 =	simm.s32 $0x1;
	s16 =	simm.s32 $0x0;
	s5 =	smul.u32 $0x7E0, s1  }
0x6: {  	s7 =	sand.u32 $0x1, s4;
	s8 =	smul.u32 $0x1F80, s1;
	[smem:$0x7FF] =	sst s3  }
0x7: {  	s4 =	sadd.s32 $0x5200, s6;
	s29 =	smul.u32 $0x3F000, s1;
	s31 =	sshll.u32 s1, $0x6  }
0x8: {  	s9 =	smul.u32 $0x1F800, s7;
	_ =	strace $0x80000053;
	s30 =	ssub.s32 $0x2, s7  }
0x9: {  	s12 =	smul.u32 $0x3F0, s7;
	s10 =	sadd.s32 s5, s6;
	s5 =	sadd.s32 $0x24600, s6  }
0xa: {  	s11 =	sshrl.u32 s30, $0x1;
	s8 =	sadd.s32 s8, s9;
	s9 =	sshrl.u32 s29, $0x2  }
0xb: {  	s11 =	ssub.s32 s30, s11;
	s10 =	sadd.s32 s12, s10;
	s12 =	simm.s32 $0x2  }
0xc: {  	s8 =	sadd.s32 s8, s6;
	s13 =	sadd.s32 s9, s2;
	s6 =	sor.u32 $0x1C02, s31  }
0xd: {  	s9 =	sadd.s32 $0x6EE00, s10;
	s10 =	sadd.s32 $0x67000, s10;
	s7 =	sadd.s32 $0x26600, s8  }
0xe: {  	s8 =	smax.u32 s11, $0x1;
	s11 =	sshrl.u32 s13, $0x3;
	s13 =	simm.s32 $0x80  }
.LBB2_1:
0xf: {  	[spmem:s11], [sflag:s6] =	dma.local [hbm:s5], $0x1F80  }
0x10: {  	_ =	swait.ge [sflag:s12], $0x1F80  }
0x11: {  	[sflag:s12] =	ssyncset.done $0x0  }
0x12: {  	[sflag:s12] =	ssyncadd.s32 $0xFFFFE080  }
0x13: {  	s17 =	sadd.s32 $0x0, s10;
	[bflag:$0x0] =	sbarrier.arrive $0xFFFF  }
0x14: {  	[tilespmem:s3], [sflag:$0x2] =	stream.linear.gather [hbm4b:s17+s3], $0x80, $0x38;
	[tilespmem:$0x13D00] =	vst v63  }
0x15: {  	_ =	swait.ge [sflag:s12], $0x80  }
0x16: {  	[sflag:s12] =	ssyncset.done $0x0  }
0x17: {  	s31 =	sadd.s32 $0x0, s9;
	[sflag:s12] =	ssyncadd.s32 $0xFFFFFF80  }
0x18: {  	[tilespmem:s13], [sflag:$0x2] =	stream.linear.gather [hbm4b:s31+s3], $0x80, $0x38;
	[tilespmem:$0x13D00] =	vst v63  }
0x19: {  	_ =	swait.ge [sflag:s12], $0x80  }
0x1a: {  	[sflag:s12] =	ssyncset.done $0x0  }
0x1b: {  	[sflag:s12] =	ssyncadd.s32 $0xFFFFFF80  }
0x1c: {  	[tilespmem:s14], [sflag:$0x1] =	stream.indirect.gather [hbm4b:s4+s13], $0x80, s3, s13, $0xb8;
	[tilespmem:$0x13D00] =	vst v63  }
0x1d: {  	_ =	swait.ge [sflag:s15], $0x4000  }
0x1e: {  	[sflag:s15] =	ssyncset.done $0x0  }
0x1f: {  	[sflag:s15] =	ssyncadd.s32 $0xFFFFC000  }
0x20: {  	[spmem:s2] =	stream.indirect.scatter.add.f32 [tilespmem:s14], [sflag:$0x2], $0x80, s13, s13, $0xb8;
	[tilespmem:$0x13D00] =	vst v63  }
0x21: {  	_ =	swait.ge [sflag:s12], $0x4000  }
0x22: {  	s18 =	simm.s32 $0x20;
	s17 =	simm.s32 $0x10;
	[sflag:s12] =	ssyncset.done $0x0  }
.LBB2_2:
0x23: {  	s19 =	sadd.s32 s17, s10  }
0x24: {  	[sflag:s12] =	ssyncadd.s32 $0xFFFFC000;
	s20 =	smov.u32 s18;
	s21 =	sadd.s32 $0x10, s18  }
0x25: {  	[tilespmem:s3], [sflag:$0x2] =	stream.linear.gather [hbm4b:s19+s3], $0x80, $0x38;
	[tilespmem:$0x13D00] =	vst v63  }
0x26: {  	p0 =	sne.s32 s18, $0x3E0;
	_ =	swait.ge [sflag:s12], $0x80  }
0x27: {  	[sflag:s12] =	ssyncset.done $0x0  }
0x28: {  	s18 =	sadd.s32 s17, s9;
	s17 =	smov.u32 s20;
	[sflag:s12] =	ssyncadd.s32 $0xFFFFFF80  }
0x29: {  	[tilespmem:s13], [sflag:$0x2] =	stream.linear.gather [hbm4b:s18+s3], $0x80, $0x38;
	[tilespmem:$0x13D00] =	vst v63  }
0x2a: {  	_ =	swait.ge [sflag:s12], $0x80  }
0x2b: {  	[sflag:s12] =	ssyncset.done $0x0  }
0x2c: {  	[sflag:s12] =	ssyncadd.s32 $0xFFFFFF80  }
0x2d: {  	[tilespmem:s14], [sflag:$0x1] =	stream.indirect.gather [hbm4b:s4+s13], $0x80, s3, s13, $0xb8;
	[tilespmem:$0x13D00] =	vst v63  }
0x2e: {  	_ =	swait.ge [sflag:s15], $0x4000  }
.Ltmp0:
0x2f: {  	[sflag:s15] =	ssyncset.done $0x0;
	(pc) =	sbr.rel @p0 .LBB2_2-.Ltmp0, $4  }
0x30: {  	[sflag:s15] =	ssyncadd.s32 $0xFFFFC000  }
0x31: {  	[spmem:s2] =	stream.indirect.scatter.add.f32 [tilespmem:s14], [sflag:$0x2], $0x80, s13, s13, $0xb8;
	[tilespmem:$0x13D00] =	vst v63  }
0x32: {  	_ =	swait.ge [sflag:s12], $0x4000  }
0x33: {  	s18 =	smov.u32 s21;
	[sflag:s12] =	ssyncset.done $0x0  }
0x34: {  	s18 =	sadd.s32 s17, s10;
	[sflag:s12] =	ssyncadd.s32 $0xFFFFC000  }
0x35: {  	[tilespmem:s3], [sflag:$0x2] =	stream.linear.gather [hbm4b:s18+s3], $0x80, $0x38;
	[tilespmem:$0x13D00] =	vst v63  }
0x36: {  	_ =	swait.ge [sflag:s12], $0x80  }
0x37: {  	[sflag:s12] =	ssyncset.done $0x0  }
0x38: {  	s31 =	sadd.s32 s17, s9;
	[sflag:s12] =	ssyncadd.s32 $0xFFFFFF80  }
0x39: {  	[tilespmem:s13], [sflag:$0x2] =	stream.linear.gather [hbm4b:s31+s3], $0x80, $0x38;
	[tilespmem:$0x13D00] =	vst v63  }
0x3a: {  	_ =	swait.ge [sflag:s12], $0x80  }
0x3b: {  	[sflag:s12] =	ssyncset.done $0x0  }
0x3c: {  	[sflag:s12] =	ssyncadd.s32 $0xFFFFFF80  }
0x3d: {  	[tilespmem:s14], [sflag:$0x1] =	stream.indirect.gather [hbm4b:s4+s13], $0x80, s3, s13, $0xb8;
	[tilespmem:$0x13D00] =	vst v63  }
0x3e: {  	_ =	swait.ge [sflag:s15], $0x4000  }
0x3f: {  	[sflag:s15] =	ssyncset.done $0x0  }
0x40: {  	[sflag:s15] =	ssyncadd.s32 $0xFFFFC000  }
0x41: {  	[spmem:s2] =	stream.indirect.scatter.add.f32 [tilespmem:s14], [sflag:$0x2], $0x80, s13, s13, $0xb8;
	[tilespmem:$0x13D00] =	vst v63  }
0x42: {  	_ =	swait.ge [sflag:s12], $0x4000  }
0x43: {  	s16 =	sadd.s32 $0x1, s16;
	[sflag:s12] =	ssyncset.done $0x0  }
0x44: {  	p0 =	sne.s32 s16, s8;
	[sflag:s12] =	ssyncadd.s32 $0xFFFFC000  }
.Ltmp1:
0x45: {  	[bflag:$0x0] =	sbarrier.arrive $0xFFFF;
	(pc) =	sbr.rel @p0 .LBB2_1-.Ltmp1, $4  }
0x46: {  	[hbm:s7], [sflag:s6] =	dma.local [spmem:s11], $0x1F80  }
0x47: {  	_ =	swait.ge [sflag:s12], $0x1F80  }
0x48: {  	[sflag:s12] =	ssyncset.done $0x0  }
0x49: {  	[sflag:s12] =	ssyncadd.s32 $0xFFFFE080  }
0x4a: {  	_ =	sfence.sel $0x180000  }
0x4b: {  	[bflag:$0x0] =	sbarrier.arrive $0xFFFF  }
0x4c: {  	p0 =	sne.s32 s1, $0x0;
	_ =	strace $0x90000053  }
0x4d: {  	s0 =	sadd.s32 @!p0 $0x100000, s0;
	[bflag:$0x2] =	sbarrier.arrive $0xFFFF  }
0x4e: {  	[sflag:s0] =	ssyncadd.tile.s32 @!p0 $0x1;
	_ =	shalt  }
.Lfunc_end2:
_tile_overlayer_lowered:
.L_overlay_start_2:
0x4f: {  	(tag) =	ssettag $0x2  }
0x50: {  	s0 =	rddreg [dreg:$0x0];
	s2 =	stileid.u32  }
0x51: {  	s1 =	rddreg [dreg:$0x1];
	p0 =	sne.s32 s2, $0x0  }
0x52: {  	s3 =	rddreg [dreg:$0x2];
	[bflag:$0x3] =	sbarrier.arrive $0xFFFF;
	s2 =	simm.s32 @!p0 $0x1C02  }
0x53: {  	[timem:s3], [sflag:s2] =	dma.local @!p0 [hbm:s0], s1  }
0x54: {  	s0 =	simm.s32 @!p0 $0x2  }
0x55: {  	_ =	swait.ge @!p0 [sflag:s0], s1  }
0x56: {  	s1 =	ssub.s32 @!p0 $0x0, s1;
	[sflag:s0] =	ssyncset.done @!p0 $0x0  }
0x57: {  	[sflag:s0] =	ssyncadd.s32 @!p0 s1  }
0x58: {  	[bflag:$0x3] =	sbarrier.arrive $0xFFFF  }
0x59: {  	_ =	shalt  }

// kernel: kernel.41.cloned.1.call-start
scs
__scs_entry_jumppad:
0x0: {  	(pc) =	sbr.rel $0x88, $3  }
0x1: {  	(tag) =	ssettag $0x0;
	lr =	simm.s32 $0x1  }
0x2: {  	[smem:$0x3F90] =	sst lr;
	_ =	strace $0xD0000000  }
0x3: {  	_ = 	snop  }
0x4: {  	_ = 	snop  }
0x5: {  	_ = 	snop  }
0x6: {  	_ = 	snop  }
0x7: {  	_ = 	snop  }
__scs_overlays_trampoline_lowered:
0x8: {  	[smem:$0x3F9F] =	sst s0  }
0x9: {  	[smem:$0x3FA0] =	sst s1  }
0xa: {  	[smem:$0x3FA1] =	sst s2  }
0xb: {  	[smem:$0x3FA2] =	sst s3  }
0xc: {  	[smem:$0x3FA3] =	sst s4  }
0xd: {  	[smem:$0x3FA4] =	sst s5  }
0xe: {  	[smem:$0x3FA5] =	sst s6  }
0xf: {  	[smem:$0x3FA6] =	sst s7  }
0x10: {  	[smem:$0x3FA7] =	sst s8  }
0x11: {  	[smem:$0x3FA8] =	sst s9;
	s0 =	simm.s32 @!p0 $0x0  }
0x12: {  	s1 =	sld [smem:$0x3F8E];
	s0 =	simm.s32 @p0 $0x1  }
0x13: {  	[smem:$0x3FA9] =	sst s0;
	s0 =	simm.s32 @!p1 $0x0  }
0x14: {  	s2 =	sld [smem:$0x3F8D];
	s0 =	simm.s32 @p1 $0x1  }
0x15: {  	[smem:$0x3FAA] =	sst s0;
	s0 =	simm.s32 @!p2 $0x0  }
0x16: {  	s3 =	sld [smem:$0x3FDB];
	s0 =	simm.s32 @p2 $0x1  }
0x17: {  	s4 =	simm.s32 $0x1BF5;
	[smem:$0x3FAC] =	sst s0  }
0x18: {  	s0 =	sld [smem:$0x3F8F];
	_ =	swait.ge [sflag:s4], $0x0  }
0x19: {  	s7 =	sld [smem:$0x3F90]  }
0x1a: {  	s8 =	sadd.s32 $0xFFFFE003, lr  }
0x1b: {  	s9 =	sadd.s32 $0xFFFFFEF7, lr;
	s5 =	simm.s32 $0xFFFFFFFF;
	p2 =	slt.u32 s8, $0xFFFFF086  }
0x1c: {  	p1 =	slt.u32 s9, $0xF7A;
	s5 =	simm.s32 @!p2 $0x0  }
0x1d: {  	s5 =	simm.s32 @p1 $0x1;
	p0 =	seq.s32 s7, s2  }
0x1e: {  	s7 =	smul.u32 @!p0 $0xF7A, s2;
	p2 =	seq.s32 @!p0 s5, $0x0  }
0x1f: {  	s9 =	smul.u32 $0xF7A, s1;
	s8 =	simm.s32 @!p0 $0x1BF5;
	p2 =	por !p2, p0  }
0x20: {  	[sflag:s8] =	ssyncset.s32 @!p0 $0xFFFFF086;
	s6 =	sadd.s32 @!p0 s3, s7;
	s7 =	simm.s32 @!p0 $0x108  }
0x21: {  	s3 =	sadd.s32 s3, s9;
	s6 =	sadd.s32 @!p0 $0x88, s6;
	s7 =	simm.s32 @p2 $0x1082  }
0x22: {  	[simem:s7], [sflag:s8] =	dma.local @!p0 [hbm:s6], $0xF7A  }
0x23: {  	s9 =	sor.u32 $0xD0000000, s2;
	s6 =	simm.s32 $0x108;
	_ =	swait.ge @!p0 [sflag:s8], $0x0  }
0x24: {  	s3 =	sadd.s32 $0x88, s3;
	s6 =	simm.s32 @!p1 $0x1082;
	[sflag:s4] =	ssyncset.s32 $0xFFFFF086  }
0x25: {  	[simem:s6], [sflag:s4] =	dma.local [hbm:s3], $0xF7A  }
0x26: {  	[smem:$0x3F90] =	sst s1;
	(tag) =	ssettag s2;
	_ =	strace s9  }
0x27: {  	s1 =	sld [smem:$0x3FA0]  }
0x28: {  	s2 =	sld [smem:$0x3FA1]  }
0x29: {  	s4 =	sld [smem:$0x3FA3]  }
0x2a: {  	p0 =	seq.s32 s5, $0x0;
	s5 =	sld [smem:$0x3FA4]  }
0x2b: {  	s6 =	sld [smem:$0x3FA5]  }
0x2c: {  	s7 =	sld [smem:$0x3FA6]  }
0x2d: {  	s3 =	simm.s32 $0x108;
	s8 =	sld [smem:$0x3FA7]  }
0x2e: {  	s3 =	simm.s32 @!p0 $0x1082;
	s9 =	sld [smem:$0x3FA8]  }
0x2f: {  	lr =	sadd.s32 s0, s3;
	s0 =	sld [smem:$0x3F9F]  }
0x30: {  	s3 =	sld [smem:$0x3FA2]  }
0x31: {  	[smem:$0x3FAB] =	sst s10  }
0x32: {  	s10 =	sld [smem:$0x3FA9];
	_ =	sdelay $0x3  }
0x33: {  	p0 =	seq.s32 s10, $0x1;
	s10 =	sld [smem:$0x3FAB];
	_ =	sdelay $0x3  }
0x34: {  	[smem:$0x3FAB] =	sst s10  }
0x35: {  	s10 =	sld [smem:$0x3FAA];
	_ =	sdelay $0x3  }
0x36: {  	p1 =	seq.s32 s10, $0x1;
	s10 =	sld [smem:$0x3FAB];
	_ =	sdelay $0x3  }
0x37: {  	[smem:$0x3FAB] =	sst s10  }
0x38: {  	s10 =	sld [smem:$0x3FAC]  }
0x39: {  	_ = 	snop;
	(pc) =	sbr.ind lr, $3  }
0x3a: {  	_ = 	snop  }
0x3b: {  	_ = 	snop  }
0x3c: {  	p2 =	seq.s32 s10, $0x1;
	s10 =	sld [smem:$0x3FAB]  }
0x3d: {  	_ =	shalt  }
0x3e: {  	_ =	shalt  }
0x3f: {  	_ =	shalt  }
0x40: {  	_ =	shalt  }
0x41: {  	_ =	shalt  }
0x42: {  	_ =	shalt  }
0x43: {  	_ =	shalt  }
0x44: {  	_ =	shalt  }
0x45: {  	_ =	shalt  }
0x46: {  	_ =	shalt  }
0x47: {  	_ =	shalt  }
0x48: {  	_ =	shalt  }
0x49: {  	_ =	shalt  }
0x4a: {  	_ =	shalt  }
0x4b: {  	_ =	shalt  }
0x4c: {  	_ =	shalt  }
0x4d: {  	_ =	shalt  }
0x4e: {  	_ =	shalt  }
0x4f: {  	_ =	shalt  }
0x50: {  	_ =	shalt  }
0x51: {  	_ =	shalt  }
0x52: {  	_ =	shalt  }
0x53: {  	_ =	shalt  }
0x54: {  	_ =	shalt  }
0x55: {  	_ =	shalt  }
0x56: {  	_ =	shalt  }
0x57: {  	_ =	shalt  }
0x58: {  	_ =	shalt  }
0x59: {  	_ =	shalt  }
0x5a: {  	_ =	shalt  }
0x5b: {  	_ =	shalt  }
0x5c: {  	_ =	shalt  }
0x5d: {  	_ =	shalt  }
0x5e: {  	_ =	shalt  }
0x5f: {  	_ =	shalt  }
0x60: {  	_ =	shalt  }
0x61: {  	_ =	shalt  }
0x62: {  	_ =	shalt  }
0x63: {  	_ =	shalt  }
0x64: {  	_ =	shalt  }
0x65: {  	_ =	shalt  }
0x66: {  	_ =	shalt  }
0x67: {  	_ =	shalt  }
0x68: {  	_ =	shalt  }
0x69: {  	_ =	shalt  }
0x6a: {  	_ =	shalt  }
0x6b: {  	_ =	shalt  }
0x6c: {  	_ =	shalt  }
0x6d: {  	_ =	shalt  }
0x6e: {  	_ =	shalt  }
0x6f: {  	_ =	shalt  }
0x70: {  	_ =	shalt  }
0x71: {  	_ =	shalt  }
0x72: {  	_ =	shalt  }
0x73: {  	_ =	shalt  }
0x74: {  	_ =	shalt  }
0x75: {  	_ =	shalt  }
0x76: {  	_ =	shalt  }
0x77: {  	_ =	shalt  }
0x78: {  	_ =	shalt  }
0x79: {  	_ =	shalt  }
0x7a: {  	_ =	shalt  }
0x7b: {  	_ =	shalt  }
0x7c: {  	_ =	shalt  }
0x7d: {  	_ =	shalt  }
0x7e: {  	_ =	shalt  }
0x7f: {  	_ =	shalt  }
0x80: {  	_ =	shalt  }
0x81: {  	_ =	shalt  }
0x82: {  	_ =	shalt  }
0x83: {  	_ =	shalt  }
0x84: {  	_ =	shalt  }
0x85: {  	_ =	shalt  }
0x86: {  	_ =	shalt  }
0x87: {  	_ =	shalt  }
.Lfunc_end0:
.L_simem_size_0:
called_computation.8_lowered:
.L_overlay_start_0:
0x88: {  	s2 =	sld [smem:$0x3FD9]  }
0x89: {  	s3 =	sld [smem:$0x3FFE];
	_ =	sdelay $0x1  }
0x8a: {  	s1 =	srdreg.scid  }
0x8b: {  	s0 =	sand.u32 $0x1, s1  }
0x8c: {  	s14 =	sshll.u32 s0, $0xA;
	s2 =	sadd.s32 s3, s2  }
0x8d: {  	s2 =	sadd.s32 s2, s14  }
0x8e: {  	[smem:$0x3FB7] =	sst s2  }
0x8f: {  	_ = 	snop  }
0x90: {  	s2 =	sld [smem:$0x3FD0];
	_ =	sdelay $0x1  }
0x91: {  	s15 =	sld [smem:$0x3FBB]  }
0x92: {  	s5 =	simm.s32 $0xC;
	s6 =	simm.s32 $0x10;
	s4 =	sld [smem:$0x3FBA]  }
0x93: {  	[smem:s6], [sflag:s5] =	dma.local [hbm:s2], $0x1  }
0x94: {  	_ =	swait.eq [sflag:s5], $0x1  }
0x95: {  	s16 =	sld [smem:$0x10];
	[sflag:s5] =	ssyncset.done $0x0  }
0x96: {  	s17 =	sld [smem:$0x11];
	[sflag:s5] =	ssyncadd.s32 $0xFFFFFFFF  }
0x97: {  	s18 =	sld [smem:$0x12];
	(tm) =	ssettm $0x1  }
0x98: {  	s7 =	sld [smem:$0x3FFB];
	_ =	sdelay $0x3  }
0x99: {  	_ =	strace s7  }
0x9a: {  	s7 =	sld [smem:$0x3FFC];
	_ =	sdelay $0x3  }
0x9b: {  	_ =	strace s7  }
0x9c: {  	s7 =	sld [smem:$0x3FFD];
	_ =	sdelay $0x3  }
0x9d: {  	_ =	strace s7  }
0x9e: {  	_ =	strace $0x8FFFFFFF  }
0x9f: {  	s19 =	sld [smem:$0x3FDB];
	_ =	sdelay $0x1  }
0xa0: {  	s8 =	simm.s32 $_scs_section_size  }
0xa1: {  	s9 =	simm.s32 $_size__tile_overlayer_lowered;
	s10 =	simm.s32 $_tile_overlayer_lowered  }
0xa2: {  	s22 =	simm.s32 $0x1BFF;
	s21 =	sshll.u32 s10, $0x1;
	s7 =	sadd.s32 s8, s19  }
0xa3: {  	s11 =	simm.s32 $0x0;
	s20 =	sshll.u32 s9, $0x1;
	s9 =	sadd.s32 s21, s7  }
0xa4: {  	[timem:s11], [sflag:s22] =	dma.local [hbm:s9], s20  }
0xa5: {  	_ =	swait.ge [sflag:s22], s20  }
0xa6: {  	s8 =	ssub.s32 $0x0, s20;
	[sflag:s22] =	ssyncset.done $0x0  }
0xa7: {  	[sflag:s22] =	ssyncadd.s32 s8;
	_ =	sdelay $0x1  }
0xa8: {  	s23 =	simm.s32 $0x1B8B  }
0xa9: {  	_ =	swait.ge [sflag:s23], $0x1  }
0xaa: {  	[sflag:s23] =	ssyncset.done $0x0  }
0xab: {  	s25 =	simm.s32 $0x1B8E;
	s24 =	sld [smem:$0x3FFE];
	[sflag:s23] =	ssyncadd.s32 $0xFFFFFFFF  }
0xac: {  	s26 =	simm.s32 $execute0_lowered;
	[smem:$0x3FD2] =	sst s25  }
0xad: {  	s9 =	sshll.u32 s26, $0x1;
	_ =	strace $0x8000005E;
	[dreg:$0x1] =	wrdreg $0xFFFFFFFF  }
0xae: {  	s28 =	simm.s32 $_size_execute0_lowered;
	s7 =	sadd.s32 s7, s9;
	[dreg:$0x0] =	wrdreg $0x0  }
0xaf: {  	s9 =	sshll.u32 s28, $0x1;
	[dreg:$0x2] =	wrdreg s7  }
0xb0: {  	[dreg:$0x3] =	wrdreg s9  }
0xb1: {  	[dreg:$0x4] =	wrdreg $0xC0  }
0xb2: {  	_ =	task [dreg:s11], $0x5FFFF  }
0xb3: {  	[dreg:$0x1] =	wrdreg $0xFFFFFFFF  }
0xb4: {  	[dreg:$0x0] =	wrdreg $0x60  }
0xb5: {  	[dreg:$0x2] =	wrdreg s24  }
0xb6: {  	[dreg:$0x3] =	wrdreg s15  }
0xb7: {  	[dreg:$0x4] =	wrdreg s4  }
0xb8: {  	[dreg:$0x5] =	wrdreg s16  }
0xb9: {  	[dreg:$0x6] =	wrdreg s17  }
0xba: {  	[dreg:$0x7] =	wrdreg s18  }
0xbb: {  	[dreg:$0x8] =	wrdreg $0x9  }
0xbc: {  	_ =	task.clear_ibuf [dreg:s11], $0x9FFFF;
	_ =	strace $0x9000005E  }
0xbd: {  	s29 =	simm.s32 $0x9;
	_ =	strace $0x80000060  }
0xbe: {  	_ =	swait.ge [sflag:s29], $0x1  }
0xbf: {  	[sflag:s29] =	ssyncadd.s32 $0xFFFFFFFF  }
0xc0: {  	_ =	strace $0x90000060  }
0xc1: {  	_ =	sfence  }
0xc2: {  	s30 =	sld [smem:$0x0];
	_ =	sdelay $0x2  }
0xc3: {  	s31 =	sshll.u32 s1, $0xD;
	s1 =	sshrl.u32 s1, $0x2  }
0xc4: {  	s3 =	sand.u32 $0x4000, s31;
	s1 =	sadd.s32 s1, s30  }
0xc5: {  	s0 =	sor.u32 s3, s0;
	s1 =	sshll.u32 s1, $0x11  }
0xc6: {  	s0 =	sor.u32 s1, s0  }
0xc7: {  	s0 =	sadd.s32 $0x8F2B, s0  }
0xc8: {  	[sflag:s0] =	ssyncadd.remote.s32 $0x1  }
0xc9: {  	_ =	sfence.sel $0xFFFF  }
0xca: {  	[dreg:$0x0] =	wrdreg $0xFFFFFFFF;
	(pc) =	sbr.abs _section_cstart, $3  }
0xcb: {  	[dreg:$0x1] =	wrdreg $0xFFFFFFFF  }
0xcc: {  	_ =	task.clear_ibuf [dreg:s11], $0x2FFFF;
	_ =	strace $0x9FFFFFFF  }
0xcd: {  	(tm) =	ssettm $0x7FFFFFFF  }
tec
execute0_lowered:
.L_overlay_start_1:
0x0: {  	(tag) =	ssettag $0x1  }
0x1: {  	s12 =	rddreg [dreg:$0x0]  }
0x2: {  	s3 =	rddreg [dreg:$0x1]  }
0x3: {  	s9 =	rddreg [dreg:$0x2]  }
0x4: {  	s8 =	rddreg [dreg:$0x3];
	s1 =	srdreg.scid  }
0x5: {  	s11 =	rddreg [dreg:$0x4];
	s0 =	stileid.u32;
	s13 =	sand.u32 $0x1, s1  }
0x6: {  	s14 =	rddreg [dreg:$0x5];
	s4 =	sshll.u32 s0, $0x8;
	s5 =	sshll.u32 s13, $0x7  }
0x7: {  	s2 =	simm.s32 $0x0;
	s1 =	rddreg [dreg:$0x6];
	s10 =	sor.u32 s5, s4  }
0x8: {  	[smem:$0x7FF] =	sst s2;
	s15 =	sshrl.u32 s10, $0x3  }
0x9: {  	_ =	strace $0x8000005F;
	s4 =	sadd.s32 s3, s15;
	s3 =	simm.s32 $0x2  }
0xa: {  	[tilespmem:s2], [sflag:$0x2] =	stream.linear.gather [hbm4b:s4+s2], $0x80, $0x38;
	[tilespmem:$0x4080] =	vst v63  }
0xb: {  	_ =	swait.ge [sflag:s3], $0x80  }
0xc: {  	s6 =	simm.s32 $0x80;
	[sflag:s3] =	ssyncset.done $0x0  }
0xd: {  	s7 =	simm.s32 $0x1;
	s5 =	sadd.s32 $0x5400, s12;
	[sflag:s3] =	ssyncadd.s32 $0xFFFFFF80  }
0xe: {  	[tilespmem:s6], [sflag:$0x1] =	stream.indirect.gather [hbm4b:s5+s6], $0x80, s2, s6, $0xb8;
	[tilespmem:$0x4080] =	vst v63  }
0xf: {  	_ =	swait.ge [sflag:s7], $0x4000  }
0x10: {  	s16 =	sshll.u32 s10, $0x4;
	[sflag:s7] =	ssyncset.done $0x0  }
0x11: {  	s8 =	sadd.s32 s8, s16;
	[sflag:s7] =	ssyncadd.s32 $0xFFFFC000  }
0x12: {  	[hbm4b:s8+s2] =	stream.linear.scatter [tilespmem:s6], [sflag:$0x2], $0x4000, $0x38;
	[tilespmem:$0x4080] =	vst v63  }
0x13: {  	_ =	swait.ge [sflag:s3], $0x4000  }
0x14: {  	[sflag:s3] =	ssyncset.done $0x0  }
0x15: {  	s9 =	sadd.s32 s9, s15;
	[sflag:s3] =	ssyncadd.s32 $0xFFFFC000  }
0x16: {  	[tilespmem:s2], [sflag:$0x2] =	stream.linear.gather [hbm4b:s9+s2], $0x80, $0x38;
	[tilespmem:$0x4080] =	vst v63  }
0x17: {  	_ =	swait.ge [sflag:s3], $0x80  }
0x18: {  	[sflag:s3] =	ssyncset.done $0x0  }
0x19: {  	s10 =	sadd.s32 $0x1CC00, s12;
	[sflag:s3] =	ssyncadd.s32 $0xFFFFFF80  }
0x1a: {  	[tilespmem:s6], [sflag:$0x1] =	stream.indirect.gather [hbm4b:s10+s6], $0x80, s2, s6, $0xb8;
	[tilespmem:$0x4080] =	vst v63  }
0x1b: {  	_ =	swait.ge [sflag:s7], $0x4000  }
0x1c: {  	[sflag:s7] =	ssyncset.done $0x0  }
0x1d: {  	s11 =	sadd.s32 s11, s16;
	[sflag:s7] =	ssyncadd.s32 $0xFFFFC000  }
0x1e: {  	[hbm4b:s11+s2] =	stream.linear.scatter [tilespmem:s6], [sflag:$0x2], $0x4000, $0x38;
	[tilespmem:$0x4080] =	vst v63  }
0x1f: {  	_ =	swait.ge [sflag:s3], $0x4000  }
0x20: {  	s12 =	sadd.s32 s15, s12;
	[sflag:s3] =	ssyncset.done $0x0  }
0x21: {  	s13 =	ssub.s32 $0x2, s13;
	s12 =	sadd.s32 $0x5200, s12;
	[sflag:s3] =	ssyncadd.s32 $0xFFFFC000  }
0x22: {  	[tilespmem:s2], [sflag:$0x2] =	stream.linear.gather [hbm4b:s12+s2], $0x80, $0x38;
	[tilespmem:$0x4080] =	vst v63  }
0x23: {  	s30 =	sshrl.u32 s13, $0x1;
	_ =	swait.ge [sflag:s3], $0x80  }
0x24: {  	s15 =	ssub.s32 s13, s30;
	[sflag:s3] =	ssyncset.done $0x0  }
0x25: {  	s31 =	smax.u32 s15, $0x1;
	[sflag:s3] =	ssyncadd.s32 $0xFFFFFF80  }
0x26: {  	[tilespmem:s6], [sflag:$0x1] =	stream.indirect.gather [hbm4b:s10+s6], $0x80, s2, s6, $0xb8;
	[tilespmem:$0x4080] =	vst v63  }
0x27: {  	p0 =	sne.s32 s31, $0x1;
	_ =	swait.ge [sflag:s7], $0x4000  }
.Ltmp0:
0x28: {  	[sflag:s7] =	ssyncset.done $0x0;
	(pc) =	sbr.rel @!p0 .LBB2_2-.Ltmp0, $4  }
0x29: {  	s13 =	sadd.s32 s14, s16;
	[sflag:s7] =	ssyncadd.s32 $0xFFFFC000  }
0x2a: {  	[hbm4b:s13+s2] =	stream.linear.scatter [tilespmem:s6], [sflag:$0x2], $0x4000, $0x38;
	[tilespmem:$0x4080] =	vst v63  }
0x2b: {  	_ =	swait.ge [sflag:s3], $0x4000  }
0x2c: {  	s14 =	sadd.s32 $0xFFFFFFFF, s31;
	[sflag:s3] =	ssyncset.done $0x0  }
.LBB2_1:
0x2d: {  	p0 =	sne.s32 s14, $0x1;
	s14 =	sadd.s32 $0xFFFFFFFF, s14;
	[sflag:s3] =	ssyncadd.s32 $0xFFFFC000  }
0x2e: {  	[tilespmem:s2], [sflag:$0x2] =	stream.linear.gather [hbm4b:s4+s2], $0x80, $0x38;
	[tilespmem:$0x4080] =	vst v63  }
0x2f: {  	_ =	swait.ge [sflag:s3], $0x80  }
0x30: {  	[sflag:s3] =	ssyncset.done $0x0  }
0x31: {  	[sflag:s3] =	ssyncadd.s32 $0xFFFFFF80  }
0x32: {  	[tilespmem:s6], [sflag:$0x1] =	stream.indirect.gather [hbm4b:s5+s6], $0x80, s2, s6, $0xb8;
	[tilespmem:$0x4080] =	vst v63  }
0x33: {  	_ =	swait.ge [sflag:s7], $0x4000  }
0x34: {  	[sflag:s7] =	ssyncset.done $0x0  }
0x35: {  	[sflag:s7] =	ssyncadd.s32 $0xFFFFC000  }
0x36: {  	[hbm4b:s8+s2] =	stream.linear.scatter [tilespmem:s6], [sflag:$0x2], $0x4000, $0x38;
	[tilespmem:$0x4080] =	vst v63  }
0x37: {  	_ =	swait.ge [sflag:s3], $0x4000  }
0x38: {  	[sflag:s3] =	ssyncset.done $0x0  }
0x39: {  	[sflag:s3] =	ssyncadd.s32 $0xFFFFC000  }
0x3a: {  	[tilespmem:s2], [sflag:$0x2] =	stream.linear.gather [hbm4b:s9+s2], $0x80, $0x38;
	[tilespmem:$0x4080] =	vst v63  }
0x3b: {  	_ =	swait.ge [sflag:s3], $0x80  }
0x3c: {  	[sflag:s3] =	ssyncset.done $0x0  }
0x3d: {  	[sflag:s3] =	ssyncadd.s32 $0xFFFFFF80  }
0x3e: {  	[tilespmem:s6], [sflag:$0x1] =	stream.indirect.gather [hbm4b:s10+s6], $0x80, s2, s6, $0xb8;
	[tilespmem:$0x4080] =	vst v63  }
0x3f: {  	_ =	swait.ge [sflag:s7], $0x4000  }
0x40: {  	[sflag:s7] =	ssyncset.done $0x0  }
0x41: {  	[sflag:s7] =	ssyncadd.s32 $0xFFFFC000  }
0x42: {  	[hbm4b:s11+s2] =	stream.linear.scatter [tilespmem:s6], [sflag:$0x2], $0x4000, $0x38;
	[tilespmem:$0x4080] =	vst v63  }
0x43: {  	_ =	swait.ge [sflag:s3], $0x4000  }
0x44: {  	[sflag:s3] =	ssyncset.done $0x0  }
0x45: {  	[sflag:s3] =	ssyncadd.s32 $0xFFFFC000  }
0x46: {  	[tilespmem:s2], [sflag:$0x2] =	stream.linear.gather [hbm4b:s12+s2], $0x80, $0x38;
	[tilespmem:$0x4080] =	vst v63  }
0x47: {  	_ =	swait.ge [sflag:s3], $0x80  }
0x48: {  	[sflag:s3] =	ssyncset.done $0x0  }
0x49: {  	[sflag:s3] =	ssyncadd.s32 $0xFFFFFF80  }
0x4a: {  	[tilespmem:s6], [sflag:$0x1] =	stream.indirect.gather [hbm4b:s10+s6], $0x80, s2, s6, $0xb8;
	[tilespmem:$0x4080] =	vst v63  }
0x4b: {  	_ =	swait.ge [sflag:s7], $0x4000  }
.Ltmp1:
0x4c: {  	[sflag:s7] =	ssyncset.done $0x0;
	(pc) =	sbr.rel @p0 .LBB2_1-.Ltmp1, $4  }
0x4d: {  	[sflag:s7] =	ssyncadd.s32 $0xFFFFC000  }
0x4e: {  	[hbm4b:s13+s2] =	stream.linear.scatter [tilespmem:s6], [sflag:$0x2], $0x4000, $0x38;
	[tilespmem:$0x4080] =	vst v63  }
0x4f: {  	_ =	swait.ge [sflag:s3], $0x4000  }
0x50: {  	[sflag:s3] =	ssyncset.done $0x0  }
.LBB2_2:
0x51: {  	[sflag:s3] =	ssyncadd.s32 $0xFFFFC000  }
0x52: {  	_ =	sfence.sel $0x180000  }
0x53: {  	[bflag:$0x0] =	sbarrier.arrive $0xFFFF  }
0x54: {  	p0 =	sne.s32 s0, $0x0;
	_ =	strace $0x9000005F  }
0x55: {  	s0 =	sadd.s32 @!p0 $0x100000, s1;
	[bflag:$0x2] =	sbarrier.arrive $0xFFFF  }
0x56: {  	[sflag:s0] =	ssyncadd.tile.s32 @!p0 $0x1;
	_ =	shalt  }
.Lfunc_end2:
_tile_overlayer_lowered:
.L_overlay_start_2:
0x57: {  	(tag) =	ssettag $0x2  }
0x58: {  	s0 =	rddreg [dreg:$0x0];
	s2 =	stileid.u32  }
0x59: {  	s1 =	rddreg [dreg:$0x1];
	p0 =	sne.s32 s2, $0x0  }
0x5a: {  	s3 =	rddreg [dreg:$0x2];
	[bflag:$0x3] =	sbarrier.arrive $0xFFFF;
	s2 =	simm.s32 @!p0 $0x1C02  }
0x5b: {  	[timem:s3], [sflag:s2] =	dma.local @!p0 [hbm:s0], s1  }
0x5c: {  	s0 =	simm.s32 @!p0 $0x2  }
0x5d: {  	_ =	swait.ge @!p0 [sflag:s0], s1  }
0x5e: {  	s1 =	ssub.s32 @!p0 $0x0, s1;
	[sflag:s0] =	ssyncset.done @!p0 $0x0  }
0x5f: {  	[sflag:s0] =	ssyncadd.s32 @!p0 s1  }
0x60: {  	[bflag:$0x3] =	sbarrier.arrive $0xFFFF  }
0x61: {  	_ =	shalt  }

</sc_bundles>
